<compile_context>
chip_gen: v7x
topology: tpu7x:2x2x1
jax: 0.10.2.dev20260603
libtpu: 0.0.44.dev20260713+nightly
codegen_flags: <defaults>
</compile_context>

<pallas_src>
import functools

import jax
import jax.numpy as jnp
from jax import lax
from jax.experimental import pallas as pl
from jax.experimental.pallas import tpu as pltpu
from jax.experimental.pallas import tpu_sc as plsc

N_NODES = 10000
NUM_TX = 6000
E_EDGES = 160000
R_REL = 8
B_BAS = 4
D = 128
NSLOT = R_REL + 1
EPS = 1e-5

NC = 2
NS = 16
LANES = 16
NW = NC * NS

EB = 128
E_PAD = 163840
EPW = E_PAD // NW
NBLK = EPW // EB
BLK_C0 = 72
BLK_C1 = 2 * NBLK - BLK_C0
BLK_MAX = max(BLK_C0, BLK_C1)
ACC_ROWS = 10112
STRIPE = ACC_ROWS // NS
_CHUNKS = []
_off = 0
while _off < STRIPE:
    _CHUNKS.append((_off, min(EB, STRIPE - _off)))
    _off += EB

ROW_BLK = 1000
N_GRID = N_NODES // ROW_BLK



def _fill_rows(rows, val16):
    def _f(i, carry):
        for j in range(D // LANES):
            rows[i, pl.ds(j * LANES, LANES)] = val16
        return carry
    lax.fori_loop(0, EB, _f, 0)


def _zero_acc_stripe(rows, acc, r0):
    _fill_rows(rows, jnp.zeros((LANES,), jnp.float32))
    for off, sz in _CHUNKS:
        pltpu.sync_copy(rows.at[pl.ds(0, sz)], acc.at[pl.ds(r0 + off, sz)])


def _writeback_stripe(acc, rows, part_out, c, r0):
    for off, sz in _CHUNKS:
        r = r0 + off
        pltpu.sync_copy(acc.at[pl.ds(r, sz)], rows.at[pl.ds(0, sz)])
        pltpu.sync_copy(rows.at[pl.ds(0, sz)], part_out.at[c, pl.ds(r, sz)])


def _sc_agg_body(z_hbm, idx_hbm, dst_hbm, part_out,
                 idx2d, dst2d, rows0, acc, semA):
    c = lax.axis_index("c")
    s = lax.axis_index("s")
    r0 = s * STRIPE

    @pl.when(c == 0)
    def _():
        pltpu.sync_copy(idx_hbm.at[pl.ds(s * BLK_C0, BLK_C0)],
                        idx2d.at[pl.ds(0, BLK_C0)])
        pltpu.sync_copy(dst_hbm.at[pl.ds(s * BLK_C0, BLK_C0)],
                        dst2d.at[pl.ds(0, BLK_C0)])

    if BLK_C1 > 0:
        @pl.when(c == 1)
        def _():
            pltpu.sync_copy(
                idx_hbm.at[pl.ds(NS * BLK_C0 + s * BLK_C1, BLK_C1)],
                idx2d.at[pl.ds(0, BLK_C1)])
            pltpu.sync_copy(
                dst_hbm.at[pl.ds(NS * BLK_C0 + s * BLK_C1, BLK_C1)],
                dst2d.at[pl.ds(0, BLK_C1)])

    nb = jnp.where(c == 0, BLK_C0, BLK_C1)
    _zero_acc_stripe(rows0, acc, r0)
    plsc.subcore_barrier()

    @pl.loop(0, nb)
    def _blk(b):
        pltpu.async_copy(z_hbm.at[idx2d.at[b]], rows0, semA).wait()
        pltpu.sync_copy(rows0, acc.at[dst2d.at[b]], add=True)

    plsc.subcore_barrier()
    _writeback_stripe(acc, rows0, part_out, c, r0)


def _sc_count_body(dst_hbm, part_out, dst2d, rows, acc, sem):
    c = lax.axis_index("c")
    s = lax.axis_index("s")
    wid = c * NS + s
    r0 = s * STRIPE
    pltpu.sync_copy(dst_hbm.at[pl.ds(wid * NBLK, NBLK)], dst2d)
    _zero_acc_stripe(rows, acc, r0)
    _fill_rows(rows, jnp.ones((LANES,), jnp.float32))
    plsc.subcore_barrier()

    descs = []
    for b in range(NBLK):
        descs.append(pltpu.async_copy(rows, acc.at[dst2d.at[b]], sem,
                                      add=True))
    for d in descs:
        d.wait()

    plsc.subcore_barrier()
    _writeback_stripe(acc, rows, part_out, c, r0)


@functools.cache
def _sc_agg_kernel():
    return pl.kernel(
        _sc_agg_body,
        out_type=[jax.ShapeDtypeStruct((NC, ACC_ROWS, D), jnp.float32)],
        mesh=plsc.VectorSubcoreMesh(core_axis_name="c", subcore_axis_name="s"),
        scratch_types=[
            pltpu.VMEM((BLK_MAX, EB), jnp.int32),
            pltpu.VMEM((BLK_MAX, EB), jnp.int32),
            pltpu.VMEM((EB, D), jnp.float32),
            pltpu.VMEM_SHARED((ACC_ROWS, D), jnp.float32),
            pltpu.SemaphoreType.DMA,
        ],
        name="sc_rgcn_agg",
    )


@functools.cache
def _sc_count_kernel():
    return pl.kernel(
        _sc_count_body,
        out_type=[jax.ShapeDtypeStruct((NC, ACC_ROWS, D), jnp.float32)],
        mesh=plsc.VectorSubcoreMesh(core_axis_name="c", subcore_axis_name="s"),
        scratch_types=[
            pltpu.VMEM((NBLK, EB), jnp.int32),
            pltpu.VMEM((EB, D), jnp.float32),
            pltpu.VMEM_SHARED((ACC_ROWS, D), jnp.float32),
            pltpu.SemaphoreType.DMA,
        ],
        name="sc_rgcn_count",
    )


def _sc_agg(ztab, eidx, dst):
    return _sc_agg_kernel()(ztab, eidx, dst)[0]


def _sc_count(dst):
    return _sc_count_kernel()(dst)[0]



def _eidx_body(s_ref, t_ref, o_ref):
    o_ref[...] = s_ref[...] * NSLOT + t_ref[...]


def _eidx(src, et):
    return pl.pallas_call(
        _eidx_body,
        out_shape=jax.ShapeDtypeStruct((E_PAD // EB, EB), jnp.int32),
        name="edge_gather_idx",
    )(src, et)


def _build_w(comp_ref, basis_ref, root_ref, w_ref):
    for r in range(R_REL):
        acc = comp_ref[r, 0] * basis_ref[0]
        for b in range(1, B_BAS):
            acc = acc + comp_ref[r, b] * basis_ref[b]
        w_ref[:, r * D:(r + 1) * D] = acc
    w_ref[:, R_REL * D:] = root_ref[...]


def _mm_body(comp_ref, basis_ref, root_ref, x_ref, o_ref, w_ref):
    @pl.when(pl.program_id(0) == 0)
    def _():
        _build_w(comp_ref, basis_ref, root_ref, w_ref)

    o_ref[...] = jnp.dot(x_ref[...], w_ref[...],
                         preferred_element_type=jnp.float32)


def _mm(comp, basis, root, x):
    return pl.pallas_call(
        _mm_body,
        grid=(N_GRID,),
        out_shape=jax.ShapeDtypeStruct((N_NODES, NSLOT * D), jnp.float32),
        in_specs=[
            pl.BlockSpec(memory_space=pltpu.SMEM),
            pl.BlockSpec((B_BAS, D, D), lambda i: (0, 0, 0)),
            pl.BlockSpec((D, D), lambda i: (0, 0)),
            pl.BlockSpec((ROW_BLK, D), lambda i: (i, 0)),
        ],
        out_specs=pl.BlockSpec((ROW_BLK, NSLOT * D), lambda i: (i, 0)),
        scratch_shapes=[pltpu.VMEM((D, NSLOT * D), jnp.float32)],
        name="node_matmul",
    )(comp, basis, root, x)


def _mm_fused_body(comp_ref, basis_ref, root_ref, h_ref, sums_ref, g_ref,
                   b_ref, o_ref, w_ref):
    @pl.when(pl.program_id(0) == 0)
    def _():
        _build_w(comp_ref, basis_ref, root_ref, w_ref)

    scale, shift = _bn_coeffs(sums_ref, g_ref, b_ref)
    act = jnp.maximum(h_ref[...] * scale + shift, 0.0)
    o_ref[...] = jnp.dot(act, w_ref[...], preferred_element_type=jnp.float32)


def _mm_fused(comp, basis, root, h_pre, sums, gamma, beta):
    return pl.pallas_call(
        _mm_fused_body,
        grid=(N_GRID,),
        out_shape=jax.ShapeDtypeStruct((N_NODES, NSLOT * D), jnp.float32),
        in_specs=[
            pl.BlockSpec(memory_space=pltpu.SMEM),
            pl.BlockSpec((B_BAS, D, D), lambda i: (0, 0, 0)),
            pl.BlockSpec((D, D), lambda i: (0, 0)),
            pl.BlockSpec((ROW_BLK, D), lambda i: (i, 0)),
            pl.BlockSpec((2, D), lambda i: (0, 0)),
            pl.BlockSpec((1, D), lambda i: (0, 0)),
            pl.BlockSpec((1, D), lambda i: (0, 0)),
        ],
        out_specs=pl.BlockSpec((ROW_BLK, NSLOT * D), lambda i: (i, 0)),
        scratch_shapes=[pltpu.VMEM((D, NSLOT * D), jnp.float32)],
        name="bn_relu_node_matmul",
    )(comp, basis, root, h_pre, sums, gamma, beta)


def _stats_body(p_ref, c_ref, zr_ref, b_ref, h_ref, sums_ref, accs_ref):
    i = pl.program_id(0)
    agg = p_ref[0] + p_ref[1]
    cnt = jnp.maximum(c_ref[0, :, 0:1] + c_ref[1, :, 0:1], 1.0)
    h = agg * (1.0 / cnt) + zr_ref[...] + b_ref[...]
    h_ref[...] = h

    @pl.when(i == 0)
    def _():
        accs_ref[...] = jnp.zeros_like(accs_ref)

    accs_ref[0:1, :] += jnp.sum(h, axis=0, keepdims=True)
    accs_ref[1:2, :] += jnp.sum(h * h, axis=0, keepdims=True)

    @pl.when(i == N_GRID - 1)
    def _():
        sums_ref[...] = accs_ref[...]


def _stats(part, cnt, zroot, bias):
    return pl.pallas_call(
        _stats_body,
        grid=(N_GRID,),
        out_shape=[
            jax.ShapeDtypeStruct((N_NODES, D), jnp.float32),
            jax.ShapeDtypeStruct((2, D), jnp.float32),
        ],
        in_specs=[
            pl.BlockSpec((NC, ROW_BLK, D), lambda i: (0, i, 0)),
            pl.BlockSpec((NC, ROW_BLK, D), lambda i: (0, i, 0)),
            pl.BlockSpec((ROW_BLK, D), lambda i: (i, 0)),
            pl.BlockSpec((1, D), lambda i: (0, 0)),
        ],
        out_specs=[
            pl.BlockSpec((ROW_BLK, D), lambda i: (i, 0)),
            pl.BlockSpec((2, D), lambda i: (0, 0)),
        ],
        scratch_shapes=[pltpu.VMEM((2, D), jnp.float32)],
        name="agg_finalize_stats",
    )(part, cnt, zroot, bias)


def _bn_coeffs(sums_ref, g_ref, b_ref):
    inv_n = 1.0 / N_NODES
    mu = sums_ref[0:1, :] * inv_n
    var = sums_ref[1:2, :] * inv_n - mu * mu
    inv = lax.rsqrt(var + EPS)
    scale = g_ref[...] * inv
    shift = b_ref[...] - mu * scale
    return scale, shift


def _apply_clf_body(h_ref, sums_ref, g_ref, b_ref, w_ref, cb_ref, o_ref):
    scale, shift = _bn_coeffs(sums_ref, g_ref, b_ref)
    act = jnp.maximum(h_ref[...] * scale + shift, 0.0)
    o_ref[...] = jnp.dot(act, w_ref[...],
                         preferred_element_type=jnp.float32) + cb_ref[...]


def _apply_clf(h, sums, gamma, beta, w_pad, cb_pad):
    grid = NUM_TX // ROW_BLK
    return pl.pallas_call(
        _apply_clf_body,
        grid=(grid,),
        out_shape=jax.ShapeDtypeStruct((NUM_TX, D), jnp.float32),
        in_specs=[
            pl.BlockSpec((ROW_BLK, D), lambda i: (i, 0)),
            pl.BlockSpec((2, D), lambda i: (0, 0)),
            pl.BlockSpec((1, D), lambda i: (0, 0)),
            pl.BlockSpec((1, D), lambda i: (0, 0)),
            pl.BlockSpec((D, D), lambda i: (0, 0)),
            pl.BlockSpec((1, D), lambda i: (0, 0)),
        ],
        out_specs=pl.BlockSpec((ROW_BLK, D), lambda i: (i, 0)),
        name="bn_relu_clf",
    )(h, sums, gamma, beta, w_pad, cb_pad)



def _layer(z, cbias, eidx, dst, cntpart):
    ztab = z.reshape(N_NODES * NSLOT, D)
    zroot = z[:, R_REL * D:]
    part = _sc_agg(ztab, eidx, dst)
    return _stats(part, cntpart, zroot, cbias.reshape(1, D))


def kernel(x_transaction, emb_user, emb_device,
           comp0, basis0, root0, cbias0, gamma0, beta0,
           comp1, basis1, root1, cbias1, gamma1, beta1,
           clf_w, clf_b, edge_index, edge_type):
    x = jnp.concatenate([x_transaction, emb_user, emb_device], axis=0)
    pad = E_PAD - E_EDGES
    src = jnp.concatenate([edge_index[0].astype(jnp.int32),
                           jnp.zeros((pad,), jnp.int32)])
    dst = jnp.concatenate([edge_index[1].astype(jnp.int32),
                           jnp.full((pad,), N_NODES, jnp.int32)])
    et = jnp.concatenate([edge_type.astype(jnp.int32),
                          jnp.zeros((pad,), jnp.int32)])
    src = src.reshape(E_PAD // EB, EB)
    dst = dst.reshape(E_PAD // EB, EB)
    et = et.reshape(E_PAD // EB, EB)

    eidx = _eidx(src, et)
    cntpart = _sc_count(dst)
    z0 = _mm(comp0, basis0, root0, x)
    h_pre, sums = _layer(z0, cbias0, eidx, dst, cntpart)
    z1 = _mm_fused(comp1, basis1, root1, h_pre, sums,
                   gamma0.reshape(1, D), beta0.reshape(1, D))
    h_pre, sums = _layer(z1, cbias1, eidx, dst, cntpart)

    w_pad = jnp.pad(clf_w, ((0, 0), (0, D - clf_w.shape[1])))
    cb_pad = jnp.pad(clf_b, (0, D - clf_b.shape[0])).reshape(1, D)
    logits_pad = _apply_clf(h_pre, sums, gamma1.reshape(1, D),
                            beta1.reshape(1, D), w_pad, cb_pad)
    return logits_pad[:, :clf_w.shape[1]]

# --- scband reference (transcript-rebuilt; emitter-appended) ---
"""Pipeline reference for scband-fast-rgcn-82454782148690 (READ-ONLY COPY).

The authoritative reference and input builder live on the scoring server;
editing this copy changes nothing except your own understanding.
"""

import jax, jax.numpy as jnp
import numpy as np

NUM_TX = 6000
NUM_USER = 3000
NUM_DEV = 1000
N = NUM_TX + NUM_USER + NUM_DEV
E = 160000
R = 8          # num_relations
B = 4          # num_bases
D_IN = 128
HID = 128
NUM_CLASSES = 2
EPS = 1e-5


def setup_inputs(seed: int = 0) -> dict:
    key = jax.random.key(seed)
    ks = jax.random.split(key, 24)
    s_in = 1.0 / np.sqrt(D_IN)
    s_hid = 1.0 / np.sqrt(HID)
    inp = {
        "x_transaction": jax.random.normal(ks[0], (NUM_TX, D_IN), dtype=jnp.float32),
        "emb_user": jax.random.normal(ks[1], (NUM_USER, D_IN), dtype=jnp.float32),
        "emb_device": jax.random.normal(ks[2], (NUM_DEV, D_IN), dtype=jnp.float32),
        # layer 0 (in -> hidden)
        "comp0": jax.random.normal(ks[3], (R, B), dtype=jnp.float32) * (1.0 / np.sqrt(B)),
        "basis0": jax.random.normal(ks[4], (B, D_IN, HID), dtype=jnp.float32) * s_in,
        "root0": jax.random.normal(ks[5], (D_IN, HID), dtype=jnp.float32) * s_in,
        "cbias0": jnp.zeros((HID,), dtype=jnp.float32),
        "gamma0": jnp.ones((HID,), dtype=jnp.float32),
        "beta0": jnp.zeros((HID,), dtype=jnp.float32),
        # layer 1 (hidden -> hidden)
        "comp1": jax.random.normal(ks[6], (R, B), dtype=jnp.float32) * (1.0 / np.sqrt(B)),
        "basis1": jax.random.normal(ks[7], (B, HID, HID), dtype=jnp.float32) * s_hid,
        "root1": jax.random.normal(ks[8], (HID, HID), dtype=jnp.float32) * s_hid,
        "cbias1": jnp.zeros((HID,), dtype=jnp.float32),
        "gamma1": jnp.ones((HID,), dtype=jnp.float32),
        "beta1": jnp.zeros((HID,), dtype=jnp.float32),
        # classifier
        "clf_w": jax.random.normal(ks[9], (HID, NUM_CLASSES), dtype=jnp.float32) * s_hid,
        "clf_b": jnp.zeros((NUM_CLASSES,), dtype=jnp.float32),
        # graph structure (constants)
        "edge_index": jax.random.randint(ks[10], (2, E), 0, N, dtype=jnp.int64),
        "edge_type": jax.random.randint(ks[11], (E,), 0, R, dtype=jnp.int64),
    }
    return inp


def _rgcn_layer(x, src, dst, edge_type, comp, basis, root, bias):
    # FastRGCNConv with basis decomposition: W[r] = sum_b comp[r,b] * basis[b]
    # message m_e = x[src_e] @ W[edge_type_e] computed in basis space:
    #   m_e = sum_b comp[edge_type_e, b] * (x[src_e] @ basis[b])
    x_j = jnp.take(x, src, axis=0)                 # [E, in] gather
    c_e = jnp.take(comp, edge_type, axis=0)        # [E, B] gather
    m = jnp.zeros((x_j.shape[0], basis.shape[2]), dtype=x.dtype)
    for b in range(basis.shape[0]):
        m = m + c_e[:, b:b + 1] * (x_j @ basis[b])
    # mean aggregation over incoming edges at dst (PyG RGCNConv default aggr='mean')
    agg = jax.ops.segment_sum(m, dst, num_segments=N)
    cnt = jax.ops.segment_sum(jnp.ones((m.shape[0],), dtype=x.dtype), dst, num_segments=N)
    agg = agg / jnp.maximum(cnt, 1.0)[:, None]
    # root/self transform + bias
    return agg + x @ root + bias


def _batch_norm(x, gamma, beta):
    mu = jnp.mean(x, axis=0)
    var = jnp.mean((x - mu) ** 2, axis=0)
    return (x - mu) / jnp.sqrt(var + EPS) * gamma + beta


def reference(x_transaction, emb_user, emb_device,
              comp0, basis0, root0, cbias0, gamma0, beta0,
              comp1, basis1, root1, cbias1, gamma1, beta1,
              clf_w, clf_b, edge_index, edge_type):
    # x_dict assembly: transaction features + full embedding tables for user/device
    x = jnp.concatenate([x_transaction, emb_user, emb_device], axis=0)
    src = edge_index[0]
    dst = edge_index[1]
    # layer 0
    x = _rgcn_layer(x, src, dst, edge_type, comp0, basis0, root0, cbias0)
    x = jax.nn.relu(_batch_norm(x, gamma0, beta0))
    # layer 1
    x = _rgcn_layer(x, src, dst, edge_type, comp1, basis1, root1, cbias1)
    x = jax.nn.relu(_batch_norm(x, gamma1, beta1))
    # classifier over transaction nodes only (dropout is identity in eval)
    logits = x[:NUM_TX] @ clf_w + clf_b
    return logits

if __name__ == "__main__":
    import jax
    _d = setup_inputs()
    print(jax.jit(kernel)(*tuple(_d.values())))

</pallas_src>

<mosaic_0001>
#map = affine_map<(d0, d1) -> (0, 0)>
#map1 = affine_map<(d0, d1) -> (0, 0, 0)>
module attributes {stable_mosaic.version = 14 : i64} {
  func.func @sc_rgcn_count(%arg0: i32, %arg1: i32, %arg2: memref<1280x128xi32, #tpu.memory_space<hbm>>, %arg3: memref<2x10112x128xf32, #tpu.memory_space<hbm>>, %arg4: memref<40x128xi32, #tpu.memory_space<vmem>>, %arg5: memref<128x128xf32, #tpu.memory_space<vmem>>, %arg6: memref<10112x128xf32, #tpu.memory_space<vmem_shared>>, %arg7: memref<!tpu.dma_semaphore, #tpu.memory_space<semaphore_mem>>) attributes {dimension_semantics = [#tpu.dimension_semantics<core_parallel>, #tpu.dimension_semantics<subcore_parallel>], iteration_bounds = array<i64: 2, 16>, scalar_prefetch = 0 : i64, scratch_operands = 4 : i64, tpu.core_type = #tpu.core_type<sc_vector_subcore>, window_params = [{transform_indices = #map}, {transform_indices = #map1}]} {
    %mul3A = arith.constant 16 : i32
    %mul3A_0 = arith.muli %arg0, %mul3A : i32
    %add3A = arith.addi %mul3A_0, %arg1 : i32
    %mul3A_1 = arith.constant 632 : i32
    %mul3A_2 = arith.muli %arg1, %mul3A_1 : i32
    %mul3A_3 = arith.constant 40 : i32
    %mul3A_4 = arith.muli %add3A, %mul3A_3 : i32
    "tpu.region"() ({
      %run_scoped3A = tpu.sem_alloc : memref<!tpu.dma_semaphore, #tpu.memory_space<semaphore_mem>>
      %dma_start3A_598 = arith.constant 0 : i32
      %dma_start3A_599 = tpu.memref_slice %arg2[%mul3A_4, %dma_start3A_598] : memref<1280x128xi32, #tpu.memory_space<hbm>> -> memref<40x128xi32, #tpu.memory_space<hbm>>
      %dma_start3A_600 = arith.constant 0 : i32
      %dma_start3A_601 = tpu.memref_slice %arg2[%mul3A_4, %dma_start3A_600] : memref<1280x128xi32, #tpu.memory_space<hbm>> -> memref<40x128xi32, #tpu.memory_space<hbm>>
      tpu.enqueue_dma source(%dma_start3A_601 : memref<40x128xi32, #tpu.memory_space<hbm>>) target(%arg4 : memref<40x128xi32, #tpu.memory_space<vmem>>) target_semaphore(%run_scoped3A : memref<!tpu.dma_semaphore, #tpu.memory_space<semaphore_mem>>)
      %dma_wait3A_602 = arith.constant 0 : i32
      %dma_wait3A_603 = tpu.memref_slice %arg2[%mul3A_4, %dma_wait3A_602] : memref<1280x128xi32, #tpu.memory_space<hbm>> -> memref<40x128xi32, #tpu.memory_space<hbm>>
      %dma_wait3A_604 = arith.constant 0 : i32
      %dma_wait3A_605 = tpu.memref_slice %arg2[%mul3A_4, %dma_wait3A_604] : memref<1280x128xi32, #tpu.memory_space<hbm>> -> memref<40x128xi32, #tpu.memory_space<hbm>>
      tpu.wait_dma2 semaphore(%run_scoped3A : memref<!tpu.dma_semaphore, #tpu.memory_space<semaphore_mem>>) src(%dma_wait3A_605 : memref<40x128xi32, #tpu.memory_space<hbm>>) dst(%arg4 : memref<40x128xi32, #tpu.memory_space<vmem>>)
      tpu.yield
    }) : () -> ()
    %broadcast_in_dim3A = arith.constant 0.000000e+00 : f32
    %broadcast_in_dim3A_5 = vector.broadcast %broadcast_in_dim3A : f32 to vector<16xf32>
    %scan3A = arith.constant 0 : i32
    %scan3A_6 = arith.constant 0 : i32
    %scan3A_7 = arith.constant 128 : i32
    %scan3A_8 = arith.addi %scan3A_6, %scan3A_7 : i32
    %scan3A_9 = arith.constant 1 : i32
    scf.for %scan3A_598 = %scan3A_6 to %scan3A_8 step %scan3A_9  : i32 {
      %swap3A = arith.index_cast %scan3A_598 : i32 to index
      %swap3A_599 = arith.constant 0 : index
      %swap3A_600 = tpu.vector_load %arg5[%swap3A, %swap3A_599] {strides = array<i32>} : memref<128x128xf32, #tpu.memory_space<vmem>>, vector<1x16xf32>,
      %swap3A_601 = vector.shape_cast %swap3A_600 : vector<1x16xf32> to vector<16xf32>
      %swap3A_602 = vector.shape_cast %broadcast_in_dim3A_5 : vector<16xf32> to vector<1x16xf32>
      tpu.vector_store %arg5[%swap3A, %swap3A_599], %swap3A_602 {strides = array<i32>} : memref<128x128xf32, #tpu.memory_space<vmem>>, vector<1x16xf32>,
      %swap3A_603 = arith.index_cast %scan3A_598 : i32 to index
      %swap3A_604 = arith.constant 16 : index
      %swap3A_605 = tpu.vector_load %arg5[%swap3A_603, %swap3A_604] {strides = array<i32>} : memref<128x128xf32, #tpu.memory_space<vmem>>, vector<1x16xf32>,
      %swap3A_606 = vector.shape_cast %swap3A_605 : vector<1x16xf32> to vector<16xf32>
      %swap3A_607 = vector.shape_cast %broadcast_in_dim3A_5 : vector<16xf32> to vector<1x16xf32>
      tpu.vector_store %arg5[%swap3A_603, %swap3A_604], %swap3A_607 {strides = array<i32>} : memref<128x128xf32, #tpu.memory_space<vmem>>, vector<1x16xf32>,
      %swap3A_608 = arith.index_cast %scan3A_598 : i32 to index
      %swap3A_609 = arith.constant 32 : index
      %swap3A_610 = tpu.vector_load %arg5[%swap3A_608, %swap3A_609] {strides = array<i32>} : memref<128x128xf32, #tpu.memory_space<vmem>>, vector<1x16xf32>,
      %swap3A_611 = vector.shape_cast %swap3A_610 : vector<1x16xf32> to vector<16xf32>
      %swap3A_612 = vector.shape_cast %broadcast_in_dim3A_5 : vector<16xf32> to vector<1x16xf32>
      tpu.vector_store %arg5[%swap3A_608, %swap3A_609], %swap3A_612 {strides = array<i32>} : memref<128x128xf32, #tpu.memory_space<vmem>>, vector<1x16xf32>,
      %swap3A_613 = arith.index_cast %scan3A_598 : i32 to index
      %swap3A_614 = arith.constant 48 : index
      %swap3A_615 = tpu.vector_load %arg5[%swap3A_613, %swap3A_614] {strides = array<i32>} : memref<128x128xf32, #tpu.memory_space<vmem>>, vector<1x16xf32>,
      %swap3A_616 = vector.shape_cast %swap3A_615 : vector<1x16xf32> to vector<16xf32>
      %swap3A_617 = vector.shape_cast %broadcast_in_dim3A_5 : vector<16xf32> to vector<1x16xf32>
      tpu.vector_store %arg5[%swap3A_613, %swap3A_614], %swap3A_617 {strides = array<i32>} : memref<128x128xf32, #tpu.memory_space<vmem>>, vector<1x16xf32>,
      %swap3A_618 = arith.index_cast %scan3A_598 : i32 to index
      %swap3A_619 = arith.constant 64 : index
      %swap3A_620 = tpu.vector_load %arg5[%swap3A_618, %swap3A_619] {strides = array<i32>} : memref<128x128xf32, #tpu.memory_space<vmem>>, vector<1x16xf32>,
      %swap3A_621 = vector.shape_cast %swap3A_620 : vector<1x16xf32> to vector<16xf32>
      %swap3A_622 = vector.shape_cast %broadcast_in_dim3A_5 : vector<16xf32> to vector<1x16xf32>
      tpu.vector_store %arg5[%swap3A_618, %swap3A_619], %swap3A_622 {strides = array<i32>} : memref<128x128xf32, #tpu.memory_space<vmem>>, vector<1x16xf32>,
      %swap3A_623 = arith.index_cast %scan3A_598 : i32 to index
      %swap3A_624 = arith.constant 80 : index
      %swap3A_625 = tpu.vector_load %arg5[%swap3A_623, %swap3A_624] {strides = array<i32>} : memref<128x128xf32, #tpu.memory_space<vmem>>, vector<1x16xf32>,
      %swap3A_626 = vector.shape_cast %swap3A_625 : vector<1x16xf32> to vector<16xf32>
      %swap3A_627 = vector.shape_cast %broadcast_in_dim3A_5 : vector<16xf32> to vector<1x16xf32>
      tpu.vector_store %arg5[%swap3A_623, %swap3A_624], %swap3A_627 {strides = array<i32>} : memref<128x128xf32, #tpu.memory_space<vmem>>, vector<1x16xf32>,
      %swap3A_628 = arith.index_cast %scan3A_598 : i32 to index
      %swap3A_629 = arith.constant 96 : index
      %swap3A_630 = tpu.vector_load %arg5[%swap3A_628, %swap3A_629] {strides = array<i32>} : memref<128x128xf32, #tpu.memory_space<vmem>>, vector<1x16xf32>,
      %swap3A_631 = vector.shape_cast %swap3A_630 : vector<1x16xf32> to vector<16xf32>
      %swap3A_632 = vector.shape_cast %broadcast_in_dim3A_5 : vector<16xf32> to vector<1x16xf32>
      tpu.vector_store %arg5[%swap3A_628, %swap3A_629], %swap3A_632 {strides = array<i32>} : memref<128x128xf32, #tpu.memory_space<vmem>>, vector<1x16xf32>,
      %swap3A_633 = arith.index_cast %scan3A_598 : i32 to index
      %swap3A_634 = arith.constant 112 : index
      %swap3A_635 = tpu.vector_load %arg5[%swap3A_633, %swap3A_634] {strides = array<i32>} : memref<128x128xf32, #tpu.memory_space<vmem>>, vector<1x16xf32>,
      %swap3A_636 = vector.shape_cast %swap3A_635 : vector<1x16xf32> to vector<16xf32>
      %swap3A_637 = vector.shape_cast %broadcast_in_dim3A_5 : vector<16xf32> to vector<1x16xf32>
      tpu.vector_store %arg5[%swap3A_633, %swap3A_634], %swap3A_637 {strides = array<i32>} : memref<128x128xf32, #tpu.memory_space<vmem>>, vector<1x16xf32>,
    }
    %scan3A_10 = arith.constant 128 : i32
    %add3A_11 = arith.constant 0 : i32
    %add3A_12 = arith.addi %mul3A_2, %add3A_11 : i32
    "tpu.region"() ({
      %run_scoped3A = tpu.sem_alloc : memref<!tpu.dma_semaphore, #tpu.memory_space<semaphore_mem>>
      %dma_start3A_598 = arith.constant 0 : i32
      %dma_start3A_599 = arith.constant 0 : i32
      %dma_start3A_600 = tpu.memref_slice %arg5[%dma_start3A_598, %dma_start3A_599] : memref<128x128xf32, #tpu.memory_space<vmem>> -> memref<128x128xf32, #tpu.memory_space<vmem>>
      %dma_start3A_601 = arith.constant 0 : i32
      %dma_start3A_602 = tpu.memref_slice %arg6[%add3A_12, %dma_start3A_601] : memref<10112x128xf32, #tpu.memory_space<vmem_shared>> -> memref<128x128xf32, #tpu.memory_space<vmem_shared>>
      %dma_start3A_603 = arith.constant 0 : i32
      %dma_start3A_604 = tpu.memref_slice %arg6[%add3A_12, %dma_start3A_603] : memref<10112x128xf32, #tpu.memory_space<vmem_shared>> -> memref<128x128xf32, #tpu.memory_space<vmem_shared>>
      %dma_start3A_605 = arith.constant 0 : i32
      %dma_start3A_606 = arith.constant 0 : i32
      %dma_start3A_607 = tpu.memref_slice %arg5[%dma_start3A_605, %dma_start3A_606] : memref<128x128xf32, #tpu.memory_space<vmem>> -> memref<128x128xf32, #tpu.memory_space<vmem>>
      tpu.enqueue_dma source(%dma_start3A_607 : memref<128x128xf32, #tpu.memory_space<vmem>>) target(%dma_start3A_604 : memref<128x128xf32, #tpu.memory_space<vmem_shared>>) target_semaphore(%run_scoped3A : memref<!tpu.dma_semaphore, #tpu.memory_space<semaphore_mem>>)
      %dma_wait3A_608 = arith.constant 0 : i32
      %dma_wait3A_609 = arith.constant 0 : i32
      %dma_wait3A_610 = tpu.memref_slice %arg5[%dma_wait3A_608, %dma_wait3A_609] : memref<128x128xf32, #tpu.memory_space<vmem>> -> memref<128x128xf32, #tpu.memory_space<vmem>>
      %dma_wait3A_611 = arith.constant 0 : i32
      %dma_wait3A_612 = tpu.memref_slice %arg6[%add3A_12, %dma_wait3A_611] : memref<10112x128xf32, #tpu.memory_space<vmem_shared>> -> memref<128x128xf32, #tpu.memory_space<vmem_shared>>
      %dma_wait3A_613 = arith.constant 0 : i32
      %dma_wait3A_614 = tpu.memref_slice %arg6[%add3A_12, %dma_wait3A_613] : memref<10112x128xf32, #tpu.memory_space<vmem_shared>> -> memref<128x128xf32, #tpu.memory_space<vmem_shared>>
      %dma_wait3A_615 = arith.constant 0 : i32
      %dma_wait3A_616 = arith.constant 0 : i32
      %dma_wait3A_617 = tpu.memref_slice %arg5[%dma_wait3A_615, %dma_wait3A_616] : memref<128x128xf32, #tpu.memory_space<vmem>> -> memref<128x128xf32, #tpu.memory_space<vmem>>
      tpu.wait_dma2 semaphore(%run_scoped3A : memref<!tpu.dma_semaphore, #tpu.memory_space<semaphore_mem>>) src(%dma_wait3A_617 : memref<128x128xf32, #tpu.memory_space<vmem>>) dst(%dma_wait3A_614 : memref<128x128xf32, #tpu.memory_space<vmem_shared>>)
      tpu.yield
    }) : () -> ()
    %add3A_13 = arith.constant 128 : i32
    %add3A_14 = arith.addi %mul3A_2, %add3A_13 : i32
    "tpu.region"() ({
      %run_scoped3A = tpu.sem_alloc : memref<!tpu.dma_semaphore, #tpu.memory_space<semaphore_mem>>
      %dma_start3A_598 = arith.constant 0 : i32
      %dma_start3A_599 = arith.constant 0 : i32
      %dma_start3A_600 = tpu.memref_slice %arg5[%dma_start3A_598, %dma_start3A_599] : memref<128x128xf32, #tpu.memory_space<vmem>> -> memref<128x128xf32, #tpu.memory_space<vmem>>
      %dma_start3A_601 = arith.constant 0 : i32
      %dma_start3A_602 = tpu.memref_slice %arg6[%add3A_14, %dma_start3A_601] : memref<10112x128xf32, #tpu.memory_space<vmem_shared>> -> memref<128x128xf32, #tpu.memory_space<vmem_shared>>
      %dma_start3A_603 = arith.constant 0 : i32
      %dma_start3A_604 = tpu.memref_slice %arg6[%add3A_14, %dma_start3A_603] : memref<10112x128xf32, #tpu.memory_space<vmem_shared>> -> memref<128x128xf32, #tpu.memory_space<vmem_shared>>
      %dma_start3A_605 = arith.constant 0 : i32
      %dma_start3A_606 = arith.constant 0 : i32
      %dma_start3A_607 = tpu.memref_slice %arg5[%dma_start3A_605, %dma_start3A_606] : memref<128x128xf32, #tpu.memory_space<vmem>> -> memref<128x128xf32, #tpu.memory_space<vmem>>
      tpu.enqueue_dma source(%dma_start3A_607 : memref<128x128xf32, #tpu.memory_space<vmem>>) target(%dma_start3A_604 : memref<128x128xf32, #tpu.memory_space<vmem_shared>>) target_semaphore(%run_scoped3A : memref<!tpu.dma_semaphore, #tpu.memory_space<semaphore_mem>>)
      %dma_wait3A_608 = arith.constant 0 : i32
      %dma_wait3A_609 = arith.constant 0 : i32
      %dma_wait3A_610 = tpu.memref_slice %arg5[%dma_wait3A_608, %dma_wait3A_609] : memref<128x128xf32, #tpu.memory_space<vmem>> -> memref<128x128xf32, #tpu.memory_space<vmem>>
      %dma_wait3A_611 = arith.constant 0 : i32
      %dma_wait3A_612 = tpu.memref_slice %arg6[%add3A_14, %dma_wait3A_611] : memref<10112x128xf32, #tpu.memory_space<vmem_shared>> -> memref<128x128xf32, #tpu.memory_space<vmem_shared>>
      %dma_wait3A_613 = arith.constant 0 : i32
      %dma_wait3A_614 = tpu.memref_slice %arg6[%add3A_14, %dma_wait3A_613] : memref<10112x128xf32, #tpu.memory_space<vmem_shared>> -> memref<128x128xf32, #tpu.memory_space<vmem_shared>>
      %dma_wait3A_615 = arith.constant 0 : i32
      %dma_wait3A_616 = arith.constant 0 : i32
      %dma_wait3A_617 = tpu.memref_slice %arg5[%dma_wait3A_615, %dma_wait3A_616] : memref<128x128xf32, #tpu.memory_space<vmem>> -> memref<128x128xf32, #tpu.memory_space<vmem>>
      tpu.wait_dma2 semaphore(%run_scoped3A : memref<!tpu.dma_semaphore, #tpu.memory_space<semaphore_mem>>) src(%dma_wait3A_617 : memref<128x128xf32, #tpu.memory_space<vmem>>) dst(%dma_wait3A_614 : memref<128x128xf32, #tpu.memory_space<vmem_shared>>)
      tpu.yield
    }) : () -> ()
    %add3A_15 = arith.constant 256 : i32
    %add3A_16 = arith.addi %mul3A_2, %add3A_15 : i32
    "tpu.region"() ({
      %run_scoped3A = tpu.sem_alloc : memref<!tpu.dma_semaphore, #tpu.memory_space<semaphore_mem>>
      %dma_start3A_598 = arith.constant 0 : i32
      %dma_start3A_599 = arith.constant 0 : i32
      %dma_start3A_600 = tpu.memref_slice %arg5[%dma_start3A_598, %dma_start3A_599] : memref<128x128xf32, #tpu.memory_space<vmem>> -> memref<128x128xf32, #tpu.memory_space<vmem>>
      %dma_start3A_601 = arith.constant 0 : i32
      %dma_start3A_602 = tpu.memref_slice %arg6[%add3A_16, %dma_start3A_601] : memref<10112x128xf32, #tpu.memory_space<vmem_shared>> -> memref<128x128xf32, #tpu.memory_space<vmem_shared>>
      %dma_start3A_603 = arith.constant 0 : i32
      %dma_start3A_604 = tpu.memref_slice %arg6[%add3A_16, %dma_start3A_603] : memref<10112x128xf32, #tpu.memory_space<vmem_shared>> -> memref<128x128xf32, #tpu.memory_space<vmem_shared>>
      %dma_start3A_605 = arith.constant 0 : i32
      %dma_start3A_606 = arith.constant 0 : i32
      %dma_start3A_607 = tpu.memref_slice %arg5[%dma_start3A_605, %dma_start3A_606] : memref<128x128xf32, #tpu.memory_space<vmem>> -> memref<128x128xf32, #tpu.memory_space<vmem>>
      tpu.enqueue_dma source(%dma_start3A_607 : memref<128x128xf32, #tpu.memory_space<vmem>>) target(%dma_start3A_604 : memref<128x128xf32, #tpu.memory_space<vmem_shared>>) target_semaphore(%run_scoped3A : memref<!tpu.dma_semaphore, #tpu.memory_space<semaphore_mem>>)
      %dma_wait3A_608 = arith.constant 0 : i32
      %dma_wait3A_609 = arith.constant 0 : i32
      %dma_wait3A_610 = tpu.memref_slice %arg5[%dma_wait3A_608, %dma_wait3A_609] : memref<128x128xf32, #tpu.memory_space<vmem>> -> memref<128x128xf32, #tpu.memory_space<vmem>>
      %dma_wait3A_611 = arith.constant 0 : i32
      %dma_wait3A_612 = tpu.memref_slice %arg6[%add3A_16, %dma_wait3A_611] : memref<10112x128xf32, #tpu.memory_space<vmem_shared>> -> memref<128x128xf32, #tpu.memory_space<vmem_shared>>
      %dma_wait3A_613 = arith.constant 0 : i32
      %dma_wait3A_614 = tpu.memref_slice %arg6[%add3A_16, %dma_wait3A_613] : memref<10112x128xf32, #tpu.memory_space<vmem_shared>> -> memref<128x128xf32, #tpu.memory_space<vmem_shared>>
      %dma_wait3A_615 = arith.constant 0 : i32
      %dma_wait3A_616 = arith.constant 0 : i32
      %dma_wait3A_617 = tpu.memref_slice %arg5[%dma_wait3A_615, %dma_wait3A_616] : memref<128x128xf32, #tpu.memory_space<vmem>> -> memref<128x128xf32, #tpu.memory_space<vmem>>
      tpu.wait_dma2 semaphore(%run_scoped3A : memref<!tpu.dma_semaphore, #tpu.memory_space<semaphore_mem>>) src(%dma_wait3A_617 : memref<128x128xf32, #tpu.memory_space<vmem>>) dst(%dma_wait3A_614 : memref<128x128xf32, #tpu.memory_space<vmem_shared>>)
      tpu.yield
    }) : () -> ()
    %add3A_17 = arith.constant 384 : i32
    %add3A_18 = arith.addi %mul3A_2, %add3A_17 : i32
    "tpu.region"() ({
      %run_scoped3A = tpu.sem_alloc : memref<!tpu.dma_semaphore, #tpu.memory_space<semaphore_mem>>
      %dma_start3A_598 = arith.constant 0 : i32
      %dma_start3A_599 = arith.constant 0 : i32
      %dma_start3A_600 = tpu.memref_slice %arg5[%dma_start3A_598, %dma_start3A_599] : memref<128x128xf32, #tpu.memory_space<vmem>> -> memref<128x128xf32, #tpu.memory_space<vmem>>
      %dma_start3A_601 = arith.constant 0 : i32
      %dma_start3A_602 = tpu.memref_slice %arg6[%add3A_18, %dma_start3A_601] : memref<10112x128xf32, #tpu.memory_space<vmem_shared>> -> memref<128x128xf32, #tpu.memory_space<vmem_shared>>
      %dma_start3A_603 = arith.constant 0 : i32
      %dma_start3A_604 = tpu.memref_slice %arg6[%add3A_18, %dma_start3A_603] : memref<10112x128xf32, #tpu.memory_space<vmem_shared>> -> memref<128x128xf32, #tpu.memory_space<vmem_shared>>
      %dma_start3A_605 = arith.constant 0 : i32
      %dma_start3A_606 = arith.constant 0 : i32
      %dma_start3A_607 = tpu.memref_slice %arg5[%dma_start3A_605, %dma_start3A_606] : memref<128x128xf32, #tpu.memory_space<vmem>> -> memref<128x128xf32, #tpu.memory_space<vmem>>
      tpu.enqueue_dma source(%dma_start3A_607 : memref<128x128xf32, #tpu.memory_space<vmem>>) target(%dma_start3A_604 : memref<128x128xf32, #tpu.memory_space<vmem_shared>>) target_semaphore(%run_scoped3A : memref<!tpu.dma_semaphore, #tpu.memory_space<semaphore_mem>>)
      %dma_wait3A_608 = arith.constant 0 : i32
      %dma_wait3A_609 = arith.constant 0 : i32
      %dma_wait3A_610 = tpu.memref_slice %arg5[%dma_wait3A_608, %dma_wait3A_609] : memref<128x128xf32, #tpu.memory_space<vmem>> -> memref<128x128xf32, #tpu.memory_space<vmem>>
      %dma_wait3A_611 = arith.constant 0 : i32
      %dma_wait3A_612 = tpu.memref_slice %arg6[%add3A_18, %dma_wait3A_611] : memref<10112x128xf32, #tpu.memory_space<vmem_shared>> -> memref<128x128xf32, #tpu.memory_space<vmem_shared>>
      %dma_wait3A_613 = arith.constant 0 : i32
      %dma_wait3A_614 = tpu.memref_slice %arg6[%add3A_18, %dma_wait3A_613] : memref<10112x128xf32, #tpu.memory_space<vmem_shared>> -> memref<128x128xf32, #tpu.memory_space<vmem_shared>>
      %dma_wait3A_615 = arith.constant 0 : i32
      %dma_wait3A_616 = arith.constant 0 : i32
      %dma_wait3A_617 = tpu.memref_slice %arg5[%dma_wait3A_615, %dma_wait3A_616] : memref<128x128xf32, #tpu.memory_space<vmem>> -> memref<128x128xf32, #tpu.memory_space<vmem>>
      tpu.wait_dma2 semaphore(%run_scoped3A : memref<!tpu.dma_semaphore, #tpu.memory_space<semaphore_mem>>) src(%dma_wait3A_617 : memref<128x128xf32, #tpu.memory_space<vmem>>) dst(%dma_wait3A_614 : memref<128x128xf32, #tpu.memory_space<vmem_shared>>)
      tpu.yield
    }) : () -> ()
    %add3A_19 = arith.constant 512 : i32
    %add3A_20 = arith.addi %mul3A_2, %add3A_19 : i32
    "tpu.region"() ({
      %run_scoped3A = tpu.sem_alloc : memref<!tpu.dma_semaphore, #tpu.memory_space<semaphore_mem>>
      %dma_start3A_598 = arith.constant 0 : i32
      %dma_start3A_599 = arith.constant 0 : i32
      %dma_start3A_600 = tpu.memref_slice %arg5[%dma_start3A_598, %dma_start3A_599] : memref<128x128xf32, #tpu.memory_space<vmem>> -> memref<120x128xf32, #tpu.memory_space<vmem>>
      %dma_start3A_601 = arith.constant 0 : i32
      %dma_start3A_602 = tpu.memref_slice %arg6[%add3A_20, %dma_start3A_601] : memref<10112x128xf32, #tpu.memory_space<vmem_shared>> -> memref<120x128xf32, #tpu.memory_space<vmem_shared>>
      %dma_start3A_603 = arith.constant 0 : i32
      %dma_start3A_604 = tpu.memref_slice %arg6[%add3A_20, %dma_start3A_603] : memref<10112x128xf32, #tpu.memory_space<vmem_shared>> -> memref<120x128xf32, #tpu.memory_space<vmem_shared>>
      %dma_start3A_605 = arith.constant 0 : i32
      %dma_start3A_606 = arith.constant 0 : i32
      %dma_start3A_607 = tpu.memref_slice %arg5[%dma_start3A_605, %dma_start3A_606] : memref<128x128xf32, #tpu.memory_space<vmem>> -> memref<120x128xf32, #tpu.memory_space<vmem>>
      tpu.enqueue_dma source(%dma_start3A_607 : memref<120x128xf32, #tpu.memory_space<vmem>>) target(%dma_start3A_604 : memref<120x128xf32, #tpu.memory_space<vmem_shared>>) target_semaphore(%run_scoped3A : memref<!tpu.dma_semaphore, #tpu.memory_space<semaphore_mem>>)
      %dma_wait3A_608 = arith.constant 0 : i32
      %dma_wait3A_609 = arith.constant 0 : i32
      %dma_wait3A_610 = tpu.memref_slice %arg5[%dma_wait3A_608, %dma_wait3A_609] : memref<128x128xf32, #tpu.memory_space<vmem>> -> memref<120x128xf32, #tpu.memory_space<vmem>>
      %dma_wait3A_611 = arith.constant 0 : i32
      %dma_wait3A_612 = tpu.memref_slice %arg6[%add3A_20, %dma_wait3A_611] : memref<10112x128xf32, #tpu.memory_space<vmem_shared>> -> memref<120x128xf32, #tpu.memory_space<vmem_shared>>
      %dma_wait3A_613 = arith.constant 0 : i32
      %dma_wait3A_614 = tpu.memref_slice %arg6[%add3A_20, %dma_wait3A_613] : memref<10112x128xf32, #tpu.memory_space<vmem_shared>> -> memref<120x128xf32, #tpu.memory_space<vmem_shared>>
      %dma_wait3A_615 = arith.constant 0 : i32
      %dma_wait3A_616 = arith.constant 0 : i32
      %dma_wait3A_617 = tpu.memref_slice %arg5[%dma_wait3A_615, %dma_wait3A_616] : memref<128x128xf32, #tpu.memory_space<vmem>> -> memref<120x128xf32, #tpu.memory_space<vmem>>
      tpu.wait_dma2 semaphore(%run_scoped3A : memref<!tpu.dma_semaphore, #tpu.memory_space<semaphore_mem>>) src(%dma_wait3A_617 : memref<120x128xf32, #tpu.memory_space<vmem>>) dst(%dma_wait3A_614 : memref<120x128xf32, #tpu.memory_space<vmem_shared>>)
      tpu.yield
    }) : () -> ()
    %broadcast_in_dim3A_21 = arith.constant 1.000000e+00 : f32
    %broadcast_in_dim3A_22 = vector.broadcast %broadcast_in_dim3A_21 : f32 to vector<16xf32>
    %scan3A_23 = arith.constant 0 : i32
    %scan3A_24 = arith.constant 0 : i32
    %scan3A_25 = arith.constant 128 : i32
    %scan3A_26 = arith.addi %scan3A_24, %scan3A_25 : i32
    %scan3A_27 = arith.constant 1 : i32
    scf.for %scan3A_598 = %scan3A_24 to %scan3A_26 step %scan3A_27  : i32 {
      %swap3A = arith.index_cast %scan3A_598 : i32 to index
      %swap3A_599 = arith.constant 0 : index
      %swap3A_600 = tpu.vector_load %arg5[%swap3A, %swap3A_599] {strides = array<i32>} : memref<128x128xf32, #tpu.memory_space<vmem>>, vector<1x16xf32>,
      %swap3A_601 = vector.shape_cast %swap3A_600 : vector<1x16xf32> to vector<16xf32>
      %swap3A_602 = vector.shape_cast %broadcast_in_dim3A_22 : vector<16xf32> to vector<1x16xf32>
      tpu.vector_store %arg5[%swap3A, %swap3A_599], %swap3A_602 {strides = array<i32>} : memref<128x128xf32, #tpu.memory_space<vmem>>, vector<1x16xf32>,
      %swap3A_603 = arith.index_cast %scan3A_598 : i32 to index
      %swap3A_604 = arith.constant 16 : index
      %swap3A_605 = tpu.vector_load %arg5[%swap3A_603, %swap3A_604] {strides = array<i32>} : memref<128x128xf32, #tpu.memory_space<vmem>>, vector<1x16xf32>,
      %swap3A_606 = vector.shape_cast %swap3A_605 : vector<1x16xf32> to vector<16xf32>
      %swap3A_607 = vector.shape_cast %broadcast_in_dim3A_22 : vector<16xf32> to vector<1x16xf32>
      tpu.vector_store %arg5[%swap3A_603, %swap3A_604], %swap3A_607 {strides = array<i32>} : memref<128x128xf32, #tpu.memory_space<vmem>>, vector<1x16xf32>,
      %swap3A_608 = arith.index_cast %scan3A_598 : i32 to index
      %swap3A_609 = arith.constant 32 : index
      %swap3A_610 = tpu.vector_load %arg5[%swap3A_608, %swap3A_609] {strides = array<i32>} : memref<128x128xf32, #tpu.memory_space<vmem>>, vector<1x16xf32>,
      %swap3A_611 = vector.shape_cast %swap3A_610 : vector<1x16xf32> to vector<16xf32>
      %swap3A_612 = vector.shape_cast %broadcast_in_dim3A_22 : vector<16xf32> to vector<1x16xf32>
      tpu.vector_store %arg5[%swap3A_608, %swap3A_609], %swap3A_612 {strides = array<i32>} : memref<128x128xf32, #tpu.memory_space<vmem>>, vector<1x16xf32>,
      %swap3A_613 = arith.index_cast %scan3A_598 : i32 to index
      %swap3A_614 = arith.constant 48 : index
      %swap3A_615 = tpu.vector_load %arg5[%swap3A_613, %swap3A_614] {strides = array<i32>} : memref<128x128xf32, #tpu.memory_space<vmem>>, vector<1x16xf32>,
      %swap3A_616 = vector.shape_cast %swap3A_615 : vector<1x16xf32> to vector<16xf32>
      %swap3A_617 = vector.shape_cast %broadcast_in_dim3A_22 : vector<16xf32> to vector<1x16xf32>
      tpu.vector_store %arg5[%swap3A_613, %swap3A_614], %swap3A_617 {strides = array<i32>} : memref<128x128xf32, #tpu.memory_space<vmem>>, vector<1x16xf32>,
      %swap3A_618 = arith.index_cast %scan3A_598 : i32 to index
      %swap3A_619 = arith.constant 64 : index
      %swap3A_620 = tpu.vector_load %arg5[%swap3A_618, %swap3A_619] {strides = array<i32>} : memref<128x128xf32, #tpu.memory_space<vmem>>, vector<1x16xf32>,
      %swap3A_621 = vector.shape_cast %swap3A_620 : vector<1x16xf32> to vector<16xf32>
      %swap3A_622 = vector.shape_cast %broadcast_in_dim3A_22 : vector<16xf32> to vector<1x16xf32>
      tpu.vector_store %arg5[%swap3A_618, %swap3A_619], %swap3A_622 {strides = array<i32>} : memref<128x128xf32, #tpu.memory_space<vmem>>, vector<1x16xf32>,
      %swap3A_623 = arith.index_cast %scan3A_598 : i32 to index
      %swap3A_624 = arith.constant 80 : index
      %swap3A_625 = tpu.vector_load %arg5[%swap3A_623, %swap3A_624] {strides = array<i32>} : memref<128x128xf32, #tpu.memory_space<vmem>>, vector<1x16xf32>,
      %swap3A_626 = vector.shape_cast %swap3A_625 : vector<1x16xf32> to vector<16xf32>
      %swap3A_627 = vector.shape_cast %broadcast_in_dim3A_22 : vector<16xf32> to vector<1x16xf32>
      tpu.vector_store %arg5[%swap3A_623, %swap3A_624], %swap3A_627 {strides = array<i32>} : memref<128x128xf32, #tpu.memory_space<vmem>>, vector<1x16xf32>,
      %swap3A_628 = arith.index_cast %scan3A_598 : i32 to index
      %swap3A_629 = arith.constant 96 : index
      %swap3A_630 = tpu.vector_load %arg5[%swap3A_628, %swap3A_629] {strides = array<i32>} : memref<128x128xf32, #tpu.memory_space<vmem>>, vector<1x16xf32>,
      %swap3A_631 = vector.shape_cast %swap3A_630 : vector<1x16xf32> to vector<16xf32>
      %swap3A_632 = vector.shape_cast %broadcast_in_dim3A_22 : vector<16xf32> to vector<1x16xf32>
      tpu.vector_store %arg5[%swap3A_628, %swap3A_629], %swap3A_632 {strides = array<i32>} : memref<128x128xf32, #tpu.memory_space<vmem>>, vector<1x16xf32>,
      %swap3A_633 = arith.index_cast %scan3A_598 : i32 to index
      %swap3A_634 = arith.constant 112 : index
      %swap3A_635 = tpu.vector_load %arg5[%swap3A_633, %swap3A_634] {strides = array<i32>} : memref<128x128xf32, #tpu.memory_space<vmem>>, vector<1x16xf32>,
      %swap3A_636 = vector.shape_cast %swap3A_635 : vector<1x16xf32> to vector<16xf32>
      %swap3A_637 = vector.shape_cast %broadcast_in_dim3A_22 : vector<16xf32> to vector<1x16xf32>
      tpu.vector_store %arg5[%swap3A_633, %swap3A_634], %swap3A_637 {strides = array<i32>} : memref<128x128xf32, #tpu.memory_space<vmem>>, vector<1x16xf32>,
    }
    %scan3A_28 = arith.constant 128 : i32
    %barrier3A = arith.constant 0 : index
    tpu.barrier barrier_id(%barrier3A)
    %dma_start3A = arith.constant 0 : i32
    %dma_start3A_29 = arith.constant 0 : i32
    %dma_start3A_30 = tpu.memref_slice %arg4[%dma_start3A, %dma_start3A_29] : memref<40x128xi32, #tpu.memory_space<vmem>> -> memref<1x128xi32, #tpu.memory_space<vmem>>
    %dma_start3A_31 = tpu.memref_squeeze %dma_start3A_30 : memref<1x128xi32, #tpu.memory_space<vmem>> -> memref<128xi32, #tpu.memory_space<vmem>>
    %dma_start3A_32 = arith.constant 0 : i32
    %dma_start3A_33 = arith.constant 0 : i32
    %dma_start3A_34 = tpu.memref_slice %arg6[%dma_start3A_32, %dma_start3A_33] : memref<10112x128xf32, #tpu.memory_space<vmem_shared>> -> memref<10112x128xf32, #tpu.memory_space<vmem_shared>>
    tpu.enqueue_indirect_dma source(%arg5 : memref<128x128xf32, #tpu.memory_space<vmem>>) target(%dma_start3A_34 : memref<10112x128xf32, #tpu.memory_space<vmem_shared>>) offsets(%dma_start3A_31 : memref<128xi32, #tpu.memory_space<vmem>>) semaphore(%arg7 : memref<!tpu.dma_semaphore, #tpu.memory_space<semaphore_mem>>) {add = true}
    %dma_start3A_35 = arith.constant 1 : i32
    %dma_start3A_36 = arith.constant 0 : i32
    %dma_start3A_37 = tpu.memref_slice %arg4[%dma_start3A_35, %dma_start3A_36] : memref<40x128xi32, #tpu.memory_space<vmem>> -> memref<1x128xi32, #tpu.memory_space<vmem>>
    %dma_start3A_38 = tpu.memref_squeeze %dma_start3A_37 : memref<1x128xi32, #tpu.memory_space<vmem>> -> memref<128xi32, #tpu.memory_space<vmem>>
    %dma_start3A_39 = arith.constant 0 : i32
    %dma_start3A_40 = arith.constant 0 : i32
    %dma_start3A_41 = tpu.memref_slice %arg6[%dma_start3A_39, %dma_start3A_40] : memref<10112x128xf32, #tpu.memory_space<vmem_shared>> -> memref<10112x128xf32, #tpu.memory_space<vmem_shared>>
    tpu.enqueue_indirect_dma source(%arg5 : memref<128x128xf32, #tpu.memory_space<vmem>>) target(%dma_start3A_41 : memref<10112x128xf32, #tpu.memory_space<vmem_shared>>) offsets(%dma_start3A_38 : memref<128xi32, #tpu.memory_space<vmem>>) semaphore(%arg7 : memref<!tpu.dma_semaphore, #tpu.memory_space<semaphore_mem>>) {add = true}
    %dma_start3A_42 = arith.constant 2 : i32
    %dma_start3A_43 = arith.constant 0 : i32
    %dma_start3A_44 = tpu.memref_slice %arg4[%dma_start3A_42, %dma_start3A_43] : memref<40x128xi32, #tpu.memory_space<vmem>> -> memref<1x128xi32, #tpu.memory_space<vmem>>
    %dma_start3A_45 = tpu.memref_squeeze %dma_start3A_44 : memref<1x128xi32, #tpu.memory_space<vmem>> -> memref<128xi32, #tpu.memory_space<vmem>>
    %dma_start3A_46 = arith.constant 0 : i32
    %dma_start3A_47 = arith.constant 0 : i32
    %dma_start3A_48 = tpu.memref_slice %arg6[%dma_start3A_46, %dma_start3A_47] : memref<10112x128xf32, #tpu.memory_space<vmem_shared>> -> memref<10112x128xf32, #tpu.memory_space<vmem_shared>>
    tpu.enqueue_indirect_dma source(%arg5 : memref<128x128xf32, #tpu.memory_space<vmem>>) target(%dma_start3A_48 : memref<10112x128xf32, #tpu.memory_space<vmem_shared>>) offsets(%dma_start3A_45 : memref<128xi32, #tpu.memory_space<vmem>>) semaphore(%arg7 : memref<!tpu.dma_semaphore, #tpu.memory_space<semaphore_mem>>) {add = true}
    %dma_start3A_49 = arith.constant 3 : i32
    %dma_start3A_50 = arith.constant 0 : i32
    %dma_start3A_51 = tpu.memref_slice %arg4[%dma_start3A_49, %dma_start3A_50] : memref<40x128xi32, #tpu.memory_space<vmem>> -> memref<1x128xi32, #tpu.memory_space<vmem>>
    %dma_start3A_52 = tpu.memref_squeeze %dma_start3A_51 : memref<1x128xi32, #tpu.memory_space<vmem>> -> memref<128xi32, #tpu.memory_space<vmem>>
    %dma_start3A_53 = arith.constant 0 : i32
    %dma_start3A_54 = arith.constant 0 : i32
    %dma_start3A_55 = tpu.memref_slice %arg6[%dma_start3A_53, %dma_start3A_54] : memref<10112x128xf32, #tpu.memory_space<vmem_shared>> -> memref<10112x128xf32, #tpu.memory_space<vmem_shared>>
    tpu.enqueue_indirect_dma source(%arg5 : memref<128x128xf32, #tpu.memory_space<vmem>>) target(%dma_start3A_55 : memref<10112x128xf32, #tpu.memory_space<vmem_shared>>) offsets(%dma_start3A_52 : memref<128xi32, #tpu.memory_space<vmem>>) semaphore(%arg7 : memref<!tpu.dma_semaphore, #tpu.memory_space<semaphore_mem>>) {add = true}
    %dma_start3A_56 = arith.constant 4 : i32
    %dma_start3A_57 = arith.constant 0 : i32
    %dma_start3A_58 = tpu.memref_slice %arg4[%dma_start3A_56, %dma_start3A_57] : memref<40x128xi32, #tpu.memory_space<vmem>> -> memref<1x128xi32, #tpu.memory_space<vmem>>
    %dma_start3A_59 = tpu.memref_squeeze %dma_start3A_58 : memref<1x128xi32, #tpu.memory_space<vmem>> -> memref<128xi32, #tpu.memory_space<vmem>>
    %dma_start3A_60 = arith.constant 0 : i32
    %dma_start3A_61 = arith.constant 0 : i32
    %dma_start3A_62 = tpu.memref_slice %arg6[%dma_start3A_60, %dma_start3A_61] : memref<10112x128xf32, #tpu.memory_space<vmem_shared>> -> memref<10112x128xf32, #tpu.memory_space<vmem_shared>>
    tpu.enqueue_indirect_dma source(%arg5 : memref<128x128xf32, #tpu.memory_space<vmem>>) target(%dma_start3A_62 : memref<10112x128xf32, #tpu.memory_space<vmem_shared>>) offsets(%dma_start3A_59 : memref<128xi32, #tpu.memory_space<vmem>>) semaphore(%arg7 : memref<!tpu.dma_semaphore, #tpu.memory_space<semaphore_mem>>) {add = true}
    %dma_start3A_63 = arith.constant 5 : i32
    %dma_start3A_64 = arith.constant 0 : i32
    %dma_start3A_65 = tpu.memref_slice %arg4[%dma_start3A_63, %dma_start3A_64] : memref<40x128xi32, #tpu.memory_space<vmem>> -> memref<1x128xi32, #tpu.memory_space<vmem>>
    %dma_start3A_66 = tpu.memref_squeeze %dma_start3A_65 : memref<1x128xi32, #tpu.memory_space<vmem>> -> memref<128xi32, #tpu.memory_space<vmem>>
    %dma_start3A_67 = arith.constant 0 : i32
    %dma_start3A_68 = arith.constant 0 : i32
    %dma_start3A_69 = tpu.memref_slice %arg6[%dma_start3A_67, %dma_start3A_68] : memref<10112x128xf32, #tpu.memory_space<vmem_shared>> -> memref<10112x128xf32, #tpu.memory_space<vmem_shared>>
    tpu.enqueue_indirect_dma source(%arg5 : memref<128x128xf32, #tpu.memory_space<vmem>>) target(%dma_start3A_69 : memref<10112x128xf32, #tpu.memory_space<vmem_shared>>) offsets(%dma_start3A_66 : memref<128xi32, #tpu.memory_space<vmem>>) semaphore(%arg7 : memref<!tpu.dma_semaphore, #tpu.memory_space<semaphore_mem>>) {add = true}
    %dma_start3A_70 = arith.constant 6 : i32
    %dma_start3A_71 = arith.constant 0 : i32
    %dma_start3A_72 = tpu.memref_slice %arg4[%dma_start3A_70, %dma_start3A_71] : memref<40x128xi32, #tpu.memory_space<vmem>> -> memref<1x128xi32, #tpu.memory_space<vmem>>
    %dma_start3A_73 = tpu.memref_squeeze %dma_start3A_72 : memref<1x128xi32, #tpu.memory_space<vmem>> -> memref<128xi32, #tpu.memory_space<vmem>>
    %dma_start3A_74 = arith.constant 0 : i32
    %dma_start3A_75 = arith.constant 0 : i32
    %dma_start3A_76 = tpu.memref_slice %arg6[%dma_start3A_74, %dma_start3A_75] : memref<10112x128xf32, #tpu.memory_space<vmem_shared>> -> memref<10112x128xf32, #tpu.memory_space<vmem_shared>>
    tpu.enqueue_indirect_dma source(%arg5 : memref<128x128xf32, #tpu.memory_space<vmem>>) target(%dma_start3A_76 : memref<10112x128xf32, #tpu.memory_space<vmem_shared>>) offsets(%dma_start3A_73 : memref<128xi32, #tpu.memory_space<vmem>>) semaphore(%arg7 : memref<!tpu.dma_semaphore, #tpu.memory_space<semaphore_mem>>) {add = true}
    %dma_start3A_77 = arith.constant 7 : i32
    %dma_start3A_78 = arith.constant 0 : i32
    %dma_start3A_79 = tpu.memref_slice %arg4[%dma_start3A_77, %dma_start3A_78] : memref<40x128xi32, #tpu.memory_space<vmem>> -> memref<1x128xi32, #tpu.memory_space<vmem>>
    %dma_start3A_80 = tpu.memref_squeeze %dma_start3A_79 : memref<1x128xi32, #tpu.memory_space<vmem>> -> memref<128xi32, #tpu.memory_space<vmem>>
    %dma_start3A_81 = arith.constant 0 : i32
    %dma_start3A_82 = arith.constant 0 : i32
    %dma_start3A_83 = tpu.memref_slice %arg6[%dma_start3A_81, %dma_start3A_82] : memref<10112x128xf32, #tpu.memory_space<vmem_shared>> -> memref<10112x128xf32, #tpu.memory_space<vmem_shared>>
    tpu.enqueue_indirect_dma source(%arg5 : memref<128x128xf32, #tpu.memory_space<vmem>>) target(%dma_start3A_83 : memref<10112x128xf32, #tpu.memory_space<vmem_shared>>) offsets(%dma_start3A_80 : memref<128xi32, #tpu.memory_space<vmem>>) semaphore(%arg7 : memref<!tpu.dma_semaphore, #tpu.memory_space<semaphore_mem>>) {add = true}
    %dma_start3A_84 = arith.constant 8 : i32
    %dma_start3A_85 = arith.constant 0 : i32
    %dma_start3A_86 = tpu.memref_slice %arg4[%dma_start3A_84, %dma_start3A_85] : memref<40x128xi32, #tpu.memory_space<vmem>> -> memref<1x128xi32, #tpu.memory_space<vmem>>
    %dma_start3A_87 = tpu.memref_squeeze %dma_start3A_86 : memref<1x128xi32, #tpu.memory_space<vmem>> -> memref<128xi32, #tpu.memory_space<vmem>>
    %dma_start3A_88 = arith.constant 0 : i32
    %dma_start3A_89 = arith.constant 0 : i32
    %dma_start3A_90 = tpu.memref_slice %arg6[%dma_start3A_88, %dma_start3A_89] : memref<10112x128xf32, #tpu.memory_space<vmem_shared>> -> memref<10112x128xf32, #tpu.memory_space<vmem_shared>>
    tpu.enqueue_indirect_dma source(%arg5 : memref<128x128xf32, #tpu.memory_space<vmem>>) target(%dma_start3A_90 : memref<10112x128xf32, #tpu.memory_space<vmem_shared>>) offsets(%dma_start3A_87 : memref<128xi32, #tpu.memory_space<vmem>>) semaphore(%arg7 : memref<!tpu.dma_semaphore, #tpu.memory_space<semaphore_mem>>) {add = true}
    %dma_start3A_91 = arith.constant 9 : i32
    %dma_start3A_92 = arith.constant 0 : i32
    %dma_start3A_93 = tpu.memref_slice %arg4[%dma_start3A_91, %dma_start3A_92] : memref<40x128xi32, #tpu.memory_space<vmem>> -> memref<1x128xi32, #tpu.memory_space<vmem>>
    %dma_start3A_94 = tpu.memref_squeeze %dma_start3A_93 : memref<1x128xi32, #tpu.memory_space<vmem>> -> memref<128xi32, #tpu.memory_space<vmem>>
    %dma_start3A_95 = arith.constant 0 : i32
    %dma_start3A_96 = arith.constant 0 : i32
    %dma_start3A_97 = tpu.memref_slice %arg6[%dma_start3A_95, %dma_start3A_96] : memref<10112x128xf32, #tpu.memory_space<vmem_shared>> -> memref<10112x128xf32, #tpu.memory_space<vmem_shared>>
    tpu.enqueue_indirect_dma source(%arg5 : memref<128x128xf32, #tpu.memory_space<vmem>>) target(%dma_start3A_97 : memref<10112x128xf32, #tpu.memory_space<vmem_shared>>) offsets(%dma_start3A_94 : memref<128xi32, #tpu.memory_space<vmem>>) semaphore(%arg7 : memref<!tpu.dma_semaphore, #tpu.memory_space<semaphore_mem>>) {add = true}
    %dma_start3A_98 = arith.constant 10 : i32
    %dma_start3A_99 = arith.constant 0 : i32
    %dma_start3A_100 = tpu.memref_slice %arg4[%dma_start3A_98, %dma_start3A_99] : memref<40x128xi32, #tpu.memory_space<vmem>> -> memref<1x128xi32, #tpu.memory_space<vmem>>
    %dma_start3A_101 = tpu.memref_squeeze %dma_start3A_100 : memref<1x128xi32, #tpu.memory_space<vmem>> -> memref<128xi32, #tpu.memory_space<vmem>>
    %dma_start3A_102 = arith.constant 0 : i32
    %dma_start3A_103 = arith.constant 0 : i32
    %dma_start3A_104 = tpu.memref_slice %arg6[%dma_start3A_102, %dma_start3A_103] : memref<10112x128xf32, #tpu.memory_space<vmem_shared>> -> memref<10112x128xf32, #tpu.memory_space<vmem_shared>>
    tpu.enqueue_indirect_dma source(%arg5 : memref<128x128xf32, #tpu.memory_space<vmem>>) target(%dma_start3A_104 : memref<10112x128xf32, #tpu.memory_space<vmem_shared>>) offsets(%dma_start3A_101 : memref<128xi32, #tpu.memory_space<vmem>>) semaphore(%arg7 : memref<!tpu.dma_semaphore, #tpu.memory_space<semaphore_mem>>) {add = true}
    %dma_start3A_105 = arith.constant 11 : i32
    %dma_start3A_106 = arith.constant 0 : i32
    %dma_start3A_107 = tpu.memref_slice %arg4[%dma_start3A_105, %dma_start3A_106] : memref<40x128xi32, #tpu.memory_space<vmem>> -> memref<1x128xi32, #tpu.memory_space<vmem>>
    %dma_start3A_108 = tpu.memref_squeeze %dma_start3A_107 : memref<1x128xi32, #tpu.memory_space<vmem>> -> memref<128xi32, #tpu.memory_space<vmem>>
    %dma_start3A_109 = arith.constant 0 : i32
    %dma_start3A_110 = arith.constant 0 : i32
    %dma_start3A_111 = tpu.memref_slice %arg6[%dma_start3A_109, %dma_start3A_110] : memref<10112x128xf32, #tpu.memory_space<vmem_shared>> -> memref<10112x128xf32, #tpu.memory_space<vmem_shared>>
    tpu.enqueue_indirect_dma source(%arg5 : memref<128x128xf32, #tpu.memory_space<vmem>>) target(%dma_start3A_111 : memref<10112x128xf32, #tpu.memory_space<vmem_shared>>) offsets(%dma_start3A_108 : memref<128xi32, #tpu.memory_space<vmem>>) semaphore(%arg7 : memref<!tpu.dma_semaphore, #tpu.memory_space<semaphore_mem>>) {add = true}
    %dma_start3A_112 = arith.constant 12 : i32
    %dma_start3A_113 = arith.constant 0 : i32
    %dma_start3A_114 = tpu.memref_slice %arg4[%dma_start3A_112, %dma_start3A_113] : memref<40x128xi32, #tpu.memory_space<vmem>> -> memref<1x128xi32, #tpu.memory_space<vmem>>
    %dma_start3A_115 = tpu.memref_squeeze %dma_start3A_114 : memref<1x128xi32, #tpu.memory_space<vmem>> -> memref<128xi32, #tpu.memory_space<vmem>>
    %dma_start3A_116 = arith.constant 0 : i32
    %dma_start3A_117 = arith.constant 0 : i32
    %dma_start3A_118 = tpu.memref_slice %arg6[%dma_start3A_116, %dma_start3A_117] : memref<10112x128xf32, #tpu.memory_space<vmem_shared>> -> memref<10112x128xf32, #tpu.memory_space<vmem_shared>>
    tpu.enqueue_indirect_dma source(%arg5 : memref<128x128xf32, #tpu.memory_space<vmem>>) target(%dma_start3A_118 : memref<10112x128xf32, #tpu.memory_space<vmem_shared>>) offsets(%dma_start3A_115 : memref<128xi32, #tpu.memory_space<vmem>>) semaphore(%arg7 : memref<!tpu.dma_semaphore, #tpu.memory_space<semaphore_mem>>) {add = true}
    %dma_start3A_119 = arith.constant 13 : i32
    %dma_start3A_120 = arith.constant 0 : i32
    %dma_start3A_121 = tpu.memref_slice %arg4[%dma_start3A_119, %dma_start3A_120] : memref<40x128xi32, #tpu.memory_space<vmem>> -> memref<1x128xi32, #tpu.memory_space<vmem>>
    %dma_start3A_122 = tpu.memref_squeeze %dma_start3A_121 : memref<1x128xi32, #tpu.memory_space<vmem>> -> memref<128xi32, #tpu.memory_space<vmem>>
    %dma_start3A_123 = arith.constant 0 : i32
    %dma_start3A_124 = arith.constant 0 : i32
    %dma_start3A_125 = tpu.memref_slice %arg6[%dma_start3A_123, %dma_start3A_124] : memref<10112x128xf32, #tpu.memory_space<vmem_shared>> -> memref<10112x128xf32, #tpu.memory_space<vmem_shared>>
    tpu.enqueue_indirect_dma source(%arg5 : memref<128x128xf32, #tpu.memory_space<vmem>>) target(%dma_start3A_125 : memref<10112x128xf32, #tpu.memory_space<vmem_shared>>) offsets(%dma_start3A_122 : memref<128xi32, #tpu.memory_space<vmem>>) semaphore(%arg7 : memref<!tpu.dma_semaphore, #tpu.memory_space<semaphore_mem>>) {add = true}
    %dma_start3A_126 = arith.constant 14 : i32
    %dma_start3A_127 = arith.constant 0 : i32
    %dma_start3A_128 = tpu.memref_slice %arg4[%dma_start3A_126, %dma_start3A_127] : memref<40x128xi32, #tpu.memory_space<vmem>> -> memref<1x128xi32, #tpu.memory_space<vmem>>
    %dma_start3A_129 = tpu.memref_squeeze %dma_start3A_128 : memref<1x128xi32, #tpu.memory_space<vmem>> -> memref<128xi32, #tpu.memory_space<vmem>>
    %dma_start3A_130 = arith.constant 0 : i32
    %dma_start3A_131 = arith.constant 0 : i32
    %dma_start3A_132 = tpu.memref_slice %arg6[%dma_start3A_130, %dma_start3A_131] : memref<10112x128xf32, #tpu.memory_space<vmem_shared>> -> memref<10112x128xf32, #tpu.memory_space<vmem_shared>>
    tpu.enqueue_indirect_dma source(%arg5 : memref<128x128xf32, #tpu.memory_space<vmem>>) target(%dma_start3A_132 : memref<10112x128xf32, #tpu.memory_space<vmem_shared>>) offsets(%dma_start3A_129 : memref<128xi32, #tpu.memory_space<vmem>>) semaphore(%arg7 : memref<!tpu.dma_semaphore, #tpu.memory_space<semaphore_mem>>) {add = true}
    %dma_start3A_133 = arith.constant 15 : i32
    %dma_start3A_134 = arith.constant 0 : i32
    %dma_start3A_135 = tpu.memref_slice %arg4[%dma_start3A_133, %dma_start3A_134] : memref<40x128xi32, #tpu.memory_space<vmem>> -> memref<1x128xi32, #tpu.memory_space<vmem>>
    %dma_start3A_136 = tpu.memref_squeeze %dma_start3A_135 : memref<1x128xi32, #tpu.memory_space<vmem>> -> memref<128xi32, #tpu.memory_space<vmem>>
    %dma_start3A_137 = arith.constant 0 : i32
    %dma_start3A_138 = arith.constant 0 : i32
    %dma_start3A_139 = tpu.memref_slice %arg6[%dma_start3A_137, %dma_start3A_138] : memref<10112x128xf32, #tpu.memory_space<vmem_shared>> -> memref<10112x128xf32, #tpu.memory_space<vmem_shared>>
    tpu.enqueue_indirect_dma source(%arg5 : memref<128x128xf32, #tpu.memory_space<vmem>>) target(%dma_start3A_139 : memref<10112x128xf32, #tpu.memory_space<vmem_shared>>) offsets(%dma_start3A_136 : memref<128xi32, #tpu.memory_space<vmem>>) semaphore(%arg7 : memref<!tpu.dma_semaphore, #tpu.memory_space<semaphore_mem>>) {add = true}
    %dma_start3A_140 = arith.constant 16 : i32
    %dma_start3A_141 = arith.constant 0 : i32
    %dma_start3A_142 = tpu.memref_slice %arg4[%dma_start3A_140, %dma_start3A_141] : memref<40x128xi32, #tpu.memory_space<vmem>> -> memref<1x128xi32, #tpu.memory_space<vmem>>
    %dma_start3A_143 = tpu.memref_squeeze %dma_start3A_142 : memref<1x128xi32, #tpu.memory_space<vmem>> -> memref<128xi32, #tpu.memory_space<vmem>>
    %dma_start3A_144 = arith.constant 0 : i32
    %dma_start3A_145 = arith.constant 0 : i32
    %dma_start3A_146 = tpu.memref_slice %arg6[%dma_start3A_144, %dma_start3A_145] : memref<10112x128xf32, #tpu.memory_space<vmem_shared>> -> memref<10112x128xf32, #tpu.memory_space<vmem_shared>>
    tpu.enqueue_indirect_dma source(%arg5 : memref<128x128xf32, #tpu.memory_space<vmem>>) target(%dma_start3A_146 : memref<10112x128xf32, #tpu.memory_space<vmem_shared>>) offsets(%dma_start3A_143 : memref<128xi32, #tpu.memory_space<vmem>>) semaphore(%arg7 : memref<!tpu.dma_semaphore, #tpu.memory_space<semaphore_mem>>) {add = true}
    %dma_start3A_147 = arith.constant 17 : i32
    %dma_start3A_148 = arith.constant 0 : i32
    %dma_start3A_149 = tpu.memref_slice %arg4[%dma_start3A_147, %dma_start3A_148] : memref<40x128xi32, #tpu.memory_space<vmem>> -> memref<1x128xi32, #tpu.memory_space<vmem>>
    %dma_start3A_150 = tpu.memref_squeeze %dma_start3A_149 : memref<1x128xi32, #tpu.memory_space<vmem>> -> memref<128xi32, #tpu.memory_space<vmem>>
    %dma_start3A_151 = arith.constant 0 : i32
    %dma_start3A_152 = arith.constant 0 : i32
    %dma_start3A_153 = tpu.memref_slice %arg6[%dma_start3A_151, %dma_start3A_152] : memref<10112x128xf32, #tpu.memory_space<vmem_shared>> -> memref<10112x128xf32, #tpu.memory_space<vmem_shared>>
    tpu.enqueue_indirect_dma source(%arg5 : memref<128x128xf32, #tpu.memory_space<vmem>>) target(%dma_start3A_153 : memref<10112x128xf32, #tpu.memory_space<vmem_shared>>) offsets(%dma_start3A_150 : memref<128xi32, #tpu.memory_space<vmem>>) semaphore(%arg7 : memref<!tpu.dma_semaphore, #tpu.memory_space<semaphore_mem>>) {add = true}
    %dma_start3A_154 = arith.constant 18 : i32
    %dma_start3A_155 = arith.constant 0 : i32
    %dma_start3A_156 = tpu.memref_slice %arg4[%dma_start3A_154, %dma_start3A_155] : memref<40x128xi32, #tpu.memory_space<vmem>> -> memref<1x128xi32, #tpu.memory_space<vmem>>
    %dma_start3A_157 = tpu.memref_squeeze %dma_start3A_156 : memref<1x128xi32, #tpu.memory_space<vmem>> -> memref<128xi32, #tpu.memory_space<vmem>>
    %dma_start3A_158 = arith.constant 0 : i32
    %dma_start3A_159 = arith.constant 0 : i32
    %dma_start3A_160 = tpu.memref_slice %arg6[%dma_start3A_158, %dma_start3A_159] : memref<10112x128xf32, #tpu.memory_space<vmem_shared>> -> memref<10112x128xf32, #tpu.memory_space<vmem_shared>>
    tpu.enqueue_indirect_dma source(%arg5 : memref<128x128xf32, #tpu.memory_space<vmem>>) target(%dma_start3A_160 : memref<10112x128xf32, #tpu.memory_space<vmem_shared>>) offsets(%dma_start3A_157 : memref<128xi32, #tpu.memory_space<vmem>>) semaphore(%arg7 : memref<!tpu.dma_semaphore, #tpu.memory_space<semaphore_mem>>) {add = true}
    %dma_start3A_161 = arith.constant 19 : i32
    %dma_start3A_162 = arith.constant 0 : i32
    %dma_start3A_163 = tpu.memref_slice %arg4[%dma_start3A_161, %dma_start3A_162] : memref<40x128xi32, #tpu.memory_space<vmem>> -> memref<1x128xi32, #tpu.memory_space<vmem>>
    %dma_start3A_164 = tpu.memref_squeeze %dma_start3A_163 : memref<1x128xi32, #tpu.memory_space<vmem>> -> memref<128xi32, #tpu.memory_space<vmem>>
    %dma_start3A_165 = arith.constant 0 : i32
    %dma_start3A_166 = arith.constant 0 : i32
    %dma_start3A_167 = tpu.memref_slice %arg6[%dma_start3A_165, %dma_start3A_166] : memref<10112x128xf32, #tpu.memory_space<vmem_shared>> -> memref<10112x128xf32, #tpu.memory_space<vmem_shared>>
    tpu.enqueue_indirect_dma source(%arg5 : memref<128x128xf32, #tpu.memory_space<vmem>>) target(%dma_start3A_167 : memref<10112x128xf32, #tpu.memory_space<vmem_shared>>) offsets(%dma_start3A_164 : memref<128xi32, #tpu.memory_space<vmem>>) semaphore(%arg7 : memref<!tpu.dma_semaphore, #tpu.memory_space<semaphore_mem>>) {add = true}
    %dma_start3A_168 = arith.constant 20 : i32
    %dma_start3A_169 = arith.constant 0 : i32
    %dma_start3A_170 = tpu.memref_slice %arg4[%dma_start3A_168, %dma_start3A_169] : memref<40x128xi32, #tpu.memory_space<vmem>> -> memref<1x128xi32, #tpu.memory_space<vmem>>
    %dma_start3A_171 = tpu.memref_squeeze %dma_start3A_170 : memref<1x128xi32, #tpu.memory_space<vmem>> -> memref<128xi32, #tpu.memory_space<vmem>>
    %dma_start3A_172 = arith.constant 0 : i32
    %dma_start3A_173 = arith.constant 0 : i32
    %dma_start3A_174 = tpu.memref_slice %arg6[%dma_start3A_172, %dma_start3A_173] : memref<10112x128xf32, #tpu.memory_space<vmem_shared>> -> memref<10112x128xf32, #tpu.memory_space<vmem_shared>>
    tpu.enqueue_indirect_dma source(%arg5 : memref<128x128xf32, #tpu.memory_space<vmem>>) target(%dma_start3A_174 : memref<10112x128xf32, #tpu.memory_space<vmem_shared>>) offsets(%dma_start3A_171 : memref<128xi32, #tpu.memory_space<vmem>>) semaphore(%arg7 : memref<!tpu.dma_semaphore, #tpu.memory_space<semaphore_mem>>) {add = true}
    %dma_start3A_175 = arith.constant 21 : i32
    %dma_start3A_176 = arith.constant 0 : i32
    %dma_start3A_177 = tpu.memref_slice %arg4[%dma_start3A_175, %dma_start3A_176] : memref<40x128xi32, #tpu.memory_space<vmem>> -> memref<1x128xi32, #tpu.memory_space<vmem>>
    %dma_start3A_178 = tpu.memref_squeeze %dma_start3A_177 : memref<1x128xi32, #tpu.memory_space<vmem>> -> memref<128xi32, #tpu.memory_space<vmem>>
    %dma_start3A_179 = arith.constant 0 : i32
    %dma_start3A_180 = arith.constant 0 : i32
    %dma_start3A_181 = tpu.memref_slice %arg6[%dma_start3A_179, %dma_start3A_180] : memref<10112x128xf32, #tpu.memory_space<vmem_shared>> -> memref<10112x128xf32, #tpu.memory_space<vmem_shared>>
    tpu.enqueue_indirect_dma source(%arg5 : memref<128x128xf32, #tpu.memory_space<vmem>>) target(%dma_start3A_181 : memref<10112x128xf32, #tpu.memory_space<vmem_shared>>) offsets(%dma_start3A_178 : memref<128xi32, #tpu.memory_space<vmem>>) semaphore(%arg7 : memref<!tpu.dma_semaphore, #tpu.memory_space<semaphore_mem>>) {add = true}
    %dma_start3A_182 = arith.constant 22 : i32
    %dma_start3A_183 = arith.constant 0 : i32
    %dma_start3A_184 = tpu.memref_slice %arg4[%dma_start3A_182, %dma_start3A_183] : memref<40x128xi32, #tpu.memory_space<vmem>> -> memref<1x128xi32, #tpu.memory_space<vmem>>
    %dma_start3A_185 = tpu.memref_squeeze %dma_start3A_184 : memref<1x128xi32, #tpu.memory_space<vmem>> -> memref<128xi32, #tpu.memory_space<vmem>>
    %dma_start3A_186 = arith.constant 0 : i32
    %dma_start3A_187 = arith.constant 0 : i32
    %dma_start3A_188 = tpu.memref_slice %arg6[%dma_start3A_186, %dma_start3A_187] : memref<10112x128xf32, #tpu.memory_space<vmem_shared>> -> memref<10112x128xf32, #tpu.memory_space<vmem_shared>>
    tpu.enqueue_indirect_dma source(%arg5 : memref<128x128xf32, #tpu.memory_space<vmem>>) target(%dma_start3A_188 : memref<10112x128xf32, #tpu.memory_space<vmem_shared>>) offsets(%dma_start3A_185 : memref<128xi32, #tpu.memory_space<vmem>>) semaphore(%arg7 : memref<!tpu.dma_semaphore, #tpu.memory_space<semaphore_mem>>) {add = true}
    %dma_start3A_189 = arith.constant 23 : i32
    %dma_start3A_190 = arith.constant 0 : i32
    %dma_start3A_191 = tpu.memref_slice %arg4[%dma_start3A_189, %dma_start3A_190] : memref<40x128xi32, #tpu.memory_space<vmem>> -> memref<1x128xi32, #tpu.memory_space<vmem>>
    %dma_start3A_192 = tpu.memref_squeeze %dma_start3A_191 : memref<1x128xi32, #tpu.memory_space<vmem>> -> memref<128xi32, #tpu.memory_space<vmem>>
    %dma_start3A_193 = arith.constant 0 : i32
    %dma_start3A_194 = arith.constant 0 : i32
    %dma_start3A_195 = tpu.memref_slice %arg6[%dma_start3A_193, %dma_start3A_194] : memref<10112x128xf32, #tpu.memory_space<vmem_shared>> -> memref<10112x128xf32, #tpu.memory_space<vmem_shared>>
    tpu.enqueue_indirect_dma source(%arg5 : memref<128x128xf32, #tpu.memory_space<vmem>>) target(%dma_start3A_195 : memref<10112x128xf32, #tpu.memory_space<vmem_shared>>) offsets(%dma_start3A_192 : memref<128xi32, #tpu.memory_space<vmem>>) semaphore(%arg7 : memref<!tpu.dma_semaphore, #tpu.memory_space<semaphore_mem>>) {add = true}
    %dma_start3A_196 = arith.constant 24 : i32
    %dma_start3A_197 = arith.constant 0 : i32
    %dma_start3A_198 = tpu.memref_slice %arg4[%dma_start3A_196, %dma_start3A_197] : memref<40x128xi32, #tpu.memory_space<vmem>> -> memref<1x128xi32, #tpu.memory_space<vmem>>
    %dma_start3A_199 = tpu.memref_squeeze %dma_start3A_198 : memref<1x128xi32, #tpu.memory_space<vmem>> -> memref<128xi32, #tpu.memory_space<vmem>>
    %dma_start3A_200 = arith.constant 0 : i32
    %dma_start3A_201 = arith.constant 0 : i32
    %dma_start3A_202 = tpu.memref_slice %arg6[%dma_start3A_200, %dma_start3A_201] : memref<10112x128xf32, #tpu.memory_space<vmem_shared>> -> memref<10112x128xf32, #tpu.memory_space<vmem_shared>>
    tpu.enqueue_indirect_dma source(%arg5 : memref<128x128xf32, #tpu.memory_space<vmem>>) target(%dma_start3A_202 : memref<10112x128xf32, #tpu.memory_space<vmem_shared>>) offsets(%dma_start3A_199 : memref<128xi32, #tpu.memory_space<vmem>>) semaphore(%arg7 : memref<!tpu.dma_semaphore, #tpu.memory_space<semaphore_mem>>) {add = true}
    %dma_start3A_203 = arith.constant 25 : i32
    %dma_start3A_204 = arith.constant 0 : i32
    %dma_start3A_205 = tpu.memref_slice %arg4[%dma_start3A_203, %dma_start3A_204] : memref<40x128xi32, #tpu.memory_space<vmem>> -> memref<1x128xi32, #tpu.memory_space<vmem>>
    %dma_start3A_206 = tpu.memref_squeeze %dma_start3A_205 : memref<1x128xi32, #tpu.memory_space<vmem>> -> memref<128xi32, #tpu.memory_space<vmem>>
    %dma_start3A_207 = arith.constant 0 : i32
    %dma_start3A_208 = arith.constant 0 : i32
    %dma_start3A_209 = tpu.memref_slice %arg6[%dma_start3A_207, %dma_start3A_208] : memref<10112x128xf32, #tpu.memory_space<vmem_shared>> -> memref<10112x128xf32, #tpu.memory_space<vmem_shared>>
    tpu.enqueue_indirect_dma source(%arg5 : memref<128x128xf32, #tpu.memory_space<vmem>>) target(%dma_start3A_209 : memref<10112x128xf32, #tpu.memory_space<vmem_shared>>) offsets(%dma_start3A_206 : memref<128xi32, #tpu.memory_space<vmem>>) semaphore(%arg7 : memref<!tpu.dma_semaphore, #tpu.memory_space<semaphore_mem>>) {add = true}
    %dma_start3A_210 = arith.constant 26 : i32
    %dma_start3A_211 = arith.constant 0 : i32
    %dma_start3A_212 = tpu.memref_slice %arg4[%dma_start3A_210, %dma_start3A_211] : memref<40x128xi32, #tpu.memory_space<vmem>> -> memref<1x128xi32, #tpu.memory_space<vmem>>
    %dma_start3A_213 = tpu.memref_squeeze %dma_start3A_212 : memref<1x128xi32, #tpu.memory_space<vmem>> -> memref<128xi32, #tpu.memory_space<vmem>>
    %dma_start3A_214 = arith.constant 0 : i32
    %dma_start3A_215 = arith.constant 0 : i32
    %dma_start3A_216 = tpu.memref_slice %arg6[%dma_start3A_214, %dma_start3A_215] : memref<10112x128xf32, #tpu.memory_space<vmem_shared>> -> memref<10112x128xf32, #tpu.memory_space<vmem_shared>>
    tpu.enqueue_indirect_dma source(%arg5 : memref<128x128xf32, #tpu.memory_space<vmem>>) target(%dma_start3A_216 : memref<10112x128xf32, #tpu.memory_space<vmem_shared>>) offsets(%dma_start3A_213 : memref<128xi32, #tpu.memory_space<vmem>>) semaphore(%arg7 : memref<!tpu.dma_semaphore, #tpu.memory_space<semaphore_mem>>) {add = true}
    %dma_start3A_217 = arith.constant 27 : i32
    %dma_start3A_218 = arith.constant 0 : i32
    %dma_start3A_219 = tpu.memref_slice %arg4[%dma_start3A_217, %dma_start3A_218] : memref<40x128xi32, #tpu.memory_space<vmem>> -> memref<1x128xi32, #tpu.memory_space<vmem>>
    %dma_start3A_220 = tpu.memref_squeeze %dma_start3A_219 : memref<1x128xi32, #tpu.memory_space<vmem>> -> memref<128xi32, #tpu.memory_space<vmem>>
    %dma_start3A_221 = arith.constant 0 : i32
    %dma_start3A_222 = arith.constant 0 : i32
    %dma_start3A_223 = tpu.memref_slice %arg6[%dma_start3A_221, %dma_start3A_222] : memref<10112x128xf32, #tpu.memory_space<vmem_shared>> -> memref<10112x128xf32, #tpu.memory_space<vmem_shared>>
    tpu.enqueue_indirect_dma source(%arg5 : memref<128x128xf32, #tpu.memory_space<vmem>>) target(%dma_start3A_223 : memref<10112x128xf32, #tpu.memory_space<vmem_shared>>) offsets(%dma_start3A_220 : memref<128xi32, #tpu.memory_space<vmem>>) semaphore(%arg7 : memref<!tpu.dma_semaphore, #tpu.memory_space<semaphore_mem>>) {add = true}
    %dma_start3A_224 = arith.constant 28 : i32
    %dma_start3A_225 = arith.constant 0 : i32
    %dma_start3A_226 = tpu.memref_slice %arg4[%dma_start3A_224, %dma_start3A_225] : memref<40x128xi32, #tpu.memory_space<vmem>> -> memref<1x128xi32, #tpu.memory_space<vmem>>
    %dma_start3A_227 = tpu.memref_squeeze %dma_start3A_226 : memref<1x128xi32, #tpu.memory_space<vmem>> -> memref<128xi32, #tpu.memory_space<vmem>>
    %dma_start3A_228 = arith.constant 0 : i32
    %dma_start3A_229 = arith.constant 0 : i32
    %dma_start3A_230 = tpu.memref_slice %arg6[%dma_start3A_228, %dma_start3A_229] : memref<10112x128xf32, #tpu.memory_space<vmem_shared>> -> memref<10112x128xf32, #tpu.memory_space<vmem_shared>>
    tpu.enqueue_indirect_dma source(%arg5 : memref<128x128xf32, #tpu.memory_space<vmem>>) target(%dma_start3A_230 : memref<10112x128xf32, #tpu.memory_space<vmem_shared>>) offsets(%dma_start3A_227 : memref<128xi32, #tpu.memory_space<vmem>>) semaphore(%arg7 : memref<!tpu.dma_semaphore, #tpu.memory_space<semaphore_mem>>) {add = true}
    %dma_start3A_231 = arith.constant 29 : i32
    %dma_start3A_232 = arith.constant 0 : i32
    %dma_start3A_233 = tpu.memref_slice %arg4[%dma_start3A_231, %dma_start3A_232] : memref<40x128xi32, #tpu.memory_space<vmem>> -> memref<1x128xi32, #tpu.memory_space<vmem>>
    %dma_start3A_234 = tpu.memref_squeeze %dma_start3A_233 : memref<1x128xi32, #tpu.memory_space<vmem>> -> memref<128xi32, #tpu.memory_space<vmem>>
    %dma_start3A_235 = arith.constant 0 : i32
    %dma_start3A_236 = arith.constant 0 : i32
    %dma_start3A_237 = tpu.memref_slice %arg6[%dma_start3A_235, %dma_start3A_236] : memref<10112x128xf32, #tpu.memory_space<vmem_shared>> -> memref<10112x128xf32, #tpu.memory_space<vmem_shared>>
    tpu.enqueue_indirect_dma source(%arg5 : memref<128x128xf32, #tpu.memory_space<vmem>>) target(%dma_start3A_237 : memref<10112x128xf32, #tpu.memory_space<vmem_shared>>) offsets(%dma_start3A_234 : memref<128xi32, #tpu.memory_space<vmem>>) semaphore(%arg7 : memref<!tpu.dma_semaphore, #tpu.memory_space<semaphore_mem>>) {add = true}
    %dma_start3A_238 = arith.constant 30 : i32
    %dma_start3A_239 = arith.constant 0 : i32
    %dma_start3A_240 = tpu.memref_slice %arg4[%dma_start3A_238, %dma_start3A_239] : memref<40x128xi32, #tpu.memory_space<vmem>> -> memref<1x128xi32, #tpu.memory_space<vmem>>
    %dma_start3A_241 = tpu.memref_squeeze %dma_start3A_240 : memref<1x128xi32, #tpu.memory_space<vmem>> -> memref<128xi32, #tpu.memory_space<vmem>>
    %dma_start3A_242 = arith.constant 0 : i32
    %dma_start3A_243 = arith.constant 0 : i32
    %dma_start3A_244 = tpu.memref_slice %arg6[%dma_start3A_242, %dma_start3A_243] : memref<10112x128xf32, #tpu.memory_space<vmem_shared>> -> memref<10112x128xf32, #tpu.memory_space<vmem_shared>>
    tpu.enqueue_indirect_dma source(%arg5 : memref<128x128xf32, #tpu.memory_space<vmem>>) target(%dma_start3A_244 : memref<10112x128xf32, #tpu.memory_space<vmem_shared>>) offsets(%dma_start3A_241 : memref<128xi32, #tpu.memory_space<vmem>>) semaphore(%arg7 : memref<!tpu.dma_semaphore, #tpu.memory_space<semaphore_mem>>) {add = true}
    %dma_start3A_245 = arith.constant 31 : i32
    %dma_start3A_246 = arith.constant 0 : i32
    %dma_start3A_247 = tpu.memref_slice %arg4[%dma_start3A_245, %dma_start3A_246] : memref<40x128xi32, #tpu.memory_space<vmem>> -> memref<1x128xi32, #tpu.memory_space<vmem>>
    %dma_start3A_248 = tpu.memref_squeeze %dma_start3A_247 : memref<1x128xi32, #tpu.memory_space<vmem>> -> memref<128xi32, #tpu.memory_space<vmem>>
    %dma_start3A_249 = arith.constant 0 : i32
    %dma_start3A_250 = arith.constant 0 : i32
    %dma_start3A_251 = tpu.memref_slice %arg6[%dma_start3A_249, %dma_start3A_250] : memref<10112x128xf32, #tpu.memory_space<vmem_shared>> -> memref<10112x128xf32, #tpu.memory_space<vmem_shared>>
    tpu.enqueue_indirect_dma source(%arg5 : memref<128x128xf32, #tpu.memory_space<vmem>>) target(%dma_start3A_251 : memref<10112x128xf32, #tpu.memory_space<vmem_shared>>) offsets(%dma_start3A_248 : memref<128xi32, #tpu.memory_space<vmem>>) semaphore(%arg7 : memref<!tpu.dma_semaphore, #tpu.memory_space<semaphore_mem>>) {add = true}
    %dma_start3A_252 = arith.constant 32 : i32
    %dma_start3A_253 = arith.constant 0 : i32
    %dma_start3A_254 = tpu.memref_slice %arg4[%dma_start3A_252, %dma_start3A_253] : memref<40x128xi32, #tpu.memory_space<vmem>> -> memref<1x128xi32, #tpu.memory_space<vmem>>
    %dma_start3A_255 = tpu.memref_squeeze %dma_start3A_254 : memref<1x128xi32, #tpu.memory_space<vmem>> -> memref<128xi32, #tpu.memory_space<vmem>>
    %dma_start3A_256 = arith.constant 0 : i32
    %dma_start3A_257 = arith.constant 0 : i32
    %dma_start3A_258 = tpu.memref_slice %arg6[%dma_start3A_256, %dma_start3A_257] : memref<10112x128xf32, #tpu.memory_space<vmem_shared>> -> memref<10112x128xf32, #tpu.memory_space<vmem_shared>>
    tpu.enqueue_indirect_dma source(%arg5 : memref<128x128xf32, #tpu.memory_space<vmem>>) target(%dma_start3A_258 : memref<10112x128xf32, #tpu.memory_space<vmem_shared>>) offsets(%dma_start3A_255 : memref<128xi32, #tpu.memory_space<vmem>>) semaphore(%arg7 : memref<!tpu.dma_semaphore, #tpu.memory_space<semaphore_mem>>) {add = true}
    %dma_start3A_259 = arith.constant 33 : i32
    %dma_start3A_260 = arith.constant 0 : i32
    %dma_start3A_261 = tpu.memref_slice %arg4[%dma_start3A_259, %dma_start3A_260] : memref<40x128xi32, #tpu.memory_space<vmem>> -> memref<1x128xi32, #tpu.memory_space<vmem>>
    %dma_start3A_262 = tpu.memref_squeeze %dma_start3A_261 : memref<1x128xi32, #tpu.memory_space<vmem>> -> memref<128xi32, #tpu.memory_space<vmem>>
    %dma_start3A_263 = arith.constant 0 : i32
    %dma_start3A_264 = arith.constant 0 : i32
    %dma_start3A_265 = tpu.memref_slice %arg6[%dma_start3A_263, %dma_start3A_264] : memref<10112x128xf32, #tpu.memory_space<vmem_shared>> -> memref<10112x128xf32, #tpu.memory_space<vmem_shared>>
    tpu.enqueue_indirect_dma source(%arg5 : memref<128x128xf32, #tpu.memory_space<vmem>>) target(%dma_start3A_265 : memref<10112x128xf32, #tpu.memory_space<vmem_shared>>) offsets(%dma_start3A_262 : memref<128xi32, #tpu.memory_space<vmem>>) semaphore(%arg7 : memref<!tpu.dma_semaphore, #tpu.memory_space<semaphore_mem>>) {add = true}
    %dma_start3A_266 = arith.constant 34 : i32
    %dma_start3A_267 = arith.constant 0 : i32
    %dma_start3A_268 = tpu.memref_slice %arg4[%dma_start3A_266, %dma_start3A_267] : memref<40x128xi32, #tpu.memory_space<vmem>> -> memref<1x128xi32, #tpu.memory_space<vmem>>
    %dma_start3A_269 = tpu.memref_squeeze %dma_start3A_268 : memref<1x128xi32, #tpu.memory_space<vmem>> -> memref<128xi32, #tpu.memory_space<vmem>>
    %dma_start3A_270 = arith.constant 0 : i32
    %dma_start3A_271 = arith.constant 0 : i32
    %dma_start3A_272 = tpu.memref_slice %arg6[%dma_start3A_270, %dma_start3A_271] : memref<10112x128xf32, #tpu.memory_space<vmem_shared>> -> memref<10112x128xf32, #tpu.memory_space<vmem_shared>>
    tpu.enqueue_indirect_dma source(%arg5 : memref<128x128xf32, #tpu.memory_space<vmem>>) target(%dma_start3A_272 : memref<10112x128xf32, #tpu.memory_space<vmem_shared>>) offsets(%dma_start3A_269 : memref<128xi32, #tpu.memory_space<vmem>>) semaphore(%arg7 : memref<!tpu.dma_semaphore, #tpu.memory_space<semaphore_mem>>) {add = true}
    %dma_start3A_273 = arith.constant 35 : i32
    %dma_start3A_274 = arith.constant 0 : i32
    %dma_start3A_275 = tpu.memref_slice %arg4[%dma_start3A_273, %dma_start3A_274] : memref<40x128xi32, #tpu.memory_space<vmem>> -> memref<1x128xi32, #tpu.memory_space<vmem>>
    %dma_start3A_276 = tpu.memref_squeeze %dma_start3A_275 : memref<1x128xi32, #tpu.memory_space<vmem>> -> memref<128xi32, #tpu.memory_space<vmem>>
    %dma_start3A_277 = arith.constant 0 : i32
    %dma_start3A_278 = arith.constant 0 : i32
    %dma_start3A_279 = tpu.memref_slice %arg6[%dma_start3A_277, %dma_start3A_278] : memref<10112x128xf32, #tpu.memory_space<vmem_shared>> -> memref<10112x128xf32, #tpu.memory_space<vmem_shared>>
    tpu.enqueue_indirect_dma source(%arg5 : memref<128x128xf32, #tpu.memory_space<vmem>>) target(%dma_start3A_279 : memref<10112x128xf32, #tpu.memory_space<vmem_shared>>) offsets(%dma_start3A_276 : memref<128xi32, #tpu.memory_space<vmem>>) semaphore(%arg7 : memref<!tpu.dma_semaphore, #tpu.memory_space<semaphore_mem>>) {add = true}
    %dma_start3A_280 = arith.constant 36 : i32
    %dma_start3A_281 = arith.constant 0 : i32
    %dma_start3A_282 = tpu.memref_slice %arg4[%dma_start3A_280, %dma_start3A_281] : memref<40x128xi32, #tpu.memory_space<vmem>> -> memref<1x128xi32, #tpu.memory_space<vmem>>
    %dma_start3A_283 = tpu.memref_squeeze %dma_start3A_282 : memref<1x128xi32, #tpu.memory_space<vmem>> -> memref<128xi32, #tpu.memory_space<vmem>>
    %dma_start3A_284 = arith.constant 0 : i32
    %dma_start3A_285 = arith.constant 0 : i32
    %dma_start3A_286 = tpu.memref_slice %arg6[%dma_start3A_284, %dma_start3A_285] : memref<10112x128xf32, #tpu.memory_space<vmem_shared>> -> memref<10112x128xf32, #tpu.memory_space<vmem_shared>>
    tpu.enqueue_indirect_dma source(%arg5 : memref<128x128xf32, #tpu.memory_space<vmem>>) target(%dma_start3A_286 : memref<10112x128xf32, #tpu.memory_space<vmem_shared>>) offsets(%dma_start3A_283 : memref<128xi32, #tpu.memory_space<vmem>>) semaphore(%arg7 : memref<!tpu.dma_semaphore, #tpu.memory_space<semaphore_mem>>) {add = true}
    %dma_start3A_287 = arith.constant 37 : i32
    %dma_start3A_288 = arith.constant 0 : i32
    %dma_start3A_289 = tpu.memref_slice %arg4[%dma_start3A_287, %dma_start3A_288] : memref<40x128xi32, #tpu.memory_space<vmem>> -> memref<1x128xi32, #tpu.memory_space<vmem>>
    %dma_start3A_290 = tpu.memref_squeeze %dma_start3A_289 : memref<1x128xi32, #tpu.memory_space<vmem>> -> memref<128xi32, #tpu.memory_space<vmem>>
    %dma_start3A_291 = arith.constant 0 : i32
    %dma_start3A_292 = arith.constant 0 : i32
    %dma_start3A_293 = tpu.memref_slice %arg6[%dma_start3A_291, %dma_start3A_292] : memref<10112x128xf32, #tpu.memory_space<vmem_shared>> -> memref<10112x128xf32, #tpu.memory_space<vmem_shared>>
    tpu.enqueue_indirect_dma source(%arg5 : memref<128x128xf32, #tpu.memory_space<vmem>>) target(%dma_start3A_293 : memref<10112x128xf32, #tpu.memory_space<vmem_shared>>) offsets(%dma_start3A_290 : memref<128xi32, #tpu.memory_space<vmem>>) semaphore(%arg7 : memref<!tpu.dma_semaphore, #tpu.memory_space<semaphore_mem>>) {add = true}
    %dma_start3A_294 = arith.constant 38 : i32
    %dma_start3A_295 = arith.constant 0 : i32
    %dma_start3A_296 = tpu.memref_slice %arg4[%dma_start3A_294, %dma_start3A_295] : memref<40x128xi32, #tpu.memory_space<vmem>> -> memref<1x128xi32, #tpu.memory_space<vmem>>
    %dma_start3A_297 = tpu.memref_squeeze %dma_start3A_296 : memref<1x128xi32, #tpu.memory_space<vmem>> -> memref<128xi32, #tpu.memory_space<vmem>>
    %dma_start3A_298 = arith.constant 0 : i32
    %dma_start3A_299 = arith.constant 0 : i32
    %dma_start3A_300 = tpu.memref_slice %arg6[%dma_start3A_298, %dma_start3A_299] : memref<10112x128xf32, #tpu.memory_space<vmem_shared>> -> memref<10112x128xf32, #tpu.memory_space<vmem_shared>>
    tpu.enqueue_indirect_dma source(%arg5 : memref<128x128xf32, #tpu.memory_space<vmem>>) target(%dma_start3A_300 : memref<10112x128xf32, #tpu.memory_space<vmem_shared>>) offsets(%dma_start3A_297 : memref<128xi32, #tpu.memory_space<vmem>>) semaphore(%arg7 : memref<!tpu.dma_semaphore, #tpu.memory_space<semaphore_mem>>) {add = true}
    %dma_start3A_301 = arith.constant 39 : i32
    %dma_start3A_302 = arith.constant 0 : i32
    %dma_start3A_303 = tpu.memref_slice %arg4[%dma_start3A_301, %dma_start3A_302] : memref<40x128xi32, #tpu.memory_space<vmem>> -> memref<1x128xi32, #tpu.memory_space<vmem>>
    %dma_start3A_304 = tpu.memref_squeeze %dma_start3A_303 : memref<1x128xi32, #tpu.memory_space<vmem>> -> memref<128xi32, #tpu.memory_space<vmem>>
    %dma_start3A_305 = arith.constant 0 : i32
    %dma_start3A_306 = arith.constant 0 : i32
    %dma_start3A_307 = tpu.memref_slice %arg6[%dma_start3A_305, %dma_start3A_306] : memref<10112x128xf32, #tpu.memory_space<vmem_shared>> -> memref<10112x128xf32, #tpu.memory_space<vmem_shared>>
    tpu.enqueue_indirect_dma source(%arg5 : memref<128x128xf32, #tpu.memory_space<vmem>>) target(%dma_start3A_307 : memref<10112x128xf32, #tpu.memory_space<vmem_shared>>) offsets(%dma_start3A_304 : memref<128xi32, #tpu.memory_space<vmem>>) semaphore(%arg7 : memref<!tpu.dma_semaphore, #tpu.memory_space<semaphore_mem>>) {add = true}
    %dma_wait3A = arith.constant 0 : i32
    %dma_wait3A_308 = arith.constant 0 : i32
    %dma_wait3A_309 = tpu.memref_slice %arg4[%dma_wait3A, %dma_wait3A_308] : memref<40x128xi32, #tpu.memory_space<vmem>> -> memref<1x128xi32, #tpu.memory_space<vmem>>
    %dma_wait3A_310 = tpu.memref_squeeze %dma_wait3A_309 : memref<1x128xi32, #tpu.memory_space<vmem>> -> memref<128xi32, #tpu.memory_space<vmem>>
    %dma_wait3A_311 = arith.constant 0 : i32
    %dma_wait3A_312 = arith.constant 0 : i32
    %dma_wait3A_313 = tpu.memref_slice %arg6[%dma_wait3A_311, %dma_wait3A_312] : memref<10112x128xf32, #tpu.memory_space<vmem_shared>> -> memref<10112x128xf32, #tpu.memory_space<vmem_shared>>
    tpu.wait_indirect_dma semaphore(%arg7 : memref<!tpu.dma_semaphore, #tpu.memory_space<semaphore_mem>>) src(%arg5 : memref<128x128xf32, #tpu.memory_space<vmem>>) dst(%dma_wait3A_313 : memref<10112x128xf32, #tpu.memory_space<vmem_shared>>)
    %dma_wait3A_314 = arith.constant 1 : i32
    %dma_wait3A_315 = arith.constant 0 : i32
    %dma_wait3A_316 = tpu.memref_slice %arg4[%dma_wait3A_314, %dma_wait3A_315] : memref<40x128xi32, #tpu.memory_space<vmem>> -> memref<1x128xi32, #tpu.memory_space<vmem>>
    %dma_wait3A_317 = tpu.memref_squeeze %dma_wait3A_316 : memref<1x128xi32, #tpu.memory_space<vmem>> -> memref<128xi32, #tpu.memory_space<vmem>>
    %dma_wait3A_318 = arith.constant 0 : i32
    %dma_wait3A_319 = arith.constant 0 : i32
    %dma_wait3A_320 = tpu.memref_slice %arg6[%dma_wait3A_318, %dma_wait3A_319] : memref<10112x128xf32, #tpu.memory_space<vmem_shared>> -> memref<10112x128xf32, #tpu.memory_space<vmem_shared>>
    tpu.wait_indirect_dma semaphore(%arg7 : memref<!tpu.dma_semaphore, #tpu.memory_space<semaphore_mem>>) src(%arg5 : memref<128x128xf32, #tpu.memory_space<vmem>>) dst(%dma_wait3A_320 : memref<10112x128xf32, #tpu.memory_space<vmem_shared>>)
    %dma_wait3A_321 = arith.constant 2 : i32
    %dma_wait3A_322 = arith.constant 0 : i32
    %dma_wait3A_323 = tpu.memref_slice %arg4[%dma_wait3A_321, %dma_wait3A_322] : memref<40x128xi32, #tpu.memory_space<vmem>> -> memref<1x128xi32, #tpu.memory_space<vmem>>
    %dma_wait3A_324 = tpu.memref_squeeze %dma_wait3A_323 : memref<1x128xi32, #tpu.memory_space<vmem>> -> memref<128xi32, #tpu.memory_space<vmem>>
    %dma_wait3A_325 = arith.constant 0 : i32
    %dma_wait3A_326 = arith.constant 0 : i32
    %dma_wait3A_327 = tpu.memref_slice %arg6[%dma_wait3A_325, %dma_wait3A_326] : memref<10112x128xf32, #tpu.memory_space<vmem_shared>> -> memref<10112x128xf32, #tpu.memory_space<vmem_shared>>
    tpu.wait_indirect_dma semaphore(%arg7 : memref<!tpu.dma_semaphore, #tpu.memory_space<semaphore_mem>>) src(%arg5 : memref<128x128xf32, #tpu.memory_space<vmem>>) dst(%dma_wait3A_327 : memref<10112x128xf32, #tpu.memory_space<vmem_shared>>)
    %dma_wait3A_328 = arith.constant 3 : i32
    %dma_wait3A_329 = arith.constant 0 : i32
    %dma_wait3A_330 = tpu.memref_slice %arg4[%dma_wait3A_328, %dma_wait3A_329] : memref<40x128xi32, #tpu.memory_space<vmem>> -> memref<1x128xi32, #tpu.memory_space<vmem>>
    %dma_wait3A_331 = tpu.memref_squeeze %dma_wait3A_330 : memref<1x128xi32, #tpu.memory_space<vmem>> -> memref<128xi32, #tpu.memory_space<vmem>>
    %dma_wait3A_332 = arith.constant 0 : i32
    %dma_wait3A_333 = arith.constant 0 : i32
    %dma_wait3A_334 = tpu.memref_slice %arg6[%dma_wait3A_332, %dma_wait3A_333] : memref<10112x128xf32, #tpu.memory_space<vmem_shared>> -> memref<10112x128xf32, #tpu.memory_space<vmem_shared>>
    tpu.wait_indirect_dma semaphore(%arg7 : memref<!tpu.dma_semaphore, #tpu.memory_space<semaphore_mem>>) src(%arg5 : memref<128x128xf32, #tpu.memory_space<vmem>>) dst(%dma_wait3A_334 : memref<10112x128xf32, #tpu.memory_space<vmem_shared>>)
    %dma_wait3A_335 = arith.constant 4 : i32
    %dma_wait3A_336 = arith.constant 0 : i32
    %dma_wait3A_337 = tpu.memref_slice %arg4[%dma_wait3A_335, %dma_wait3A_336] : memref<40x128xi32, #tpu.memory_space<vmem>> -> memref<1x128xi32, #tpu.memory_space<vmem>>
    %dma_wait3A_338 = tpu.memref_squeeze %dma_wait3A_337 : memref<1x128xi32, #tpu.memory_space<vmem>> -> memref<128xi32, #tpu.memory_space<vmem>>
    %dma_wait3A_339 = arith.constant 0 : i32
    %dma_wait3A_340 = arith.constant 0 : i32
    %dma_wait3A_341 = tpu.memref_slice %arg6[%dma_wait3A_339, %dma_wait3A_340] : memref<10112x128xf32, #tpu.memory_space<vmem_shared>> -> memref<10112x128xf32, #tpu.memory_space<vmem_shared>>
    tpu.wait_indirect_dma semaphore(%arg7 : memref<!tpu.dma_semaphore, #tpu.memory_space<semaphore_mem>>) src(%arg5 : memref<128x128xf32, #tpu.memory_space<vmem>>) dst(%dma_wait3A_341 : memref<10112x128xf32, #tpu.memory_space<vmem_shared>>)
    %dma_wait3A_342 = arith.constant 5 : i32
    %dma_wait3A_343 = arith.constant 0 : i32
    %dma_wait3A_344 = tpu.memref_slice %arg4[%dma_wait3A_342, %dma_wait3A_343] : memref<40x128xi32, #tpu.memory_space<vmem>> -> memref<1x128xi32, #tpu.memory_space<vmem>>
    %dma_wait3A_345 = tpu.memref_squeeze %dma_wait3A_344 : memref<1x128xi32, #tpu.memory_space<vmem>> -> memref<128xi32, #tpu.memory_space<vmem>>
    %dma_wait3A_346 = arith.constant 0 : i32
    %dma_wait3A_347 = arith.constant 0 : i32
    %dma_wait3A_348 = tpu.memref_slice %arg6[%dma_wait3A_346, %dma_wait3A_347] : memref<10112x128xf32, #tpu.memory_space<vmem_shared>> -> memref<10112x128xf32, #tpu.memory_space<vmem_shared>>
    tpu.wait_indirect_dma semaphore(%arg7 : memref<!tpu.dma_semaphore, #tpu.memory_space<semaphore_mem>>) src(%arg5 : memref<128x128xf32, #tpu.memory_space<vmem>>) dst(%dma_wait3A_348 : memref<10112x128xf32, #tpu.memory_space<vmem_shared>>)
    %dma_wait3A_349 = arith.constant 6 : i32
    %dma_wait3A_350 = arith.constant 0 : i32
    %dma_wait3A_351 = tpu.memref_slice %arg4[%dma_wait3A_349, %dma_wait3A_350] : memref<40x128xi32, #tpu.memory_space<vmem>> -> memref<1x128xi32, #tpu.memory_space<vmem>>
    %dma_wait3A_352 = tpu.memref_squeeze %dma_wait3A_351 : memref<1x128xi32, #tpu.memory_space<vmem>> -> memref<128xi32, #tpu.memory_space<vmem>>
    %dma_wait3A_353 = arith.constant 0 : i32
    %dma_wait3A_354 = arith.constant 0 : i32
    %dma_wait3A_355 = tpu.memref_slice %arg6[%dma_wait3A_353, %dma_wait3A_354] : memref<10112x128xf32, #tpu.memory_space<vmem_shared>> -> memref<10112x128xf32, #tpu.memory_space<vmem_shared>>
    tpu.wait_indirect_dma semaphore(%arg7 : memref<!tpu.dma_semaphore, #tpu.memory_space<semaphore_mem>>) src(%arg5 : memref<128x128xf32, #tpu.memory_space<vmem>>) dst(%dma_wait3A_355 : memref<10112x128xf32, #tpu.memory_space<vmem_shared>>)
    %dma_wait3A_356 = arith.constant 7 : i32
    %dma_wait3A_357 = arith.constant 0 : i32
    %dma_wait3A_358 = tpu.memref_slice %arg4[%dma_wait3A_356, %dma_wait3A_357] : memref<40x128xi32, #tpu.memory_space<vmem>> -> memref<1x128xi32, #tpu.memory_space<vmem>>
    %dma_wait3A_359 = tpu.memref_squeeze %dma_wait3A_358 : memref<1x128xi32, #tpu.memory_space<vmem>> -> memref<128xi32, #tpu.memory_space<vmem>>
    %dma_wait3A_360 = arith.constant 0 : i32
    %dma_wait3A_361 = arith.constant 0 : i32
    %dma_wait3A_362 = tpu.memref_slice %arg6[%dma_wait3A_360, %dma_wait3A_361] : memref<10112x128xf32, #tpu.memory_space<vmem_shared>> -> memref<10112x128xf32, #tpu.memory_space<vmem_shared>>
    tpu.wait_indirect_dma semaphore(%arg7 : memref<!tpu.dma_semaphore, #tpu.memory_space<semaphore_mem>>) src(%arg5 : memref<128x128xf32, #tpu.memory_space<vmem>>) dst(%dma_wait3A_362 : memref<10112x128xf32, #tpu.memory_space<vmem_shared>>)
    %dma_wait3A_363 = arith.constant 8 : i32
    %dma_wait3A_364 = arith.constant 0 : i32
    %dma_wait3A_365 = tpu.memref_slice %arg4[%dma_wait3A_363, %dma_wait3A_364] : memref<40x128xi32, #tpu.memory_space<vmem>> -> memref<1x128xi32, #tpu.memory_space<vmem>>
    %dma_wait3A_366 = tpu.memref_squeeze %dma_wait3A_365 : memref<1x128xi32, #tpu.memory_space<vmem>> -> memref<128xi32, #tpu.memory_space<vmem>>
    %dma_wait3A_367 = arith.constant 0 : i32
    %dma_wait3A_368 = arith.constant 0 : i32
    %dma_wait3A_369 = tpu.memref_slice %arg6[%dma_wait3A_367, %dma_wait3A_368] : memref<10112x128xf32, #tpu.memory_space<vmem_shared>> -> memref<10112x128xf32, #tpu.memory_space<vmem_shared>>
    tpu.wait_indirect_dma semaphore(%arg7 : memref<!tpu.dma_semaphore, #tpu.memory_space<semaphore_mem>>) src(%arg5 : memref<128x128xf32, #tpu.memory_space<vmem>>) dst(%dma_wait3A_369 : memref<10112x128xf32, #tpu.memory_space<vmem_shared>>)
    %dma_wait3A_370 = arith.constant 9 : i32
    %dma_wait3A_371 = arith.constant 0 : i32
    %dma_wait3A_372 = tpu.memref_slice %arg4[%dma_wait3A_370, %dma_wait3A_371] : memref<40x128xi32, #tpu.memory_space<vmem>> -> memref<1x128xi32, #tpu.memory_space<vmem>>
    %dma_wait3A_373 = tpu.memref_squeeze %dma_wait3A_372 : memref<1x128xi32, #tpu.memory_space<vmem>> -> memref<128xi32, #tpu.memory_space<vmem>>
    %dma_wait3A_374 = arith.constant 0 : i32
    %dma_wait3A_375 = arith.constant 0 : i32
    %dma_wait3A_376 = tpu.memref_slice %arg6[%dma_wait3A_374, %dma_wait3A_375] : memref<10112x128xf32, #tpu.memory_space<vmem_shared>> -> memref<10112x128xf32, #tpu.memory_space<vmem_shared>>
    tpu.wait_indirect_dma semaphore(%arg7 : memref<!tpu.dma_semaphore, #tpu.memory_space<semaphore_mem>>) src(%arg5 : memref<128x128xf32, #tpu.memory_space<vmem>>) dst(%dma_wait3A_376 : memref<10112x128xf32, #tpu.memory_space<vmem_shared>>)
    %dma_wait3A_377 = arith.constant 10 : i32
    %dma_wait3A_378 = arith.constant 0 : i32
    %dma_wait3A_379 = tpu.memref_slice %arg4[%dma_wait3A_377, %dma_wait3A_378] : memref<40x128xi32, #tpu.memory_space<vmem>> -> memref<1x128xi32, #tpu.memory_space<vmem>>
    %dma_wait3A_380 = tpu.memref_squeeze %dma_wait3A_379 : memref<1x128xi32, #tpu.memory_space<vmem>> -> memref<128xi32, #tpu.memory_space<vmem>>
    %dma_wait3A_381 = arith.constant 0 : i32
    %dma_wait3A_382 = arith.constant 0 : i32
    %dma_wait3A_383 = tpu.memref_slice %arg6[%dma_wait3A_381, %dma_wait3A_382] : memref<10112x128xf32, #tpu.memory_space<vmem_shared>> -> memref<10112x128xf32, #tpu.memory_space<vmem_shared>>
    tpu.wait_indirect_dma semaphore(%arg7 : memref<!tpu.dma_semaphore, #tpu.memory_space<semaphore_mem>>) src(%arg5 : memref<128x128xf32, #tpu.memory_space<vmem>>) dst(%dma_wait3A_383 : memref<10112x128xf32, #tpu.memory_space<vmem_shared>>)
    %dma_wait3A_384 = arith.constant 11 : i32
    %dma_wait3A_385 = arith.constant 0 : i32
    %dma_wait3A_386 = tpu.memref_slice %arg4[%dma_wait3A_384, %dma_wait3A_385] : memref<40x128xi32, #tpu.memory_space<vmem>> -> memref<1x128xi32, #tpu.memory_space<vmem>>
    %dma_wait3A_387 = tpu.memref_squeeze %dma_wait3A_386 : memref<1x128xi32, #tpu.memory_space<vmem>> -> memref<128xi32, #tpu.memory_space<vmem>>
    %dma_wait3A_388 = arith.constant 0 : i32
    %dma_wait3A_389 = arith.constant 0 : i32
    %dma_wait3A_390 = tpu.memref_slice %arg6[%dma_wait3A_388, %dma_wait3A_389] : memref<10112x128xf32, #tpu.memory_space<vmem_shared>> -> memref<10112x128xf32, #tpu.memory_space<vmem_shared>>
    tpu.wait_indirect_dma semaphore(%arg7 : memref<!tpu.dma_semaphore, #tpu.memory_space<semaphore_mem>>) src(%arg5 : memref<128x128xf32, #tpu.memory_space<vmem>>) dst(%dma_wait3A_390 : memref<10112x128xf32, #tpu.memory_space<vmem_shared>>)
    %dma_wait3A_391 = arith.constant 12 : i32
    %dma_wait3A_392 = arith.constant 0 : i32
    %dma_wait3A_393 = tpu.memref_slice %arg4[%dma_wait3A_391, %dma_wait3A_392] : memref<40x128xi32, #tpu.memory_space<vmem>> -> memref<1x128xi32, #tpu.memory_space<vmem>>
    %dma_wait3A_394 = tpu.memref_squeeze %dma_wait3A_393 : memref<1x128xi32, #tpu.memory_space<vmem>> -> memref<128xi32, #tpu.memory_space<vmem>>
    %dma_wait3A_395 = arith.constant 0 : i32
    %dma_wait3A_396 = arith.constant 0 : i32
    %dma_wait3A_397 = tpu.memref_slice %arg6[%dma_wait3A_395, %dma_wait3A_396] : memref<10112x128xf32, #tpu.memory_space<vmem_shared>> -> memref<10112x128xf32, #tpu.memory_space<vmem_shared>>
    tpu.wait_indirect_dma semaphore(%arg7 : memref<!tpu.dma_semaphore, #tpu.memory_space<semaphore_mem>>) src(%arg5 : memref<128x128xf32, #tpu.memory_space<vmem>>) dst(%dma_wait3A_397 : memref<10112x128xf32, #tpu.memory_space<vmem_shared>>)
    %dma_wait3A_398 = arith.constant 13 : i32
    %dma_wait3A_399 = arith.constant 0 : i32
    %dma_wait3A_400 = tpu.memref_slice %arg4[%dma_wait3A_398, %dma_wait3A_399] : memref<40x128xi32, #tpu.memory_space<vmem>> -> memref<1x128xi32, #tpu.memory_space<vmem>>
    %dma_wait3A_401 = tpu.memref_squeeze %dma_wait3A_400 : memref<1x128xi32, #tpu.memory_space<vmem>> -> memref<128xi32, #tpu.memory_space<vmem>>
    %dma_wait3A_402 = arith.constant 0 : i32
    %dma_wait3A_403 = arith.constant 0 : i32
    %dma_wait3A_404 = tpu.memref_slice %arg6[%dma_wait3A_402, %dma_wait3A_403] : memref<10112x128xf32, #tpu.memory_space<vmem_shared>> -> memref<10112x128xf32, #tpu.memory_space<vmem_shared>>
    tpu.wait_indirect_dma semaphore(%arg7 : memref<!tpu.dma_semaphore, #tpu.memory_space<semaphore_mem>>) src(%arg5 : memref<128x128xf32, #tpu.memory_space<vmem>>) dst(%dma_wait3A_404 : memref<10112x128xf32, #tpu.memory_space<vmem_shared>>)
    %dma_wait3A_405 = arith.constant 14 : i32
    %dma_wait3A_406 = arith.constant 0 : i32
    %dma_wait3A_407 = tpu.memref_slice %arg4[%dma_wait3A_405, %dma_wait3A_406] : memref<40x128xi32, #tpu.memory_space<vmem>> -> memref<1x128xi32, #tpu.memory_space<vmem>>
    %dma_wait3A_408 = tpu.memref_squeeze %dma_wait3A_407 : memref<1x128xi32, #tpu.memory_space<vmem>> -> memref<128xi32, #tpu.memory_space<vmem>>
    %dma_wait3A_409 = arith.constant 0 : i32
    %dma_wait3A_410 = arith.constant 0 : i32
    %dma_wait3A_411 = tpu.memref_slice %arg6[%dma_wait3A_409, %dma_wait3A_410] : memref<10112x128xf32, #tpu.memory_space<vmem_shared>> -> memref<10112x128xf32, #tpu.memory_space<vmem_shared>>
    tpu.wait_indirect_dma semaphore(%arg7 : memref<!tpu.dma_semaphore, #tpu.memory_space<semaphore_mem>>) src(%arg5 : memref<128x128xf32, #tpu.memory_space<vmem>>) dst(%dma_wait3A_411 : memref<10112x128xf32, #tpu.memory_space<vmem_shared>>)
    %dma_wait3A_412 = arith.constant 15 : i32
    %dma_wait3A_413 = arith.constant 0 : i32
    %dma_wait3A_414 = tpu.memref_slice %arg4[%dma_wait3A_412, %dma_wait3A_413] : memref<40x128xi32, #tpu.memory_space<vmem>> -> memref<1x128xi32, #tpu.memory_space<vmem>>
    %dma_wait3A_415 = tpu.memref_squeeze %dma_wait3A_414 : memref<1x128xi32, #tpu.memory_space<vmem>> -> memref<128xi32, #tpu.memory_space<vmem>>
    %dma_wait3A_416 = arith.constant 0 : i32
    %dma_wait3A_417 = arith.constant 0 : i32
    %dma_wait3A_418 = tpu.memref_slice %arg6[%dma_wait3A_416, %dma_wait3A_417] : memref<10112x128xf32, #tpu.memory_space<vmem_shared>> -> memref<10112x128xf32, #tpu.memory_space<vmem_shared>>
    tpu.wait_indirect_dma semaphore(%arg7 : memref<!tpu.dma_semaphore, #tpu.memory_space<semaphore_mem>>) src(%arg5 : memref<128x128xf32, #tpu.memory_space<vmem>>) dst(%dma_wait3A_418 : memref<10112x128xf32, #tpu.memory_space<vmem_shared>>)
    %dma_wait3A_419 = arith.constant 16 : i32
    %dma_wait3A_420 = arith.constant 0 : i32
    %dma_wait3A_421 = tpu.memref_slice %arg4[%dma_wait3A_419, %dma_wait3A_420] : memref<40x128xi32, #tpu.memory_space<vmem>> -> memref<1x128xi32, #tpu.memory_space<vmem>>
    %dma_wait3A_422 = tpu.memref_squeeze %dma_wait3A_421 : memref<1x128xi32, #tpu.memory_space<vmem>> -> memref<128xi32, #tpu.memory_space<vmem>>
    %dma_wait3A_423 = arith.constant 0 : i32
    %dma_wait3A_424 = arith.constant 0 : i32
    %dma_wait3A_425 = tpu.memref_slice %arg6[%dma_wait3A_423, %dma_wait3A_424] : memref<10112x128xf32, #tpu.memory_space<vmem_shared>> -> memref<10112x128xf32, #tpu.memory_space<vmem_shared>>
    tpu.wait_indirect_dma semaphore(%arg7 : memref<!tpu.dma_semaphore, #tpu.memory_space<semaphore_mem>>) src(%arg5 : memref<128x128xf32, #tpu.memory_space<vmem>>) dst(%dma_wait3A_425 : memref<10112x128xf32, #tpu.memory_space<vmem_shared>>)
    %dma_wait3A_426 = arith.constant 17 : i32
    %dma_wait3A_427 = arith.constant 0 : i32
    %dma_wait3A_428 = tpu.memref_slice %arg4[%dma_wait3A_426, %dma_wait3A_427] : memref<40x128xi32, #tpu.memory_space<vmem>> -> memref<1x128xi32, #tpu.memory_space<vmem>>
    %dma_wait3A_429 = tpu.memref_squeeze %dma_wait3A_428 : memref<1x128xi32, #tpu.memory_space<vmem>> -> memref<128xi32, #tpu.memory_space<vmem>>
    %dma_wait3A_430 = arith.constant 0 : i32
    %dma_wait3A_431 = arith.constant 0 : i32
    %dma_wait3A_432 = tpu.memref_slice %arg6[%dma_wait3A_430, %dma_wait3A_431] : memref<10112x128xf32, #tpu.memory_space<vmem_shared>> -> memref<10112x128xf32, #tpu.memory_space<vmem_shared>>
    tpu.wait_indirect_dma semaphore(%arg7 : memref<!tpu.dma_semaphore, #tpu.memory_space<semaphore_mem>>) src(%arg5 : memref<128x128xf32, #tpu.memory_space<vmem>>) dst(%dma_wait3A_432 : memref<10112x128xf32, #tpu.memory_space<vmem_shared>>)
    %dma_wait3A_433 = arith.constant 18 : i32
    %dma_wait3A_434 = arith.constant 0 : i32
    %dma_wait3A_435 = tpu.memref_slice %arg4[%dma_wait3A_433, %dma_wait3A_434] : memref<40x128xi32, #tpu.memory_space<vmem>> -> memref<1x128xi32, #tpu.memory_space<vmem>>
    %dma_wait3A_436 = tpu.memref_squeeze %dma_wait3A_435 : memref<1x128xi32, #tpu.memory_space<vmem>> -> memref<128xi32, #tpu.memory_space<vmem>>
    %dma_wait3A_437 = arith.constant 0 : i32
    %dma_wait3A_438 = arith.constant 0 : i32
    %dma_wait3A_439 = tpu.memref_slice %arg6[%dma_wait3A_437, %dma_wait3A_438] : memref<10112x128xf32, #tpu.memory_space<vmem_shared>> -> memref<10112x128xf32, #tpu.memory_space<vmem_shared>>
    tpu.wait_indirect_dma semaphore(%arg7 : memref<!tpu.dma_semaphore, #tpu.memory_space<semaphore_mem>>) src(%arg5 : memref<128x128xf32, #tpu.memory_space<vmem>>) dst(%dma_wait3A_439 : memref<10112x128xf32, #tpu.memory_space<vmem_shared>>)
    %dma_wait3A_440 = arith.constant 19 : i32
    %dma_wait3A_441 = arith.constant 0 : i32
    %dma_wait3A_442 = tpu.memref_slice %arg4[%dma_wait3A_440, %dma_wait3A_441] : memref<40x128xi32, #tpu.memory_space<vmem>> -> memref<1x128xi32, #tpu.memory_space<vmem>>
    %dma_wait3A_443 = tpu.memref_squeeze %dma_wait3A_442 : memref<1x128xi32, #tpu.memory_space<vmem>> -> memref<128xi32, #tpu.memory_space<vmem>>
    %dma_wait3A_444 = arith.constant 0 : i32
    %dma_wait3A_445 = arith.constant 0 : i32
    %dma_wait3A_446 = tpu.memref_slice %arg6[%dma_wait3A_444, %dma_wait3A_445] : memref<10112x128xf32, #tpu.memory_space<vmem_shared>> -> memref<10112x128xf32, #tpu.memory_space<vmem_shared>>
    tpu.wait_indirect_dma semaphore(%arg7 : memref<!tpu.dma_semaphore, #tpu.memory_space<semaphore_mem>>) src(%arg5 : memref<128x128xf32, #tpu.memory_space<vmem>>) dst(%dma_wait3A_446 : memref<10112x128xf32, #tpu.memory_space<vmem_shared>>)
    %dma_wait3A_447 = arith.constant 20 : i32
    %dma_wait3A_448 = arith.constant 0 : i32
    %dma_wait3A_449 = tpu.memref_slice %arg4[%dma_wait3A_447, %dma_wait3A_448] : memref<40x128xi32, #tpu.memory_space<vmem>> -> memref<1x128xi32, #tpu.memory_space<vmem>>
    %dma_wait3A_450 = tpu.memref_squeeze %dma_wait3A_449 : memref<1x128xi32, #tpu.memory_space<vmem>> -> memref<128xi32, #tpu.memory_space<vmem>>
    %dma_wait3A_451 = arith.constant 0 : i32
    %dma_wait3A_452 = arith.constant 0 : i32
    %dma_wait3A_453 = tpu.memref_slice %arg6[%dma_wait3A_451, %dma_wait3A_452] : memref<10112x128xf32, #tpu.memory_space<vmem_shared>> -> memref<10112x128xf32, #tpu.memory_space<vmem_shared>>
    tpu.wait_indirect_dma semaphore(%arg7 : memref<!tpu.dma_semaphore, #tpu.memory_space<semaphore_mem>>) src(%arg5 : memref<128x128xf32, #tpu.memory_space<vmem>>) dst(%dma_wait3A_453 : memref<10112x128xf32, #tpu.memory_space<vmem_shared>>)
    %dma_wait3A_454 = arith.constant 21 : i32
    %dma_wait3A_455 = arith.constant 0 : i32
    %dma_wait3A_456 = tpu.memref_slice %arg4[%dma_wait3A_454, %dma_wait3A_455] : memref<40x128xi32, #tpu.memory_space<vmem>> -> memref<1x128xi32, #tpu.memory_space<vmem>>
    %dma_wait3A_457 = tpu.memref_squeeze %dma_wait3A_456 : memref<1x128xi32, #tpu.memory_space<vmem>> -> memref<128xi32, #tpu.memory_space<vmem>>
    %dma_wait3A_458 = arith.constant 0 : i32
    %dma_wait3A_459 = arith.constant 0 : i32
    %dma_wait3A_460 = tpu.memref_slice %arg6[%dma_wait3A_458, %dma_wait3A_459] : memref<10112x128xf32, #tpu.memory_space<vmem_shared>> -> memref<10112x128xf32, #tpu.memory_space<vmem_shared>>
    tpu.wait_indirect_dma semaphore(%arg7 : memref<!tpu.dma_semaphore, #tpu.memory_space<semaphore_mem>>) src(%arg5 : memref<128x128xf32, #tpu.memory_space<vmem>>) dst(%dma_wait3A_460 : memref<10112x128xf32, #tpu.memory_space<vmem_shared>>)
    %dma_wait3A_461 = arith.constant 22 : i32
    %dma_wait3A_462 = arith.constant 0 : i32
    %dma_wait3A_463 = tpu.memref_slice %arg4[%dma_wait3A_461, %dma_wait3A_462] : memref<40x128xi32, #tpu.memory_space<vmem>> -> memref<1x128xi32, #tpu.memory_space<vmem>>
    %dma_wait3A_464 = tpu.memref_squeeze %dma_wait3A_463 : memref<1x128xi32, #tpu.memory_space<vmem>> -> memref<128xi32, #tpu.memory_space<vmem>>
    %dma_wait3A_465 = arith.constant 0 : i32
    %dma_wait3A_466 = arith.constant 0 : i32
    %dma_wait3A_467 = tpu.memref_slice %arg6[%dma_wait3A_465, %dma_wait3A_466] : memref<10112x128xf32, #tpu.memory_space<vmem_shared>> -> memref<10112x128xf32, #tpu.memory_space<vmem_shared>>
    tpu.wait_indirect_dma semaphore(%arg7 : memref<!tpu.dma_semaphore, #tpu.memory_space<semaphore_mem>>) src(%arg5 : memref<128x128xf32, #tpu.memory_space<vmem>>) dst(%dma_wait3A_467 : memref<10112x128xf32, #tpu.memory_space<vmem_shared>>)
    %dma_wait3A_468 = arith.constant 23 : i32
    %dma_wait3A_469 = arith.constant 0 : i32
    %dma_wait3A_470 = tpu.memref_slice %arg4[%dma_wait3A_468, %dma_wait3A_469] : memref<40x128xi32, #tpu.memory_space<vmem>> -> memref<1x128xi32, #tpu.memory_space<vmem>>
    %dma_wait3A_471 = tpu.memref_squeeze %dma_wait3A_470 : memref<1x128xi32, #tpu.memory_space<vmem>> -> memref<128xi32, #tpu.memory_space<vmem>>
    %dma_wait3A_472 = arith.constant 0 : i32
    %dma_wait3A_473 = arith.constant 0 : i32
    %dma_wait3A_474 = tpu.memref_slice %arg6[%dma_wait3A_472, %dma_wait3A_473] : memref<10112x128xf32, #tpu.memory_space<vmem_shared>> -> memref<10112x128xf32, #tpu.memory_space<vmem_shared>>
    tpu.wait_indirect_dma semaphore(%arg7 : memref<!tpu.dma_semaphore, #tpu.memory_space<semaphore_mem>>) src(%arg5 : memref<128x128xf32, #tpu.memory_space<vmem>>) dst(%dma_wait3A_474 : memref<10112x128xf32, #tpu.memory_space<vmem_shared>>)
    %dma_wait3A_475 = arith.constant 24 : i32
    %dma_wait3A_476 = arith.constant 0 : i32
    %dma_wait3A_477 = tpu.memref_slice %arg4[%dma_wait3A_475, %dma_wait3A_476] : memref<40x128xi32, #tpu.memory_space<vmem>> -> memref<1x128xi32, #tpu.memory_space<vmem>>
    %dma_wait3A_478 = tpu.memref_squeeze %dma_wait3A_477 : memref<1x128xi32, #tpu.memory_space<vmem>> -> memref<128xi32, #tpu.memory_space<vmem>>
    %dma_wait3A_479 = arith.constant 0 : i32
    %dma_wait3A_480 = arith.constant 0 : i32
    %dma_wait3A_481 = tpu.memref_slice %arg6[%dma_wait3A_479, %dma_wait3A_480] : memref<10112x128xf32, #tpu.memory_space<vmem_shared>> -> memref<10112x128xf32, #tpu.memory_space<vmem_shared>>
    tpu.wait_indirect_dma semaphore(%arg7 : memref<!tpu.dma_semaphore, #tpu.memory_space<semaphore_mem>>) src(%arg5 : memref<128x128xf32, #tpu.memory_space<vmem>>) dst(%dma_wait3A_481 : memref<10112x128xf32, #tpu.memory_space<vmem_shared>>)
    %dma_wait3A_482 = arith.constant 25 : i32
    %dma_wait3A_483 = arith.constant 0 : i32
    %dma_wait3A_484 = tpu.memref_slice %arg4[%dma_wait3A_482, %dma_wait3A_483] : memref<40x128xi32, #tpu.memory_space<vmem>> -> memref<1x128xi32, #tpu.memory_space<vmem>>
    %dma_wait3A_485 = tpu.memref_squeeze %dma_wait3A_484 : memref<1x128xi32, #tpu.memory_space<vmem>> -> memref<128xi32, #tpu.memory_space<vmem>>
    %dma_wait3A_486 = arith.constant 0 : i32
    %dma_wait3A_487 = arith.constant 0 : i32
    %dma_wait3A_488 = tpu.memref_slice %arg6[%dma_wait3A_486, %dma_wait3A_487] : memref<10112x128xf32, #tpu.memory_space<vmem_shared>> -> memref<10112x128xf32, #tpu.memory_space<vmem_shared>>
    tpu.wait_indirect_dma semaphore(%arg7 : memref<!tpu.dma_semaphore, #tpu.memory_space<semaphore_mem>>) src(%arg5 : memref<128x128xf32, #tpu.memory_space<vmem>>) dst(%dma_wait3A_488 : memref<10112x128xf32, #tpu.memory_space<vmem_shared>>)
    %dma_wait3A_489 = arith.constant 26 : i32
    %dma_wait3A_490 = arith.constant 0 : i32
    %dma_wait3A_491 = tpu.memref_slice %arg4[%dma_wait3A_489, %dma_wait3A_490] : memref<40x128xi32, #tpu.memory_space<vmem>> -> memref<1x128xi32, #tpu.memory_space<vmem>>
    %dma_wait3A_492 = tpu.memref_squeeze %dma_wait3A_491 : memref<1x128xi32, #tpu.memory_space<vmem>> -> memref<128xi32, #tpu.memory_space<vmem>>
    %dma_wait3A_493 = arith.constant 0 : i32
    %dma_wait3A_494 = arith.constant 0 : i32
    %dma_wait3A_495 = tpu.memref_slice %arg6[%dma_wait3A_493, %dma_wait3A_494] : memref<10112x128xf32, #tpu.memory_space<vmem_shared>> -> memref<10112x128xf32, #tpu.memory_space<vmem_shared>>
    tpu.wait_indirect_dma semaphore(%arg7 : memref<!tpu.dma_semaphore, #tpu.memory_space<semaphore_mem>>) src(%arg5 : memref<128x128xf32, #tpu.memory_space<vmem>>) dst(%dma_wait3A_495 : memref<10112x128xf32, #tpu.memory_space<vmem_shared>>)
    %dma_wait3A_496 = arith.constant 27 : i32
    %dma_wait3A_497 = arith.constant 0 : i32
    %dma_wait3A_498 = tpu.memref_slice %arg4[%dma_wait3A_496, %dma_wait3A_497] : memref<40x128xi32, #tpu.memory_space<vmem>> -> memref<1x128xi32, #tpu.memory_space<vmem>>
    %dma_wait3A_499 = tpu.memref_squeeze %dma_wait3A_498 : memref<1x128xi32, #tpu.memory_space<vmem>> -> memref<128xi32, #tpu.memory_space<vmem>>
    %dma_wait3A_500 = arith.constant 0 : i32
    %dma_wait3A_501 = arith.constant 0 : i32
    %dma_wait3A_502 = tpu.memref_slice %arg6[%dma_wait3A_500, %dma_wait3A_501] : memref<10112x128xf32, #tpu.memory_space<vmem_shared>> -> memref<10112x128xf32, #tpu.memory_space<vmem_shared>>
    tpu.wait_indirect_dma semaphore(%arg7 : memref<!tpu.dma_semaphore, #tpu.memory_space<semaphore_mem>>) src(%arg5 : memref<128x128xf32, #tpu.memory_space<vmem>>) dst(%dma_wait3A_502 : memref<10112x128xf32, #tpu.memory_space<vmem_shared>>)
    %dma_wait3A_503 = arith.constant 28 : i32
    %dma_wait3A_504 = arith.constant 0 : i32
    %dma_wait3A_505 = tpu.memref_slice %arg4[%dma_wait3A_503, %dma_wait3A_504] : memref<40x128xi32, #tpu.memory_space<vmem>> -> memref<1x128xi32, #tpu.memory_space<vmem>>
    %dma_wait3A_506 = tpu.memref_squeeze %dma_wait3A_505 : memref<1x128xi32, #tpu.memory_space<vmem>> -> memref<128xi32, #tpu.memory_space<vmem>>
    %dma_wait3A_507 = arith.constant 0 : i32
    %dma_wait3A_508 = arith.constant 0 : i32
    %dma_wait3A_509 = tpu.memref_slice %arg6[%dma_wait3A_507, %dma_wait3A_508] : memref<10112x128xf32, #tpu.memory_space<vmem_shared>> -> memref<10112x128xf32, #tpu.memory_space<vmem_shared>>
    tpu.wait_indirect_dma semaphore(%arg7 : memref<!tpu.dma_semaphore, #tpu.memory_space<semaphore_mem>>) src(%arg5 : memref<128x128xf32, #tpu.memory_space<vmem>>) dst(%dma_wait3A_509 : memref<10112x128xf32, #tpu.memory_space<vmem_shared>>)
    %dma_wait3A_510 = arith.constant 29 : i32
    %dma_wait3A_511 = arith.constant 0 : i32
    %dma_wait3A_512 = tpu.memref_slice %arg4[%dma_wait3A_510, %dma_wait3A_511] : memref<40x128xi32, #tpu.memory_space<vmem>> -> memref<1x128xi32, #tpu.memory_space<vmem>>
    %dma_wait3A_513 = tpu.memref_squeeze %dma_wait3A_512 : memref<1x128xi32, #tpu.memory_space<vmem>> -> memref<128xi32, #tpu.memory_space<vmem>>
    %dma_wait3A_514 = arith.constant 0 : i32
    %dma_wait3A_515 = arith.constant 0 : i32
    %dma_wait3A_516 = tpu.memref_slice %arg6[%dma_wait3A_514, %dma_wait3A_515] : memref<10112x128xf32, #tpu.memory_space<vmem_shared>> -> memref<10112x128xf32, #tpu.memory_space<vmem_shared>>
    tpu.wait_indirect_dma semaphore(%arg7 : memref<!tpu.dma_semaphore, #tpu.memory_space<semaphore_mem>>) src(%arg5 : memref<128x128xf32, #tpu.memory_space<vmem>>) dst(%dma_wait3A_516 : memref<10112x128xf32, #tpu.memory_space<vmem_shared>>)
    %dma_wait3A_517 = arith.constant 30 : i32
    %dma_wait3A_518 = arith.constant 0 : i32
    %dma_wait3A_519 = tpu.memref_slice %arg4[%dma_wait3A_517, %dma_wait3A_518] : memref<40x128xi32, #tpu.memory_space<vmem>> -> memref<1x128xi32, #tpu.memory_space<vmem>>
    %dma_wait3A_520 = tpu.memref_squeeze %dma_wait3A_519 : memref<1x128xi32, #tpu.memory_space<vmem>> -> memref<128xi32, #tpu.memory_space<vmem>>
    %dma_wait3A_521 = arith.constant 0 : i32
    %dma_wait3A_522 = arith.constant 0 : i32
    %dma_wait3A_523 = tpu.memref_slice %arg6[%dma_wait3A_521, %dma_wait3A_522] : memref<10112x128xf32, #tpu.memory_space<vmem_shared>> -> memref<10112x128xf32, #tpu.memory_space<vmem_shared>>
    tpu.wait_indirect_dma semaphore(%arg7 : memref<!tpu.dma_semaphore, #tpu.memory_space<semaphore_mem>>) src(%arg5 : memref<128x128xf32, #tpu.memory_space<vmem>>) dst(%dma_wait3A_523 : memref<10112x128xf32, #tpu.memory_space<vmem_shared>>)
    %dma_wait3A_524 = arith.constant 31 : i32
    %dma_wait3A_525 = arith.constant 0 : i32
    %dma_wait3A_526 = tpu.memref_slice %arg4[%dma_wait3A_524, %dma_wait3A_525] : memref<40x128xi32, #tpu.memory_space<vmem>> -> memref<1x128xi32, #tpu.memory_space<vmem>>
    %dma_wait3A_527 = tpu.memref_squeeze %dma_wait3A_526 : memref<1x128xi32, #tpu.memory_space<vmem>> -> memref<128xi32, #tpu.memory_space<vmem>>
    %dma_wait3A_528 = arith.constant 0 : i32
    %dma_wait3A_529 = arith.constant 0 : i32
    %dma_wait3A_530 = tpu.memref_slice %arg6[%dma_wait3A_528, %dma_wait3A_529] : memref<10112x128xf32, #tpu.memory_space<vmem_shared>> -> memref<10112x128xf32, #tpu.memory_space<vmem_shared>>
    tpu.wait_indirect_dma semaphore(%arg7 : memref<!tpu.dma_semaphore, #tpu.memory_space<semaphore_mem>>) src(%arg5 : memref<128x128xf32, #tpu.memory_space<vmem>>) dst(%dma_wait3A_530 : memref<10112x128xf32, #tpu.memory_space<vmem_shared>>)
    %dma_wait3A_531 = arith.constant 32 : i32
    %dma_wait3A_532 = arith.constant 0 : i32
    %dma_wait3A_533 = tpu.memref_slice %arg4[%dma_wait3A_531, %dma_wait3A_532] : memref<40x128xi32, #tpu.memory_space<vmem>> -> memref<1x128xi32, #tpu.memory_space<vmem>>
    %dma_wait3A_534 = tpu.memref_squeeze %dma_wait3A_533 : memref<1x128xi32, #tpu.memory_space<vmem>> -> memref<128xi32, #tpu.memory_space<vmem>>
    %dma_wait3A_535 = arith.constant 0 : i32
    %dma_wait3A_536 = arith.constant 0 : i32
    %dma_wait3A_537 = tpu.memref_slice %arg6[%dma_wait3A_535, %dma_wait3A_536] : memref<10112x128xf32, #tpu.memory_space<vmem_shared>> -> memref<10112x128xf32, #tpu.memory_space<vmem_shared>>
    tpu.wait_indirect_dma semaphore(%arg7 : memref<!tpu.dma_semaphore, #tpu.memory_space<semaphore_mem>>) src(%arg5 : memref<128x128xf32, #tpu.memory_space<vmem>>) dst(%dma_wait3A_537 : memref<10112x128xf32, #tpu.memory_space<vmem_shared>>)
    %dma_wait3A_538 = arith.constant 33 : i32
    %dma_wait3A_539 = arith.constant 0 : i32
    %dma_wait3A_540 = tpu.memref_slice %arg4[%dma_wait3A_538, %dma_wait3A_539] : memref<40x128xi32, #tpu.memory_space<vmem>> -> memref<1x128xi32, #tpu.memory_space<vmem>>
    %dma_wait3A_541 = tpu.memref_squeeze %dma_wait3A_540 : memref<1x128xi32, #tpu.memory_space<vmem>> -> memref<128xi32, #tpu.memory_space<vmem>>
    %dma_wait3A_542 = arith.constant 0 : i32
    %dma_wait3A_543 = arith.constant 0 : i32
    %dma_wait3A_544 = tpu.memref_slice %arg6[%dma_wait3A_542, %dma_wait3A_543] : memref<10112x128xf32, #tpu.memory_space<vmem_shared>> -> memref<10112x128xf32, #tpu.memory_space<vmem_shared>>
    tpu.wait_indirect_dma semaphore(%arg7 : memref<!tpu.dma_semaphore, #tpu.memory_space<semaphore_mem>>) src(%arg5 : memref<128x128xf32, #tpu.memory_space<vmem>>) dst(%dma_wait3A_544 : memref<10112x128xf32, #tpu.memory_space<vmem_shared>>)
    %dma_wait3A_545 = arith.constant 34 : i32
    %dma_wait3A_546 = arith.constant 0 : i32
    %dma_wait3A_547 = tpu.memref_slice %arg4[%dma_wait3A_545, %dma_wait3A_546] : memref<40x128xi32, #tpu.memory_space<vmem>> -> memref<1x128xi32, #tpu.memory_space<vmem>>
    %dma_wait3A_548 = tpu.memref_squeeze %dma_wait3A_547 : memref<1x128xi32, #tpu.memory_space<vmem>> -> memref<128xi32, #tpu.memory_space<vmem>>
    %dma_wait3A_549 = arith.constant 0 : i32
    %dma_wait3A_550 = arith.constant 0 : i32
    %dma_wait3A_551 = tpu.memref_slice %arg6[%dma_wait3A_549, %dma_wait3A_550] : memref<10112x128xf32, #tpu.memory_space<vmem_shared>> -> memref<10112x128xf32, #tpu.memory_space<vmem_shared>>
    tpu.wait_indirect_dma semaphore(%arg7 : memref<!tpu.dma_semaphore, #tpu.memory_space<semaphore_mem>>) src(%arg5 : memref<128x128xf32, #tpu.memory_space<vmem>>) dst(%dma_wait3A_551 : memref<10112x128xf32, #tpu.memory_space<vmem_shared>>)
    %dma_wait3A_552 = arith.constant 35 : i32
    %dma_wait3A_553 = arith.constant 0 : i32
    %dma_wait3A_554 = tpu.memref_slice %arg4[%dma_wait3A_552, %dma_wait3A_553] : memref<40x128xi32, #tpu.memory_space<vmem>> -> memref<1x128xi32, #tpu.memory_space<vmem>>
    %dma_wait3A_555 = tpu.memref_squeeze %dma_wait3A_554 : memref<1x128xi32, #tpu.memory_space<vmem>> -> memref<128xi32, #tpu.memory_space<vmem>>
    %dma_wait3A_556 = arith.constant 0 : i32
    %dma_wait3A_557 = arith.constant 0 : i32
    %dma_wait3A_558 = tpu.memref_slice %arg6[%dma_wait3A_556, %dma_wait3A_557] : memref<10112x128xf32, #tpu.memory_space<vmem_shared>> -> memref<10112x128xf32, #tpu.memory_space<vmem_shared>>
    tpu.wait_indirect_dma semaphore(%arg7 : memref<!tpu.dma_semaphore, #tpu.memory_space<semaphore_mem>>) src(%arg5 : memref<128x128xf32, #tpu.memory_space<vmem>>) dst(%dma_wait3A_558 : memref<10112x128xf32, #tpu.memory_space<vmem_shared>>)
    %dma_wait3A_559 = arith.constant 36 : i32
    %dma_wait3A_560 = arith.constant 0 : i32
    %dma_wait3A_561 = tpu.memref_slice %arg4[%dma_wait3A_559, %dma_wait3A_560] : memref<40x128xi32, #tpu.memory_space<vmem>> -> memref<1x128xi32, #tpu.memory_space<vmem>>
    %dma_wait3A_562 = tpu.memref_squeeze %dma_wait3A_561 : memref<1x128xi32, #tpu.memory_space<vmem>> -> memref<128xi32, #tpu.memory_space<vmem>>
    %dma_wait3A_563 = arith.constant 0 : i32
    %dma_wait3A_564 = arith.constant 0 : i32
    %dma_wait3A_565 = tpu.memref_slice %arg6[%dma_wait3A_563, %dma_wait3A_564] : memref<10112x128xf32, #tpu.memory_space<vmem_shared>> -> memref<10112x128xf32, #tpu.memory_space<vmem_shared>>
    tpu.wait_indirect_dma semaphore(%arg7 : memref<!tpu.dma_semaphore, #tpu.memory_space<semaphore_mem>>) src(%arg5 : memref<128x128xf32, #tpu.memory_space<vmem>>) dst(%dma_wait3A_565 : memref<10112x128xf32, #tpu.memory_space<vmem_shared>>)
    %dma_wait3A_566 = arith.constant 37 : i32
    %dma_wait3A_567 = arith.constant 0 : i32
    %dma_wait3A_568 = tpu.memref_slice %arg4[%dma_wait3A_566, %dma_wait3A_567] : memref<40x128xi32, #tpu.memory_space<vmem>> -> memref<1x128xi32, #tpu.memory_space<vmem>>
    %dma_wait3A_569 = tpu.memref_squeeze %dma_wait3A_568 : memref<1x128xi32, #tpu.memory_space<vmem>> -> memref<128xi32, #tpu.memory_space<vmem>>
    %dma_wait3A_570 = arith.constant 0 : i32
    %dma_wait3A_571 = arith.constant 0 : i32
    %dma_wait3A_572 = tpu.memref_slice %arg6[%dma_wait3A_570, %dma_wait3A_571] : memref<10112x128xf32, #tpu.memory_space<vmem_shared>> -> memref<10112x128xf32, #tpu.memory_space<vmem_shared>>
    tpu.wait_indirect_dma semaphore(%arg7 : memref<!tpu.dma_semaphore, #tpu.memory_space<semaphore_mem>>) src(%arg5 : memref<128x128xf32, #tpu.memory_space<vmem>>) dst(%dma_wait3A_572 : memref<10112x128xf32, #tpu.memory_space<vmem_shared>>)
    %dma_wait3A_573 = arith.constant 38 : i32
    %dma_wait3A_574 = arith.constant 0 : i32
    %dma_wait3A_575 = tpu.memref_slice %arg4[%dma_wait3A_573, %dma_wait3A_574] : memref<40x128xi32, #tpu.memory_space<vmem>> -> memref<1x128xi32, #tpu.memory_space<vmem>>
    %dma_wait3A_576 = tpu.memref_squeeze %dma_wait3A_575 : memref<1x128xi32, #tpu.memory_space<vmem>> -> memref<128xi32, #tpu.memory_space<vmem>>
    %dma_wait3A_577 = arith.constant 0 : i32
    %dma_wait3A_578 = arith.constant 0 : i32
    %dma_wait3A_579 = tpu.memref_slice %arg6[%dma_wait3A_577, %dma_wait3A_578] : memref<10112x128xf32, #tpu.memory_space<vmem_shared>> -> memref<10112x128xf32, #tpu.memory_space<vmem_shared>>
    tpu.wait_indirect_dma semaphore(%arg7 : memref<!tpu.dma_semaphore, #tpu.memory_space<semaphore_mem>>) src(%arg5 : memref<128x128xf32, #tpu.memory_space<vmem>>) dst(%dma_wait3A_579 : memref<10112x128xf32, #tpu.memory_space<vmem_shared>>)
    %dma_wait3A_580 = arith.constant 39 : i32
    %dma_wait3A_581 = arith.constant 0 : i32
    %dma_wait3A_582 = tpu.memref_slice %arg4[%dma_wait3A_580, %dma_wait3A_581] : memref<40x128xi32, #tpu.memory_space<vmem>> -> memref<1x128xi32, #tpu.memory_space<vmem>>
    %dma_wait3A_583 = tpu.memref_squeeze %dma_wait3A_582 : memref<1x128xi32, #tpu.memory_space<vmem>> -> memref<128xi32, #tpu.memory_space<vmem>>
    %dma_wait3A_584 = arith.constant 0 : i32
    %dma_wait3A_585 = arith.constant 0 : i32
    %dma_wait3A_586 = tpu.memref_slice %arg6[%dma_wait3A_584, %dma_wait3A_585] : memref<10112x128xf32, #tpu.memory_space<vmem_shared>> -> memref<10112x128xf32, #tpu.memory_space<vmem_shared>>
    tpu.wait_indirect_dma semaphore(%arg7 : memref<!tpu.dma_semaphore, #tpu.memory_space<semaphore_mem>>) src(%arg5 : memref<128x128xf32, #tpu.memory_space<vmem>>) dst(%dma_wait3A_586 : memref<10112x128xf32, #tpu.memory_space<vmem_shared>>)
    %barrier3A_587 = arith.constant 0 : index
    tpu.barrier barrier_id(%barrier3A_587)
    %add3A_588 = arith.constant 0 : i32
    %add3A_589 = arith.addi %mul3A_2, %add3A_588 : i32
    "tpu.region"() ({
      %run_scoped3A = tpu.sem_alloc : memref<!tpu.dma_semaphore, #tpu.memory_space<semaphore_mem>>
      %dma_start3A_598 = arith.constant 0 : i32
      %dma_start3A_599 = arith.constant 0 : i32
      %dma_start3A_600 = tpu.memref_slice %arg5[%dma_start3A_598, %dma_start3A_599] : memref<128x128xf32, #tpu.memory_space<vmem>> -> memref<128x128xf32, #tpu.memory_space<vmem>>
      %dma_start3A_601 = arith.constant 0 : i32
      %dma_start3A_602 = tpu.memref_slice %arg6[%add3A_589, %dma_start3A_601] : memref<10112x128xf32, #tpu.memory_space<vmem_shared>> -> memref<128x128xf32, #tpu.memory_space<vmem_shared>>
      %dma_start3A_603 = arith.constant 0 : i32
      %dma_start3A_604 = arith.constant 0 : i32
      %dma_start3A_605 = tpu.memref_slice %arg5[%dma_start3A_603, %dma_start3A_604] : memref<128x128xf32, #tpu.memory_space<vmem>> -> memref<128x128xf32, #tpu.memory_space<vmem>>
      %dma_start3A_606 = arith.constant 0 : i32
      %dma_start3A_607 = tpu.memref_slice %arg6[%add3A_589, %dma_start3A_606] : memref<10112x128xf32, #tpu.memory_space<vmem_shared>> -> memref<128x128xf32, #tpu.memory_space<vmem_shared>>
      tpu.enqueue_dma source(%dma_start3A_607 : memref<128x128xf32, #tpu.memory_space<vmem_shared>>) target(%dma_start3A_605 : memref<128x128xf32, #tpu.memory_space<vmem>>) target_semaphore(%run_scoped3A : memref<!tpu.dma_semaphore, #tpu.memory_space<semaphore_mem>>)
      %dma_wait3A_608 = arith.constant 0 : i32
      %dma_wait3A_609 = arith.constant 0 : i32
      %dma_wait3A_610 = tpu.memref_slice %arg5[%dma_wait3A_608, %dma_wait3A_609] : memref<128x128xf32, #tpu.memory_space<vmem>> -> memref<128x128xf32, #tpu.memory_space<vmem>>
      %dma_wait3A_611 = arith.constant 0 : i32
      %dma_wait3A_612 = tpu.memref_slice %arg6[%add3A_589, %dma_wait3A_611] : memref<10112x128xf32, #tpu.memory_space<vmem_shared>> -> memref<128x128xf32, #tpu.memory_space<vmem_shared>>
      %dma_wait3A_613 = arith.constant 0 : i32
      %dma_wait3A_614 = arith.constant 0 : i32
      %dma_wait3A_615 = tpu.memref_slice %arg5[%dma_wait3A_613, %dma_wait3A_614] : memref<128x128xf32, #tpu.memory_space<vmem>> -> memref<128x128xf32, #tpu.memory_space<vmem>>
      %dma_wait3A_616 = arith.constant 0 : i32
      %dma_wait3A_617 = tpu.memref_slice %arg6[%add3A_589, %dma_wait3A_616] : memref<10112x128xf32, #tpu.memory_space<vmem_shared>> -> memref<128x128xf32, #tpu.memory_space<vmem_shared>>
      tpu.wait_dma2 semaphore(%run_scoped3A : memref<!tpu.dma_semaphore, #tpu.memory_space<semaphore_mem>>) src(%dma_wait3A_617 : memref<128x128xf32, #tpu.memory_space<vmem_shared>>) dst(%dma_wait3A_615 : memref<128x128xf32, #tpu.memory_space<vmem>>)
      tpu.yield
    }) : () -> ()
    "tpu.region"() ({
      %run_scoped3A = tpu.sem_alloc : memref<!tpu.dma_semaphore, #tpu.memory_space<semaphore_mem>>
      %dma_start3A_598 = arith.constant 0 : i32
      %dma_start3A_599 = arith.constant 0 : i32
      %dma_start3A_600 = tpu.memref_slice %arg5[%dma_start3A_598, %dma_start3A_599] : memref<128x128xf32, #tpu.memory_space<vmem>> -> memref<128x128xf32, #tpu.memory_space<vmem>>
      %dma_start3A_601 = arith.constant 0 : i32
      %dma_start3A_602 = tpu.memref_slice %arg3[%arg0, %add3A_589, %dma_start3A_601] : memref<2x10112x128xf32, #tpu.memory_space<hbm>> -> memref<1x128x128xf32, #tpu.memory_space<hbm>>
      %dma_start3A_603 = tpu.memref_squeeze %dma_start3A_602 : memref<1x128x128xf32, #tpu.memory_space<hbm>> -> memref<128x128xf32, #tpu.memory_space<hbm>>
      %dma_start3A_604 = arith.constant 0 : i32
      %dma_start3A_605 = tpu.memref_slice %arg3[%arg0, %add3A_589, %dma_start3A_604] : memref<2x10112x128xf32, #tpu.memory_space<hbm>> -> memref<1x128x128xf32, #tpu.memory_space<hbm>>
      %dma_start3A_606 = tpu.memref_squeeze %dma_start3A_605 : memref<1x128x128xf32, #tpu.memory_space<hbm>> -> memref<128x128xf32, #tpu.memory_space<hbm>>
      %dma_start3A_607 = arith.constant 0 : i32
      %dma_start3A_608 = arith.constant 0 : i32
      %dma_start3A_609 = tpu.memref_slice %arg5[%dma_start3A_607, %dma_start3A_608] : memref<128x128xf32, #tpu.memory_space<vmem>> -> memref<128x128xf32, #tpu.memory_space<vmem>>
      tpu.enqueue_dma source(%dma_start3A_609 : memref<128x128xf32, #tpu.memory_space<vmem>>) target(%dma_start3A_606 : memref<128x128xf32, #tpu.memory_space<hbm>>) target_semaphore(%run_scoped3A : memref<!tpu.dma_semaphore, #tpu.memory_space<semaphore_mem>>)
      %dma_wait3A_610 = arith.constant 0 : i32
      %dma_wait3A_611 = arith.constant 0 : i32
      %dma_wait3A_612 = tpu.memref_slice %arg5[%dma_wait3A_610, %dma_wait3A_611] : memref<128x128xf32, #tpu.memory_space<vmem>> -> memref<128x128xf32, #tpu.memory_space<vmem>>
      %dma_wait3A_613 = arith.constant 0 : i32
      %dma_wait3A_614 = tpu.memref_slice %arg3[%arg0, %add3A_589, %dma_wait3A_613] : memref<2x10112x128xf32, #tpu.memory_space<hbm>> -> memref<1x128x128xf32, #tpu.memory_space<hbm>>
      %dma_wait3A_615 = tpu.memref_squeeze %dma_wait3A_614 : memref<1x128x128xf32, #tpu.memory_space<hbm>> -> memref<128x128xf32, #tpu.memory_space<hbm>>
      %dma_wait3A_616 = arith.constant 0 : i32
      %dma_wait3A_617 = tpu.memref_slice %arg3[%arg0, %add3A_589, %dma_wait3A_616] : memref<2x10112x128xf32, #tpu.memory_space<hbm>> -> memref<1x128x128xf32, #tpu.memory_space<hbm>>
      %dma_wait3A_618 = tpu.memref_squeeze %dma_wait3A_617 : memref<1x128x128xf32, #tpu.memory_space<hbm>> -> memref<128x128xf32, #tpu.memory_space<hbm>>
      %dma_wait3A_619 = arith.constant 0 : i32
      %dma_wait3A_620 = arith.constant 0 : i32
      %dma_wait3A_621 = tpu.memref_slice %arg5[%dma_wait3A_619, %dma_wait3A_620] : memref<128x128xf32, #tpu.memory_space<vmem>> -> memref<128x128xf32, #tpu.memory_space<vmem>>
      tpu.wait_dma2 semaphore(%run_scoped3A : memref<!tpu.dma_semaphore, #tpu.memory_space<semaphore_mem>>) src(%dma_wait3A_621 : memref<128x128xf32, #tpu.memory_space<vmem>>) dst(%dma_wait3A_618 : memref<128x128xf32, #tpu.memory_space<hbm>>)
      tpu.yield
    }) : () -> ()
    %add3A_590 = arith.constant 128 : i32
    %add3A_591 = arith.addi %mul3A_2, %add3A_590 : i32
    "tpu.region"() ({
      %run_scoped3A = tpu.sem_alloc : memref<!tpu.dma_semaphore, #tpu.memory_space<semaphore_mem>>
      %dma_start3A_598 = arith.constant 0 : i32
      %dma_start3A_599 = arith.constant 0 : i32
      %dma_start3A_600 = tpu.memref_slice %arg5[%dma_start3A_598, %dma_start3A_599] : memref<128x128xf32, #tpu.memory_space<vmem>> -> memref<128x128xf32, #tpu.memory_space<vmem>>
      %dma_start3A_601 = arith.constant 0 : i32
      %dma_start3A_602 = tpu.memref_slice %arg6[%add3A_591, %dma_start3A_601] : memref<10112x128xf32, #tpu.memory_space<vmem_shared>> -> memref<128x128xf32, #tpu.memory_space<vmem_shared>>
      %dma_start3A_603 = arith.constant 0 : i32
      %dma_start3A_604 = arith.constant 0 : i32
      %dma_start3A_605 = tpu.memref_slice %arg5[%dma_start3A_603, %dma_start3A_604] : memref<128x128xf32, #tpu.memory_space<vmem>> -> memref<128x128xf32, #tpu.memory_space<vmem>>
      %dma_start3A_606 = arith.constant 0 : i32
      %dma_start3A_607 = tpu.memref_slice %arg6[%add3A_591, %dma_start3A_606] : memref<10112x128xf32, #tpu.memory_space<vmem_shared>> -> memref<128x128xf32, #tpu.memory_space<vmem_shared>>
      tpu.enqueue_dma source(%dma_start3A_607 : memref<128x128xf32, #tpu.memory_space<vmem_shared>>) target(%dma_start3A_605 : memref<128x128xf32, #tpu.memory_space<vmem>>) target_semaphore(%run_scoped3A : memref<!tpu.dma_semaphore, #tpu.memory_space<semaphore_mem>>)
      %dma_wait3A_608 = arith.constant 0 : i32
      %dma_wait3A_609 = arith.constant 0 : i32
      %dma_wait3A_610 = tpu.memref_slice %arg5[%dma_wait3A_608, %dma_wait3A_609] : memref<128x128xf32, #tpu.memory_space<vmem>> -> memref<128x128xf32, #tpu.memory_space<vmem>>
      %dma_wait3A_611 = arith.constant 0 : i32
      %dma_wait3A_612 = tpu.memref_slice %arg6[%add3A_591, %dma_wait3A_611] : memref<10112x128xf32, #tpu.memory_space<vmem_shared>> -> memref<128x128xf32, #tpu.memory_space<vmem_shared>>
      %dma_wait3A_613 = arith.constant 0 : i32
      %dma_wait3A_614 = arith.constant 0 : i32
      %dma_wait3A_615 = tpu.memref_slice %arg5[%dma_wait3A_613, %dma_wait3A_614] : memref<128x128xf32, #tpu.memory_space<vmem>> -> memref<128x128xf32, #tpu.memory_space<vmem>>
      %dma_wait3A_616 = arith.constant 0 : i32
      %dma_wait3A_617 = tpu.memref_slice %arg6[%add3A_591, %dma_wait3A_616] : memref<10112x128xf32, #tpu.memory_space<vmem_shared>> -> memref<128x128xf32, #tpu.memory_space<vmem_shared>>
      tpu.wait_dma2 semaphore(%run_scoped3A : memref<!tpu.dma_semaphore, #tpu.memory_space<semaphore_mem>>) src(%dma_wait3A_617 : memref<128x128xf32, #tpu.memory_space<vmem_shared>>) dst(%dma_wait3A_615 : memref<128x128xf32, #tpu.memory_space<vmem>>)
      tpu.yield
    }) : () -> ()
    "tpu.region"() ({
      %run_scoped3A = tpu.sem_alloc : memref<!tpu.dma_semaphore, #tpu.memory_space<semaphore_mem>>
      %dma_start3A_598 = arith.constant 0 : i32
      %dma_start3A_599 = arith.constant 0 : i32
      %dma_start3A_600 = tpu.memref_slice %arg5[%dma_start3A_598, %dma_start3A_599] : memref<128x128xf32, #tpu.memory_space<vmem>> -> memref<128x128xf32, #tpu.memory_space<vmem>>
      %dma_start3A_601 = arith.constant 0 : i32
      %dma_start3A_602 = tpu.memref_slice %arg3[%arg0, %add3A_591, %dma_start3A_601] : memref<2x10112x128xf32, #tpu.memory_space<hbm>> -> memref<1x128x128xf32, #tpu.memory_space<hbm>>
      %dma_start3A_603 = tpu.memref_squeeze %dma_start3A_602 : memref<1x128x128xf32, #tpu.memory_space<hbm>> -> memref<128x128xf32, #tpu.memory_space<hbm>>
      %dma_start3A_604 = arith.constant 0 : i32
      %dma_start3A_605 = tpu.memref_slice %arg3[%arg0, %add3A_591, %dma_start3A_604] : memref<2x10112x128xf32, #tpu.memory_space<hbm>> -> memref<1x128x128xf32, #tpu.memory_space<hbm>>
      %dma_start3A_606 = tpu.memref_squeeze %dma_start3A_605 : memref<1x128x128xf32, #tpu.memory_space<hbm>> -> memref<128x128xf32, #tpu.memory_space<hbm>>
      %dma_start3A_607 = arith.constant 0 : i32
      %dma_start3A_608 = arith.constant 0 : i32
      %dma_start3A_609 = tpu.memref_slice %arg5[%dma_start3A_607, %dma_start3A_608] : memref<128x128xf32, #tpu.memory_space<vmem>> -> memref<128x128xf32, #tpu.memory_space<vmem>>
      tpu.enqueue_dma source(%dma_start3A_609 : memref<128x128xf32, #tpu.memory_space<vmem>>) target(%dma_start3A_606 : memref<128x128xf32, #tpu.memory_space<hbm>>) target_semaphore(%run_scoped3A : memref<!tpu.dma_semaphore, #tpu.memory_space<semaphore_mem>>)
      %dma_wait3A_610 = arith.constant 0 : i32
      %dma_wait3A_611 = arith.constant 0 : i32
      %dma_wait3A_612 = tpu.memref_slice %arg5[%dma_wait3A_610, %dma_wait3A_611] : memref<128x128xf32, #tpu.memory_space<vmem>> -> memref<128x128xf32, #tpu.memory_space<vmem>>
      %dma_wait3A_613 = arith.constant 0 : i32
      %dma_wait3A_614 = tpu.memref_slice %arg3[%arg0, %add3A_591, %dma_wait3A_613] : memref<2x10112x128xf32, #tpu.memory_space<hbm>> -> memref<1x128x128xf32, #tpu.memory_space<hbm>>
      %dma_wait3A_615 = tpu.memref_squeeze %dma_wait3A_614 : memref<1x128x128xf32, #tpu.memory_space<hbm>> -> memref<128x128xf32, #tpu.memory_space<hbm>>
      %dma_wait3A_616 = arith.constant 0 : i32
      %dma_wait3A_617 = tpu.memref_slice %arg3[%arg0, %add3A_591, %dma_wait3A_616] : memref<2x10112x128xf32, #tpu.memory_space<hbm>> -> memref<1x128x128xf32, #tpu.memory_space<hbm>>
      %dma_wait3A_618 = tpu.memref_squeeze %dma_wait3A_617 : memref<1x128x128xf32, #tpu.memory_space<hbm>> -> memref<128x128xf32, #tpu.memory_space<hbm>>
      %dma_wait3A_619 = arith.constant 0 : i32
      %dma_wait3A_620 = arith.constant 0 : i32
      %dma_wait3A_621 = tpu.memref_slice %arg5[%dma_wait3A_619, %dma_wait3A_620] : memref<128x128xf32, #tpu.memory_space<vmem>> -> memref<128x128xf32, #tpu.memory_space<vmem>>
      tpu.wait_dma2 semaphore(%run_scoped3A : memref<!tpu.dma_semaphore, #tpu.memory_space<semaphore_mem>>) src(%dma_wait3A_621 : memref<128x128xf32, #tpu.memory_space<vmem>>) dst(%dma_wait3A_618 : memref<128x128xf32, #tpu.memory_space<hbm>>)
      tpu.yield
    }) : () -> ()
    %add3A_592 = arith.constant 256 : i32
    %add3A_593 = arith.addi %mul3A_2, %add3A_592 : i32
    "tpu.region"() ({
      %run_scoped3A = tpu.sem_alloc : memref<!tpu.dma_semaphore, #tpu.memory_space<semaphore_mem>>
      %dma_start3A_598 = arith.constant 0 : i32
      %dma_start3A_599 = arith.constant 0 : i32
      %dma_start3A_600 = tpu.memref_slice %arg5[%dma_start3A_598, %dma_start3A_599] : memref<128x128xf32, #tpu.memory_space<vmem>> -> memref<128x128xf32, #tpu.memory_space<vmem>>
      %dma_start3A_601 = arith.constant 0 : i32
      %dma_start3A_602 = tpu.memref_slice %arg6[%add3A_593, %dma_start3A_601] : memref<10112x128xf32, #tpu.memory_space<vmem_shared>> -> memref<128x128xf32, #tpu.memory_space<vmem_shared>>
      %dma_start3A_603 = arith.constant 0 : i32
      %dma_start3A_604 = arith.constant 0 : i32
      %dma_start3A_605 = tpu.memref_slice %arg5[%dma_start3A_603, %dma_start3A_604] : memref<128x128xf32, #tpu.memory_space<vmem>> -> memref<128x128xf32, #tpu.memory_space<vmem>>
      %dma_start3A_606 = arith.constant 0 : i32
      %dma_start3A_607 = tpu.memref_slice %arg6[%add3A_593, %dma_start3A_606] : memref<10112x128xf32, #tpu.memory_space<vmem_shared>> -> memref<128x128xf32, #tpu.memory_space<vmem_shared>>
      tpu.enqueue_dma source(%dma_start3A_607 : memref<128x128xf32, #tpu.memory_space<vmem_shared>>) target(%dma_start3A_605 : memref<128x128xf32, #tpu.memory_space<vmem>>) target_semaphore(%run_scoped3A : memref<!tpu.dma_semaphore, #tpu.memory_space<semaphore_mem>>)
      %dma_wait3A_608 = arith.constant 0 : i32
      %dma_wait3A_609 = arith.constant 0 : i32
      %dma_wait3A_610 = tpu.memref_slice %arg5[%dma_wait3A_608, %dma_wait3A_609] : memref<128x128xf32, #tpu.memory_space<vmem>> -> memref<128x128xf32, #tpu.memory_space<vmem>>
      %dma_wait3A_611 = arith.constant 0 : i32
      %dma_wait3A_612 = tpu.memref_slice %arg6[%add3A_593, %dma_wait3A_611] : memref<10112x128xf32, #tpu.memory_space<vmem_shared>> -> memref<128x128xf32, #tpu.memory_space<vmem_shared>>
      %dma_wait3A_613 = arith.constant 0 : i32
      %dma_wait3A_614 = arith.constant 0 : i32
      %dma_wait3A_615 = tpu.memref_slice %arg5[%dma_wait3A_613, %dma_wait3A_614] : memref<128x128xf32, #tpu.memory_space<vmem>> -> memref<128x128xf32, #tpu.memory_space<vmem>>
      %dma_wait3A_616 = arith.constant 0 : i32
      %dma_wait3A_617 = tpu.memref_slice %arg6[%add3A_593, %dma_wait3A_616] : memref<10112x128xf32, #tpu.memory_space<vmem_shared>> -> memref<128x128xf32, #tpu.memory_space<vmem_shared>>
      tpu.wait_dma2 semaphore(%run_scoped3A : memref<!tpu.dma_semaphore, #tpu.memory_space<semaphore_mem>>) src(%dma_wait3A_617 : memref<128x128xf32, #tpu.memory_space<vmem_shared>>) dst(%dma_wait3A_615 : memref<128x128xf32, #tpu.memory_space<vmem>>)
      tpu.yield
    }) : () -> ()
    "tpu.region"() ({
      %run_scoped3A = tpu.sem_alloc : memref<!tpu.dma_semaphore, #tpu.memory_space<semaphore_mem>>
      %dma_start3A_598 = arith.constant 0 : i32
      %dma_start3A_599 = arith.constant 0 : i32
      %dma_start3A_600 = tpu.memref_slice %arg5[%dma_start3A_598, %dma_start3A_599] : memref<128x128xf32, #tpu.memory_space<vmem>> -> memref<128x128xf32, #tpu.memory_space<vmem>>
      %dma_start3A_601 = arith.constant 0 : i32
      %dma_start3A_602 = tpu.memref_slice %arg3[%arg0, %add3A_593, %dma_start3A_601] : memref<2x10112x128xf32, #tpu.memory_space<hbm>> -> memref<1x128x128xf32, #tpu.memory_space<hbm>>
      %dma_start3A_603 = tpu.memref_squeeze %dma_start3A_602 : memref<1x128x128xf32, #tpu.memory_space<hbm>> -> memref<128x128xf32, #tpu.memory_space<hbm>>
      %dma_start3A_604 = arith.constant 0 : i32
      %dma_start3A_605 = tpu.memref_slice %arg3[%arg0, %add3A_593, %dma_start3A_604] : memref<2x10112x128xf32, #tpu.memory_space<hbm>> -> memref<1x128x128xf32, #tpu.memory_space<hbm>>
      %dma_start3A_606 = tpu.memref_squeeze %dma_start3A_605 : memref<1x128x128xf32, #tpu.memory_space<hbm>> -> memref<128x128xf32, #tpu.memory_space<hbm>>
      %dma_start3A_607 = arith.constant 0 : i32
      %dma_start3A_608 = arith.constant 0 : i32
      %dma_start3A_609 = tpu.memref_slice %arg5[%dma_start3A_607, %dma_start3A_608] : memref<128x128xf32, #tpu.memory_space<vmem>> -> memref<128x128xf32, #tpu.memory_space<vmem>>
      tpu.enqueue_dma source(%dma_start3A_609 : memref<128x128xf32, #tpu.memory_space<vmem>>) target(%dma_start3A_606 : memref<128x128xf32, #tpu.memory_space<hbm>>) target_semaphore(%run_scoped3A : memref<!tpu.dma_semaphore, #tpu.memory_space<semaphore_mem>>)
      %dma_wait3A_610 = arith.constant 0 : i32
      %dma_wait3A_611 = arith.constant 0 : i32
      %dma_wait3A_612 = tpu.memref_slice %arg5[%dma_wait3A_610, %dma_wait3A_611] : memref<128x128xf32, #tpu.memory_space<vmem>> -> memref<128x128xf32, #tpu.memory_space<vmem>>
      %dma_wait3A_613 = arith.constant 0 : i32
      %dma_wait3A_614 = tpu.memref_slice %arg3[%arg0, %add3A_593, %dma_wait3A_613] : memref<2x10112x128xf32, #tpu.memory_space<hbm>> -> memref<1x128x128xf32, #tpu.memory_space<hbm>>
      %dma_wait3A_615 = tpu.memref_squeeze %dma_wait3A_614 : memref<1x128x128xf32, #tpu.memory_space<hbm>> -> memref<128x128xf32, #tpu.memory_space<hbm>>
      %dma_wait3A_616 = arith.constant 0 : i32
      %dma_wait3A_617 = tpu.memref_slice %arg3[%arg0, %add3A_593, %dma_wait3A_616] : memref<2x10112x128xf32, #tpu.memory_space<hbm>> -> memref<1x128x128xf32, #tpu.memory_space<hbm>>
      %dma_wait3A_618 = tpu.memref_squeeze %dma_wait3A_617 : memref<1x128x128xf32, #tpu.memory_space<hbm>> -> memref<128x128xf32, #tpu.memory_space<hbm>>
      %dma_wait3A_619 = arith.constant 0 : i32
      %dma_wait3A_620 = arith.constant 0 : i32
      %dma_wait3A_621 = tpu.memref_slice %arg5[%dma_wait3A_619, %dma_wait3A_620] : memref<128x128xf32, #tpu.memory_space<vmem>> -> memref<128x128xf32, #tpu.memory_space<vmem>>
      tpu.wait_dma2 semaphore(%run_scoped3A : memref<!tpu.dma_semaphore, #tpu.memory_space<semaphore_mem>>) src(%dma_wait3A_621 : memref<128x128xf32, #tpu.memory_space<vmem>>) dst(%dma_wait3A_618 : memref<128x128xf32, #tpu.memory_space<hbm>>)
      tpu.yield
    }) : () -> ()
    %add3A_594 = arith.constant 384 : i32
    %add3A_595 = arith.addi %mul3A_2, %add3A_594 : i32
    "tpu.region"() ({
      %run_scoped3A = tpu.sem_alloc : memref<!tpu.dma_semaphore, #tpu.memory_space<semaphore_mem>>
      %dma_start3A_598 = arith.constant 0 : i32
      %dma_start3A_599 = arith.constant 0 : i32
      %dma_start3A_600 = tpu.memref_slice %arg5[%dma_start3A_598, %dma_start3A_599] : memref<128x128xf32, #tpu.memory_space<vmem>> -> memref<128x128xf32, #tpu.memory_space<vmem>>
      %dma_start3A_601 = arith.constant 0 : i32
      %dma_start3A_602 = tpu.memref_slice %arg6[%add3A_595, %dma_start3A_601] : memref<10112x128xf32, #tpu.memory_space<vmem_shared>> -> memref<128x128xf32, #tpu.memory_space<vmem_shared>>
      %dma_start3A_603 = arith.constant 0 : i32
      %dma_start3A_604 = arith.constant 0 : i32
      %dma_start3A_605 = tpu.memref_slice %arg5[%dma_start3A_603, %dma_start3A_604] : memref<128x128xf32, #tpu.memory_space<vmem>> -> memref<128x128xf32, #tpu.memory_space<vmem>>
      %dma_start3A_606 = arith.constant 0 : i32
      %dma_start3A_607 = tpu.memref_slice %arg6[%add3A_595, %dma_start3A_606] : memref<10112x128xf32, #tpu.memory_space<vmem_shared>> -> memref<128x128xf32, #tpu.memory_space<vmem_shared>>
      tpu.enqueue_dma source(%dma_start3A_607 : memref<128x128xf32, #tpu.memory_space<vmem_shared>>) target(%dma_start3A_605 : memref<128x128xf32, #tpu.memory_space<vmem>>) target_semaphore(%run_scoped3A : memref<!tpu.dma_semaphore, #tpu.memory_space<semaphore_mem>>)
      %dma_wait3A_608 = arith.constant 0 : i32
      %dma_wait3A_609 = arith.constant 0 : i32
      %dma_wait3A_610 = tpu.memref_slice %arg5[%dma_wait3A_608, %dma_wait3A_609] : memref<128x128xf32, #tpu.memory_space<vmem>> -> memref<128x128xf32, #tpu.memory_space<vmem>>
      %dma_wait3A_611 = arith.constant 0 : i32
      %dma_wait3A_612 = tpu.memref_slice %arg6[%add3A_595, %dma_wait3A_611] : memref<10112x128xf32, #tpu.memory_space<vmem_shared>> -> memref<128x128xf32, #tpu.memory_space<vmem_shared>>
      %dma_wait3A_613 = arith.constant 0 : i32
      %dma_wait3A_614 = arith.constant 0 : i32
      %dma_wait3A_615 = tpu.memref_slice %arg5[%dma_wait3A_613, %dma_wait3A_614] : memref<128x128xf32, #tpu.memory_space<vmem>> -> memref<128x128xf32, #tpu.memory_space<vmem>>
      %dma_wait3A_616 = arith.constant 0 : i32
      %dma_wait3A_617 = tpu.memref_slice %arg6[%add3A_595, %dma_wait3A_616] : memref<10112x128xf32, #tpu.memory_space<vmem_shared>> -> memref<128x128xf32, #tpu.memory_space<vmem_shared>>
      tpu.wait_dma2 semaphore(%run_scoped3A : memref<!tpu.dma_semaphore, #tpu.memory_space<semaphore_mem>>) src(%dma_wait3A_617 : memref<128x128xf32, #tpu.memory_space<vmem_shared>>) dst(%dma_wait3A_615 : memref<128x128xf32, #tpu.memory_space<vmem>>)
      tpu.yield
    }) : () -> ()
    "tpu.region"() ({
      %run_scoped3A = tpu.sem_alloc : memref<!tpu.dma_semaphore, #tpu.memory_space<semaphore_mem>>
      %dma_start3A_598 = arith.constant 0 : i32
      %dma_start3A_599 = arith.constant 0 : i32
      %dma_start3A_600 = tpu.memref_slice %arg5[%dma_start3A_598, %dma_start3A_599] : memref<128x128xf32, #tpu.memory_space<vmem>> -> memref<128x128xf32, #tpu.memory_space<vmem>>
      %dma_start3A_601 = arith.constant 0 : i32
      %dma_start3A_602 = tpu.memref_slice %arg3[%arg0, %add3A_595, %dma_start3A_601] : memref<2x10112x128xf32, #tpu.memory_space<hbm>> -> memref<1x128x128xf32, #tpu.memory_space<hbm>>
      %dma_start3A_603 = tpu.memref_squeeze %dma_start3A_602 : memref<1x128x128xf32, #tpu.memory_space<hbm>> -> memref<128x128xf32, #tpu.memory_space<hbm>>
      %dma_start3A_604 = arith.constant 0 : i32
      %dma_start3A_605 = tpu.memref_slice %arg3[%arg0, %add3A_595, %dma_start3A_604] : memref<2x10112x128xf32, #tpu.memory_space<hbm>> -> memref<1x128x128xf32, #tpu.memory_space<hbm>>
      %dma_start3A_606 = tpu.memref_squeeze %dma_start3A_605 : memref<1x128x128xf32, #tpu.memory_space<hbm>> -> memref<128x128xf32, #tpu.memory_space<hbm>>
      %dma_start3A_607 = arith.constant 0 : i32
      %dma_start3A_608 = arith.constant 0 : i32
      %dma_start3A_609 = tpu.memref_slice %arg5[%dma_start3A_607, %dma_start3A_608] : memref<128x128xf32, #tpu.memory_space<vmem>> -> memref<128x128xf32, #tpu.memory_space<vmem>>
      tpu.enqueue_dma source(%dma_start3A_609 : memref<128x128xf32, #tpu.memory_space<vmem>>) target(%dma_start3A_606 : memref<128x128xf32, #tpu.memory_space<hbm>>) target_semaphore(%run_scoped3A : memref<!tpu.dma_semaphore, #tpu.memory_space<semaphore_mem>>)
      %dma_wait3A_610 = arith.constant 0 : i32
      %dma_wait3A_611 = arith.constant 0 : i32
      %dma_wait3A_612 = tpu.memref_slice %arg5[%dma_wait3A_610, %dma_wait3A_611] : memref<128x128xf32, #tpu.memory_space<vmem>> -> memref<128x128xf32, #tpu.memory_space<vmem>>
      %dma_wait3A_613 = arith.constant 0 : i32
      %dma_wait3A_614 = tpu.memref_slice %arg3[%arg0, %add3A_595, %dma_wait3A_613] : memref<2x10112x128xf32, #tpu.memory_space<hbm>> -> memref<1x128x128xf32, #tpu.memory_space<hbm>>
      %dma_wait3A_615 = tpu.memref_squeeze %dma_wait3A_614 : memref<1x128x128xf32, #tpu.memory_space<hbm>> -> memref<128x128xf32, #tpu.memory_space<hbm>>
      %dma_wait3A_616 = arith.constant 0 : i32
      %dma_wait3A_617 = tpu.memref_slice %arg3[%arg0, %add3A_595, %dma_wait3A_616] : memref<2x10112x128xf32, #tpu.memory_space<hbm>> -> memref<1x128x128xf32, #tpu.memory_space<hbm>>
      %dma_wait3A_618 = tpu.memref_squeeze %dma_wait3A_617 : memref<1x128x128xf32, #tpu.memory_space<hbm>> -> memref<128x128xf32, #tpu.memory_space<hbm>>
      %dma_wait3A_619 = arith.constant 0 : i32
      %dma_wait3A_620 = arith.constant 0 : i32
      %dma_wait3A_621 = tpu.memref_slice %arg5[%dma_wait3A_619, %dma_wait3A_620] : memref<128x128xf32, #tpu.memory_space<vmem>> -> memref<128x128xf32, #tpu.memory_space<vmem>>
      tpu.wait_dma2 semaphore(%run_scoped3A : memref<!tpu.dma_semaphore, #tpu.memory_space<semaphore_mem>>) src(%dma_wait3A_621 : memref<128x128xf32, #tpu.memory_space<vmem>>) dst(%dma_wait3A_618 : memref<128x128xf32, #tpu.memory_space<hbm>>)
      tpu.yield
    }) : () -> ()
    %add3A_596 = arith.constant 512 : i32
    %add3A_597 = arith.addi %mul3A_2, %add3A_596 : i32
    "tpu.region"() ({
      %run_scoped3A = tpu.sem_alloc : memref<!tpu.dma_semaphore, #tpu.memory_space<semaphore_mem>>
      %dma_start3A_598 = arith.constant 0 : i32
      %dma_start3A_599 = arith.constant 0 : i32
      %dma_start3A_600 = tpu.memref_slice %arg5[%dma_start3A_598, %dma_start3A_599] : memref<128x128xf32, #tpu.memory_space<vmem>> -> memref<120x128xf32, #tpu.memory_space<vmem>>
      %dma_start3A_601 = arith.constant 0 : i32
      %dma_start3A_602 = tpu.memref_slice %arg6[%add3A_597, %dma_start3A_601] : memref<10112x128xf32, #tpu.memory_space<vmem_shared>> -> memref<120x128xf32, #tpu.memory_space<vmem_shared>>
      %dma_start3A_603 = arith.constant 0 : i32
      %dma_start3A_604 = arith.constant 0 : i32
      %dma_start3A_605 = tpu.memref_slice %arg5[%dma_start3A_603, %dma_start3A_604] : memref<128x128xf32, #tpu.memory_space<vmem>> -> memref<120x128xf32, #tpu.memory_space<vmem>>
      %dma_start3A_606 = arith.constant 0 : i32
      %dma_start3A_607 = tpu.memref_slice %arg6[%add3A_597, %dma_start3A_606] : memref<10112x128xf32, #tpu.memory_space<vmem_shared>> -> memref<120x128xf32, #tpu.memory_space<vmem_shared>>
      tpu.enqueue_dma source(%dma_start3A_607 : memref<120x128xf32, #tpu.memory_space<vmem_shared>>) target(%dma_start3A_605 : memref<120x128xf32, #tpu.memory_space<vmem>>) target_semaphore(%run_scoped3A : memref<!tpu.dma_semaphore, #tpu.memory_space<semaphore_mem>>)
      %dma_wait3A_608 = arith.constant 0 : i32
      %dma_wait3A_609 = arith.constant 0 : i32
      %dma_wait3A_610 = tpu.memref_slice %arg5[%dma_wait3A_608, %dma_wait3A_609] : memref<128x128xf32, #tpu.memory_space<vmem>> -> memref<120x128xf32, #tpu.memory_space<vmem>>
      %dma_wait3A_611 = arith.constant 0 : i32
      %dma_wait3A_612 = tpu.memref_slice %arg6[%add3A_597, %dma_wait3A_611] : memref<10112x128xf32, #tpu.memory_space<vmem_shared>> -> memref<120x128xf32, #tpu.memory_space<vmem_shared>>
      %dma_wait3A_613 = arith.constant 0 : i32
      %dma_wait3A_614 = arith.constant 0 : i32
      %dma_wait3A_615 = tpu.memref_slice %arg5[%dma_wait3A_613, %dma_wait3A_614] : memref<128x128xf32, #tpu.memory_space<vmem>> -> memref<120x128xf32, #tpu.memory_space<vmem>>
      %dma_wait3A_616 = arith.constant 0 : i32
      %dma_wait3A_617 = tpu.memref_slice %arg6[%add3A_597, %dma_wait3A_616] : memref<10112x128xf32, #tpu.memory_space<vmem_shared>> -> memref<120x128xf32, #tpu.memory_space<vmem_shared>>
      tpu.wait_dma2 semaphore(%run_scoped3A : memref<!tpu.dma_semaphore, #tpu.memory_space<semaphore_mem>>) src(%dma_wait3A_617 : memref<120x128xf32, #tpu.memory_space<vmem_shared>>) dst(%dma_wait3A_615 : memref<120x128xf32, #tpu.memory_space<vmem>>)
      tpu.yield
    }) : () -> ()
    "tpu.region"() ({
      %run_scoped3A = tpu.sem_alloc : memref<!tpu.dma_semaphore, #tpu.memory_space<semaphore_mem>>
      %dma_start3A_598 = arith.constant 0 : i32
      %dma_start3A_599 = arith.constant 0 : i32
      %dma_start3A_600 = tpu.memref_slice %arg5[%dma_start3A_598, %dma_start3A_599] : memref<128x128xf32, #tpu.memory_space<vmem>> -> memref<120x128xf32, #tpu.memory_space<vmem>>
      %dma_start3A_601 = arith.constant 0 : i32
      %dma_start3A_602 = tpu.memref_slice %arg3[%arg0, %add3A_597, %dma_start3A_601] : memref<2x10112x128xf32, #tpu.memory_space<hbm>> -> memref<1x120x128xf32, #tpu.memory_space<hbm>>
      %dma_start3A_603 = tpu.memref_squeeze %dma_start3A_602 : memref<1x120x128xf32, #tpu.memory_space<hbm>> -> memref<120x128xf32, #tpu.memory_space<hbm>>
      %dma_start3A_604 = arith.constant 0 : i32
      %dma_start3A_605 = tpu.memref_slice %arg3[%arg0, %add3A_597, %dma_start3A_604] : memref<2x10112x128xf32, #tpu.memory_space<hbm>> -> memref<1x120x128xf32, #tpu.memory_space<hbm>>
      %dma_start3A_606 = tpu.memref_squeeze %dma_start3A_605 : memref<1x120x128xf32, #tpu.memory_space<hbm>> -> memref<120x128xf32, #tpu.memory_space<hbm>>
      %dma_start3A_607 = arith.constant 0 : i32
      %dma_start3A_608 = arith.constant 0 : i32
      %dma_start3A_609 = tpu.memref_slice %arg5[%dma_start3A_607, %dma_start3A_608] : memref<128x128xf32, #tpu.memory_space<vmem>> -> memref<120x128xf32, #tpu.memory_space<vmem>>
      tpu.enqueue_dma source(%dma_start3A_609 : memref<120x128xf32, #tpu.memory_space<vmem>>) target(%dma_start3A_606 : memref<120x128xf32, #tpu.memory_space<hbm>>) target_semaphore(%run_scoped3A : memref<!tpu.dma_semaphore, #tpu.memory_space<semaphore_mem>>)
      %dma_wait3A_610 = arith.constant 0 : i32
      %dma_wait3A_611 = arith.constant 0 : i32
      %dma_wait3A_612 = tpu.memref_slice %arg5[%dma_wait3A_610, %dma_wait3A_611] : memref<128x128xf32, #tpu.memory_space<vmem>> -> memref<120x128xf32, #tpu.memory_space<vmem>>
      %dma_wait3A_613 = arith.constant 0 : i32
      %dma_wait3A_614 = tpu.memref_slice %arg3[%arg0, %add3A_597, %dma_wait3A_613] : memref<2x10112x128xf32, #tpu.memory_space<hbm>> -> memref<1x120x128xf32, #tpu.memory_space<hbm>>
      %dma_wait3A_615 = tpu.memref_squeeze %dma_wait3A_614 : memref<1x120x128xf32, #tpu.memory_space<hbm>> -> memref<120x128xf32, #tpu.memory_space<hbm>>
      %dma_wait3A_616 = arith.constant 0 : i32
      %dma_wait3A_617 = tpu.memref_slice %arg3[%arg0, %add3A_597, %dma_wait3A_616] : memref<2x10112x128xf32, #tpu.memory_space<hbm>> -> memref<1x120x128xf32, #tpu.memory_space<hbm>>
      %dma_wait3A_618 = tpu.memref_squeeze %dma_wait3A_617 : memref<1x120x128xf32, #tpu.memory_space<hbm>> -> memref<120x128xf32, #tpu.memory_space<hbm>>
      %dma_wait3A_619 = arith.constant 0 : i32
      %dma_wait3A_620 = arith.constant 0 : i32
      %dma_wait3A_621 = tpu.memref_slice %arg5[%dma_wait3A_619, %dma_wait3A_620] : memref<128x128xf32, #tpu.memory_space<vmem>> -> memref<120x128xf32, #tpu.memory_space<vmem>>
      tpu.wait_dma2 semaphore(%run_scoped3A : memref<!tpu.dma_semaphore, #tpu.memory_space<semaphore_mem>>) src(%dma_wait3A_621 : memref<120x128xf32, #tpu.memory_space<vmem>>) dst(%dma_wait3A_618 : memref<120x128xf32, #tpu.memory_space<hbm>>)
      tpu.yield
    }) : () -> ()
    return
  }
}

#map = affine_map<(d0, d1) -> (0, 0)>
#map1 = affine_map<(d0, d1) -> (0, 0, 0)>
module attributes {stable_mosaic.version = 14 : i64} {
  func.func @sc_rgcn_agg(%arg0: i32, %arg1: i32, %arg2: memref<90000x128xf32, #tpu.memory_space<hbm>>, %arg3: memref<1280x128xi32, #tpu.memory_space<hbm>>, %arg4: memref<1280x128xi32, #tpu.memory_space<hbm>>, %arg5: memref<2x10112x128xf32, #tpu.memory_space<hbm>>, %arg6: memref<72x128xi32, #tpu.memory_space<vmem>>, %arg7: memref<72x128xi32, #tpu.memory_space<vmem>>, %arg8: memref<128x128xf32, #tpu.memory_space<vmem>>, %arg9: memref<10112x128xf32, #tpu.memory_space<vmem_shared>>, %arg10: memref<!tpu.dma_semaphore, #tpu.memory_space<semaphore_mem>>) attributes {dimension_semantics = [#tpu.dimension_semantics<core_parallel>, #tpu.dimension_semantics<subcore_parallel>], iteration_bounds = array<i64: 2, 16>, scalar_prefetch = 0 : i64, scratch_operands = 5 : i64, tpu.core_type = #tpu.core_type<sc_vector_subcore>, window_params = [{transform_indices = #map}, {transform_indices = #map}, {transform_indices = #map}, {transform_indices = #map1}]} {
    %mul3A = arith.constant 632 : i32
    %mul3A_0 = arith.muli %arg1, %mul3A : i32
    %eq3A = arith.constant 0 : i32
    %eq3A_1 = arith.cmpi eq, %arg0, %eq3A : i32
    %convert_element_type3A = arith.extui %eq3A_1 : i1 to i32
    %cond3A = arith.constant 0 : i32
    %cond3A_2 = arith.cmpi ne, %convert_element_type3A, %cond3A : i32
    scf.if %cond3A_2 {
      %mul3A_53 = arith.constant 72 : i32
      %mul3A_54 = arith.muli %arg1, %mul3A_53 : i32
      "tpu.region"() ({
        %run_scoped3A = tpu.sem_alloc : memref<!tpu.dma_semaphore, #tpu.memory_space<semaphore_mem>>
        %dma_start3A = arith.constant 0 : i32
        %dma_start3A_57 = arith.constant 0 : i32
        %dma_start3A_58 = tpu.memref_slice %arg6[%dma_start3A, %dma_start3A_57] : memref<72x128xi32, #tpu.memory_space<vmem>> -> memref<72x128xi32, #tpu.memory_space<vmem>>
        %dma_start3A_59 = arith.constant 0 : i32
        %dma_start3A_60 = tpu.memref_slice %arg3[%mul3A_54, %dma_start3A_59] : memref<1280x128xi32, #tpu.memory_space<hbm>> -> memref<72x128xi32, #tpu.memory_space<hbm>>
        %dma_start3A_61 = arith.constant 0 : i32
        %dma_start3A_62 = arith.constant 0 : i32
        %dma_start3A_63 = tpu.memref_slice %arg6[%dma_start3A_61, %dma_start3A_62] : memref<72x128xi32, #tpu.memory_space<vmem>> -> memref<72x128xi32, #tpu.memory_space<vmem>>
        %dma_start3A_64 = arith.constant 0 : i32
        %dma_start3A_65 = tpu.memref_slice %arg3[%mul3A_54, %dma_start3A_64] : memref<1280x128xi32, #tpu.memory_space<hbm>> -> memref<72x128xi32, #tpu.memory_space<hbm>>
        tpu.enqueue_dma source(%dma_start3A_65 : memref<72x128xi32, #tpu.memory_space<hbm>>) target(%dma_start3A_63 : memref<72x128xi32, #tpu.memory_space<vmem>>) target_semaphore(%run_scoped3A : memref<!tpu.dma_semaphore, #tpu.memory_space<semaphore_mem>>)
        %dma_wait3A = arith.constant 0 : i32
        %dma_wait3A_66 = arith.constant 0 : i32
        %dma_wait3A_67 = tpu.memref_slice %arg6[%dma_wait3A, %dma_wait3A_66] : memref<72x128xi32, #tpu.memory_space<vmem>> -> memref<72x128xi32, #tpu.memory_space<vmem>>
        %dma_wait3A_68 = arith.constant 0 : i32
        %dma_wait3A_69 = tpu.memref_slice %arg3[%mul3A_54, %dma_wait3A_68] : memref<1280x128xi32, #tpu.memory_space<hbm>> -> memref<72x128xi32, #tpu.memory_space<hbm>>
        %dma_wait3A_70 = arith.constant 0 : i32
        %dma_wait3A_71 = arith.constant 0 : i32
        %dma_wait3A_72 = tpu.memref_slice %arg6[%dma_wait3A_70, %dma_wait3A_71] : memref<72x128xi32, #tpu.memory_space<vmem>> -> memref<72x128xi32, #tpu.memory_space<vmem>>
        %dma_wait3A_73 = arith.constant 0 : i32
        %dma_wait3A_74 = tpu.memref_slice %arg3[%mul3A_54, %dma_wait3A_73] : memref<1280x128xi32, #tpu.memory_space<hbm>> -> memref<72x128xi32, #tpu.memory_space<hbm>>
        tpu.wait_dma2 semaphore(%run_scoped3A : memref<!tpu.dma_semaphore, #tpu.memory_space<semaphore_mem>>) src(%dma_wait3A_74 : memref<72x128xi32, #tpu.memory_space<hbm>>) dst(%dma_wait3A_72 : memref<72x128xi32, #tpu.memory_space<vmem>>)
        tpu.yield
      }) : () -> ()
      %mul3A_55 = arith.constant 72 : i32
      %mul3A_56 = arith.muli %arg1, %mul3A_55 : i32
      "tpu.region"() ({
        %run_scoped3A = tpu.sem_alloc : memref<!tpu.dma_semaphore, #tpu.memory_space<semaphore_mem>>
        %dma_start3A = arith.constant 0 : i32
        %dma_start3A_57 = arith.constant 0 : i32
        %dma_start3A_58 = tpu.memref_slice %arg7[%dma_start3A, %dma_start3A_57] : memref<72x128xi32, #tpu.memory_space<vmem>> -> memref<72x128xi32, #tpu.memory_space<vmem>>
        %dma_start3A_59 = arith.constant 0 : i32
        %dma_start3A_60 = tpu.memref_slice %arg4[%mul3A_56, %dma_start3A_59] : memref<1280x128xi32, #tpu.memory_space<hbm>> -> memref<72x128xi32, #tpu.memory_space<hbm>>
        %dma_start3A_61 = arith.constant 0 : i32
        %dma_start3A_62 = arith.constant 0 : i32
        %dma_start3A_63 = tpu.memref_slice %arg7[%dma_start3A_61, %dma_start3A_62] : memref<72x128xi32, #tpu.memory_space<vmem>> -> memref<72x128xi32, #tpu.memory_space<vmem>>
        %dma_start3A_64 = arith.constant 0 : i32
        %dma_start3A_65 = tpu.memref_slice %arg4[%mul3A_56, %dma_start3A_64] : memref<1280x128xi32, #tpu.memory_space<hbm>> -> memref<72x128xi32, #tpu.memory_space<hbm>>
        tpu.enqueue_dma source(%dma_start3A_65 : memref<72x128xi32, #tpu.memory_space<hbm>>) target(%dma_start3A_63 : memref<72x128xi32, #tpu.memory_space<vmem>>) target_semaphore(%run_scoped3A : memref<!tpu.dma_semaphore, #tpu.memory_space<semaphore_mem>>)
        %dma_wait3A = arith.constant 0 : i32
        %dma_wait3A_66 = arith.constant 0 : i32
        %dma_wait3A_67 = tpu.memref_slice %arg7[%dma_wait3A, %dma_wait3A_66] : memref<72x128xi32, #tpu.memory_space<vmem>> -> memref<72x128xi32, #tpu.memory_space<vmem>>
        %dma_wait3A_68 = arith.constant 0 : i32
        %dma_wait3A_69 = tpu.memref_slice %arg4[%mul3A_56, %dma_wait3A_68] : memref<1280x128xi32, #tpu.memory_space<hbm>> -> memref<72x128xi32, #tpu.memory_space<hbm>>
        %dma_wait3A_70 = arith.constant 0 : i32
        %dma_wait3A_71 = arith.constant 0 : i32
        %dma_wait3A_72 = tpu.memref_slice %arg7[%dma_wait3A_70, %dma_wait3A_71] : memref<72x128xi32, #tpu.memory_space<vmem>> -> memref<72x128xi32, #tpu.memory_space<vmem>>
        %dma_wait3A_73 = arith.constant 0 : i32
        %dma_wait3A_74 = tpu.memref_slice %arg4[%mul3A_56, %dma_wait3A_73] : memref<1280x128xi32, #tpu.memory_space<hbm>> -> memref<72x128xi32, #tpu.memory_space<hbm>>
        tpu.wait_dma2 semaphore(%run_scoped3A : memref<!tpu.dma_semaphore, #tpu.memory_space<semaphore_mem>>) src(%dma_wait3A_74 : memref<72x128xi32, #tpu.memory_space<hbm>>) dst(%dma_wait3A_72 : memref<72x128xi32, #tpu.memory_space<vmem>>)
        tpu.yield
      }) : () -> ()
    } else {
    }
    %eq3A_3 = arith.constant 1 : i32
    %eq3A_4 = arith.cmpi eq, %arg0, %eq3A_3 : i32
    %convert_element_type3A_5 = arith.extui %eq3A_4 : i1 to i32
    %cond3A_6 = arith.constant 0 : i32
    %cond3A_7 = arith.cmpi ne, %convert_element_type3A_5, %cond3A_6 : i32
    scf.if %cond3A_7 {
      %mul3A_53 = arith.constant 8 : i32
      %mul3A_54 = arith.muli %arg1, %mul3A_53 : i32
      %add3A_55 = arith.constant 1152 : i32
      %add3A_56 = arith.addi %add3A_55, %mul3A_54 : i32
      "tpu.region"() ({
        %run_scoped3A = tpu.sem_alloc : memref<!tpu.dma_semaphore, #tpu.memory_space<semaphore_mem>>
        %dma_start3A = arith.constant 0 : i32
        %dma_start3A_61 = arith.constant 0 : i32
        %dma_start3A_62 = tpu.memref_slice %arg6[%dma_start3A, %dma_start3A_61] : memref<72x128xi32, #tpu.memory_space<vmem>> -> memref<8x128xi32, #tpu.memory_space<vmem>>
        %dma_start3A_63 = arith.constant 0 : i32
        %dma_start3A_64 = tpu.memref_slice %arg3[%add3A_56, %dma_start3A_63] : memref<1280x128xi32, #tpu.memory_space<hbm>> -> memref<8x128xi32, #tpu.memory_space<hbm>>
        %dma_start3A_65 = arith.constant 0 : i32
        %dma_start3A_66 = arith.constant 0 : i32
        %dma_start3A_67 = tpu.memref_slice %arg6[%dma_start3A_65, %dma_start3A_66] : memref<72x128xi32, #tpu.memory_space<vmem>> -> memref<8x128xi32, #tpu.memory_space<vmem>>
        %dma_start3A_68 = arith.constant 0 : i32
        %dma_start3A_69 = tpu.memref_slice %arg3[%add3A_56, %dma_start3A_68] : memref<1280x128xi32, #tpu.memory_space<hbm>> -> memref<8x128xi32, #tpu.memory_space<hbm>>
        tpu.enqueue_dma source(%dma_start3A_69 : memref<8x128xi32, #tpu.memory_space<hbm>>) target(%dma_start3A_67 : memref<8x128xi32, #tpu.memory_space<vmem>>) target_semaphore(%run_scoped3A : memref<!tpu.dma_semaphore, #tpu.memory_space<semaphore_mem>>)
        %dma_wait3A = arith.constant 0 : i32
        %dma_wait3A_70 = arith.constant 0 : i32
        %dma_wait3A_71 = tpu.memref_slice %arg6[%dma_wait3A, %dma_wait3A_70] : memref<72x128xi32, #tpu.memory_space<vmem>> -> memref<8x128xi32, #tpu.memory_space<vmem>>
        %dma_wait3A_72 = arith.constant 0 : i32
        %dma_wait3A_73 = tpu.memref_slice %arg3[%add3A_56, %dma_wait3A_72] : memref<1280x128xi32, #tpu.memory_space<hbm>> -> memref<8x128xi32, #tpu.memory_space<hbm>>
        %dma_wait3A_74 = arith.constant 0 : i32
        %dma_wait3A_75 = arith.constant 0 : i32
        %dma_wait3A_76 = tpu.memref_slice %arg6[%dma_wait3A_74, %dma_wait3A_75] : memref<72x128xi32, #tpu.memory_space<vmem>> -> memref<8x128xi32, #tpu.memory_space<vmem>>
        %dma_wait3A_77 = arith.constant 0 : i32
        %dma_wait3A_78 = tpu.memref_slice %arg3[%add3A_56, %dma_wait3A_77] : memref<1280x128xi32, #tpu.memory_space<hbm>> -> memref<8x128xi32, #tpu.memory_space<hbm>>
        tpu.wait_dma2 semaphore(%run_scoped3A : memref<!tpu.dma_semaphore, #tpu.memory_space<semaphore_mem>>) src(%dma_wait3A_78 : memref<8x128xi32, #tpu.memory_space<hbm>>) dst(%dma_wait3A_76 : memref<8x128xi32, #tpu.memory_space<vmem>>)
        tpu.yield
      }) : () -> ()
      %mul3A_57 = arith.constant 8 : i32
      %mul3A_58 = arith.muli %arg1, %mul3A_57 : i32
      %add3A_59 = arith.constant 1152 : i32
      %add3A_60 = arith.addi %add3A_59, %mul3A_58 : i32
      "tpu.region"() ({
        %run_scoped3A = tpu.sem_alloc : memref<!tpu.dma_semaphore, #tpu.memory_space<semaphore_mem>>
        %dma_start3A = arith.constant 0 : i32
        %dma_start3A_61 = arith.constant 0 : i32
        %dma_start3A_62 = tpu.memref_slice %arg7[%dma_start3A, %dma_start3A_61] : memref<72x128xi32, #tpu.memory_space<vmem>> -> memref<8x128xi32, #tpu.memory_space<vmem>>
        %dma_start3A_63 = arith.constant 0 : i32
        %dma_start3A_64 = tpu.memref_slice %arg4[%add3A_60, %dma_start3A_63] : memref<1280x128xi32, #tpu.memory_space<hbm>> -> memref<8x128xi32, #tpu.memory_space<hbm>>
        %dma_start3A_65 = arith.constant 0 : i32
        %dma_start3A_66 = arith.constant 0 : i32
        %dma_start3A_67 = tpu.memref_slice %arg7[%dma_start3A_65, %dma_start3A_66] : memref<72x128xi32, #tpu.memory_space<vmem>> -> memref<8x128xi32, #tpu.memory_space<vmem>>
        %dma_start3A_68 = arith.constant 0 : i32
        %dma_start3A_69 = tpu.memref_slice %arg4[%add3A_60, %dma_start3A_68] : memref<1280x128xi32, #tpu.memory_space<hbm>> -> memref<8x128xi32, #tpu.memory_space<hbm>>
        tpu.enqueue_dma source(%dma_start3A_69 : memref<8x128xi32, #tpu.memory_space<hbm>>) target(%dma_start3A_67 : memref<8x128xi32, #tpu.memory_space<vmem>>) target_semaphore(%run_scoped3A : memref<!tpu.dma_semaphore, #tpu.memory_space<semaphore_mem>>)
        %dma_wait3A = arith.constant 0 : i32
        %dma_wait3A_70 = arith.constant 0 : i32
        %dma_wait3A_71 = tpu.memref_slice %arg7[%dma_wait3A, %dma_wait3A_70] : memref<72x128xi32, #tpu.memory_space<vmem>> -> memref<8x128xi32, #tpu.memory_space<vmem>>
        %dma_wait3A_72 = arith.constant 0 : i32
        %dma_wait3A_73 = tpu.memref_slice %arg4[%add3A_60, %dma_wait3A_72] : memref<1280x128xi32, #tpu.memory_space<hbm>> -> memref<8x128xi32, #tpu.memory_space<hbm>>
        %dma_wait3A_74 = arith.constant 0 : i32
        %dma_wait3A_75 = arith.constant 0 : i32
        %dma_wait3A_76 = tpu.memref_slice %arg7[%dma_wait3A_74, %dma_wait3A_75] : memref<72x128xi32, #tpu.memory_space<vmem>> -> memref<8x128xi32, #tpu.memory_space<vmem>>
        %dma_wait3A_77 = arith.constant 0 : i32
        %dma_wait3A_78 = tpu.memref_slice %arg4[%add3A_60, %dma_wait3A_77] : memref<1280x128xi32, #tpu.memory_space<hbm>> -> memref<8x128xi32, #tpu.memory_space<hbm>>
        tpu.wait_dma2 semaphore(%run_scoped3A : memref<!tpu.dma_semaphore, #tpu.memory_space<semaphore_mem>>) src(%dma_wait3A_78 : memref<8x128xi32, #tpu.memory_space<hbm>>) dst(%dma_wait3A_76 : memref<8x128xi32, #tpu.memory_space<vmem>>)
        tpu.yield
      }) : () -> ()
    } else {
    }
    %eq3A_8 = arith.constant 0 : i32
    %eq3A_9 = arith.cmpi eq, %arg0, %eq3A_8 : i32
    %jit3A = arith.constant 72 : i32
    %jit3A_10 = arith.constant 8 : i32
    %select_n3A = arith.select %eq3A_9, %jit3A, %jit3A_10 : i32
    %broadcast_in_dim3A = arith.constant 0.000000e+00 : f32
    %broadcast_in_dim3A_11 = vector.broadcast %broadcast_in_dim3A : f32 to vector<16xf32>
    %scan3A = arith.constant 0 : i32
    %scan3A_12 = arith.constant 0 : i32
    %scan3A_13 = arith.constant 128 : i32
    %scan3A_14 = arith.addi %scan3A_12, %scan3A_13 : i32
    %scan3A_15 = arith.constant 1 : i32
    scf.for %scan3A_53 = %scan3A_12 to %scan3A_14 step %scan3A_15  : i32 {
      %swap3A = arith.index_cast %scan3A_53 : i32 to index
      %swap3A_54 = arith.constant 0 : index
      %swap3A_55 = tpu.vector_load %arg8[%swap3A, %swap3A_54] {strides = array<i32>} : memref<128x128xf32, #tpu.memory_space<vmem>>, vector<1x16xf32>,
      %swap3A_56 = vector.shape_cast %swap3A_55 : vector<1x16xf32> to vector<16xf32>
      %swap3A_57 = vector.shape_cast %broadcast_in_dim3A_11 : vector<16xf32> to vector<1x16xf32>
      tpu.vector_store %arg8[%swap3A, %swap3A_54], %swap3A_57 {strides = array<i32>} : memref<128x128xf32, #tpu.memory_space<vmem>>, vector<1x16xf32>,
      %swap3A_58 = arith.index_cast %scan3A_53 : i32 to index
      %swap3A_59 = arith.constant 16 : index
      %swap3A_60 = tpu.vector_load %arg8[%swap3A_58, %swap3A_59] {strides = array<i32>} : memref<128x128xf32, #tpu.memory_space<vmem>>, vector<1x16xf32>,
      %swap3A_61 = vector.shape_cast %swap3A_60 : vector<1x16xf32> to vector<16xf32>
      %swap3A_62 = vector.shape_cast %broadcast_in_dim3A_11 : vector<16xf32> to vector<1x16xf32>
      tpu.vector_store %arg8[%swap3A_58, %swap3A_59], %swap3A_62 {strides = array<i32>} : memref<128x128xf32, #tpu.memory_space<vmem>>, vector<1x16xf32>,
      %swap3A_63 = arith.index_cast %scan3A_53 : i32 to index
      %swap3A_64 = arith.constant 32 : index
      %swap3A_65 = tpu.vector_load %arg8[%swap3A_63, %swap3A_64] {strides = array<i32>} : memref<128x128xf32, #tpu.memory_space<vmem>>, vector<1x16xf32>,
      %swap3A_66 = vector.shape_cast %swap3A_65 : vector<1x16xf32> to vector<16xf32>
      %swap3A_67 = vector.shape_cast %broadcast_in_dim3A_11 : vector<16xf32> to vector<1x16xf32>
      tpu.vector_store %arg8[%swap3A_63, %swap3A_64], %swap3A_67 {strides = array<i32>} : memref<128x128xf32, #tpu.memory_space<vmem>>, vector<1x16xf32>,
      %swap3A_68 = arith.index_cast %scan3A_53 : i32 to index
      %swap3A_69 = arith.constant 48 : index
      %swap3A_70 = tpu.vector_load %arg8[%swap3A_68, %swap3A_69] {strides = array<i32>} : memref<128x128xf32, #tpu.memory_space<vmem>>, vector<1x16xf32>,
      %swap3A_71 = vector.shape_cast %swap3A_70 : vector<1x16xf32> to vector<16xf32>
      %swap3A_72 = vector.shape_cast %broadcast_in_dim3A_11 : vector<16xf32> to vector<1x16xf32>
      tpu.vector_store %arg8[%swap3A_68, %swap3A_69], %swap3A_72 {strides = array<i32>} : memref<128x128xf32, #tpu.memory_space<vmem>>, vector<1x16xf32>,
      %swap3A_73 = arith.index_cast %scan3A_53 : i32 to index
      %swap3A_74 = arith.constant 64 : index
      %swap3A_75 = tpu.vector_load %arg8[%swap3A_73, %swap3A_74] {strides = array<i32>} : memref<128x128xf32, #tpu.memory_space<vmem>>, vector<1x16xf32>,
      %swap3A_76 = vector.shape_cast %swap3A_75 : vector<1x16xf32> to vector<16xf32>
      %swap3A_77 = vector.shape_cast %broadcast_in_dim3A_11 : vector<16xf32> to vector<1x16xf32>
      tpu.vector_store %arg8[%swap3A_73, %swap3A_74], %swap3A_77 {strides = array<i32>} : memref<128x128xf32, #tpu.memory_space<vmem>>, vector<1x16xf32>,
      %swap3A_78 = arith.index_cast %scan3A_53 : i32 to index
      %swap3A_79 = arith.constant 80 : index
      %swap3A_80 = tpu.vector_load %arg8[%swap3A_78, %swap3A_79] {strides = array<i32>} : memref<128x128xf32, #tpu.memory_space<vmem>>, vector<1x16xf32>,
      %swap3A_81 = vector.shape_cast %swap3A_80 : vector<1x16xf32> to vector<16xf32>
      %swap3A_82 = vector.shape_cast %broadcast_in_dim3A_11 : vector<16xf32> to vector<1x16xf32>
      tpu.vector_store %arg8[%swap3A_78, %swap3A_79], %swap3A_82 {strides = array<i32>} : memref<128x128xf32, #tpu.memory_space<vmem>>, vector<1x16xf32>,
      %swap3A_83 = arith.index_cast %scan3A_53 : i32 to index
      %swap3A_84 = arith.constant 96 : index
      %swap3A_85 = tpu.vector_load %arg8[%swap3A_83, %swap3A_84] {strides = array<i32>} : memref<128x128xf32, #tpu.memory_space<vmem>>, vector<1x16xf32>,
      %swap3A_86 = vector.shape_cast %swap3A_85 : vector<1x16xf32> to vector<16xf32>
      %swap3A_87 = vector.shape_cast %broadcast_in_dim3A_11 : vector<16xf32> to vector<1x16xf32>
      tpu.vector_store %arg8[%swap3A_83, %swap3A_84], %swap3A_87 {strides = array<i32>} : memref<128x128xf32, #tpu.memory_space<vmem>>, vector<1x16xf32>,
      %swap3A_88 = arith.index_cast %scan3A_53 : i32 to index
      %swap3A_89 = arith.constant 112 : index
      %swap3A_90 = tpu.vector_load %arg8[%swap3A_88, %swap3A_89] {strides = array<i32>} : memref<128x128xf32, #tpu.memory_space<vmem>>, vector<1x16xf32>,
      %swap3A_91 = vector.shape_cast %swap3A_90 : vector<1x16xf32> to vector<16xf32>
      %swap3A_92 = vector.shape_cast %broadcast_in_dim3A_11 : vector<16xf32> to vector<1x16xf32>
      tpu.vector_store %arg8[%swap3A_88, %swap3A_89], %swap3A_92 {strides = array<i32>} : memref<128x128xf32, #tpu.memory_space<vmem>>, vector<1x16xf32>,
    }
    %scan3A_16 = arith.constant 128 : i32
    %add3A = arith.constant 0 : i32
    %add3A_17 = arith.addi %mul3A_0, %add3A : i32
    "tpu.region"() ({
      %run_scoped3A = tpu.sem_alloc : memref<!tpu.dma_semaphore, #tpu.memory_space<semaphore_mem>>
      %dma_start3A = arith.constant 0 : i32
      %dma_start3A_53 = arith.constant 0 : i32
      %dma_start3A_54 = tpu.memref_slice %arg8[%dma_start3A, %dma_start3A_53] : memref<128x128xf32, #tpu.memory_space<vmem>> -> memref<128x128xf32, #tpu.memory_space<vmem>>
      %dma_start3A_55 = arith.constant 0 : i32
      %dma_start3A_56 = tpu.memref_slice %arg9[%add3A_17, %dma_start3A_55] : memref<10112x128xf32, #tpu.memory_space<vmem_shared>> -> memref<128x128xf32, #tpu.memory_space<vmem_shared>>
      %dma_start3A_57 = arith.constant 0 : i32
      %dma_start3A_58 = tpu.memref_slice %arg9[%add3A_17, %dma_start3A_57] : memref<10112x128xf32, #tpu.memory_space<vmem_shared>> -> memref<128x128xf32, #tpu.memory_space<vmem_shared>>
      %dma_start3A_59 = arith.constant 0 : i32
      %dma_start3A_60 = arith.constant 0 : i32
      %dma_start3A_61 = tpu.memref_slice %arg8[%dma_start3A_59, %dma_start3A_60] : memref<128x128xf32, #tpu.memory_space<vmem>> -> memref<128x128xf32, #tpu.memory_space<vmem>>
      tpu.enqueue_dma source(%dma_start3A_61 : memref<128x128xf32, #tpu.memory_space<vmem>>) target(%dma_start3A_58 : memref<128x128xf32, #tpu.memory_space<vmem_shared>>) target_semaphore(%run_scoped3A : memref<!tpu.dma_semaphore, #tpu.memory_space<semaphore_mem>>)
      %dma_wait3A = arith.constant 0 : i32
      %dma_wait3A_62 = arith.constant 0 : i32
      %dma_wait3A_63 = tpu.memref_slice %arg8[%dma_wait3A, %dma_wait3A_62] : memref<128x128xf32, #tpu.memory_space<vmem>> -> memref<128x128xf32, #tpu.memory_space<vmem>>
      %dma_wait3A_64 = arith.constant 0 : i32
      %dma_wait3A_65 = tpu.memref_slice %arg9[%add3A_17, %dma_wait3A_64] : memref<10112x128xf32, #tpu.memory_space<vmem_shared>> -> memref<128x128xf32, #tpu.memory_space<vmem_shared>>
      %dma_wait3A_66 = arith.constant 0 : i32
      %dma_wait3A_67 = tpu.memref_slice %arg9[%add3A_17, %dma_wait3A_66] : memref<10112x128xf32, #tpu.memory_space<vmem_shared>> -> memref<128x128xf32, #tpu.memory_space<vmem_shared>>
      %dma_wait3A_68 = arith.constant 0 : i32
      %dma_wait3A_69 = arith.constant 0 : i32
      %dma_wait3A_70 = tpu.memref_slice %arg8[%dma_wait3A_68, %dma_wait3A_69] : memref<128x128xf32, #tpu.memory_space<vmem>> -> memref<128x128xf32, #tpu.memory_space<vmem>>
      tpu.wait_dma2 semaphore(%run_scoped3A : memref<!tpu.dma_semaphore, #tpu.memory_space<semaphore_mem>>) src(%dma_wait3A_70 : memref<128x128xf32, #tpu.memory_space<vmem>>) dst(%dma_wait3A_67 : memref<128x128xf32, #tpu.memory_space<vmem_shared>>)
      tpu.yield
    }) : () -> ()
    %add3A_18 = arith.constant 128 : i32
    %add3A_19 = arith.addi %mul3A_0, %add3A_18 : i32
    "tpu.region"() ({
      %run_scoped3A = tpu.sem_alloc : memref<!tpu.dma_semaphore, #tpu.memory_space<semaphore_mem>>
      %dma_start3A = arith.constant 0 : i32
      %dma_start3A_53 = arith.constant 0 : i32
      %dma_start3A_54 = tpu.memref_slice %arg8[%dma_start3A, %dma_start3A_53] : memref<128x128xf32, #tpu.memory_space<vmem>> -> memref<128x128xf32, #tpu.memory_space<vmem>>
      %dma_start3A_55 = arith.constant 0 : i32
      %dma_start3A_56 = tpu.memref_slice %arg9[%add3A_19, %dma_start3A_55] : memref<10112x128xf32, #tpu.memory_space<vmem_shared>> -> memref<128x128xf32, #tpu.memory_space<vmem_shared>>
      %dma_start3A_57 = arith.constant 0 : i32
      %dma_start3A_58 = tpu.memref_slice %arg9[%add3A_19, %dma_start3A_57] : memref<10112x128xf32, #tpu.memory_space<vmem_shared>> -> memref<128x128xf32, #tpu.memory_space<vmem_shared>>
      %dma_start3A_59 = arith.constant 0 : i32
      %dma_start3A_60 = arith.constant 0 : i32
      %dma_start3A_61 = tpu.memref_slice %arg8[%dma_start3A_59, %dma_start3A_60] : memref<128x128xf32, #tpu.memory_space<vmem>> -> memref<128x128xf32, #tpu.memory_space<vmem>>
      tpu.enqueue_dma source(%dma_start3A_61 : memref<128x128xf32, #tpu.memory_space<vmem>>) target(%dma_start3A_58 : memref<128x128xf32, #tpu.memory_space<vmem_shared>>) target_semaphore(%run_scoped3A : memref<!tpu.dma_semaphore, #tpu.memory_space<semaphore_mem>>)
      %dma_wait3A = arith.constant 0 : i32
      %dma_wait3A_62 = arith.constant 0 : i32
      %dma_wait3A_63 = tpu.memref_slice %arg8[%dma_wait3A, %dma_wait3A_62] : memref<128x128xf32, #tpu.memory_space<vmem>> -> memref<128x128xf32, #tpu.memory_space<vmem>>
      %dma_wait3A_64 = arith.constant 0 : i32
      %dma_wait3A_65 = tpu.memref_slice %arg9[%add3A_19, %dma_wait3A_64] : memref<10112x128xf32, #tpu.memory_space<vmem_shared>> -> memref<128x128xf32, #tpu.memory_space<vmem_shared>>
      %dma_wait3A_66 = arith.constant 0 : i32
      %dma_wait3A_67 = tpu.memref_slice %arg9[%add3A_19, %dma_wait3A_66] : memref<10112x128xf32, #tpu.memory_space<vmem_shared>> -> memref<128x128xf32, #tpu.memory_space<vmem_shared>>
      %dma_wait3A_68 = arith.constant 0 : i32
      %dma_wait3A_69 = arith.constant 0 : i32
      %dma_wait3A_70 = tpu.memref_slice %arg8[%dma_wait3A_68, %dma_wait3A_69] : memref<128x128xf32, #tpu.memory_space<vmem>> -> memref<128x128xf32, #tpu.memory_space<vmem>>
      tpu.wait_dma2 semaphore(%run_scoped3A : memref<!tpu.dma_semaphore, #tpu.memory_space<semaphore_mem>>) src(%dma_wait3A_70 : memref<128x128xf32, #tpu.memory_space<vmem>>) dst(%dma_wait3A_67 : memref<128x128xf32, #tpu.memory_space<vmem_shared>>)
      tpu.yield
    }) : () -> ()
    %add3A_20 = arith.constant 256 : i32
    %add3A_21 = arith.addi %mul3A_0, %add3A_20 : i32
    "tpu.region"() ({
      %run_scoped3A = tpu.sem_alloc : memref<!tpu.dma_semaphore, #tpu.memory_space<semaphore_mem>>
      %dma_start3A = arith.constant 0 : i32
      %dma_start3A_53 = arith.constant 0 : i32
      %dma_start3A_54 = tpu.memref_slice %arg8[%dma_start3A, %dma_start3A_53] : memref<128x128xf32, #tpu.memory_space<vmem>> -> memref<128x128xf32, #tpu.memory_space<vmem>>
      %dma_start3A_55 = arith.constant 0 : i32
      %dma_start3A_56 = tpu.memref_slice %arg9[%add3A_21, %dma_start3A_55] : memref<10112x128xf32, #tpu.memory_space<vmem_shared>> -> memref<128x128xf32, #tpu.memory_space<vmem_shared>>
      %dma_start3A_57 = arith.constant 0 : i32
      %dma_start3A_58 = tpu.memref_slice %arg9[%add3A_21, %dma_start3A_57] : memref<10112x128xf32, #tpu.memory_space<vmem_shared>> -> memref<128x128xf32, #tpu.memory_space<vmem_shared>>
      %dma_start3A_59 = arith.constant 0 : i32
      %dma_start3A_60 = arith.constant 0 : i32
      %dma_start3A_61 = tpu.memref_slice %arg8[%dma_start3A_59, %dma_start3A_60] : memref<128x128xf32, #tpu.memory_space<vmem>> -> memref<128x128xf32, #tpu.memory_space<vmem>>
      tpu.enqueue_dma source(%dma_start3A_61 : memref<128x128xf32, #tpu.memory_space<vmem>>) target(%dma_start3A_58 : memref<128x128xf32, #tpu.memory_space<vmem_shared>>) target_semaphore(%run_scoped3A : memref<!tpu.dma_semaphore, #tpu.memory_space<semaphore_mem>>)
      %dma_wait3A = arith.constant 0 : i32
      %dma_wait3A_62 = arith.constant 0 : i32
      %dma_wait3A_63 = tpu.memref_slice %arg8[%dma_wait3A, %dma_wait3A_62] : memref<128x128xf32, #tpu.memory_space<vmem>> -> memref<128x128xf32, #tpu.memory_space<vmem>>
      %dma_wait3A_64 = arith.constant 0 : i32
      %dma_wait3A_65 = tpu.memref_slice %arg9[%add3A_21, %dma_wait3A_64] : memref<10112x128xf32, #tpu.memory_space<vmem_shared>> -> memref<128x128xf32, #tpu.memory_space<vmem_shared>>
      %dma_wait3A_66 = arith.constant 0 : i32
      %dma_wait3A_67 = tpu.memref_slice %arg9[%add3A_21, %dma_wait3A_66] : memref<10112x128xf32, #tpu.memory_space<vmem_shared>> -> memref<128x128xf32, #tpu.memory_space<vmem_shared>>
      %dma_wait3A_68 = arith.constant 0 : i32
      %dma_wait3A_69 = arith.constant 0 : i32
      %dma_wait3A_70 = tpu.memref_slice %arg8[%dma_wait3A_68, %dma_wait3A_69] : memref<128x128xf32, #tpu.memory_space<vmem>> -> memref<128x128xf32, #tpu.memory_space<vmem>>
      tpu.wait_dma2 semaphore(%run_scoped3A : memref<!tpu.dma_semaphore, #tpu.memory_space<semaphore_mem>>) src(%dma_wait3A_70 : memref<128x128xf32, #tpu.memory_space<vmem>>) dst(%dma_wait3A_67 : memref<128x128xf32, #tpu.memory_space<vmem_shared>>)
      tpu.yield
    }) : () -> ()
    %add3A_22 = arith.constant 384 : i32
    %add3A_23 = arith.addi %mul3A_0, %add3A_22 : i32
    "tpu.region"() ({
      %run_scoped3A = tpu.sem_alloc : memref<!tpu.dma_semaphore, #tpu.memory_space<semaphore_mem>>
      %dma_start3A = arith.constant 0 : i32
      %dma_start3A_53 = arith.constant 0 : i32
      %dma_start3A_54 = tpu.memref_slice %arg8[%dma_start3A, %dma_start3A_53] : memref<128x128xf32, #tpu.memory_space<vmem>> -> memref<128x128xf32, #tpu.memory_space<vmem>>
      %dma_start3A_55 = arith.constant 0 : i32
      %dma_start3A_56 = tpu.memref_slice %arg9[%add3A_23, %dma_start3A_55] : memref<10112x128xf32, #tpu.memory_space<vmem_shared>> -> memref<128x128xf32, #tpu.memory_space<vmem_shared>>
      %dma_start3A_57 = arith.constant 0 : i32
      %dma_start3A_58 = tpu.memref_slice %arg9[%add3A_23, %dma_start3A_57] : memref<10112x128xf32, #tpu.memory_space<vmem_shared>> -> memref<128x128xf32, #tpu.memory_space<vmem_shared>>
      %dma_start3A_59 = arith.constant 0 : i32
      %dma_start3A_60 = arith.constant 0 : i32
      %dma_start3A_61 = tpu.memref_slice %arg8[%dma_start3A_59, %dma_start3A_60] : memref<128x128xf32, #tpu.memory_space<vmem>> -> memref<128x128xf32, #tpu.memory_space<vmem>>
      tpu.enqueue_dma source(%dma_start3A_61 : memref<128x128xf32, #tpu.memory_space<vmem>>) target(%dma_start3A_58 : memref<128x128xf32, #tpu.memory_space<vmem_shared>>) target_semaphore(%run_scoped3A : memref<!tpu.dma_semaphore, #tpu.memory_space<semaphore_mem>>)
      %dma_wait3A = arith.constant 0 : i32
      %dma_wait3A_62 = arith.constant 0 : i32
      %dma_wait3A_63 = tpu.memref_slice %arg8[%dma_wait3A, %dma_wait3A_62] : memref<128x128xf32, #tpu.memory_space<vmem>> -> memref<128x128xf32, #tpu.memory_space<vmem>>
      %dma_wait3A_64 = arith.constant 0 : i32
      %dma_wait3A_65 = tpu.memref_slice %arg9[%add3A_23, %dma_wait3A_64] : memref<10112x128xf32, #tpu.memory_space<vmem_shared>> -> memref<128x128xf32, #tpu.memory_space<vmem_shared>>
      %dma_wait3A_66 = arith.constant 0 : i32
      %dma_wait3A_67 = tpu.memref_slice %arg9[%add3A_23, %dma_wait3A_66] : memref<10112x128xf32, #tpu.memory_space<vmem_shared>> -> memref<128x128xf32, #tpu.memory_space<vmem_shared>>
      %dma_wait3A_68 = arith.constant 0 : i32
      %dma_wait3A_69 = arith.constant 0 : i32
      %dma_wait3A_70 = tpu.memref_slice %arg8[%dma_wait3A_68, %dma_wait3A_69] : memref<128x128xf32, #tpu.memory_space<vmem>> -> memref<128x128xf32, #tpu.memory_space<vmem>>
      tpu.wait_dma2 semaphore(%run_scoped3A : memref<!tpu.dma_semaphore, #tpu.memory_space<semaphore_mem>>) src(%dma_wait3A_70 : memref<128x128xf32, #tpu.memory_space<vmem>>) dst(%dma_wait3A_67 : memref<128x128xf32, #tpu.memory_space<vmem_shared>>)
      tpu.yield
    }) : () -> ()
    %add3A_24 = arith.constant 512 : i32
    %add3A_25 = arith.addi %mul3A_0, %add3A_24 : i32
    "tpu.region"() ({
      %run_scoped3A = tpu.sem_alloc : memref<!tpu.dma_semaphore, #tpu.memory_space<semaphore_mem>>
      %dma_start3A = arith.constant 0 : i32
      %dma_start3A_53 = arith.constant 0 : i32
      %dma_start3A_54 = tpu.memref_slice %arg8[%dma_start3A, %dma_start3A_53] : memref<128x128xf32, #tpu.memory_space<vmem>> -> memref<120x128xf32, #tpu.memory_space<vmem>>
      %dma_start3A_55 = arith.constant 0 : i32
      %dma_start3A_56 = tpu.memref_slice %arg9[%add3A_25, %dma_start3A_55] : memref<10112x128xf32, #tpu.memory_space<vmem_shared>> -> memref<120x128xf32, #tpu.memory_space<vmem_shared>>
      %dma_start3A_57 = arith.constant 0 : i32
      %dma_start3A_58 = tpu.memref_slice %arg9[%add3A_25, %dma_start3A_57] : memref<10112x128xf32, #tpu.memory_space<vmem_shared>> -> memref<120x128xf32, #tpu.memory_space<vmem_shared>>
      %dma_start3A_59 = arith.constant 0 : i32
      %dma_start3A_60 = arith.constant 0 : i32
      %dma_start3A_61 = tpu.memref_slice %arg8[%dma_start3A_59, %dma_start3A_60] : memref<128x128xf32, #tpu.memory_space<vmem>> -> memref<120x128xf32, #tpu.memory_space<vmem>>
      tpu.enqueue_dma source(%dma_start3A_61 : memref<120x128xf32, #tpu.memory_space<vmem>>) target(%dma_start3A_58 : memref<120x128xf32, #tpu.memory_space<vmem_shared>>) target_semaphore(%run_scoped3A : memref<!tpu.dma_semaphore, #tpu.memory_space<semaphore_mem>>)
      %dma_wait3A = arith.constant 0 : i32
      %dma_wait3A_62 = arith.constant 0 : i32
      %dma_wait3A_63 = tpu.memref_slice %arg8[%dma_wait3A, %dma_wait3A_62] : memref<128x128xf32, #tpu.memory_space<vmem>> -> memref<120x128xf32, #tpu.memory_space<vmem>>
      %dma_wait3A_64 = arith.constant 0 : i32
      %dma_wait3A_65 = tpu.memref_slice %arg9[%add3A_25, %dma_wait3A_64] : memref<10112x128xf32, #tpu.memory_space<vmem_shared>> -> memref<120x128xf32, #tpu.memory_space<vmem_shared>>
      %dma_wait3A_66 = arith.constant 0 : i32
      %dma_wait3A_67 = tpu.memref_slice %arg9[%add3A_25, %dma_wait3A_66] : memref<10112x128xf32, #tpu.memory_space<vmem_shared>> -> memref<120x128xf32, #tpu.memory_space<vmem_shared>>
      %dma_wait3A_68 = arith.constant 0 : i32
      %dma_wait3A_69 = arith.constant 0 : i32
      %dma_wait3A_70 = tpu.memref_slice %arg8[%dma_wait3A_68, %dma_wait3A_69] : memref<128x128xf32, #tpu.memory_space<vmem>> -> memref<120x128xf32, #tpu.memory_space<vmem>>
      tpu.wait_dma2 semaphore(%run_scoped3A : memref<!tpu.dma_semaphore, #tpu.memory_space<semaphore_mem>>) src(%dma_wait3A_70 : memref<120x128xf32, #tpu.memory_space<vmem>>) dst(%dma_wait3A_67 : memref<120x128xf32, #tpu.memory_space<vmem_shared>>)
      tpu.yield
    }) : () -> ()
    %barrier3A = arith.constant 0 : index
    tpu.barrier barrier_id(%barrier3A)
    %sub3A = arith.constant 0 : i32
    %sub3A_26 = arith.subi %select_n3A, %sub3A : i32
    %sub3A_27 = arith.constant 1 : i32
    %sub3A_28 = arith.constant 1 : i32
    %sub3A_29 = arith.subi %sub3A_27, %sub3A_28 : i32
    %add3A_30 = arith.addi %sub3A_26, %sub3A_29 : i32
    %div3A = arith.constant 1 : i32
    %div3A_31 = arith.divsi %add3A_30, %div3A : i32
    %while3A = arith.constant 1 : i32
    %while3A_32 = arith.constant 0 : i32
    %while3A_33 = arith.constant 0 : i32
    %while3A_34 = arith.subi %div3A_31, %while3A_33 : i32
    %while3A_35 = arith.addi %while3A_33, %while3A_34 : i32
    %while3A_36 = arith.constant 1 : i32
    %while3A_37 = arith.divsi %while3A_34, %while3A_36 : i32
    %while3A_38 = arith.muli %while3A_37, %while3A_36 : i32
    %while3A_39 = arith.addi %while3A_33, %while3A_38 : i32
    %while3A_40 = arith.constant 1 : i32
    scf.for %while3A_53 = %while3A_33 to %while3A_39 step %while3A_40  : i32 {
      %mul3A_54 = arith.muli %while3A_53, %while3A : i32
      %add3A_55 = arith.addi %while3A_32, %mul3A_54 : i32
      %dma_start3A = arith.constant 0 : i32
      %dma_start3A_56 = tpu.memref_slice %arg6[%add3A_55, %dma_start3A] : memref<72x128xi32, #tpu.memory_space<vmem>> -> memref<1x128xi32, #tpu.memory_space<vmem>>
      %dma_start3A_57 = tpu.memref_squeeze %dma_start3A_56 : memref<1x128xi32, #tpu.memory_space<vmem>> -> memref<128xi32, #tpu.memory_space<vmem>>
      %dma_start3A_58 = arith.constant 0 : i32
      %dma_start3A_59 = arith.constant 0 : i32
      %dma_start3A_60 = tpu.memref_slice %arg2[%dma_start3A_58, %dma_start3A_59] : memref<90000x128xf32, #tpu.memory_space<hbm>> -> memref<90000x128xf32, #tpu.memory_space<hbm>>
      tpu.enqueue_indirect_dma source(%dma_start3A_60 : memref<90000x128xf32, #tpu.memory_space<hbm>>) target(%arg8 : memref<128x128xf32, #tpu.memory_space<vmem>>) offsets(%dma_start3A_57 : memref<128xi32, #tpu.memory_space<vmem>>) semaphore(%arg10 : memref<!tpu.dma_semaphore, #tpu.memory_space<semaphore_mem>>)
      %dma_wait3A = arith.constant 0 : i32
      %dma_wait3A_61 = tpu.memref_slice %arg6[%add3A_55, %dma_wait3A] : memref<72x128xi32, #tpu.memory_space<vmem>> -> memref<1x128xi32, #tpu.memory_space<vmem>>
      %dma_wait3A_62 = tpu.memref_squeeze %dma_wait3A_61 : memref<1x128xi32, #tpu.memory_space<vmem>> -> memref<128xi32, #tpu.memory_space<vmem>>
      %dma_wait3A_63 = arith.constant 0 : i32
      %dma_wait3A_64 = arith.constant 0 : i32
      %dma_wait3A_65 = tpu.memref_slice %arg2[%dma_wait3A_63, %dma_wait3A_64] : memref<90000x128xf32, #tpu.memory_space<hbm>> -> memref<90000x128xf32, #tpu.memory_space<hbm>>
      tpu.wait_indirect_dma semaphore(%arg10 : memref<!tpu.dma_semaphore, #tpu.memory_space<semaphore_mem>>) src(%dma_wait3A_65 : memref<90000x128xf32, #tpu.memory_space<hbm>>) dst(%arg8 : memref<128x128xf32, #tpu.memory_space<vmem>>)
      "tpu.region"() ({
        %run_scoped3A = tpu.sem_alloc : memref<!tpu.dma_semaphore, #tpu.memory_space<semaphore_mem>>
        %dma_start3A_66 = arith.constant 0 : i32
        %dma_start3A_67 = tpu.memref_slice %arg7[%add3A_55, %dma_start3A_66] : memref<72x128xi32, #tpu.memory_space<vmem>> -> memref<1x128xi32, #tpu.memory_space<vmem>>
        %dma_start3A_68 = tpu.memref_squeeze %dma_start3A_67 : memref<1x128xi32, #tpu.memory_space<vmem>> -> memref<128xi32, #tpu.memory_space<vmem>>
        %dma_start3A_69 = arith.constant 0 : i32
        %dma_start3A_70 = arith.constant 0 : i32
        %dma_start3A_71 = tpu.memref_slice %arg9[%dma_start3A_69, %dma_start3A_70] : memref<10112x128xf32, #tpu.memory_space<vmem_shared>> -> memref<10112x128xf32, #tpu.memory_space<vmem_shared>>
        tpu.enqueue_indirect_dma source(%arg8 : memref<128x128xf32, #tpu.memory_space<vmem>>) target(%dma_start3A_71 : memref<10112x128xf32, #tpu.memory_space<vmem_shared>>) offsets(%dma_start3A_68 : memref<128xi32, #tpu.memory_space<vmem>>) semaphore(%run_scoped3A : memref<!tpu.dma_semaphore, #tpu.memory_space<semaphore_mem>>) {add = true}
        %dma_wait3A_72 = arith.constant 0 : i32
        %dma_wait3A_73 = tpu.memref_slice %arg7[%add3A_55, %dma_wait3A_72] : memref<72x128xi32, #tpu.memory_space<vmem>> -> memref<1x128xi32, #tpu.memory_space<vmem>>
        %dma_wait3A_74 = tpu.memref_squeeze %dma_wait3A_73 : memref<1x128xi32, #tpu.memory_space<vmem>> -> memref<128xi32, #tpu.memory_space<vmem>>
        %dma_wait3A_75 = arith.constant 0 : i32
        %dma_wait3A_76 = arith.constant 0 : i32
        %dma_wait3A_77 = tpu.memref_slice %arg9[%dma_wait3A_75, %dma_wait3A_76] : memref<10112x128xf32, #tpu.memory_space<vmem_shared>> -> memref<10112x128xf32, #tpu.memory_space<vmem_shared>>
        tpu.wait_indirect_dma semaphore(%run_scoped3A : memref<!tpu.dma_semaphore, #tpu.memory_space<semaphore_mem>>) src(%arg8 : memref<128x128xf32, #tpu.memory_space<vmem>>) dst(%dma_wait3A_77 : memref<10112x128xf32, #tpu.memory_space<vmem_shared>>)
        tpu.yield
      }) : () -> ()
    }
    %while3A_41 = arith.constant 1 : i32
    scf.for %while3A_53 = %while3A_39 to %while3A_35 step %while3A_41  : i32 {
      %mul3A_54 = arith.muli %while3A_53, %while3A : i32
      %add3A_55 = arith.addi %while3A_32, %mul3A_54 : i32
      %dma_start3A = arith.constant 0 : i32
      %dma_start3A_56 = tpu.memref_slice %arg6[%add3A_55, %dma_start3A] : memref<72x128xi32, #tpu.memory_space<vmem>> -> memref<1x128xi32, #tpu.memory_space<vmem>>
      %dma_start3A_57 = tpu.memref_squeeze %dma_start3A_56 : memref<1x128xi32, #tpu.memory_space<vmem>> -> memref<128xi32, #tpu.memory_space<vmem>>
      %dma_start3A_58 = arith.constant 0 : i32
      %dma_start3A_59 = arith.constant 0 : i32
      %dma_start3A_60 = tpu.memref_slice %arg2[%dma_start3A_58, %dma_start3A_59] : memref<90000x128xf32, #tpu.memory_space<hbm>> -> memref<90000x128xf32, #tpu.memory_space<hbm>>
      tpu.enqueue_indirect_dma source(%dma_start3A_60 : memref<90000x128xf32, #tpu.memory_space<hbm>>) target(%arg8 : memref<128x128xf32, #tpu.memory_space<vmem>>) offsets(%dma_start3A_57 : memref<128xi32, #tpu.memory_space<vmem>>) semaphore(%arg10 : memref<!tpu.dma_semaphore, #tpu.memory_space<semaphore_mem>>)
      %dma_wait3A = arith.constant 0 : i32
      %dma_wait3A_61 = tpu.memref_slice %arg6[%add3A_55, %dma_wait3A] : memref<72x128xi32, #tpu.memory_space<vmem>> -> memref<1x128xi32, #tpu.memory_space<vmem>>
      %dma_wait3A_62 = tpu.memref_squeeze %dma_wait3A_61 : memref<1x128xi32, #tpu.memory_space<vmem>> -> memref<128xi32, #tpu.memory_space<vmem>>
      %dma_wait3A_63 = arith.constant 0 : i32
      %dma_wait3A_64 = arith.constant 0 : i32
      %dma_wait3A_65 = tpu.memref_slice %arg2[%dma_wait3A_63, %dma_wait3A_64] : memref<90000x128xf32, #tpu.memory_space<hbm>> -> memref<90000x128xf32, #tpu.memory_space<hbm>>
      tpu.wait_indirect_dma semaphore(%arg10 : memref<!tpu.dma_semaphore, #tpu.memory_space<semaphore_mem>>) src(%dma_wait3A_65 : memref<90000x128xf32, #tpu.memory_space<hbm>>) dst(%arg8 : memref<128x128xf32, #tpu.memory_space<vmem>>)
      "tpu.region"() ({
        %run_scoped3A = tpu.sem_alloc : memref<!tpu.dma_semaphore, #tpu.memory_space<semaphore_mem>>
        %dma_start3A_66 = arith.constant 0 : i32
        %dma_start3A_67 = tpu.memref_slice %arg7[%add3A_55, %dma_start3A_66] : memref<72x128xi32, #tpu.memory_space<vmem>> -> memref<1x128xi32, #tpu.memory_space<vmem>>
        %dma_start3A_68 = tpu.memref_squeeze %dma_start3A_67 : memref<1x128xi32, #tpu.memory_space<vmem>> -> memref<128xi32, #tpu.memory_space<vmem>>
        %dma_start3A_69 = arith.constant 0 : i32
        %dma_start3A_70 = arith.constant 0 : i32
        %dma_start3A_71 = tpu.memref_slice %arg9[%dma_start3A_69, %dma_start3A_70] : memref<10112x128xf32, #tpu.memory_space<vmem_shared>> -> memref<10112x128xf32, #tpu.memory_space<vmem_shared>>
        tpu.enqueue_indirect_dma source(%arg8 : memref<128x128xf32, #tpu.memory_space<vmem>>) target(%dma_start3A_71 : memref<10112x128xf32, #tpu.memory_space<vmem_shared>>) offsets(%dma_start3A_68 : memref<128xi32, #tpu.memory_space<vmem>>) semaphore(%run_scoped3A : memref<!tpu.dma_semaphore, #tpu.memory_space<semaphore_mem>>) {add = true}
        %dma_wait3A_72 = arith.constant 0 : i32
        %dma_wait3A_73 = tpu.memref_slice %arg7[%add3A_55, %dma_wait3A_72] : memref<72x128xi32, #tpu.memory_space<vmem>> -> memref<1x128xi32, #tpu.memory_space<vmem>>
        %dma_wait3A_74 = tpu.memref_squeeze %dma_wait3A_73 : memref<1x128xi32, #tpu.memory_space<vmem>> -> memref<128xi32, #tpu.memory_space<vmem>>
        %dma_wait3A_75 = arith.constant 0 : i32
        %dma_wait3A_76 = arith.constant 0 : i32
        %dma_wait3A_77 = tpu.memref_slice %arg9[%dma_wait3A_75, %dma_wait3A_76] : memref<10112x128xf32, #tpu.memory_space<vmem_shared>> -> memref<10112x128xf32, #tpu.memory_space<vmem_shared>>
        tpu.wait_indirect_dma semaphore(%run_scoped3A : memref<!tpu.dma_semaphore, #tpu.memory_space<semaphore_mem>>) src(%arg8 : memref<128x128xf32, #tpu.memory_space<vmem>>) dst(%dma_wait3A_77 : memref<10112x128xf32, #tpu.memory_space<vmem_shared>>)
        tpu.yield
      }) : () -> ()
    }
    %barrier3A_42 = arith.constant 0 : index
    tpu.barrier barrier_id(%barrier3A_42)
    %add3A_43 = arith.constant 0 : i32
    %add3A_44 = arith.addi %mul3A_0, %add3A_43 : i32
    "tpu.region"() ({
      %run_scoped3A = tpu.sem_alloc : memref<!tpu.dma_semaphore, #tpu.memory_space<semaphore_mem>>
      %dma_start3A = arith.constant 0 : i32
      %dma_start3A_53 = arith.constant 0 : i32
      %dma_start3A_54 = tpu.memref_slice %arg8[%dma_start3A, %dma_start3A_53] : memref<128x128xf32, #tpu.memory_space<vmem>> -> memref<128x128xf32, #tpu.memory_space<vmem>>
      %dma_start3A_55 = arith.constant 0 : i32
      %dma_start3A_56 = tpu.memref_slice %arg9[%add3A_44, %dma_start3A_55] : memref<10112x128xf32, #tpu.memory_space<vmem_shared>> -> memref<128x128xf32, #tpu.memory_space<vmem_shared>>
      %dma_start3A_57 = arith.constant 0 : i32
      %dma_start3A_58 = arith.constant 0 : i32
      %dma_start3A_59 = tpu.memref_slice %arg8[%dma_start3A_57, %dma_start3A_58] : memref<128x128xf32, #tpu.memory_space<vmem>> -> memref<128x128xf32, #tpu.memory_space<vmem>>
      %dma_start3A_60 = arith.constant 0 : i32
      %dma_start3A_61 = tpu.memref_slice %arg9[%add3A_44, %dma_start3A_60] : memref<10112x128xf32, #tpu.memory_space<vmem_shared>> -> memref<128x128xf32, #tpu.memory_space<vmem_shared>>
      tpu.enqueue_dma source(%dma_start3A_61 : memref<128x128xf32, #tpu.memory_space<vmem_shared>>) target(%dma_start3A_59 : memref<128x128xf32, #tpu.memory_space<vmem>>) target_semaphore(%run_scoped3A : memref<!tpu.dma_semaphore, #tpu.memory_space<semaphore_mem>>)
      %dma_wait3A = arith.constant 0 : i32
      %dma_wait3A_62 = arith.constant 0 : i32
      %dma_wait3A_63 = tpu.memref_slice %arg8[%dma_wait3A, %dma_wait3A_62] : memref<128x128xf32, #tpu.memory_space<vmem>> -> memref<128x128xf32, #tpu.memory_space<vmem>>
      %dma_wait3A_64 = arith.constant 0 : i32
      %dma_wait3A_65 = tpu.memref_slice %arg9[%add3A_44, %dma_wait3A_64] : memref<10112x128xf32, #tpu.memory_space<vmem_shared>> -> memref<128x128xf32, #tpu.memory_space<vmem_shared>>
      %dma_wait3A_66 = arith.constant 0 : i32
      %dma_wait3A_67 = arith.constant 0 : i32
      %dma_wait3A_68 = tpu.memref_slice %arg8[%dma_wait3A_66, %dma_wait3A_67] : memref<128x128xf32, #tpu.memory_space<vmem>> -> memref<128x128xf32, #tpu.memory_space<vmem>>
      %dma_wait3A_69 = arith.constant 0 : i32
      %dma_wait3A_70 = tpu.memref_slice %arg9[%add3A_44, %dma_wait3A_69] : memref<10112x128xf32, #tpu.memory_space<vmem_shared>> -> memref<128x128xf32, #tpu.memory_space<vmem_shared>>
      tpu.wait_dma2 semaphore(%run_scoped3A : memref<!tpu.dma_semaphore, #tpu.memory_space<semaphore_mem>>) src(%dma_wait3A_70 : memref<128x128xf32, #tpu.memory_space<vmem_shared>>) dst(%dma_wait3A_68 : memref<128x128xf32, #tpu.memory_space<vmem>>)
      tpu.yield
    }) : () -> ()
    "tpu.region"() ({
      %run_scoped3A = tpu.sem_alloc : memref<!tpu.dma_semaphore, #tpu.memory_space<semaphore_mem>>
      %dma_start3A = arith.constant 0 : i32
      %dma_start3A_53 = arith.constant 0 : i32
      %dma_start3A_54 = tpu.memref_slice %arg8[%dma_start3A, %dma_start3A_53] : memref<128x128xf32, #tpu.memory_space<vmem>> -> memref<128x128xf32, #tpu.memory_space<vmem>>
      %dma_start3A_55 = arith.constant 0 : i32
      %dma_start3A_56 = tpu.memref_slice %arg5[%arg0, %add3A_44, %dma_start3A_55] : memref<2x10112x128xf32, #tpu.memory_space<hbm>> -> memref<1x128x128xf32, #tpu.memory_space<hbm>>
      %dma_start3A_57 = tpu.memref_squeeze %dma_start3A_56 : memref<1x128x128xf32, #tpu.memory_space<hbm>> -> memref<128x128xf32, #tpu.memory_space<hbm>>
      %dma_start3A_58 = arith.constant 0 : i32
      %dma_start3A_59 = tpu.memref_slice %arg5[%arg0, %add3A_44, %dma_start3A_58] : memref<2x10112x128xf32, #tpu.memory_space<hbm>> -> memref<1x128x128xf32, #tpu.memory_space<hbm>>
      %dma_start3A_60 = tpu.memref_squeeze %dma_start3A_59 : memref<1x128x128xf32, #tpu.memory_space<hbm>> -> memref<128x128xf32, #tpu.memory_space<hbm>>
      %dma_start3A_61 = arith.constant 0 : i32
      %dma_start3A_62 = arith.constant 0 : i32
      %dma_start3A_63 = tpu.memref_slice %arg8[%dma_start3A_61, %dma_start3A_62] : memref<128x128xf32, #tpu.memory_space<vmem>> -> memref<128x128xf32, #tpu.memory_space<vmem>>
      tpu.enqueue_dma source(%dma_start3A_63 : memref<128x128xf32, #tpu.memory_space<vmem>>) target(%dma_start3A_60 : memref<128x128xf32, #tpu.memory_space<hbm>>) target_semaphore(%run_scoped3A : memref<!tpu.dma_semaphore, #tpu.memory_space<semaphore_mem>>)
      %dma_wait3A = arith.constant 0 : i32
      %dma_wait3A_64 = arith.constant 0 : i32
      %dma_wait3A_65 = tpu.memref_slice %arg8[%dma_wait3A, %dma_wait3A_64] : memref<128x128xf32, #tpu.memory_space<vmem>> -> memref<128x128xf32, #tpu.memory_space<vmem>>
      %dma_wait3A_66 = arith.constant 0 : i32
      %dma_wait3A_67 = tpu.memref_slice %arg5[%arg0, %add3A_44, %dma_wait3A_66] : memref<2x10112x128xf32, #tpu.memory_space<hbm>> -> memref<1x128x128xf32, #tpu.memory_space<hbm>>
      %dma_wait3A_68 = tpu.memref_squeeze %dma_wait3A_67 : memref<1x128x128xf32, #tpu.memory_space<hbm>> -> memref<128x128xf32, #tpu.memory_space<hbm>>
      %dma_wait3A_69 = arith.constant 0 : i32
      %dma_wait3A_70 = tpu.memref_slice %arg5[%arg0, %add3A_44, %dma_wait3A_69] : memref<2x10112x128xf32, #tpu.memory_space<hbm>> -> memref<1x128x128xf32, #tpu.memory_space<hbm>>
      %dma_wait3A_71 = tpu.memref_squeeze %dma_wait3A_70 : memref<1x128x128xf32, #tpu.memory_space<hbm>> -> memref<128x128xf32, #tpu.memory_space<hbm>>
      %dma_wait3A_72 = arith.constant 0 : i32
      %dma_wait3A_73 = arith.constant 0 : i32
      %dma_wait3A_74 = tpu.memref_slice %arg8[%dma_wait3A_72, %dma_wait3A_73] : memref<128x128xf32, #tpu.memory_space<vmem>> -> memref<128x128xf32, #tpu.memory_space<vmem>>
      tpu.wait_dma2 semaphore(%run_scoped3A : memref<!tpu.dma_semaphore, #tpu.memory_space<semaphore_mem>>) src(%dma_wait3A_74 : memref<128x128xf32, #tpu.memory_space<vmem>>) dst(%dma_wait3A_71 : memref<128x128xf32, #tpu.memory_space<hbm>>)
      tpu.yield
    }) : () -> ()
    %add3A_45 = arith.constant 128 : i32
    %add3A_46 = arith.addi %mul3A_0, %add3A_45 : i32
    "tpu.region"() ({
      %run_scoped3A = tpu.sem_alloc : memref<!tpu.dma_semaphore, #tpu.memory_space<semaphore_mem>>
      %dma_start3A = arith.constant 0 : i32
      %dma_start3A_53 = arith.constant 0 : i32
      %dma_start3A_54 = tpu.memref_slice %arg8[%dma_start3A, %dma_start3A_53] : memref<128x128xf32, #tpu.memory_space<vmem>> -> memref<128x128xf32, #tpu.memory_space<vmem>>
      %dma_start3A_55 = arith.constant 0 : i32
      %dma_start3A_56 = tpu.memref_slice %arg9[%add3A_46, %dma_start3A_55] : memref<10112x128xf32, #tpu.memory_space<vmem_shared>> -> memref<128x128xf32, #tpu.memory_space<vmem_shared>>
      %dma_start3A_57 = arith.constant 0 : i32
      %dma_start3A_58 = arith.constant 0 : i32
      %dma_start3A_59 = tpu.memref_slice %arg8[%dma_start3A_57, %dma_start3A_58] : memref<128x128xf32, #tpu.memory_space<vmem>> -> memref<128x128xf32, #tpu.memory_space<vmem>>
      %dma_start3A_60 = arith.constant 0 : i32
      %dma_start3A_61 = tpu.memref_slice %arg9[%add3A_46, %dma_start3A_60] : memref<10112x128xf32, #tpu.memory_space<vmem_shared>> -> memref<128x128xf32, #tpu.memory_space<vmem_shared>>
      tpu.enqueue_dma source(%dma_start3A_61 : memref<128x128xf32, #tpu.memory_space<vmem_shared>>) target(%dma_start3A_59 : memref<128x128xf32, #tpu.memory_space<vmem>>) target_semaphore(%run_scoped3A : memref<!tpu.dma_semaphore, #tpu.memory_space<semaphore_mem>>)
      %dma_wait3A = arith.constant 0 : i32
      %dma_wait3A_62 = arith.constant 0 : i32
      %dma_wait3A_63 = tpu.memref_slice %arg8[%dma_wait3A, %dma_wait3A_62] : memref<128x128xf32, #tpu.memory_space<vmem>> -> memref<128x128xf32, #tpu.memory_space<vmem>>
      %dma_wait3A_64 = arith.constant 0 : i32
      %dma_wait3A_65 = tpu.memref_slice %arg9[%add3A_46, %dma_wait3A_64] : memref<10112x128xf32, #tpu.memory_space<vmem_shared>> -> memref<128x128xf32, #tpu.memory_space<vmem_shared>>
      %dma_wait3A_66 = arith.constant 0 : i32
      %dma_wait3A_67 = arith.constant 0 : i32
      %dma_wait3A_68 = tpu.memref_slice %arg8[%dma_wait3A_66, %dma_wait3A_67] : memref<128x128xf32, #tpu.memory_space<vmem>> -> memref<128x128xf32, #tpu.memory_space<vmem>>
      %dma_wait3A_69 = arith.constant 0 : i32
      %dma_wait3A_70 = tpu.memref_slice %arg9[%add3A_46, %dma_wait3A_69] : memref<10112x128xf32, #tpu.memory_space<vmem_shared>> -> memref<128x128xf32, #tpu.memory_space<vmem_shared>>
      tpu.wait_dma2 semaphore(%run_scoped3A : memref<!tpu.dma_semaphore, #tpu.memory_space<semaphore_mem>>) src(%dma_wait3A_70 : memref<128x128xf32, #tpu.memory_space<vmem_shared>>) dst(%dma_wait3A_68 : memref<128x128xf32, #tpu.memory_space<vmem>>)
      tpu.yield
    }) : () -> ()
    "tpu.region"() ({
      %run_scoped3A = tpu.sem_alloc : memref<!tpu.dma_semaphore, #tpu.memory_space<semaphore_mem>>
      %dma_start3A = arith.constant 0 : i32
      %dma_start3A_53 = arith.constant 0 : i32
      %dma_start3A_54 = tpu.memref_slice %arg8[%dma_start3A, %dma_start3A_53] : memref<128x128xf32, #tpu.memory_space<vmem>> -> memref<128x128xf32, #tpu.memory_space<vmem>>
      %dma_start3A_55 = arith.constant 0 : i32
      %dma_start3A_56 = tpu.memref_slice %arg5[%arg0, %add3A_46, %dma_start3A_55] : memref<2x10112x128xf32, #tpu.memory_space<hbm>> -> memref<1x128x128xf32, #tpu.memory_space<hbm>>
      %dma_start3A_57 = tpu.memref_squeeze %dma_start3A_56 : memref<1x128x128xf32, #tpu.memory_space<hbm>> -> memref<128x128xf32, #tpu.memory_space<hbm>>
      %dma_start3A_58 = arith.constant 0 : i32
      %dma_start3A_59 = tpu.memref_slice %arg5[%arg0, %add3A_46, %dma_start3A_58] : memref<2x10112x128xf32, #tpu.memory_space<hbm>> -> memref<1x128x128xf32, #tpu.memory_space<hbm>>
      %dma_start3A_60 = tpu.memref_squeeze %dma_start3A_59 : memref<1x128x128xf32, #tpu.memory_space<hbm>> -> memref<128x128xf32, #tpu.memory_space<hbm>>
      %dma_start3A_61 = arith.constant 0 : i32
      %dma_start3A_62 = arith.constant 0 : i32
      %dma_start3A_63 = tpu.memref_slice %arg8[%dma_start3A_61, %dma_start3A_62] : memref<128x128xf32, #tpu.memory_space<vmem>> -> memref<128x128xf32, #tpu.memory_space<vmem>>
      tpu.enqueue_dma source(%dma_start3A_63 : memref<128x128xf32, #tpu.memory_space<vmem>>) target(%dma_start3A_60 : memref<128x128xf32, #tpu.memory_space<hbm>>) target_semaphore(%run_scoped3A : memref<!tpu.dma_semaphore, #tpu.memory_space<semaphore_mem>>)
      %dma_wait3A = arith.constant 0 : i32
      %dma_wait3A_64 = arith.constant 0 : i32
      %dma_wait3A_65 = tpu.memref_slice %arg8[%dma_wait3A, %dma_wait3A_64] : memref<128x128xf32, #tpu.memory_space<vmem>> -> memref<128x128xf32, #tpu.memory_space<vmem>>
      %dma_wait3A_66 = arith.constant 0 : i32
      %dma_wait3A_67 = tpu.memref_slice %arg5[%arg0, %add3A_46, %dma_wait3A_66] : memref<2x10112x128xf32, #tpu.memory_space<hbm>> -> memref<1x128x128xf32, #tpu.memory_space<hbm>>
      %dma_wait3A_68 = tpu.memref_squeeze %dma_wait3A_67 : memref<1x128x128xf32, #tpu.memory_space<hbm>> -> memref<128x128xf32, #tpu.memory_space<hbm>>
      %dma_wait3A_69 = arith.constant 0 : i32
      %dma_wait3A_70 = tpu.memref_slice %arg5[%arg0, %add3A_46, %dma_wait3A_69] : memref<2x10112x128xf32, #tpu.memory_space<hbm>> -> memref<1x128x128xf32, #tpu.memory_space<hbm>>
      %dma_wait3A_71 = tpu.memref_squeeze %dma_wait3A_70 : memref<1x128x128xf32, #tpu.memory_space<hbm>> -> memref<128x128xf32, #tpu.memory_space<hbm>>
      %dma_wait3A_72 = arith.constant 0 : i32
      %dma_wait3A_73 = arith.constant 0 : i32
      %dma_wait3A_74 = tpu.memref_slice %arg8[%dma_wait3A_72, %dma_wait3A_73] : memref<128x128xf32, #tpu.memory_space<vmem>> -> memref<128x128xf32, #tpu.memory_space<vmem>>
      tpu.wait_dma2 semaphore(%run_scoped3A : memref<!tpu.dma_semaphore, #tpu.memory_space<semaphore_mem>>) src(%dma_wait3A_74 : memref<128x128xf32, #tpu.memory_space<vmem>>) dst(%dma_wait3A_71 : memref<128x128xf32, #tpu.memory_space<hbm>>)
      tpu.yield
    }) : () -> ()
    %add3A_47 = arith.constant 256 : i32
    %add3A_48 = arith.addi %mul3A_0, %add3A_47 : i32
    "tpu.region"() ({
      %run_scoped3A = tpu.sem_alloc : memref<!tpu.dma_semaphore, #tpu.memory_space<semaphore_mem>>
      %dma_start3A = arith.constant 0 : i32
      %dma_start3A_53 = arith.constant 0 : i32
      %dma_start3A_54 = tpu.memref_slice %arg8[%dma_start3A, %dma_start3A_53] : memref<128x128xf32, #tpu.memory_space<vmem>> -> memref<128x128xf32, #tpu.memory_space<vmem>>
      %dma_start3A_55 = arith.constant 0 : i32
      %dma_start3A_56 = tpu.memref_slice %arg9[%add3A_48, %dma_start3A_55] : memref<10112x128xf32, #tpu.memory_space<vmem_shared>> -> memref<128x128xf32, #tpu.memory_space<vmem_shared>>
      %dma_start3A_57 = arith.constant 0 : i32
      %dma_start3A_58 = arith.constant 0 : i32
      %dma_start3A_59 = tpu.memref_slice %arg8[%dma_start3A_57, %dma_start3A_58] : memref<128x128xf32, #tpu.memory_space<vmem>> -> memref<128x128xf32, #tpu.memory_space<vmem>>
      %dma_start3A_60 = arith.constant 0 : i32
      %dma_start3A_61 = tpu.memref_slice %arg9[%add3A_48, %dma_start3A_60] : memref<10112x128xf32, #tpu.memory_space<vmem_shared>> -> memref<128x128xf32, #tpu.memory_space<vmem_shared>>
      tpu.enqueue_dma source(%dma_start3A_61 : memref<128x128xf32, #tpu.memory_space<vmem_shared>>) target(%dma_start3A_59 : memref<128x128xf32, #tpu.memory_space<vmem>>) target_semaphore(%run_scoped3A : memref<!tpu.dma_semaphore, #tpu.memory_space<semaphore_mem>>)
      %dma_wait3A = arith.constant 0 : i32
      %dma_wait3A_62 = arith.constant 0 : i32
      %dma_wait3A_63 = tpu.memref_slice %arg8[%dma_wait3A, %dma_wait3A_62] : memref<128x128xf32, #tpu.memory_space<vmem>> -> memref<128x128xf32, #tpu.memory_space<vmem>>
      %dma_wait3A_64 = arith.constant 0 : i32
      %dma_wait3A_65 = tpu.memref_slice %arg9[%add3A_48, %dma_wait3A_64] : memref<10112x128xf32, #tpu.memory_space<vmem_shared>> -> memref<128x128xf32, #tpu.memory_space<vmem_shared>>
      %dma_wait3A_66 = arith.constant 0 : i32
      %dma_wait3A_67 = arith.constant 0 : i32
      %dma_wait3A_68 = tpu.memref_slice %arg8[%dma_wait3A_66, %dma_wait3A_67] : memref<128x128xf32, #tpu.memory_space<vmem>> -> memref<128x128xf32, #tpu.memory_space<vmem>>
      %dma_wait3A_69 = arith.constant 0 : i32
      %dma_wait3A_70 = tpu.memref_slice %arg9[%add3A_48, %dma_wait3A_69] : memref<10112x128xf32, #tpu.memory_space<vmem_shared>> -> memref<128x128xf32, #tpu.memory_space<vmem_shared>>
      tpu.wait_dma2 semaphore(%run_scoped3A : memref<!tpu.dma_semaphore, #tpu.memory_space<semaphore_mem>>) src(%dma_wait3A_70 : memref<128x128xf32, #tpu.memory_space<vmem_shared>>) dst(%dma_wait3A_68 : memref<128x128xf32, #tpu.memory_space<vmem>>)
      tpu.yield
    }) : () -> ()
    "tpu.region"() ({
      %run_scoped3A = tpu.sem_alloc : memref<!tpu.dma_semaphore, #tpu.memory_space<semaphore_mem>>
      %dma_start3A = arith.constant 0 : i32
      %dma_start3A_53 = arith.constant 0 : i32
      %dma_start3A_54 = tpu.memref_slice %arg8[%dma_start3A, %dma_start3A_53] : memref<128x128xf32, #tpu.memory_space<vmem>> -> memref<128x128xf32, #tpu.memory_space<vmem>>
      %dma_start3A_55 = arith.constant 0 : i32
      %dma_start3A_56 = tpu.memref_slice %arg5[%arg0, %add3A_48, %dma_start3A_55] : memref<2x10112x128xf32, #tpu.memory_space<hbm>> -> memref<1x128x128xf32, #tpu.memory_space<hbm>>
      %dma_start3A_57 = tpu.memref_squeeze %dma_start3A_56 : memref<1x128x128xf32, #tpu.memory_space<hbm>> -> memref<128x128xf32, #tpu.memory_space<hbm>>
      %dma_start3A_58 = arith.constant 0 : i32
      %dma_start3A_59 = tpu.memref_slice %arg5[%arg0, %add3A_48, %dma_start3A_58] : memref<2x10112x128xf32, #tpu.memory_space<hbm>> -> memref<1x128x128xf32, #tpu.memory_space<hbm>>
      %dma_start3A_60 = tpu.memref_squeeze %dma_start3A_59 : memref<1x128x128xf32, #tpu.memory_space<hbm>> -> memref<128x128xf32, #tpu.memory_space<hbm>>
      %dma_start3A_61 = arith.constant 0 : i32
      %dma_start3A_62 = arith.constant 0 : i32
      %dma_start3A_63 = tpu.memref_slice %arg8[%dma_start3A_61, %dma_start3A_62] : memref<128x128xf32, #tpu.memory_space<vmem>> -> memref<128x128xf32, #tpu.memory_space<vmem>>
      tpu.enqueue_dma source(%dma_start3A_63 : memref<128x128xf32, #tpu.memory_space<vmem>>) target(%dma_start3A_60 : memref<128x128xf32, #tpu.memory_space<hbm>>) target_semaphore(%run_scoped3A : memref<!tpu.dma_semaphore, #tpu.memory_space<semaphore_mem>>)
      %dma_wait3A = arith.constant 0 : i32
      %dma_wait3A_64 = arith.constant 0 : i32
      %dma_wait3A_65 = tpu.memref_slice %arg8[%dma_wait3A, %dma_wait3A_64] : memref<128x128xf32, #tpu.memory_space<vmem>> -> memref<128x128xf32, #tpu.memory_space<vmem>>
      %dma_wait3A_66 = arith.constant 0 : i32
      %dma_wait3A_67 = tpu.memref_slice %arg5[%arg0, %add3A_48, %dma_wait3A_66] : memref<2x10112x128xf32, #tpu.memory_space<hbm>> -> memref<1x128x128xf32, #tpu.memory_space<hbm>>
      %dma_wait3A_68 = tpu.memref_squeeze %dma_wait3A_67 : memref<1x128x128xf32, #tpu.memory_space<hbm>> -> memref<128x128xf32, #tpu.memory_space<hbm>>
      %dma_wait3A_69 = arith.constant 0 : i32
      %dma_wait3A_70 = tpu.memref_slice %arg5[%arg0, %add3A_48, %dma_wait3A_69] : memref<2x10112x128xf32, #tpu.memory_space<hbm>> -> memref<1x128x128xf32, #tpu.memory_space<hbm>>
      %dma_wait3A_71 = tpu.memref_squeeze %dma_wait3A_70 : memref<1x128x128xf32, #tpu.memory_space<hbm>> -> memref<128x128xf32, #tpu.memory_space<hbm>>
      %dma_wait3A_72 = arith.constant 0 : i32
      %dma_wait3A_73 = arith.constant 0 : i32
      %dma_wait3A_74 = tpu.memref_slice %arg8[%dma_wait3A_72, %dma_wait3A_73] : memref<128x128xf32, #tpu.memory_space<vmem>> -> memref<128x128xf32, #tpu.memory_space<vmem>>
      tpu.wait_dma2 semaphore(%run_scoped3A : memref<!tpu.dma_semaphore, #tpu.memory_space<semaphore_mem>>) src(%dma_wait3A_74 : memref<128x128xf32, #tpu.memory_space<vmem>>) dst(%dma_wait3A_71 : memref<128x128xf32, #tpu.memory_space<hbm>>)
      tpu.yield
    }) : () -> ()
    %add3A_49 = arith.constant 384 : i32
    %add3A_50 = arith.addi %mul3A_0, %add3A_49 : i32
    "tpu.region"() ({
      %run_scoped3A = tpu.sem_alloc : memref<!tpu.dma_semaphore, #tpu.memory_space<semaphore_mem>>
      %dma_start3A = arith.constant 0 : i32
      %dma_start3A_53 = arith.constant 0 : i32
      %dma_start3A_54 = tpu.memref_slice %arg8[%dma_start3A, %dma_start3A_53] : memref<128x128xf32, #tpu.memory_space<vmem>> -> memref<128x128xf32, #tpu.memory_space<vmem>>
      %dma_start3A_55 = arith.constant 0 : i32
      %dma_start3A_56 = tpu.memref_slice %arg9[%add3A_50, %dma_start3A_55] : memref<10112x128xf32, #tpu.memory_space<vmem_shared>> -> memref<128x128xf32, #tpu.memory_space<vmem_shared>>
      %dma_start3A_57 = arith.constant 0 : i32
      %dma_start3A_58 = arith.constant 0 : i32
      %dma_start3A_59 = tpu.memref_slice %arg8[%dma_start3A_57, %dma_start3A_58] : memref<128x128xf32, #tpu.memory_space<vmem>> -> memref<128x128xf32, #tpu.memory_space<vmem>>
      %dma_start3A_60 = arith.constant 0 : i32
      %dma_start3A_61 = tpu.memref_slice %arg9[%add3A_50, %dma_start3A_60] : memref<10112x128xf32, #tpu.memory_space<vmem_shared>> -> memref<128x128xf32, #tpu.memory_space<vmem_shared>>
      tpu.enqueue_dma source(%dma_start3A_61 : memref<128x128xf32, #tpu.memory_space<vmem_shared>>) target(%dma_start3A_59 : memref<128x128xf32, #tpu.memory_space<vmem>>) target_semaphore(%run_scoped3A : memref<!tpu.dma_semaphore, #tpu.memory_space<semaphore_mem>>)
      %dma_wait3A = arith.constant 0 : i32
      %dma_wait3A_62 = arith.constant 0 : i32
      %dma_wait3A_63 = tpu.memref_slice %arg8[%dma_wait3A, %dma_wait3A_62] : memref<128x128xf32, #tpu.memory_space<vmem>> -> memref<128x128xf32, #tpu.memory_space<vmem>>
      %dma_wait3A_64 = arith.constant 0 : i32
      %dma_wait3A_65 = tpu.memref_slice %arg9[%add3A_50, %dma_wait3A_64] : memref<10112x128xf32, #tpu.memory_space<vmem_shared>> -> memref<128x128xf32, #tpu.memory_space<vmem_shared>>
      %dma_wait3A_66 = arith.constant 0 : i32
      %dma_wait3A_67 = arith.constant 0 : i32
      %dma_wait3A_68 = tpu.memref_slice %arg8[%dma_wait3A_66, %dma_wait3A_67] : memref<128x128xf32, #tpu.memory_space<vmem>> -> memref<128x128xf32, #tpu.memory_space<vmem>>
      %dma_wait3A_69 = arith.constant 0 : i32
      %dma_wait3A_70 = tpu.memref_slice %arg9[%add3A_50, %dma_wait3A_69] : memref<10112x128xf32, #tpu.memory_space<vmem_shared>> -> memref<128x128xf32, #tpu.memory_space<vmem_shared>>
      tpu.wait_dma2 semaphore(%run_scoped3A : memref<!tpu.dma_semaphore, #tpu.memory_space<semaphore_mem>>) src(%dma_wait3A_70 : memref<128x128xf32, #tpu.memory_space<vmem_shared>>) dst(%dma_wait3A_68 : memref<128x128xf32, #tpu.memory_space<vmem>>)
      tpu.yield
    }) : () -> ()
    "tpu.region"() ({
      %run_scoped3A = tpu.sem_alloc : memref<!tpu.dma_semaphore, #tpu.memory_space<semaphore_mem>>
      %dma_start3A = arith.constant 0 : i32
      %dma_start3A_53 = arith.constant 0 : i32
      %dma_start3A_54 = tpu.memref_slice %arg8[%dma_start3A, %dma_start3A_53] : memref<128x128xf32, #tpu.memory_space<vmem>> -> memref<128x128xf32, #tpu.memory_space<vmem>>
      %dma_start3A_55 = arith.constant 0 : i32
      %dma_start3A_56 = tpu.memref_slice %arg5[%arg0, %add3A_50, %dma_start3A_55] : memref<2x10112x128xf32, #tpu.memory_space<hbm>> -> memref<1x128x128xf32, #tpu.memory_space<hbm>>
      %dma_start3A_57 = tpu.memref_squeeze %dma_start3A_56 : memref<1x128x128xf32, #tpu.memory_space<hbm>> -> memref<128x128xf32, #tpu.memory_space<hbm>>
      %dma_start3A_58 = arith.constant 0 : i32
      %dma_start3A_59 = tpu.memref_slice %arg5[%arg0, %add3A_50, %dma_start3A_58] : memref<2x10112x128xf32, #tpu.memory_space<hbm>> -> memref<1x128x128xf32, #tpu.memory_space<hbm>>
      %dma_start3A_60 = tpu.memref_squeeze %dma_start3A_59 : memref<1x128x128xf32, #tpu.memory_space<hbm>> -> memref<128x128xf32, #tpu.memory_space<hbm>>
      %dma_start3A_61 = arith.constant 0 : i32
      %dma_start3A_62 = arith.constant 0 : i32
      %dma_start3A_63 = tpu.memref_slice %arg8[%dma_start3A_61, %dma_start3A_62] : memref<128x128xf32, #tpu.memory_space<vmem>> -> memref<128x128xf32, #tpu.memory_space<vmem>>
      tpu.enqueue_dma source(%dma_start3A_63 : memref<128x128xf32, #tpu.memory_space<vmem>>) target(%dma_start3A_60 : memref<128x128xf32, #tpu.memory_space<hbm>>) target_semaphore(%run_scoped3A : memref<!tpu.dma_semaphore, #tpu.memory_space<semaphore_mem>>)
      %dma_wait3A = arith.constant 0 : i32
      %dma_wait3A_64 = arith.constant 0 : i32
      %dma_wait3A_65 = tpu.memref_slice %arg8[%dma_wait3A, %dma_wait3A_64] : memref<128x128xf32, #tpu.memory_space<vmem>> -> memref<128x128xf32, #tpu.memory_space<vmem>>
      %dma_wait3A_66 = arith.constant 0 : i32
      %dma_wait3A_67 = tpu.memref_slice %arg5[%arg0, %add3A_50, %dma_wait3A_66] : memref<2x10112x128xf32, #tpu.memory_space<hbm>> -> memref<1x128x128xf32, #tpu.memory_space<hbm>>
      %dma_wait3A_68 = tpu.memref_squeeze %dma_wait3A_67 : memref<1x128x128xf32, #tpu.memory_space<hbm>> -> memref<128x128xf32, #tpu.memory_space<hbm>>
      %dma_wait3A_69 = arith.constant 0 : i32
      %dma_wait3A_70 = tpu.memref_slice %arg5[%arg0, %add3A_50, %dma_wait3A_69] : memref<2x10112x128xf32, #tpu.memory_space<hbm>> -> memref<1x128x128xf32, #tpu.memory_space<hbm>>
      %dma_wait3A_71 = tpu.memref_squeeze %dma_wait3A_70 : memref<1x128x128xf32, #tpu.memory_space<hbm>> -> memref<128x128xf32, #tpu.memory_space<hbm>>
      %dma_wait3A_72 = arith.constant 0 : i32
      %dma_wait3A_73 = arith.constant 0 : i32
      %dma_wait3A_74 = tpu.memref_slice %arg8[%dma_wait3A_72, %dma_wait3A_73] : memref<128x128xf32, #tpu.memory_space<vmem>> -> memref<128x128xf32, #tpu.memory_space<vmem>>
      tpu.wait_dma2 semaphore(%run_scoped3A : memref<!tpu.dma_semaphore, #tpu.memory_space<semaphore_mem>>) src(%dma_wait3A_74 : memref<128x128xf32, #tpu.memory_space<vmem>>) dst(%dma_wait3A_71 : memref<128x128xf32, #tpu.memory_space<hbm>>)
      tpu.yield
    }) : () -> ()
    %add3A_51 = arith.constant 512 : i32
    %add3A_52 = arith.addi %mul3A_0, %add3A_51 : i32
    "tpu.region"() ({
      %run_scoped3A = tpu.sem_alloc : memref<!tpu.dma_semaphore, #tpu.memory_space<semaphore_mem>>
      %dma_start3A = arith.constant 0 : i32
      %dma_start3A_53 = arith.constant 0 : i32
      %dma_start3A_54 = tpu.memref_slice %arg8[%dma_start3A, %dma_start3A_53] : memref<128x128xf32, #tpu.memory_space<vmem>> -> memref<120x128xf32, #tpu.memory_space<vmem>>
      %dma_start3A_55 = arith.constant 0 : i32
      %dma_start3A_56 = tpu.memref_slice %arg9[%add3A_52, %dma_start3A_55] : memref<10112x128xf32, #tpu.memory_space<vmem_shared>> -> memref<120x128xf32, #tpu.memory_space<vmem_shared>>
      %dma_start3A_57 = arith.constant 0 : i32
      %dma_start3A_58 = arith.constant 0 : i32
      %dma_start3A_59 = tpu.memref_slice %arg8[%dma_start3A_57, %dma_start3A_58] : memref<128x128xf32, #tpu.memory_space<vmem>> -> memref<120x128xf32, #tpu.memory_space<vmem>>
      %dma_start3A_60 = arith.constant 0 : i32
      %dma_start3A_61 = tpu.memref_slice %arg9[%add3A_52, %dma_start3A_60] : memref<10112x128xf32, #tpu.memory_space<vmem_shared>> -> memref<120x128xf32, #tpu.memory_space<vmem_shared>>
      tpu.enqueue_dma source(%dma_start3A_61 : memref<120x128xf32, #tpu.memory_space<vmem_shared>>) target(%dma_start3A_59 : memref<120x128xf32, #tpu.memory_space<vmem>>) target_semaphore(%run_scoped3A : memref<!tpu.dma_semaphore, #tpu.memory_space<semaphore_mem>>)
      %dma_wait3A = arith.constant 0 : i32
      %dma_wait3A_62 = arith.constant 0 : i32
      %dma_wait3A_63 = tpu.memref_slice %arg8[%dma_wait3A, %dma_wait3A_62] : memref<128x128xf32, #tpu.memory_space<vmem>> -> memref<120x128xf32, #tpu.memory_space<vmem>>
      %dma_wait3A_64 = arith.constant 0 : i32
      %dma_wait3A_65 = tpu.memref_slice %arg9[%add3A_52, %dma_wait3A_64] : memref<10112x128xf32, #tpu.memory_space<vmem_shared>> -> memref<120x128xf32, #tpu.memory_space<vmem_shared>>
      %dma_wait3A_66 = arith.constant 0 : i32
      %dma_wait3A_67 = arith.constant 0 : i32
      %dma_wait3A_68 = tpu.memref_slice %arg8[%dma_wait3A_66, %dma_wait3A_67] : memref<128x128xf32, #tpu.memory_space<vmem>> -> memref<120x128xf32, #tpu.memory_space<vmem>>
      %dma_wait3A_69 = arith.constant 0 : i32
      %dma_wait3A_70 = tpu.memref_slice %arg9[%add3A_52, %dma_wait3A_69] : memref<10112x128xf32, #tpu.memory_space<vmem_shared>> -> memref<120x128xf32, #tpu.memory_space<vmem_shared>>
      tpu.wait_dma2 semaphore(%run_scoped3A : memref<!tpu.dma_semaphore, #tpu.memory_space<semaphore_mem>>) src(%dma_wait3A_70 : memref<120x128xf32, #tpu.memory_space<vmem_shared>>) dst(%dma_wait3A_68 : memref<120x128xf32, #tpu.memory_space<vmem>>)
      tpu.yield
    }) : () -> ()
    "tpu.region"() ({
      %run_scoped3A = tpu.sem_alloc : memref<!tpu.dma_semaphore, #tpu.memory_space<semaphore_mem>>
      %dma_start3A = arith.constant 0 : i32
      %dma_start3A_53 = arith.constant 0 : i32
      %dma_start3A_54 = tpu.memref_slice %arg8[%dma_start3A, %dma_start3A_53] : memref<128x128xf32, #tpu.memory_space<vmem>> -> memref<120x128xf32, #tpu.memory_space<vmem>>
      %dma_start3A_55 = arith.constant 0 : i32
      %dma_start3A_56 = tpu.memref_slice %arg5[%arg0, %add3A_52, %dma_start3A_55] : memref<2x10112x128xf32, #tpu.memory_space<hbm>> -> memref<1x120x128xf32, #tpu.memory_space<hbm>>
      %dma_start3A_57 = tpu.memref_squeeze %dma_start3A_56 : memref<1x120x128xf32, #tpu.memory_space<hbm>> -> memref<120x128xf32, #tpu.memory_space<hbm>>
      %dma_start3A_58 = arith.constant 0 : i32
      %dma_start3A_59 = tpu.memref_slice %arg5[%arg0, %add3A_52, %dma_start3A_58] : memref<2x10112x128xf32, #tpu.memory_space<hbm>> -> memref<1x120x128xf32, #tpu.memory_space<hbm>>
      %dma_start3A_60 = tpu.memref_squeeze %dma_start3A_59 : memref<1x120x128xf32, #tpu.memory_space<hbm>> -> memref<120x128xf32, #tpu.memory_space<hbm>>
      %dma_start3A_61 = arith.constant 0 : i32
      %dma_start3A_62 = arith.constant 0 : i32
      %dma_start3A_63 = tpu.memref_slice %arg8[%dma_start3A_61, %dma_start3A_62] : memref<128x128xf32, #tpu.memory_space<vmem>> -> memref<120x128xf32, #tpu.memory_space<vmem>>
      tpu.enqueue_dma source(%dma_start3A_63 : memref<120x128xf32, #tpu.memory_space<vmem>>) target(%dma_start3A_60 : memref<120x128xf32, #tpu.memory_space<hbm>>) target_semaphore(%run_scoped3A : memref<!tpu.dma_semaphore, #tpu.memory_space<semaphore_mem>>)
      %dma_wait3A = arith.constant 0 : i32
      %dma_wait3A_64 = arith.constant 0 : i32
      %dma_wait3A_65 = tpu.memref_slice %arg8[%dma_wait3A, %dma_wait3A_64] : memref<128x128xf32, #tpu.memory_space<vmem>> -> memref<120x128xf32, #tpu.memory_space<vmem>>
      %dma_wait3A_66 = arith.constant 0 : i32
      %dma_wait3A_67 = tpu.memref_slice %arg5[%arg0, %add3A_52, %dma_wait3A_66] : memref<2x10112x128xf32, #tpu.memory_space<hbm>> -> memref<1x120x128xf32, #tpu.memory_space<hbm>>
      %dma_wait3A_68 = tpu.memref_squeeze %dma_wait3A_67 : memref<1x120x128xf32, #tpu.memory_space<hbm>> -> memref<120x128xf32, #tpu.memory_space<hbm>>
      %dma_wait3A_69 = arith.constant 0 : i32
      %dma_wait3A_70 = tpu.memref_slice %arg5[%arg0, %add3A_52, %dma_wait3A_69] : memref<2x10112x128xf32, #tpu.memory_space<hbm>> -> memref<1x120x128xf32, #tpu.memory_space<hbm>>
      %dma_wait3A_71 = tpu.memref_squeeze %dma_wait3A_70 : memref<1x120x128xf32, #tpu.memory_space<hbm>> -> memref<120x128xf32, #tpu.memory_space<hbm>>
      %dma_wait3A_72 = arith.constant 0 : i32
      %dma_wait3A_73 = arith.constant 0 : i32
      %dma_wait3A_74 = tpu.memref_slice %arg8[%dma_wait3A_72, %dma_wait3A_73] : memref<128x128xf32, #tpu.memory_space<vmem>> -> memref<120x128xf32, #tpu.memory_space<vmem>>
      tpu.wait_dma2 semaphore(%run_scoped3A : memref<!tpu.dma_semaphore, #tpu.memory_space<semaphore_mem>>) src(%dma_wait3A_74 : memref<120x128xf32, #tpu.memory_space<vmem>>) dst(%dma_wait3A_71 : memref<120x128xf32, #tpu.memory_space<hbm>>)
      tpu.yield
    }) : () -> ()
    return
  }
}

#map = affine_map<(d0, d1) -> (0, 0)>
#map1 = affine_map<(d0, d1) -> (0, 0, 0)>
module attributes {stable_mosaic.version = 14 : i64} {
  func.func @sc_rgcn_agg(%arg0: i32, %arg1: i32, %arg2: memref<90000x128xf32, #tpu.memory_space<hbm>>, %arg3: memref<1280x128xi32, #tpu.memory_space<hbm>>, %arg4: memref<1280x128xi32, #tpu.memory_space<hbm>>, %arg5: memref<2x10112x128xf32, #tpu.memory_space<hbm>>, %arg6: memref<72x128xi32, #tpu.memory_space<vmem>>, %arg7: memref<72x128xi32, #tpu.memory_space<vmem>>, %arg8: memref<128x128xf32, #tpu.memory_space<vmem>>, %arg9: memref<10112x128xf32, #tpu.memory_space<vmem_shared>>, %arg10: memref<!tpu.dma_semaphore, #tpu.memory_space<semaphore_mem>>) attributes {dimension_semantics = [#tpu.dimension_semantics<core_parallel>, #tpu.dimension_semantics<subcore_parallel>], iteration_bounds = array<i64: 2, 16>, scalar_prefetch = 0 : i64, scratch_operands = 5 : i64, tpu.core_type = #tpu.core_type<sc_vector_subcore>, window_params = [{transform_indices = #map}, {transform_indices = #map}, {transform_indices = #map}, {transform_indices = #map1}]} {
    %mul3A = arith.constant 632 : i32
    %mul3A_0 = arith.muli %arg1, %mul3A : i32
    %eq3A = arith.constant 0 : i32
    %eq3A_1 = arith.cmpi eq, %arg0, %eq3A : i32
    %convert_element_type3A = arith.extui %eq3A_1 : i1 to i32
    %cond3A = arith.constant 0 : i32
    %cond3A_2 = arith.cmpi ne, %convert_element_type3A, %cond3A : i32
    scf.if %cond3A_2 {
      %mul3A_53 = arith.constant 72 : i32
      %mul3A_54 = arith.muli %arg1, %mul3A_53 : i32
      "tpu.region"() ({
        %run_scoped3A = tpu.sem_alloc : memref<!tpu.dma_semaphore, #tpu.memory_space<semaphore_mem>>
        %dma_start3A = arith.constant 0 : i32
        %dma_start3A_57 = arith.constant 0 : i32
        %dma_start3A_58 = tpu.memref_slice %arg6[%dma_start3A, %dma_start3A_57] : memref<72x128xi32, #tpu.memory_space<vmem>> -> memref<72x128xi32, #tpu.memory_space<vmem>>
        %dma_start3A_59 = arith.constant 0 : i32
        %dma_start3A_60 = tpu.memref_slice %arg3[%mul3A_54, %dma_start3A_59] : memref<1280x128xi32, #tpu.memory_space<hbm>> -> memref<72x128xi32, #tpu.memory_space<hbm>>
        %dma_start3A_61 = arith.constant 0 : i32
        %dma_start3A_62 = arith.constant 0 : i32
        %dma_start3A_63 = tpu.memref_slice %arg6[%dma_start3A_61, %dma_start3A_62] : memref<72x128xi32, #tpu.memory_space<vmem>> -> memref<72x128xi32, #tpu.memory_space<vmem>>
        %dma_start3A_64 = arith.constant 0 : i32
        %dma_start3A_65 = tpu.memref_slice %arg3[%mul3A_54, %dma_start3A_64] : memref<1280x128xi32, #tpu.memory_space<hbm>> -> memref<72x128xi32, #tpu.memory_space<hbm>>
        tpu.enqueue_dma source(%dma_start3A_65 : memref<72x128xi32, #tpu.memory_space<hbm>>) target(%dma_start3A_63 : memref<72x128xi32, #tpu.memory_space<vmem>>) target_semaphore(%run_scoped3A : memref<!tpu.dma_semaphore, #tpu.memory_space<semaphore_mem>>)
        %dma_wait3A = arith.constant 0 : i32
        %dma_wait3A_66 = arith.constant 0 : i32
        %dma_wait3A_67 = tpu.memref_slice %arg6[%dma_wait3A, %dma_wait3A_66] : memref<72x128xi32, #tpu.memory_space<vmem>> -> memref<72x128xi32, #tpu.memory_space<vmem>>
        %dma_wait3A_68 = arith.constant 0 : i32
        %dma_wait3A_69 = tpu.memref_slice %arg3[%mul3A_54, %dma_wait3A_68] : memref<1280x128xi32, #tpu.memory_space<hbm>> -> memref<72x128xi32, #tpu.memory_space<hbm>>
        %dma_wait3A_70 = arith.constant 0 : i32
        %dma_wait3A_71 = arith.constant 0 : i32
        %dma_wait3A_72 = tpu.memref_slice %arg6[%dma_wait3A_70, %dma_wait3A_71] : memref<72x128xi32, #tpu.memory_space<vmem>> -> memref<72x128xi32, #tpu.memory_space<vmem>>
        %dma_wait3A_73 = arith.constant 0 : i32
        %dma_wait3A_74 = tpu.memref_slice %arg3[%mul3A_54, %dma_wait3A_73] : memref<1280x128xi32, #tpu.memory_space<hbm>> -> memref<72x128xi32, #tpu.memory_space<hbm>>
        tpu.wait_dma2 semaphore(%run_scoped3A : memref<!tpu.dma_semaphore, #tpu.memory_space<semaphore_mem>>) src(%dma_wait3A_74 : memref<72x128xi32, #tpu.memory_space<hbm>>) dst(%dma_wait3A_72 : memref<72x128xi32, #tpu.memory_space<vmem>>)
        tpu.yield
      }) : () -> ()
      %mul3A_55 = arith.constant 72 : i32
      %mul3A_56 = arith.muli %arg1, %mul3A_55 : i32
      "tpu.region"() ({
        %run_scoped3A = tpu.sem_alloc : memref<!tpu.dma_semaphore, #tpu.memory_space<semaphore_mem>>
        %dma_start3A = arith.constant 0 : i32
        %dma_start3A_57 = arith.constant 0 : i32
        %dma_start3A_58 = tpu.memref_slice %arg7[%dma_start3A, %dma_start3A_57] : memref<72x128xi32, #tpu.memory_space<vmem>> -> memref<72x128xi32, #tpu.memory_space<vmem>>
        %dma_start3A_59 = arith.constant 0 : i32
        %dma_start3A_60 = tpu.memref_slice %arg4[%mul3A_56, %dma_start3A_59] : memref<1280x128xi32, #tpu.memory_space<hbm>> -> memref<72x128xi32, #tpu.memory_space<hbm>>
        %dma_start3A_61 = arith.constant 0 : i32
        %dma_start3A_62 = arith.constant 0 : i32
        %dma_start3A_63 = tpu.memref_slice %arg7[%dma_start3A_61, %dma_start3A_62] : memref<72x128xi32, #tpu.memory_space<vmem>> -> memref<72x128xi32, #tpu.memory_space<vmem>>
        %dma_start3A_64 = arith.constant 0 : i32
        %dma_start3A_65 = tpu.memref_slice %arg4[%mul3A_56, %dma_start3A_64] : memref<1280x128xi32, #tpu.memory_space<hbm>> -> memref<72x128xi32, #tpu.memory_space<hbm>>
        tpu.enqueue_dma source(%dma_start3A_65 : memref<72x128xi32, #tpu.memory_space<hbm>>) target(%dma_start3A_63 : memref<72x128xi32, #tpu.memory_space<vmem>>) target_semaphore(%run_scoped3A : memref<!tpu.dma_semaphore, #tpu.memory_space<semaphore_mem>>)
        %dma_wait3A = arith.constant 0 : i32
        %dma_wait3A_66 = arith.constant 0 : i32
        %dma_wait3A_67 = tpu.memref_slice %arg7[%dma_wait3A, %dma_wait3A_66] : memref<72x128xi32, #tpu.memory_space<vmem>> -> memref<72x128xi32, #tpu.memory_space<vmem>>
        %dma_wait3A_68 = arith.constant 0 : i32
        %dma_wait3A_69 = tpu.memref_slice %arg4[%mul3A_56, %dma_wait3A_68] : memref<1280x128xi32, #tpu.memory_space<hbm>> -> memref<72x128xi32, #tpu.memory_space<hbm>>
        %dma_wait3A_70 = arith.constant 0 : i32
        %dma_wait3A_71 = arith.constant 0 : i32
        %dma_wait3A_72 = tpu.memref_slice %arg7[%dma_wait3A_70, %dma_wait3A_71] : memref<72x128xi32, #tpu.memory_space<vmem>> -> memref<72x128xi32, #tpu.memory_space<vmem>>
        %dma_wait3A_73 = arith.constant 0 : i32
        %dma_wait3A_74 = tpu.memref_slice %arg4[%mul3A_56, %dma_wait3A_73] : memref<1280x128xi32, #tpu.memory_space<hbm>> -> memref<72x128xi32, #tpu.memory_space<hbm>>
        tpu.wait_dma2 semaphore(%run_scoped3A : memref<!tpu.dma_semaphore, #tpu.memory_space<semaphore_mem>>) src(%dma_wait3A_74 : memref<72x128xi32, #tpu.memory_space<hbm>>) dst(%dma_wait3A_72 : memref<72x128xi32, #tpu.memory_space<vmem>>)
        tpu.yield
      }) : () -> ()
    } else {
    }
    %eq3A_3 = arith.constant 1 : i32
    %eq3A_4 = arith.cmpi eq, %arg0, %eq3A_3 : i32
    %convert_element_type3A_5 = arith.extui %eq3A_4 : i1 to i32
    %cond3A_6 = arith.constant 0 : i32
    %cond3A_7 = arith.cmpi ne, %convert_element_type3A_5, %cond3A_6 : i32
    scf.if %cond3A_7 {
      %mul3A_53 = arith.constant 8 : i32
      %mul3A_54 = arith.muli %arg1, %mul3A_53 : i32
      %add3A_55 = arith.constant 1152 : i32
      %add3A_56 = arith.addi %add3A_55, %mul3A_54 : i32
      "tpu.region"() ({
        %run_scoped3A = tpu.sem_alloc : memref<!tpu.dma_semaphore, #tpu.memory_space<semaphore_mem>>
        %dma_start3A = arith.constant 0 : i32
        %dma_start3A_61 = arith.constant 0 : i32
        %dma_start3A_62 = tpu.memref_slice %arg6[%dma_start3A, %dma_start3A_61] : memref<72x128xi32, #tpu.memory_space<vmem>> -> memref<8x128xi32, #tpu.memory_space<vmem>>
        %dma_start3A_63 = arith.constant 0 : i32
        %dma_start3A_64 = tpu.memref_slice %arg3[%add3A_56, %dma_start3A_63] : memref<1280x128xi32, #tpu.memory_space<hbm>> -> memref<8x128xi32, #tpu.memory_space<hbm>>
        %dma_start3A_65 = arith.constant 0 : i32
        %dma_start3A_66 = arith.constant 0 : i32
        %dma_start3A_67 = tpu.memref_slice %arg6[%dma_start3A_65, %dma_start3A_66] : memref<72x128xi32, #tpu.memory_space<vmem>> -> memref<8x128xi32, #tpu.memory_space<vmem>>
        %dma_start3A_68 = arith.constant 0 : i32
        %dma_start3A_69 = tpu.memref_slice %arg3[%add3A_56, %dma_start3A_68] : memref<1280x128xi32, #tpu.memory_space<hbm>> -> memref<8x128xi32, #tpu.memory_space<hbm>>
        tpu.enqueue_dma source(%dma_start3A_69 : memref<8x128xi32, #tpu.memory_space<hbm>>) target(%dma_start3A_67 : memref<8x128xi32, #tpu.memory_space<vmem>>) target_semaphore(%run_scoped3A : memref<!tpu.dma_semaphore, #tpu.memory_space<semaphore_mem>>)
        %dma_wait3A = arith.constant 0 : i32
        %dma_wait3A_70 = arith.constant 0 : i32
        %dma_wait3A_71 = tpu.memref_slice %arg6[%dma_wait3A, %dma_wait3A_70] : memref<72x128xi32, #tpu.memory_space<vmem>> -> memref<8x128xi32, #tpu.memory_space<vmem>>
        %dma_wait3A_72 = arith.constant 0 : i32
        %dma_wait3A_73 = tpu.memref_slice %arg3[%add3A_56, %dma_wait3A_72] : memref<1280x128xi32, #tpu.memory_space<hbm>> -> memref<8x128xi32, #tpu.memory_space<hbm>>
        %dma_wait3A_74 = arith.constant 0 : i32
        %dma_wait3A_75 = arith.constant 0 : i32
        %dma_wait3A_76 = tpu.memref_slice %arg6[%dma_wait3A_74, %dma_wait3A_75] : memref<72x128xi32, #tpu.memory_space<vmem>> -> memref<8x128xi32, #tpu.memory_space<vmem>>
        %dma_wait3A_77 = arith.constant 0 : i32
        %dma_wait3A_78 = tpu.memref_slice %arg3[%add3A_56, %dma_wait3A_77] : memref<1280x128xi32, #tpu.memory_space<hbm>> -> memref<8x128xi32, #tpu.memory_space<hbm>>
        tpu.wait_dma2 semaphore(%run_scoped3A : memref<!tpu.dma_semaphore, #tpu.memory_space<semaphore_mem>>) src(%dma_wait3A_78 : memref<8x128xi32, #tpu.memory_space<hbm>>) dst(%dma_wait3A_76 : memref<8x128xi32, #tpu.memory_space<vmem>>)
        tpu.yield
      }) : () -> ()
      %mul3A_57 = arith.constant 8 : i32
      %mul3A_58 = arith.muli %arg1, %mul3A_57 : i32
      %add3A_59 = arith.constant 1152 : i32
      %add3A_60 = arith.addi %add3A_59, %mul3A_58 : i32
      "tpu.region"() ({
        %run_scoped3A = tpu.sem_alloc : memref<!tpu.dma_semaphore, #tpu.memory_space<semaphore_mem>>
        %dma_start3A = arith.constant 0 : i32
        %dma_start3A_61 = arith.constant 0 : i32
        %dma_start3A_62 = tpu.memref_slice %arg7[%dma_start3A, %dma_start3A_61] : memref<72x128xi32, #tpu.memory_space<vmem>> -> memref<8x128xi32, #tpu.memory_space<vmem>>
        %dma_start3A_63 = arith.constant 0 : i32
        %dma_start3A_64 = tpu.memref_slice %arg4[%add3A_60, %dma_start3A_63] : memref<1280x128xi32, #tpu.memory_space<hbm>> -> memref<8x128xi32, #tpu.memory_space<hbm>>
        %dma_start3A_65 = arith.constant 0 : i32
        %dma_start3A_66 = arith.constant 0 : i32
        %dma_start3A_67 = tpu.memref_slice %arg7[%dma_start3A_65, %dma_start3A_66] : memref<72x128xi32, #tpu.memory_space<vmem>> -> memref<8x128xi32, #tpu.memory_space<vmem>>
        %dma_start3A_68 = arith.constant 0 : i32
        %dma_start3A_69 = tpu.memref_slice %arg4[%add3A_60, %dma_start3A_68] : memref<1280x128xi32, #tpu.memory_space<hbm>> -> memref<8x128xi32, #tpu.memory_space<hbm>>
        tpu.enqueue_dma source(%dma_start3A_69 : memref<8x128xi32, #tpu.memory_space<hbm>>) target(%dma_start3A_67 : memref<8x128xi32, #tpu.memory_space<vmem>>) target_semaphore(%run_scoped3A : memref<!tpu.dma_semaphore, #tpu.memory_space<semaphore_mem>>)
        %dma_wait3A = arith.constant 0 : i32
        %dma_wait3A_70 = arith.constant 0 : i32
        %dma_wait3A_71 = tpu.memref_slice %arg7[%dma_wait3A, %dma_wait3A_70] : memref<72x128xi32, #tpu.memory_space<vmem>> -> memref<8x128xi32, #tpu.memory_space<vmem>>
        %dma_wait3A_72 = arith.constant 0 : i32
        %dma_wait3A_73 = tpu.memref_slice %arg4[%add3A_60, %dma_wait3A_72] : memref<1280x128xi32, #tpu.memory_space<hbm>> -> memref<8x128xi32, #tpu.memory_space<hbm>>
        %dma_wait3A_74 = arith.constant 0 : i32
        %dma_wait3A_75 = arith.constant 0 : i32
        %dma_wait3A_76 = tpu.memref_slice %arg7[%dma_wait3A_74, %dma_wait3A_75] : memref<72x128xi32, #tpu.memory_space<vmem>> -> memref<8x128xi32, #tpu.memory_space<vmem>>
        %dma_wait3A_77 = arith.constant 0 : i32
        %dma_wait3A_78 = tpu.memref_slice %arg4[%add3A_60, %dma_wait3A_77] : memref<1280x128xi32, #tpu.memory_space<hbm>> -> memref<8x128xi32, #tpu.memory_space<hbm>>
        tpu.wait_dma2 semaphore(%run_scoped3A : memref<!tpu.dma_semaphore, #tpu.memory_space<semaphore_mem>>) src(%dma_wait3A_78 : memref<8x128xi32, #tpu.memory_space<hbm>>) dst(%dma_wait3A_76 : memref<8x128xi32, #tpu.memory_space<vmem>>)
        tpu.yield
      }) : () -> ()
    } else {
    }
    %eq3A_8 = arith.constant 0 : i32
    %eq3A_9 = arith.cmpi eq, %arg0, %eq3A_8 : i32
    %jit3A = arith.constant 72 : i32
    %jit3A_10 = arith.constant 8 : i32
    %select_n3A = arith.select %eq3A_9, %jit3A, %jit3A_10 : i32
    %broadcast_in_dim3A = arith.constant 0.000000e+00 : f32
    %broadcast_in_dim3A_11 = vector.broadcast %broadcast_in_dim3A : f32 to vector<16xf32>
    %scan3A = arith.constant 0 : i32
    %scan3A_12 = arith.constant 0 : i32
    %scan3A_13 = arith.constant 128 : i32
    %scan3A_14 = arith.addi %scan3A_12, %scan3A_13 : i32
    %scan3A_15 = arith.constant 1 : i32
    scf.for %scan3A_53 = %scan3A_12 to %scan3A_14 step %scan3A_15  : i32 {
      %swap3A = arith.index_cast %scan3A_53 : i32 to index
      %swap3A_54 = arith.constant 0 : index
      %swap3A_55 = tpu.vector_load %arg8[%swap3A, %swap3A_54] {strides = array<i32>} : memref<128x128xf32, #tpu.memory_space<vmem>>, vector<1x16xf32>,
      %swap3A_56 = vector.shape_cast %swap3A_55 : vector<1x16xf32> to vector<16xf32>
      %swap3A_57 = vector.shape_cast %broadcast_in_dim3A_11 : vector<16xf32> to vector<1x16xf32>
      tpu.vector_store %arg8[%swap3A, %swap3A_54], %swap3A_57 {strides = array<i32>} : memref<128x128xf32, #tpu.memory_space<vmem>>, vector<1x16xf32>,
      %swap3A_58 = arith.index_cast %scan3A_53 : i32 to index
      %swap3A_59 = arith.constant 16 : index
      %swap3A_60 = tpu.vector_load %arg8[%swap3A_58, %swap3A_59] {strides = array<i32>} : memref<128x128xf32, #tpu.memory_space<vmem>>, vector<1x16xf32>,
      %swap3A_61 = vector.shape_cast %swap3A_60 : vector<1x16xf32> to vector<16xf32>
      %swap3A_62 = vector.shape_cast %broadcast_in_dim3A_11 : vector<16xf32> to vector<1x16xf32>
      tpu.vector_store %arg8[%swap3A_58, %swap3A_59], %swap3A_62 {strides = array<i32>} : memref<128x128xf32, #tpu.memory_space<vmem>>, vector<1x16xf32>,
      %swap3A_63 = arith.index_cast %scan3A_53 : i32 to index
      %swap3A_64 = arith.constant 32 : index
      %swap3A_65 = tpu.vector_load %arg8[%swap3A_63, %swap3A_64] {strides = array<i32>} : memref<128x128xf32, #tpu.memory_space<vmem>>, vector<1x16xf32>,
      %swap3A_66 = vector.shape_cast %swap3A_65 : vector<1x16xf32> to vector<16xf32>
      %swap3A_67 = vector.shape_cast %broadcast_in_dim3A_11 : vector<16xf32> to vector<1x16xf32>
      tpu.vector_store %arg8[%swap3A_63, %swap3A_64], %swap3A_67 {strides = array<i32>} : memref<128x128xf32, #tpu.memory_space<vmem>>, vector<1x16xf32>,
      %swap3A_68 = arith.index_cast %scan3A_53 : i32 to index
      %swap3A_69 = arith.constant 48 : index
      %swap3A_70 = tpu.vector_load %arg8[%swap3A_68, %swap3A_69] {strides = array<i32>} : memref<128x128xf32, #tpu.memory_space<vmem>>, vector<1x16xf32>,
      %swap3A_71 = vector.shape_cast %swap3A_70 : vector<1x16xf32> to vector<16xf32>
      %swap3A_72 = vector.shape_cast %broadcast_in_dim3A_11 : vector<16xf32> to vector<1x16xf32>
      tpu.vector_store %arg8[%swap3A_68, %swap3A_69], %swap3A_72 {strides = array<i32>} : memref<128x128xf32, #tpu.memory_space<vmem>>, vector<1x16xf32>,
      %swap3A_73 = arith.index_cast %scan3A_53 : i32 to index
      %swap3A_74 = arith.constant 64 : index
      %swap3A_75 = tpu.vector_load %arg8[%swap3A_73, %swap3A_74] {strides = array<i32>} : memref<128x128xf32, #tpu.memory_space<vmem>>, vector<1x16xf32>,
      %swap3A_76 = vector.shape_cast %swap3A_75 : vector<1x16xf32> to vector<16xf32>
      %swap3A_77 = vector.shape_cast %broadcast_in_dim3A_11 : vector<16xf32> to vector<1x16xf32>
      tpu.vector_store %arg8[%swap3A_73, %swap3A_74], %swap3A_77 {strides = array<i32>} : memref<128x128xf32, #tpu.memory_space<vmem>>, vector<1x16xf32>,
      %swap3A_78 = arith.index_cast %scan3A_53 : i32 to index
      %swap3A_79 = arith.constant 80 : index
      %swap3A_80 = tpu.vector_load %arg8[%swap3A_78, %swap3A_79] {strides = array<i32>} : memref<128x128xf32, #tpu.memory_space<vmem>>, vector<1x16xf32>,
      %swap3A_81 = vector.shape_cast %swap3A_80 : vector<1x16xf32> to vector<16xf32>
      %swap3A_82 = vector.shape_cast %broadcast_in_dim3A_11 : vector<16xf32> to vector<1x16xf32>
      tpu.vector_store %arg8[%swap3A_78, %swap3A_79], %swap3A_82 {strides = array<i32>} : memref<128x128xf32, #tpu.memory_space<vmem>>, vector<1x16xf32>,
      %swap3A_83 = arith.index_cast %scan3A_53 : i32 to index
      %swap3A_84 = arith.constant 96 : index
      %swap3A_85 = tpu.vector_load %arg8[%swap3A_83, %swap3A_84] {strides = array<i32>} : memref<128x128xf32, #tpu.memory_space<vmem>>, vector<1x16xf32>,
      %swap3A_86 = vector.shape_cast %swap3A_85 : vector<1x16xf32> to vector<16xf32>
      %swap3A_87 = vector.shape_cast %broadcast_in_dim3A_11 : vector<16xf32> to vector<1x16xf32>
      tpu.vector_store %arg8[%swap3A_83, %swap3A_84], %swap3A_87 {strides = array<i32>} : memref<128x128xf32, #tpu.memory_space<vmem>>, vector<1x16xf32>,
      %swap3A_88 = arith.index_cast %scan3A_53 : i32 to index
      %swap3A_89 = arith.constant 112 : index
      %swap3A_90 = tpu.vector_load %arg8[%swap3A_88, %swap3A_89] {strides = array<i32>} : memref<128x128xf32, #tpu.memory_space<vmem>>, vector<1x16xf32>,
      %swap3A_91 = vector.shape_cast %swap3A_90 : vector<1x16xf32> to vector<16xf32>
      %swap3A_92 = vector.shape_cast %broadcast_in_dim3A_11 : vector<16xf32> to vector<1x16xf32>
      tpu.vector_store %arg8[%swap3A_88, %swap3A_89], %swap3A_92 {strides = array<i32>} : memref<128x128xf32, #tpu.memory_space<vmem>>, vector<1x16xf32>,
    }
    %scan3A_16 = arith.constant 128 : i32
    %add3A = arith.constant 0 : i32
    %add3A_17 = arith.addi %mul3A_0, %add3A : i32
    "tpu.region"() ({
      %run_scoped3A = tpu.sem_alloc : memref<!tpu.dma_semaphore, #tpu.memory_space<semaphore_mem>>
      %dma_start3A = arith.constant 0 : i32
      %dma_start3A_53 = arith.constant 0 : i32
      %dma_start3A_54 = tpu.memref_slice %arg8[%dma_start3A, %dma_start3A_53] : memref<128x128xf32, #tpu.memory_space<vmem>> -> memref<128x128xf32, #tpu.memory_space<vmem>>
      %dma_start3A_55 = arith.constant 0 : i32
      %dma_start3A_56 = tpu.memref_slice %arg9[%add3A_17, %dma_start3A_55] : memref<10112x128xf32, #tpu.memory_space<vmem_shared>> -> memref<128x128xf32, #tpu.memory_space<vmem_shared>>
      %dma_start3A_57 = arith.constant 0 : i32
      %dma_start3A_58 = tpu.memref_slice %arg9[%add3A_17, %dma_start3A_57] : memref<10112x128xf32, #tpu.memory_space<vmem_shared>> -> memref<128x128xf32, #tpu.memory_space<vmem_shared>>
      %dma_start3A_59 = arith.constant 0 : i32
      %dma_start3A_60 = arith.constant 0 : i32
      %dma_start3A_61 = tpu.memref_slice %arg8[%dma_start3A_59, %dma_start3A_60] : memref<128x128xf32, #tpu.memory_space<vmem>> -> memref<128x128xf32, #tpu.memory_space<vmem>>
      tpu.enqueue_dma source(%dma_start3A_61 : memref<128x128xf32, #tpu.memory_space<vmem>>) target(%dma_start3A_58 : memref<128x128xf32, #tpu.memory_space<vmem_shared>>) target_semaphore(%run_scoped3A : memref<!tpu.dma_semaphore, #tpu.memory_space<semaphore_mem>>)
      %dma_wait3A = arith.constant 0 : i32
      %dma_wait3A_62 = arith.constant 0 : i32
      %dma_wait3A_63 = tpu.memref_slice %arg8[%dma_wait3A, %dma_wait3A_62] : memref<128x128xf32, #tpu.memory_space<vmem>> -> memref<128x128xf32, #tpu.memory_space<vmem>>
      %dma_wait3A_64 = arith.constant 0 : i32
      %dma_wait3A_65 = tpu.memref_slice %arg9[%add3A_17, %dma_wait3A_64] : memref<10112x128xf32, #tpu.memory_space<vmem_shared>> -> memref<128x128xf32, #tpu.memory_space<vmem_shared>>
      %dma_wait3A_66 = arith.constant 0 : i32
      %dma_wait3A_67 = tpu.memref_slice %arg9[%add3A_17, %dma_wait3A_66] : memref<10112x128xf32, #tpu.memory_space<vmem_shared>> -> memref<128x128xf32, #tpu.memory_space<vmem_shared>>
      %dma_wait3A_68 = arith.constant 0 : i32
      %dma_wait3A_69 = arith.constant 0 : i32
      %dma_wait3A_70 = tpu.memref_slice %arg8[%dma_wait3A_68, %dma_wait3A_69] : memref<128x128xf32, #tpu.memory_space<vmem>> -> memref<128x128xf32, #tpu.memory_space<vmem>>
      tpu.wait_dma2 semaphore(%run_scoped3A : memref<!tpu.dma_semaphore, #tpu.memory_space<semaphore_mem>>) src(%dma_wait3A_70 : memref<128x128xf32, #tpu.memory_space<vmem>>) dst(%dma_wait3A_67 : memref<128x128xf32, #tpu.memory_space<vmem_shared>>)
      tpu.yield
    }) : () -> ()
    %add3A_18 = arith.constant 128 : i32
    %add3A_19 = arith.addi %mul3A_0, %add3A_18 : i32
    "tpu.region"() ({
      %run_scoped3A = tpu.sem_alloc : memref<!tpu.dma_semaphore, #tpu.memory_space<semaphore_mem>>
      %dma_start3A = arith.constant 0 : i32
      %dma_start3A_53 = arith.constant 0 : i32
      %dma_start3A_54 = tpu.memref_slice %arg8[%dma_start3A, %dma_start3A_53] : memref<128x128xf32, #tpu.memory_space<vmem>> -> memref<128x128xf32, #tpu.memory_space<vmem>>
      %dma_start3A_55 = arith.constant 0 : i32
      %dma_start3A_56 = tpu.memref_slice %arg9[%add3A_19, %dma_start3A_55] : memref<10112x128xf32, #tpu.memory_space<vmem_shared>> -> memref<128x128xf32, #tpu.memory_space<vmem_shared>>
      %dma_start3A_57 = arith.constant 0 : i32
      %dma_start3A_58 = tpu.memref_slice %arg9[%add3A_19, %dma_start3A_57] : memref<10112x128xf32, #tpu.memory_space<vmem_shared>> -> memref<128x128xf32, #tpu.memory_space<vmem_shared>>
      %dma_start3A_59 = arith.constant 0 : i32
      %dma_start3A_60 = arith.constant 0 : i32
      %dma_start3A_61 = tpu.memref_slice %arg8[%dma_start3A_59, %dma_start3A_60] : memref<128x128xf32, #tpu.memory_space<vmem>> -> memref<128x128xf32, #tpu.memory_space<vmem>>
      tpu.enqueue_dma source(%dma_start3A_61 : memref<128x128xf32, #tpu.memory_space<vmem>>) target(%dma_start3A_58 : memref<128x128xf32, #tpu.memory_space<vmem_shared>>) target_semaphore(%run_scoped3A : memref<!tpu.dma_semaphore, #tpu.memory_space<semaphore_mem>>)
      %dma_wait3A = arith.constant 0 : i32
      %dma_wait3A_62 = arith.constant 0 : i32
      %dma_wait3A_63 = tpu.memref_slice %arg8[%dma_wait3A, %dma_wait3A_62] : memref<128x128xf32, #tpu.memory_space<vmem>> -> memref<128x128xf32, #tpu.memory_space<vmem>>
      %dma_wait3A_64 = arith.constant 0 : i32
      %dma_wait3A_65 = tpu.memref_slice %arg9[%add3A_19, %dma_wait3A_64] : memref<10112x128xf32, #tpu.memory_space<vmem_shared>> -> memref<128x128xf32, #tpu.memory_space<vmem_shared>>
      %dma_wait3A_66 = arith.constant 0 : i32
      %dma_wait3A_67 = tpu.memref_slice %arg9[%add3A_19, %dma_wait3A_66] : memref<10112x128xf32, #tpu.memory_space<vmem_shared>> -> memref<128x128xf32, #tpu.memory_space<vmem_shared>>
      %dma_wait3A_68 = arith.constant 0 : i32
      %dma_wait3A_69 = arith.constant 0 : i32
      %dma_wait3A_70 = tpu.memref_slice %arg8[%dma_wait3A_68, %dma_wait3A_69] : memref<128x128xf32, #tpu.memory_space<vmem>> -> memref<128x128xf32, #tpu.memory_space<vmem>>
      tpu.wait_dma2 semaphore(%run_scoped3A : memref<!tpu.dma_semaphore, #tpu.memory_space<semaphore_mem>>) src(%dma_wait3A_70 : memref<128x128xf32, #tpu.memory_space<vmem>>) dst(%dma_wait3A_67 : memref<128x128xf32, #tpu.memory_space<vmem_shared>>)
      tpu.yield
    }) : () -> ()
    %add3A_20 = arith.constant 256 : i32
    %add3A_21 = arith.addi %mul3A_0, %add3A_20 : i32
    "tpu.region"() ({
      %run_scoped3A = tpu.sem_alloc : memref<!tpu.dma_semaphore, #tpu.memory_space<semaphore_mem>>
      %dma_start3A = arith.constant 0 : i32
      %dma_start3A_53 = arith.constant 0 : i32
      %dma_start3A_54 = tpu.memref_slice %arg8[%dma_start3A, %dma_start3A_53] : memref<128x128xf32, #tpu.memory_space<vmem>> -> memref<128x128xf32, #tpu.memory_space<vmem>>
      %dma_start3A_55 = arith.constant 0 : i32
      %dma_start3A_56 = tpu.memref_slice %arg9[%add3A_21, %dma_start3A_55] : memref<10112x128xf32, #tpu.memory_space<vmem_shared>> -> memref<128x128xf32, #tpu.memory_space<vmem_shared>>
      %dma_start3A_57 = arith.constant 0 : i32
      %dma_start3A_58 = tpu.memref_slice %arg9[%add3A_21, %dma_start3A_57] : memref<10112x128xf32, #tpu.memory_space<vmem_shared>> -> memref<128x128xf32, #tpu.memory_space<vmem_shared>>
      %dma_start3A_59 = arith.constant 0 : i32
      %dma_start3A_60 = arith.constant 0 : i32
      %dma_start3A_61 = tpu.memref_slice %arg8[%dma_start3A_59, %dma_start3A_60] : memref<128x128xf32, #tpu.memory_space<vmem>> -> memref<128x128xf32, #tpu.memory_space<vmem>>
      tpu.enqueue_dma source(%dma_start3A_61 : memref<128x128xf32, #tpu.memory_space<vmem>>) target(%dma_start3A_58 : memref<128x128xf32, #tpu.memory_space<vmem_shared>>) target_semaphore(%run_scoped3A : memref<!tpu.dma_semaphore, #tpu.memory_space<semaphore_mem>>)
      %dma_wait3A = arith.constant 0 : i32
      %dma_wait3A_62 = arith.constant 0 : i32
      %dma_wait3A_63 = tpu.memref_slice %arg8[%dma_wait3A, %dma_wait3A_62] : memref<128x128xf32, #tpu.memory_space<vmem>> -> memref<128x128xf32, #tpu.memory_space<vmem>>
      %dma_wait3A_64 = arith.constant 0 : i32
      %dma_wait3A_65 = tpu.memref_slice %arg9[%add3A_21, %dma_wait3A_64] : memref<10112x128xf32, #tpu.memory_space<vmem_shared>> -> memref<128x128xf32, #tpu.memory_space<vmem_shared>>
      %dma_wait3A_66 = arith.constant 0 : i32
      %dma_wait3A_67 = tpu.memref_slice %arg9[%add3A_21, %dma_wait3A_66] : memref<10112x128xf32, #tpu.memory_space<vmem_shared>> -> memref<128x128xf32, #tpu.memory_space<vmem_shared>>
      %dma_wait3A_68 = arith.constant 0 : i32
      %dma_wait3A_69 = arith.constant 0 : i32
      %dma_wait3A_70 = tpu.memref_slice %arg8[%dma_wait3A_68, %dma_wait3A_69] : memref<128x128xf32, #tpu.memory_space<vmem>> -> memref<128x128xf32, #tpu.memory_space<vmem>>
      tpu.wait_dma2 semaphore(%run_scoped3A : memref<!tpu.dma_semaphore, #tpu.memory_space<semaphore_mem>>) src(%dma_wait3A_70 : memref<128x128xf32, #tpu.memory_space<vmem>>) dst(%dma_wait3A_67 : memref<128x128xf32, #tpu.memory_space<vmem_shared>>)
      tpu.yield
    }) : () -> ()
    %add3A_22 = arith.constant 384 : i32
    %add3A_23 = arith.addi %mul3A_0, %add3A_22 : i32
    "tpu.region"() ({
      %run_scoped3A = tpu.sem_alloc : memref<!tpu.dma_semaphore, #tpu.memory_space<semaphore_mem>>
      %dma_start3A = arith.constant 0 : i32
      %dma_start3A_53 = arith.constant 0 : i32
      %dma_start3A_54 = tpu.memref_slice %arg8[%dma_start3A, %dma_start3A_53] : memref<128x128xf32, #tpu.memory_space<vmem>> -> memref<128x128xf32, #tpu.memory_space<vmem>>
      %dma_start3A_55 = arith.constant 0 : i32
      %dma_start3A_56 = tpu.memref_slice %arg9[%add3A_23, %dma_start3A_55] : memref<10112x128xf32, #tpu.memory_space<vmem_shared>> -> memref<128x128xf32, #tpu.memory_space<vmem_shared>>
      %dma_start3A_57 = arith.constant 0 : i32
      %dma_start3A_58 = tpu.memref_slice %arg9[%add3A_23, %dma_start3A_57] : memref<10112x128xf32, #tpu.memory_space<vmem_shared>> -> memref<128x128xf32, #tpu.memory_space<vmem_shared>>
      %dma_start3A_59 = arith.constant 0 : i32
      %dma_start3A_60 = arith.constant 0 : i32
      %dma_start3A_61 = tpu.memref_slice %arg8[%dma_start3A_59, %dma_start3A_60] : memref<128x128xf32, #tpu.memory_space<vmem>> -> memref<128x128xf32, #tpu.memory_space<vmem>>
      tpu.enqueue_dma source(%dma_start3A_61 : memref<128x128xf32, #tpu.memory_space<vmem>>) target(%dma_start3A_58 : memref<128x128xf32, #tpu.memory_space<vmem_shared>>) target_semaphore(%run_scoped3A : memref<!tpu.dma_semaphore, #tpu.memory_space<semaphore_mem>>)
      %dma_wait3A = arith.constant 0 : i32
      %dma_wait3A_62 = arith.constant 0 : i32
      %dma_wait3A_63 = tpu.memref_slice %arg8[%dma_wait3A, %dma_wait3A_62] : memref<128x128xf32, #tpu.memory_space<vmem>> -> memref<128x128xf32, #tpu.memory_space<vmem>>
      %dma_wait3A_64 = arith.constant 0 : i32
      %dma_wait3A_65 = tpu.memref_slice %arg9[%add3A_23, %dma_wait3A_64] : memref<10112x128xf32, #tpu.memory_space<vmem_shared>> -> memref<128x128xf32, #tpu.memory_space<vmem_shared>>
      %dma_wait3A_66 = arith.constant 0 : i32
      %dma_wait3A_67 = tpu.memref_slice %arg9[%add3A_23, %dma_wait3A_66] : memref<10112x128xf32, #tpu.memory_space<vmem_shared>> -> memref<128x128xf32, #tpu.memory_space<vmem_shared>>
      %dma_wait3A_68 = arith.constant 0 : i32
      %dma_wait3A_69 = arith.constant 0 : i32
      %dma_wait3A_70 = tpu.memref_slice %arg8[%dma_wait3A_68, %dma_wait3A_69] : memref<128x128xf32, #tpu.memory_space<vmem>> -> memref<128x128xf32, #tpu.memory_space<vmem>>
      tpu.wait_dma2 semaphore(%run_scoped3A : memref<!tpu.dma_semaphore, #tpu.memory_space<semaphore_mem>>) src(%dma_wait3A_70 : memref<128x128xf32, #tpu.memory_space<vmem>>) dst(%dma_wait3A_67 : memref<128x128xf32, #tpu.memory_space<vmem_shared>>)
      tpu.yield
    }) : () -> ()
    %add3A_24 = arith.constant 512 : i32
    %add3A_25 = arith.addi %mul3A_0, %add3A_24 : i32
    "tpu.region"() ({
      %run_scoped3A = tpu.sem_alloc : memref<!tpu.dma_semaphore, #tpu.memory_space<semaphore_mem>>
      %dma_start3A = arith.constant 0 : i32
      %dma_start3A_53 = arith.constant 0 : i32
      %dma_start3A_54 = tpu.memref_slice %arg8[%dma_start3A, %dma_start3A_53] : memref<128x128xf32, #tpu.memory_space<vmem>> -> memref<120x128xf32, #tpu.memory_space<vmem>>
      %dma_start3A_55 = arith.constant 0 : i32
      %dma_start3A_56 = tpu.memref_slice %arg9[%add3A_25, %dma_start3A_55] : memref<10112x128xf32, #tpu.memory_space<vmem_shared>> -> memref<120x128xf32, #tpu.memory_space<vmem_shared>>
      %dma_start3A_57 = arith.constant 0 : i32
      %dma_start3A_58 = tpu.memref_slice %arg9[%add3A_25, %dma_start3A_57] : memref<10112x128xf32, #tpu.memory_space<vmem_shared>> -> memref<120x128xf32, #tpu.memory_space<vmem_shared>>
      %dma_start3A_59 = arith.constant 0 : i32
      %dma_start3A_60 = arith.constant 0 : i32
      %dma_start3A_61 = tpu.memref_slice %arg8[%dma_start3A_59, %dma_start3A_60] : memref<128x128xf32, #tpu.memory_space<vmem>> -> memref<120x128xf32, #tpu.memory_space<vmem>>
      tpu.enqueue_dma source(%dma_start3A_61 : memref<120x128xf32, #tpu.memory_space<vmem>>) target(%dma_start3A_58 : memref<120x128xf32, #tpu.memory_space<vmem_shared>>) target_semaphore(%run_scoped3A : memref<!tpu.dma_semaphore, #tpu.memory_space<semaphore_mem>>)
      %dma_wait3A = arith.constant 0 : i32
      %dma_wait3A_62 = arith.constant 0 : i32
      %dma_wait3A_63 = tpu.memref_slice %arg8[%dma_wait3A, %dma_wait3A_62] : memref<128x128xf32, #tpu.memory_space<vmem>> -> memref<120x128xf32, #tpu.memory_space<vmem>>
      %dma_wait3A_64 = arith.constant 0 : i32
      %dma_wait3A_65 = tpu.memref_slice %arg9[%add3A_25, %dma_wait3A_64] : memref<10112x128xf32, #tpu.memory_space<vmem_shared>> -> memref<120x128xf32, #tpu.memory_space<vmem_shared>>
      %dma_wait3A_66 = arith.constant 0 : i32
      %dma_wait3A_67 = tpu.memref_slice %arg9[%add3A_25, %dma_wait3A_66] : memref<10112x128xf32, #tpu.memory_space<vmem_shared>> -> memref<120x128xf32, #tpu.memory_space<vmem_shared>>
      %dma_wait3A_68 = arith.constant 0 : i32
      %dma_wait3A_69 = arith.constant 0 : i32
      %dma_wait3A_70 = tpu.memref_slice %arg8[%dma_wait3A_68, %dma_wait3A_69] : memref<128x128xf32, #tpu.memory_space<vmem>> -> memref<120x128xf32, #tpu.memory_space<vmem>>
      tpu.wait_dma2 semaphore(%run_scoped3A : memref<!tpu.dma_semaphore, #tpu.memory_space<semaphore_mem>>) src(%dma_wait3A_70 : memref<120x128xf32, #tpu.memory_space<vmem>>) dst(%dma_wait3A_67 : memref<120x128xf32, #tpu.memory_space<vmem_shared>>)
      tpu.yield
    }) : () -> ()
    %barrier3A = arith.constant 0 : index
    tpu.barrier barrier_id(%barrier3A)
    %sub3A = arith.constant 0 : i32
    %sub3A_26 = arith.subi %select_n3A, %sub3A : i32
    %sub3A_27 = arith.constant 1 : i32
    %sub3A_28 = arith.constant 1 : i32
    %sub3A_29 = arith.subi %sub3A_27, %sub3A_28 : i32
    %add3A_30 = arith.addi %sub3A_26, %sub3A_29 : i32
    %div3A = arith.constant 1 : i32
    %div3A_31 = arith.divsi %add3A_30, %div3A : i32
    %while3A = arith.constant 1 : i32
    %while3A_32 = arith.constant 0 : i32
    %while3A_33 = arith.constant 0 : i32
    %while3A_34 = arith.subi %div3A_31, %while3A_33 : i32
    %while3A_35 = arith.addi %while3A_33, %while3A_34 : i32
    %while3A_36 = arith.constant 1 : i32
    %while3A_37 = arith.divsi %while3A_34, %while3A_36 : i32
    %while3A_38 = arith.muli %while3A_37, %while3A_36 : i32
    %while3A_39 = arith.addi %while3A_33, %while3A_38 : i32
    %while3A_40 = arith.constant 1 : i32
    scf.for %while3A_53 = %while3A_33 to %while3A_39 step %while3A_40  : i32 {
      %mul3A_54 = arith.muli %while3A_53, %while3A : i32
      %add3A_55 = arith.addi %while3A_32, %mul3A_54 : i32
      %dma_start3A = arith.constant 0 : i32
      %dma_start3A_56 = tpu.memref_slice %arg6[%add3A_55, %dma_start3A] : memref<72x128xi32, #tpu.memory_space<vmem>> -> memref<1x128xi32, #tpu.memory_space<vmem>>
      %dma_start3A_57 = tpu.memref_squeeze %dma_start3A_56 : memref<1x128xi32, #tpu.memory_space<vmem>> -> memref<128xi32, #tpu.memory_space<vmem>>
      %dma_start3A_58 = arith.constant 0 : i32
      %dma_start3A_59 = arith.constant 0 : i32
      %dma_start3A_60 = tpu.memref_slice %arg2[%dma_start3A_58, %dma_start3A_59] : memref<90000x128xf32, #tpu.memory_space<hbm>> -> memref<90000x128xf32, #tpu.memory_space<hbm>>
      tpu.enqueue_indirect_dma source(%dma_start3A_60 : memref<90000x128xf32, #tpu.memory_space<hbm>>) target(%arg8 : memref<128x128xf32, #tpu.memory_space<vmem>>) offsets(%dma_start3A_57 : memref<128xi32, #tpu.memory_space<vmem>>) semaphore(%arg10 : memref<!tpu.dma_semaphore, #tpu.memory_space<semaphore_mem>>)
      %dma_wait3A = arith.constant 0 : i32
      %dma_wait3A_61 = tpu.memref_slice %arg6[%add3A_55, %dma_wait3A] : memref<72x128xi32, #tpu.memory_space<vmem>> -> memref<1x128xi32, #tpu.memory_space<vmem>>
      %dma_wait3A_62 = tpu.memref_squeeze %dma_wait3A_61 : memref<1x128xi32, #tpu.memory_space<vmem>> -> memref<128xi32, #tpu.memory_space<vmem>>
      %dma_wait3A_63 = arith.constant 0 : i32
      %dma_wait3A_64 = arith.constant 0 : i32
      %dma_wait3A_65 = tpu.memref_slice %arg2[%dma_wait3A_63, %dma_wait3A_64] : memref<90000x128xf32, #tpu.memory_space<hbm>> -> memref<90000x128xf32, #tpu.memory_space<hbm>>
      tpu.wait_indirect_dma semaphore(%arg10 : memref<!tpu.dma_semaphore, #tpu.memory_space<semaphore_mem>>) src(%dma_wait3A_65 : memref<90000x128xf32, #tpu.memory_space<hbm>>) dst(%arg8 : memref<128x128xf32, #tpu.memory_space<vmem>>)
      "tpu.region"() ({
        %run_scoped3A = tpu.sem_alloc : memref<!tpu.dma_semaphore, #tpu.memory_space<semaphore_mem>>
        %dma_start3A_66 = arith.constant 0 : i32
        %dma_start3A_67 = tpu.memref_slice %arg7[%add3A_55, %dma_start3A_66] : memref<72x128xi32, #tpu.memory_space<vmem>> -> memref<1x128xi32, #tpu.memory_space<vmem>>
        %dma_start3A_68 = tpu.memref_squeeze %dma_start3A_67 : memref<1x128xi32, #tpu.memory_space<vmem>> -> memref<128xi32, #tpu.memory_space<vmem>>
        %dma_start3A_69 = arith.constant 0 : i32
        %dma_start3A_70 = arith.constant 0 : i32
        %dma_start3A_71 = tpu.memref_slice %arg9[%dma_start3A_69, %dma_start3A_70] : memref<10112x128xf32, #tpu.memory_space<vmem_shared>> -> memref<10112x128xf32, #tpu.memory_space<vmem_shared>>
        tpu.enqueue_indirect_dma source(%arg8 : memref<128x128xf32, #tpu.memory_space<vmem>>) target(%dma_start3A_71 : memref<10112x128xf32, #tpu.memory_space<vmem_shared>>) offsets(%dma_start3A_68 : memref<128xi32, #tpu.memory_space<vmem>>) semaphore(%run_scoped3A : memref<!tpu.dma_semaphore, #tpu.memory_space<semaphore_mem>>) {add = true}
        %dma_wait3A_72 = arith.constant 0 : i32
        %dma_wait3A_73 = tpu.memref_slice %arg7[%add3A_55, %dma_wait3A_72] : memref<72x128xi32, #tpu.memory_space<vmem>> -> memref<1x128xi32, #tpu.memory_space<vmem>>
        %dma_wait3A_74 = tpu.memref_squeeze %dma_wait3A_73 : memref<1x128xi32, #tpu.memory_space<vmem>> -> memref<128xi32, #tpu.memory_space<vmem>>
        %dma_wait3A_75 = arith.constant 0 : i32
        %dma_wait3A_76 = arith.constant 0 : i32
        %dma_wait3A_77 = tpu.memref_slice %arg9[%dma_wait3A_75, %dma_wait3A_76] : memref<10112x128xf32, #tpu.memory_space<vmem_shared>> -> memref<10112x128xf32, #tpu.memory_space<vmem_shared>>
        tpu.wait_indirect_dma semaphore(%run_scoped3A : memref<!tpu.dma_semaphore, #tpu.memory_space<semaphore_mem>>) src(%arg8 : memref<128x128xf32, #tpu.memory_space<vmem>>) dst(%dma_wait3A_77 : memref<10112x128xf32, #tpu.memory_space<vmem_shared>>)
        tpu.yield
      }) : () -> ()
    }
    %while3A_41 = arith.constant 1 : i32
    scf.for %while3A_53 = %while3A_39 to %while3A_35 step %while3A_41  : i32 {
      %mul3A_54 = arith.muli %while3A_53, %while3A : i32
      %add3A_55 = arith.addi %while3A_32, %mul3A_54 : i32
      %dma_start3A = arith.constant 0 : i32
      %dma_start3A_56 = tpu.memref_slice %arg6[%add3A_55, %dma_start3A] : memref<72x128xi32, #tpu.memory_space<vmem>> -> memref<1x128xi32, #tpu.memory_space<vmem>>
      %dma_start3A_57 = tpu.memref_squeeze %dma_start3A_56 : memref<1x128xi32, #tpu.memory_space<vmem>> -> memref<128xi32, #tpu.memory_space<vmem>>
      %dma_start3A_58 = arith.constant 0 : i32
      %dma_start3A_59 = arith.constant 0 : i32
      %dma_start3A_60 = tpu.memref_slice %arg2[%dma_start3A_58, %dma_start3A_59] : memref<90000x128xf32, #tpu.memory_space<hbm>> -> memref<90000x128xf32, #tpu.memory_space<hbm>>
      tpu.enqueue_indirect_dma source(%dma_start3A_60 : memref<90000x128xf32, #tpu.memory_space<hbm>>) target(%arg8 : memref<128x128xf32, #tpu.memory_space<vmem>>) offsets(%dma_start3A_57 : memref<128xi32, #tpu.memory_space<vmem>>) semaphore(%arg10 : memref<!tpu.dma_semaphore, #tpu.memory_space<semaphore_mem>>)
      %dma_wait3A = arith.constant 0 : i32
      %dma_wait3A_61 = tpu.memref_slice %arg6[%add3A_55, %dma_wait3A] : memref<72x128xi32, #tpu.memory_space<vmem>> -> memref<1x128xi32, #tpu.memory_space<vmem>>
      %dma_wait3A_62 = tpu.memref_squeeze %dma_wait3A_61 : memref<1x128xi32, #tpu.memory_space<vmem>> -> memref<128xi32, #tpu.memory_space<vmem>>
      %dma_wait3A_63 = arith.constant 0 : i32
      %dma_wait3A_64 = arith.constant 0 : i32
      %dma_wait3A_65 = tpu.memref_slice %arg2[%dma_wait3A_63, %dma_wait3A_64] : memref<90000x128xf32, #tpu.memory_space<hbm>> -> memref<90000x128xf32, #tpu.memory_space<hbm>>
      tpu.wait_indirect_dma semaphore(%arg10 : memref<!tpu.dma_semaphore, #tpu.memory_space<semaphore_mem>>) src(%dma_wait3A_65 : memref<90000x128xf32, #tpu.memory_space<hbm>>) dst(%arg8 : memref<128x128xf32, #tpu.memory_space<vmem>>)
      "tpu.region"() ({
        %run_scoped3A = tpu.sem_alloc : memref<!tpu.dma_semaphore, #tpu.memory_space<semaphore_mem>>
        %dma_start3A_66 = arith.constant 0 : i32
        %dma_start3A_67 = tpu.memref_slice %arg7[%add3A_55, %dma_start3A_66] : memref<72x128xi32, #tpu.memory_space<vmem>> -> memref<1x128xi32, #tpu.memory_space<vmem>>
        %dma_start3A_68 = tpu.memref_squeeze %dma_start3A_67 : memref<1x128xi32, #tpu.memory_space<vmem>> -> memref<128xi32, #tpu.memory_space<vmem>>
        %dma_start3A_69 = arith.constant 0 : i32
        %dma_start3A_70 = arith.constant 0 : i32
        %dma_start3A_71 = tpu.memref_slice %arg9[%dma_start3A_69, %dma_start3A_70] : memref<10112x128xf32, #tpu.memory_space<vmem_shared>> -> memref<10112x128xf32, #tpu.memory_space<vmem_shared>>
        tpu.enqueue_indirect_dma source(%arg8 : memref<128x128xf32, #tpu.memory_space<vmem>>) target(%dma_start3A_71 : memref<10112x128xf32, #tpu.memory_space<vmem_shared>>) offsets(%dma_start3A_68 : memref<128xi32, #tpu.memory_space<vmem>>) semaphore(%run_scoped3A : memref<!tpu.dma_semaphore, #tpu.memory_space<semaphore_mem>>) {add = true}
        %dma_wait3A_72 = arith.constant 0 : i32
        %dma_wait3A_73 = tpu.memref_slice %arg7[%add3A_55, %dma_wait3A_72] : memref<72x128xi32, #tpu.memory_space<vmem>> -> memref<1x128xi32, #tpu.memory_space<vmem>>
        %dma_wait3A_74 = tpu.memref_squeeze %dma_wait3A_73 : memref<1x128xi32, #tpu.memory_space<vmem>> -> memref<128xi32, #tpu.memory_space<vmem>>
        %dma_wait3A_75 = arith.constant 0 : i32
        %dma_wait3A_76 = arith.constant 0 : i32
        %dma_wait3A_77 = tpu.memref_slice %arg9[%dma_wait3A_75, %dma_wait3A_76] : memref<10112x128xf32, #tpu.memory_space<vmem_shared>> -> memref<10112x128xf32, #tpu.memory_space<vmem_shared>>
        tpu.wait_indirect_dma semaphore(%run_scoped3A : memref<!tpu.dma_semaphore, #tpu.memory_space<semaphore_mem>>) src(%arg8 : memref<128x128xf32, #tpu.memory_space<vmem>>) dst(%dma_wait3A_77 : memref<10112x128xf32, #tpu.memory_space<vmem_shared>>)
        tpu.yield
      }) : () -> ()
    }
    %barrier3A_42 = arith.constant 0 : index
    tpu.barrier barrier_id(%barrier3A_42)
    %add3A_43 = arith.constant 0 : i32
    %add3A_44 = arith.addi %mul3A_0, %add3A_43 : i32
    "tpu.region"() ({
      %run_scoped3A = tpu.sem_alloc : memref<!tpu.dma_semaphore, #tpu.memory_space<semaphore_mem>>
      %dma_start3A = arith.constant 0 : i32
      %dma_start3A_53 = arith.constant 0 : i32
      %dma_start3A_54 = tpu.memref_slice %arg8[%dma_start3A, %dma_start3A_53] : memref<128x128xf32, #tpu.memory_space<vmem>> -> memref<128x128xf32, #tpu.memory_space<vmem>>
      %dma_start3A_55 = arith.constant 0 : i32
      %dma_start3A_56 = tpu.memref_slice %arg9[%add3A_44, %dma_start3A_55] : memref<10112x128xf32, #tpu.memory_space<vmem_shared>> -> memref<128x128xf32, #tpu.memory_space<vmem_shared>>
      %dma_start3A_57 = arith.constant 0 : i32
      %dma_start3A_58 = arith.constant 0 : i32
      %dma_start3A_59 = tpu.memref_slice %arg8[%dma_start3A_57, %dma_start3A_58] : memref<128x128xf32, #tpu.memory_space<vmem>> -> memref<128x128xf32, #tpu.memory_space<vmem>>
      %dma_start3A_60 = arith.constant 0 : i32
      %dma_start3A_61 = tpu.memref_slice %arg9[%add3A_44, %dma_start3A_60] : memref<10112x128xf32, #tpu.memory_space<vmem_shared>> -> memref<128x128xf32, #tpu.memory_space<vmem_shared>>
      tpu.enqueue_dma source(%dma_start3A_61 : memref<128x128xf32, #tpu.memory_space<vmem_shared>>) target(%dma_start3A_59 : memref<128x128xf32, #tpu.memory_space<vmem>>) target_semaphore(%run_scoped3A : memref<!tpu.dma_semaphore, #tpu.memory_space<semaphore_mem>>)
      %dma_wait3A = arith.constant 0 : i32
      %dma_wait3A_62 = arith.constant 0 : i32
      %dma_wait3A_63 = tpu.memref_slice %arg8[%dma_wait3A, %dma_wait3A_62] : memref<128x128xf32, #tpu.memory_space<vmem>> -> memref<128x128xf32, #tpu.memory_space<vmem>>
      %dma_wait3A_64 = arith.constant 0 : i32
      %dma_wait3A_65 = tpu.memref_slice %arg9[%add3A_44, %dma_wait3A_64] : memref<10112x128xf32, #tpu.memory_space<vmem_shared>> -> memref<128x128xf32, #tpu.memory_space<vmem_shared>>
      %dma_wait3A_66 = arith.constant 0 : i32
      %dma_wait3A_67 = arith.constant 0 : i32
      %dma_wait3A_68 = tpu.memref_slice %arg8[%dma_wait3A_66, %dma_wait3A_67] : memref<128x128xf32, #tpu.memory_space<vmem>> -> memref<128x128xf32, #tpu.memory_space<vmem>>
      %dma_wait3A_69 = arith.constant 0 : i32
      %dma_wait3A_70 = tpu.memref_slice %arg9[%add3A_44, %dma_wait3A_69] : memref<10112x128xf32, #tpu.memory_space<vmem_shared>> -> memref<128x128xf32, #tpu.memory_space<vmem_shared>>
      tpu.wait_dma2 semaphore(%run_scoped3A : memref<!tpu.dma_semaphore, #tpu.memory_space<semaphore_mem>>) src(%dma_wait3A_70 : memref<128x128xf32, #tpu.memory_space<vmem_shared>>) dst(%dma_wait3A_68 : memref<128x128xf32, #tpu.memory_space<vmem>>)
      tpu.yield
    }) : () -> ()
    "tpu.region"() ({
      %run_scoped3A = tpu.sem_alloc : memref<!tpu.dma_semaphore, #tpu.memory_space<semaphore_mem>>
      %dma_start3A = arith.constant 0 : i32
      %dma_start3A_53 = arith.constant 0 : i32
      %dma_start3A_54 = tpu.memref_slice %arg8[%dma_start3A, %dma_start3A_53] : memref<128x128xf32, #tpu.memory_space<vmem>> -> memref<128x128xf32, #tpu.memory_space<vmem>>
      %dma_start3A_55 = arith.constant 0 : i32
      %dma_start3A_56 = tpu.memref_slice %arg5[%arg0, %add3A_44, %dma_start3A_55] : memref<2x10112x128xf32, #tpu.memory_space<hbm>> -> memref<1x128x128xf32, #tpu.memory_space<hbm>>
      %dma_start3A_57 = tpu.memref_squeeze %dma_start3A_56 : memref<1x128x128xf32, #tpu.memory_space<hbm>> -> memref<128x128xf32, #tpu.memory_space<hbm>>
      %dma_start3A_58 = arith.constant 0 : i32
      %dma_start3A_59 = tpu.memref_slice %arg5[%arg0, %add3A_44, %dma_start3A_58] : memref<2x10112x128xf32, #tpu.memory_space<hbm>> -> memref<1x128x128xf32, #tpu.memory_space<hbm>>
      %dma_start3A_60 = tpu.memref_squeeze %dma_start3A_59 : memref<1x128x128xf32, #tpu.memory_space<hbm>> -> memref<128x128xf32, #tpu.memory_space<hbm>>
      %dma_start3A_61 = arith.constant 0 : i32
      %dma_start3A_62 = arith.constant 0 : i32
      %dma_start3A_63 = tpu.memref_slice %arg8[%dma_start3A_61, %dma_start3A_62] : memref<128x128xf32, #tpu.memory_space<vmem>> -> memref<128x128xf32, #tpu.memory_space<vmem>>
      tpu.enqueue_dma source(%dma_start3A_63 : memref<128x128xf32, #tpu.memory_space<vmem>>) target(%dma_start3A_60 : memref<128x128xf32, #tpu.memory_space<hbm>>) target_semaphore(%run_scoped3A : memref<!tpu.dma_semaphore, #tpu.memory_space<semaphore_mem>>)
      %dma_wait3A = arith.constant 0 : i32
      %dma_wait3A_64 = arith.constant 0 : i32
      %dma_wait3A_65 = tpu.memref_slice %arg8[%dma_wait3A, %dma_wait3A_64] : memref<128x128xf32, #tpu.memory_space<vmem>> -> memref<128x128xf32, #tpu.memory_space<vmem>>
      %dma_wait3A_66 = arith.constant 0 : i32
      %dma_wait3A_67 = tpu.memref_slice %arg5[%arg0, %add3A_44, %dma_wait3A_66] : memref<2x10112x128xf32, #tpu.memory_space<hbm>> -> memref<1x128x128xf32, #tpu.memory_space<hbm>>
      %dma_wait3A_68 = tpu.memref_squeeze %dma_wait3A_67 : memref<1x128x128xf32, #tpu.memory_space<hbm>> -> memref<128x128xf32, #tpu.memory_space<hbm>>
      %dma_wait3A_69 = arith.constant 0 : i32
      %dma_wait3A_70 = tpu.memref_slice %arg5[%arg0, %add3A_44, %dma_wait3A_69] : memref<2x10112x128xf32, #tpu.memory_space<hbm>> -> memref<1x128x128xf32, #tpu.memory_space<hbm>>
      %dma_wait3A_71 = tpu.memref_squeeze %dma_wait3A_70 : memref<1x128x128xf32, #tpu.memory_space<hbm>> -> memref<128x128xf32, #tpu.memory_space<hbm>>
      %dma_wait3A_72 = arith.constant 0 : i32
      %dma_wait3A_73 = arith.constant 0 : i32
      %dma_wait3A_74 = tpu.memref_slice %arg8[%dma_wait3A_72, %dma_wait3A_73] : memref<128x128xf32, #tpu.memory_space<vmem>> -> memref<128x128xf32, #tpu.memory_space<vmem>>
      tpu.wait_dma2 semaphore(%run_scoped3A : memref<!tpu.dma_semaphore, #tpu.memory_space<semaphore_mem>>) src(%dma_wait3A_74 : memref<128x128xf32, #tpu.memory_space<vmem>>) dst(%dma_wait3A_71 : memref<128x128xf32, #tpu.memory_space<hbm>>)
      tpu.yield
    }) : () -> ()
    %add3A_45 = arith.constant 128 : i32
    %add3A_46 = arith.addi %mul3A_0, %add3A_45 : i32
    "tpu.region"() ({
      %run_scoped3A = tpu.sem_alloc : memref<!tpu.dma_semaphore, #tpu.memory_space<semaphore_mem>>
      %dma_start3A = arith.constant 0 : i32
      %dma_start3A_53 = arith.constant 0 : i32
      %dma_start3A_54 = tpu.memref_slice %arg8[%dma_start3A, %dma_start3A_53] : memref<128x128xf32, #tpu.memory_space<vmem>> -> memref<128x128xf32, #tpu.memory_space<vmem>>
      %dma_start3A_55 = arith.constant 0 : i32
      %dma_start3A_56 = tpu.memref_slice %arg9[%add3A_46, %dma_start3A_55] : memref<10112x128xf32, #tpu.memory_space<vmem_shared>> -> memref<128x128xf32, #tpu.memory_space<vmem_shared>>
      %dma_start3A_57 = arith.constant 0 : i32
      %dma_start3A_58 = arith.constant 0 : i32
      %dma_start3A_59 = tpu.memref_slice %arg8[%dma_start3A_57, %dma_start3A_58] : memref<128x128xf32, #tpu.memory_space<vmem>> -> memref<128x128xf32, #tpu.memory_space<vmem>>
      %dma_start3A_60 = arith.constant 0 : i32
      %dma_start3A_61 = tpu.memref_slice %arg9[%add3A_46, %dma_start3A_60] : memref<10112x128xf32, #tpu.memory_space<vmem_shared>> -> memref<128x128xf32, #tpu.memory_space<vmem_shared>>
      tpu.enqueue_dma source(%dma_start3A_61 : memref<128x128xf32, #tpu.memory_space<vmem_shared>>) target(%dma_start3A_59 : memref<128x128xf32, #tpu.memory_space<vmem>>) target_semaphore(%run_scoped3A : memref<!tpu.dma_semaphore, #tpu.memory_space<semaphore_mem>>)
      %dma_wait3A = arith.constant 0 : i32
      %dma_wait3A_62 = arith.constant 0 : i32
      %dma_wait3A_63 = tpu.memref_slice %arg8[%dma_wait3A, %dma_wait3A_62] : memref<128x128xf32, #tpu.memory_space<vmem>> -> memref<128x128xf32, #tpu.memory_space<vmem>>
      %dma_wait3A_64 = arith.constant 0 : i32
      %dma_wait3A_65 = tpu.memref_slice %arg9[%add3A_46, %dma_wait3A_64] : memref<10112x128xf32, #tpu.memory_space<vmem_shared>> -> memref<128x128xf32, #tpu.memory_space<vmem_shared>>
      %dma_wait3A_66 = arith.constant 0 : i32
      %dma_wait3A_67 = arith.constant 0 : i32
      %dma_wait3A_68 = tpu.memref_slice %arg8[%dma_wait3A_66, %dma_wait3A_67] : memref<128x128xf32, #tpu.memory_space<vmem>> -> memref<128x128xf32, #tpu.memory_space<vmem>>
      %dma_wait3A_69 = arith.constant 0 : i32
      %dma_wait3A_70 = tpu.memref_slice %arg9[%add3A_46, %dma_wait3A_69] : memref<10112x128xf32, #tpu.memory_space<vmem_shared>> -> memref<128x128xf32, #tpu.memory_space<vmem_shared>>
      tpu.wait_dma2 semaphore(%run_scoped3A : memref<!tpu.dma_semaphore, #tpu.memory_space<semaphore_mem>>) src(%dma_wait3A_70 : memref<128x128xf32, #tpu.memory_space<vmem_shared>>) dst(%dma_wait3A_68 : memref<128x128xf32, #tpu.memory_space<vmem>>)
      tpu.yield
    }) : () -> ()
    "tpu.region"() ({
      %run_scoped3A = tpu.sem_alloc : memref<!tpu.dma_semaphore, #tpu.memory_space<semaphore_mem>>
      %dma_start3A = arith.constant 0 : i32
      %dma_start3A_53 = arith.constant 0 : i32
      %dma_start3A_54 = tpu.memref_slice %arg8[%dma_start3A, %dma_start3A_53] : memref<128x128xf32, #tpu.memory_space<vmem>> -> memref<128x128xf32, #tpu.memory_space<vmem>>
      %dma_start3A_55 = arith.constant 0 : i32
      %dma_start3A_56 = tpu.memref_slice %arg5[%arg0, %add3A_46, %dma_start3A_55] : memref<2x10112x128xf32, #tpu.memory_space<hbm>> -> memref<1x128x128xf32, #tpu.memory_space<hbm>>
      %dma_start3A_57 = tpu.memref_squeeze %dma_start3A_56 : memref<1x128x128xf32, #tpu.memory_space<hbm>> -> memref<128x128xf32, #tpu.memory_space<hbm>>
      %dma_start3A_58 = arith.constant 0 : i32
      %dma_start3A_59 = tpu.memref_slice %arg5[%arg0, %add3A_46, %dma_start3A_58] : memref<2x10112x128xf32, #tpu.memory_space<hbm>> -> memref<1x128x128xf32, #tpu.memory_space<hbm>>
      %dma_start3A_60 = tpu.memref_squeeze %dma_start3A_59 : memref<1x128x128xf32, #tpu.memory_space<hbm>> -> memref<128x128xf32, #tpu.memory_space<hbm>>
      %dma_start3A_61 = arith.constant 0 : i32
      %dma_start3A_62 = arith.constant 0 : i32
      %dma_start3A_63 = tpu.memref_slice %arg8[%dma_start3A_61, %dma_start3A_62] : memref<128x128xf32, #tpu.memory_space<vmem>> -> memref<128x128xf32, #tpu.memory_space<vmem>>
      tpu.enqueue_dma source(%dma_start3A_63 : memref<128x128xf32, #tpu.memory_space<vmem>>) target(%dma_start3A_60 : memref<128x128xf32, #tpu.memory_space<hbm>>) target_semaphore(%run_scoped3A : memref<!tpu.dma_semaphore, #tpu.memory_space<semaphore_mem>>)
      %dma_wait3A = arith.constant 0 : i32
      %dma_wait3A_64 = arith.constant 0 : i32
      %dma_wait3A_65 = tpu.memref_slice %arg8[%dma_wait3A, %dma_wait3A_64] : memref<128x128xf32, #tpu.memory_space<vmem>> -> memref<128x128xf32, #tpu.memory_space<vmem>>
      %dma_wait3A_66 = arith.constant 0 : i32
      %dma_wait3A_67 = tpu.memref_slice %arg5[%arg0, %add3A_46, %dma_wait3A_66] : memref<2x10112x128xf32, #tpu.memory_space<hbm>> -> memref<1x128x128xf32, #tpu.memory_space<hbm>>
      %dma_wait3A_68 = tpu.memref_squeeze %dma_wait3A_67 : memref<1x128x128xf32, #tpu.memory_space<hbm>> -> memref<128x128xf32, #tpu.memory_space<hbm>>
      %dma_wait3A_69 = arith.constant 0 : i32
      %dma_wait3A_70 = tpu.memref_slice %arg5[%arg0, %add3A_46, %dma_wait3A_69] : memref<2x10112x128xf32, #tpu.memory_space<hbm>> -> memref<1x128x128xf32, #tpu.memory_space<hbm>>
      %dma_wait3A_71 = tpu.memref_squeeze %dma_wait3A_70 : memref<1x128x128xf32, #tpu.memory_space<hbm>> -> memref<128x128xf32, #tpu.memory_space<hbm>>
      %dma_wait3A_72 = arith.constant 0 : i32
      %dma_wait3A_73 = arith.constant 0 : i32
      %dma_wait3A_74 = tpu.memref_slice %arg8[%dma_wait3A_72, %dma_wait3A_73] : memref<128x128xf32, #tpu.memory_space<vmem>> -> memref<128x128xf32, #tpu.memory_space<vmem>>
      tpu.wait_dma2 semaphore(%run_scoped3A : memref<!tpu.dma_semaphore, #tpu.memory_space<semaphore_mem>>) src(%dma_wait3A_74 : memref<128x128xf32, #tpu.memory_space<vmem>>) dst(%dma_wait3A_71 : memref<128x128xf32, #tpu.memory_space<hbm>>)
      tpu.yield
    }) : () -> ()
    %add3A_47 = arith.constant 256 : i32
    %add3A_48 = arith.addi %mul3A_0, %add3A_47 : i32
    "tpu.region"() ({
      %run_scoped3A = tpu.sem_alloc : memref<!tpu.dma_semaphore, #tpu.memory_space<semaphore_mem>>
      %dma_start3A = arith.constant 0 : i32
      %dma_start3A_53 = arith.constant 0 : i32
      %dma_start3A_54 = tpu.memref_slice %arg8[%dma_start3A, %dma_start3A_53] : memref<128x128xf32, #tpu.memory_space<vmem>> -> memref<128x128xf32, #tpu.memory_space<vmem>>
      %dma_start3A_55 = arith.constant 0 : i32
      %dma_start3A_56 = tpu.memref_slice %arg9[%add3A_48, %dma_start3A_55] : memref<10112x128xf32, #tpu.memory_space<vmem_shared>> -> memref<128x128xf32, #tpu.memory_space<vmem_shared>>
      %dma_start3A_57 = arith.constant 0 : i32
      %dma_start3A_58 = arith.constant 0 : i32
      %dma_start3A_59 = tpu.memref_slice %arg8[%dma_start3A_57, %dma_start3A_58] : memref<128x128xf32, #tpu.memory_space<vmem>> -> memref<128x128xf32, #tpu.memory_space<vmem>>
      %dma_start3A_60 = arith.constant 0 : i32
      %dma_start3A_61 = tpu.memref_slice %arg9[%add3A_48, %dma_start3A_60] : memref<10112x128xf32, #tpu.memory_space<vmem_shared>> -> memref<128x128xf32, #tpu.memory_space<vmem_shared>>
      tpu.enqueue_dma source(%dma_start3A_61 : memref<128x128xf32, #tpu.memory_space<vmem_shared>>) target(%dma_start3A_59 : memref<128x128xf32, #tpu.memory_space<vmem>>) target_semaphore(%run_scoped3A : memref<!tpu.dma_semaphore, #tpu.memory_space<semaphore_mem>>)
      %dma_wait3A = arith.constant 0 : i32
      %dma_wait3A_62 = arith.constant 0 : i32
      %dma_wait3A_63 = tpu.memref_slice %arg8[%dma_wait3A, %dma_wait3A_62] : memref<128x128xf32, #tpu.memory_space<vmem>> -> memref<128x128xf32, #tpu.memory_space<vmem>>
      %dma_wait3A_64 = arith.constant 0 : i32
      %dma_wait3A_65 = tpu.memref_slice %arg9[%add3A_48, %dma_wait3A_64] : memref<10112x128xf32, #tpu.memory_space<vmem_shared>> -> memref<128x128xf32, #tpu.memory_space<vmem_shared>>
      %dma_wait3A_66 = arith.constant 0 : i32
      %dma_wait3A_67 = arith.constant 0 : i32
      %dma_wait3A_68 = tpu.memref_slice %arg8[%dma_wait3A_66, %dma_wait3A_67] : memref<128x128xf32, #tpu.memory_space<vmem>> -> memref<128x128xf32, #tpu.memory_space<vmem>>
      %dma_wait3A_69 = arith.constant 0 : i32
      %dma_wait3A_70 = tpu.memref_slice %arg9[%add3A_48, %dma_wait3A_69] : memref<10112x128xf32, #tpu.memory_space<vmem_shared>> -> memref<128x128xf32, #tpu.memory_space<vmem_shared>>
      tpu.wait_dma2 semaphore(%run_scoped3A : memref<!tpu.dma_semaphore, #tpu.memory_space<semaphore_mem>>) src(%dma_wait3A_70 : memref<128x128xf32, #tpu.memory_space<vmem_shared>>) dst(%dma_wait3A_68 : memref<128x128xf32, #tpu.memory_space<vmem>>)
      tpu.yield
    }) : () -> ()
    "tpu.region"() ({
      %run_scoped3A = tpu.sem_alloc : memref<!tpu.dma_semaphore, #tpu.memory_space<semaphore_mem>>
      %dma_start3A = arith.constant 0 : i32
      %dma_start3A_53 = arith.constant 0 : i32
      %dma_start3A_54 = tpu.memref_slice %arg8[%dma_start3A, %dma_start3A_53] : memref<128x128xf32, #tpu.memory_space<vmem>> -> memref<128x128xf32, #tpu.memory_space<vmem>>
      %dma_start3A_55 = arith.constant 0 : i32
      %dma_start3A_56 = tpu.memref_slice %arg5[%arg0, %add3A_48, %dma_start3A_55] : memref<2x10112x128xf32, #tpu.memory_space<hbm>> -> memref<1x128x128xf32, #tpu.memory_space<hbm>>
      %dma_start3A_57 = tpu.memref_squeeze %dma_start3A_56 : memref<1x128x128xf32, #tpu.memory_space<hbm>> -> memref<128x128xf32, #tpu.memory_space<hbm>>
      %dma_start3A_58 = arith.constant 0 : i32
      %dma_start3A_59 = tpu.memref_slice %arg5[%arg0, %add3A_48, %dma_start3A_58] : memref<2x10112x128xf32, #tpu.memory_space<hbm>> -> memref<1x128x128xf32, #tpu.memory_space<hbm>>
      %dma_start3A_60 = tpu.memref_squeeze %dma_start3A_59 : memref<1x128x128xf32, #tpu.memory_space<hbm>> -> memref<128x128xf32, #tpu.memory_space<hbm>>
      %dma_start3A_61 = arith.constant 0 : i32
      %dma_start3A_62 = arith.constant 0 : i32
      %dma_start3A_63 = tpu.memref_slice %arg8[%dma_start3A_61, %dma_start3A_62] : memref<128x128xf32, #tpu.memory_space<vmem>> -> memref<128x128xf32, #tpu.memory_space<vmem>>
      tpu.enqueue_dma source(%dma_start3A_63 : memref<128x128xf32, #tpu.memory_space<vmem>>) target(%dma_start3A_60 : memref<128x128xf32, #tpu.memory_space<hbm>>) target_semaphore(%run_scoped3A : memref<!tpu.dma_semaphore, #tpu.memory_space<semaphore_mem>>)
      %dma_wait3A = arith.constant 0 : i32
      %dma_wait3A_64 = arith.constant 0 : i32
      %dma_wait3A_65 = tpu.memref_slice %arg8[%dma_wait3A, %dma_wait3A_64] : memref<128x128xf32, #tpu.memory_space<vmem>> -> memref<128x128xf32, #tpu.memory_space<vmem>>
      %dma_wait3A_66 = arith.constant 0 : i32
      %dma_wait3A_67 = tpu.memref_slice %arg5[%arg0, %add3A_48, %dma_wait3A_66] : memref<2x10112x128xf32, #tpu.memory_space<hbm>> -> memref<1x128x128xf32, #tpu.memory_space<hbm>>
      %dma_wait3A_68 = tpu.memref_squeeze %dma_wait3A_67 : memref<1x128x128xf32, #tpu.memory_space<hbm>> -> memref<128x128xf32, #tpu.memory_space<hbm>>
      %dma_wait3A_69 = arith.constant 0 : i32
      %dma_wait3A_70 = tpu.memref_slice %arg5[%arg0, %add3A_48, %dma_wait3A_69] : memref<2x10112x128xf32, #tpu.memory_space<hbm>> -> memref<1x128x128xf32, #tpu.memory_space<hbm>>
      %dma_wait3A_71 = tpu.memref_squeeze %dma_wait3A_70 : memref<1x128x128xf32, #tpu.memory_space<hbm>> -> memref<128x128xf32, #tpu.memory_space<hbm>>
      %dma_wait3A_72 = arith.constant 0 : i32
      %dma_wait3A_73 = arith.constant 0 : i32
      %dma_wait3A_74 = tpu.memref_slice %arg8[%dma_wait3A_72, %dma_wait3A_73] : memref<128x128xf32, #tpu.memory_space<vmem>> -> memref<128x128xf32, #tpu.memory_space<vmem>>
      tpu.wait_dma2 semaphore(%run_scoped3A : memref<!tpu.dma_semaphore, #tpu.memory_space<semaphore_mem>>) src(%dma_wait3A_74 : memref<128x128xf32, #tpu.memory_space<vmem>>) dst(%dma_wait3A_71 : memref<128x128xf32, #tpu.memory_space<hbm>>)
      tpu.yield
    }) : () -> ()
    %add3A_49 = arith.constant 384 : i32
    %add3A_50 = arith.addi %mul3A_0, %add3A_49 : i32
    "tpu.region"() ({
      %run_scoped3A = tpu.sem_alloc : memref<!tpu.dma_semaphore, #tpu.memory_space<semaphore_mem>>
      %dma_start3A = arith.constant 0 : i32
      %dma_start3A_53 = arith.constant 0 : i32
      %dma_start3A_54 = tpu.memref_slice %arg8[%dma_start3A, %dma_start3A_53] : memref<128x128xf32, #tpu.memory_space<vmem>> -> memref<128x128xf32, #tpu.memory_space<vmem>>
      %dma_start3A_55 = arith.constant 0 : i32
      %dma_start3A_56 = tpu.memref_slice %arg9[%add3A_50, %dma_start3A_55] : memref<10112x128xf32, #tpu.memory_space<vmem_shared>> -> memref<128x128xf32, #tpu.memory_space<vmem_shared>>
      %dma_start3A_57 = arith.constant 0 : i32
      %dma_start3A_58 = arith.constant 0 : i32
      %dma_start3A_59 = tpu.memref_slice %arg8[%dma_start3A_57, %dma_start3A_58] : memref<128x128xf32, #tpu.memory_space<vmem>> -> memref<128x128xf32, #tpu.memory_space<vmem>>
      %dma_start3A_60 = arith.constant 0 : i32
      %dma_start3A_61 = tpu.memref_slice %arg9[%add3A_50, %dma_start3A_60] : memref<10112x128xf32, #tpu.memory_space<vmem_shared>> -> memref<128x128xf32, #tpu.memory_space<vmem_shared>>
      tpu.enqueue_dma source(%dma_start3A_61 : memref<128x128xf32, #tpu.memory_space<vmem_shared>>) target(%dma_start3A_59 : memref<128x128xf32, #tpu.memory_space<vmem>>) target_semaphore(%run_scoped3A : memref<!tpu.dma_semaphore, #tpu.memory_space<semaphore_mem>>)
      %dma_wait3A = arith.constant 0 : i32
      %dma_wait3A_62 = arith.constant 0 : i32
      %dma_wait3A_63 = tpu.memref_slice %arg8[%dma_wait3A, %dma_wait3A_62] : memref<128x128xf32, #tpu.memory_space<vmem>> -> memref<128x128xf32, #tpu.memory_space<vmem>>
      %dma_wait3A_64 = arith.constant 0 : i32
      %dma_wait3A_65 = tpu.memref_slice %arg9[%add3A_50, %dma_wait3A_64] : memref<10112x128xf32, #tpu.memory_space<vmem_shared>> -> memref<128x128xf32, #tpu.memory_space<vmem_shared>>
      %dma_wait3A_66 = arith.constant 0 : i32
      %dma_wait3A_67 = arith.constant 0 : i32
      %dma_wait3A_68 = tpu.memref_slice %arg8[%dma_wait3A_66, %dma_wait3A_67] : memref<128x128xf32, #tpu.memory_space<vmem>> -> memref<128x128xf32, #tpu.memory_space<vmem>>
      %dma_wait3A_69 = arith.constant 0 : i32
      %dma_wait3A_70 = tpu.memref_slice %arg9[%add3A_50, %dma_wait3A_69] : memref<10112x128xf32, #tpu.memory_space<vmem_shared>> -> memref<128x128xf32, #tpu.memory_space<vmem_shared>>
      tpu.wait_dma2 semaphore(%run_scoped3A : memref<!tpu.dma_semaphore, #tpu.memory_space<semaphore_mem>>) src(%dma_wait3A_70 : memref<128x128xf32, #tpu.memory_space<vmem_shared>>) dst(%dma_wait3A_68 : memref<128x128xf32, #tpu.memory_space<vmem>>)
      tpu.yield
    }) : () -> ()
    "tpu.region"() ({
      %run_scoped3A = tpu.sem_alloc : memref<!tpu.dma_semaphore, #tpu.memory_space<semaphore_mem>>
      %dma_start3A = arith.constant 0 : i32
      %dma_start3A_53 = arith.constant 0 : i32
      %dma_start3A_54 = tpu.memref_slice %arg8[%dma_start3A, %dma_start3A_53] : memref<128x128xf32, #tpu.memory_space<vmem>> -> memref<128x128xf32, #tpu.memory_space<vmem>>
      %dma_start3A_55 = arith.constant 0 : i32
      %dma_start3A_56 = tpu.memref_slice %arg5[%arg0, %add3A_50, %dma_start3A_55] : memref<2x10112x128xf32, #tpu.memory_space<hbm>> -> memref<1x128x128xf32, #tpu.memory_space<hbm>>
      %dma_start3A_57 = tpu.memref_squeeze %dma_start3A_56 : memref<1x128x128xf32, #tpu.memory_space<hbm>> -> memref<128x128xf32, #tpu.memory_space<hbm>>
      %dma_start3A_58 = arith.constant 0 : i32
      %dma_start3A_59 = tpu.memref_slice %arg5[%arg0, %add3A_50, %dma_start3A_58] : memref<2x10112x128xf32, #tpu.memory_space<hbm>> -> memref<1x128x128xf32, #tpu.memory_space<hbm>>
      %dma_start3A_60 = tpu.memref_squeeze %dma_start3A_59 : memref<1x128x128xf32, #tpu.memory_space<hbm>> -> memref<128x128xf32, #tpu.memory_space<hbm>>
      %dma_start3A_61 = arith.constant 0 : i32
      %dma_start3A_62 = arith.constant 0 : i32
      %dma_start3A_63 = tpu.memref_slice %arg8[%dma_start3A_61, %dma_start3A_62] : memref<128x128xf32, #tpu.memory_space<vmem>> -> memref<128x128xf32, #tpu.memory_space<vmem>>
      tpu.enqueue_dma source(%dma_start3A_63 : memref<128x128xf32, #tpu.memory_space<vmem>>) target(%dma_start3A_60 : memref<128x128xf32, #tpu.memory_space<hbm>>) target_semaphore(%run_scoped3A : memref<!tpu.dma_semaphore, #tpu.memory_space<semaphore_mem>>)
      %dma_wait3A = arith.constant 0 : i32
      %dma_wait3A_64 = arith.constant 0 : i32
      %dma_wait3A_65 = tpu.memref_slice %arg8[%dma_wait3A, %dma_wait3A_64] : memref<128x128xf32, #tpu.memory_space<vmem>> -> memref<128x128xf32, #tpu.memory_space<vmem>>
      %dma_wait3A_66 = arith.constant 0 : i32
      %dma_wait3A_67 = tpu.memref_slice %arg5[%arg0, %add3A_50, %dma_wait3A_66] : memref<2x10112x128xf32, #tpu.memory_space<hbm>> -> memref<1x128x128xf32, #tpu.memory_space<hbm>>
      %dma_wait3A_68 = tpu.memref_squeeze %dma_wait3A_67 : memref<1x128x128xf32, #tpu.memory_space<hbm>> -> memref<128x128xf32, #tpu.memory_space<hbm>>
      %dma_wait3A_69 = arith.constant 0 : i32
      %dma_wait3A_70 = tpu.memref_slice %arg5[%arg0, %add3A_50, %dma_wait3A_69] : memref<2x10112x128xf32, #tpu.memory_space<hbm>> -> memref<1x128x128xf32, #tpu.memory_space<hbm>>
      %dma_wait3A_71 = tpu.memref_squeeze %dma_wait3A_70 : memref<1x128x128xf32, #tpu.memory_space<hbm>> -> memref<128x128xf32, #tpu.memory_space<hbm>>
      %dma_wait3A_72 = arith.constant 0 : i32
      %dma_wait3A_73 = arith.constant 0 : i32
      %dma_wait3A_74 = tpu.memref_slice %arg8[%dma_wait3A_72, %dma_wait3A_73] : memref<128x128xf32, #tpu.memory_space<vmem>> -> memref<128x128xf32, #tpu.memory_space<vmem>>
      tpu.wait_dma2 semaphore(%run_scoped3A : memref<!tpu.dma_semaphore, #tpu.memory_space<semaphore_mem>>) src(%dma_wait3A_74 : memref<128x128xf32, #tpu.memory_space<vmem>>) dst(%dma_wait3A_71 : memref<128x128xf32, #tpu.memory_space<hbm>>)
      tpu.yield
    }) : () -> ()
    %add3A_51 = arith.constant 512 : i32
    %add3A_52 = arith.addi %mul3A_0, %add3A_51 : i32
    "tpu.region"() ({
      %run_scoped3A = tpu.sem_alloc : memref<!tpu.dma_semaphore, #tpu.memory_space<semaphore_mem>>
      %dma_start3A = arith.constant 0 : i32
      %dma_start3A_53 = arith.constant 0 : i32
      %dma_start3A_54 = tpu.memref_slice %arg8[%dma_start3A, %dma_start3A_53] : memref<128x128xf32, #tpu.memory_space<vmem>> -> memref<120x128xf32, #tpu.memory_space<vmem>>
      %dma_start3A_55 = arith.constant 0 : i32
      %dma_start3A_56 = tpu.memref_slice %arg9[%add3A_52, %dma_start3A_55] : memref<10112x128xf32, #tpu.memory_space<vmem_shared>> -> memref<120x128xf32, #tpu.memory_space<vmem_shared>>
      %dma_start3A_57 = arith.constant 0 : i32
      %dma_start3A_58 = arith.constant 0 : i32
      %dma_start3A_59 = tpu.memref_slice %arg8[%dma_start3A_57, %dma_start3A_58] : memref<128x128xf32, #tpu.memory_space<vmem>> -> memref<120x128xf32, #tpu.memory_space<vmem>>
      %dma_start3A_60 = arith.constant 0 : i32
      %dma_start3A_61 = tpu.memref_slice %arg9[%add3A_52, %dma_start3A_60] : memref<10112x128xf32, #tpu.memory_space<vmem_shared>> -> memref<120x128xf32, #tpu.memory_space<vmem_shared>>
      tpu.enqueue_dma source(%dma_start3A_61 : memref<120x128xf32, #tpu.memory_space<vmem_shared>>) target(%dma_start3A_59 : memref<120x128xf32, #tpu.memory_space<vmem>>) target_semaphore(%run_scoped3A : memref<!tpu.dma_semaphore, #tpu.memory_space<semaphore_mem>>)
      %dma_wait3A = arith.constant 0 : i32
      %dma_wait3A_62 = arith.constant 0 : i32
      %dma_wait3A_63 = tpu.memref_slice %arg8[%dma_wait3A, %dma_wait3A_62] : memref<128x128xf32, #tpu.memory_space<vmem>> -> memref<120x128xf32, #tpu.memory_space<vmem>>
      %dma_wait3A_64 = arith.constant 0 : i32
      %dma_wait3A_65 = tpu.memref_slice %arg9[%add3A_52, %dma_wait3A_64] : memref<10112x128xf32, #tpu.memory_space<vmem_shared>> -> memref<120x128xf32, #tpu.memory_space<vmem_shared>>
      %dma_wait3A_66 = arith.constant 0 : i32
      %dma_wait3A_67 = arith.constant 0 : i32
      %dma_wait3A_68 = tpu.memref_slice %arg8[%dma_wait3A_66, %dma_wait3A_67] : memref<128x128xf32, #tpu.memory_space<vmem>> -> memref<120x128xf32, #tpu.memory_space<vmem>>
      %dma_wait3A_69 = arith.constant 0 : i32
      %dma_wait3A_70 = tpu.memref_slice %arg9[%add3A_52, %dma_wait3A_69] : memref<10112x128xf32, #tpu.memory_space<vmem_shared>> -> memref<120x128xf32, #tpu.memory_space<vmem_shared>>
      tpu.wait_dma2 semaphore(%run_scoped3A : memref<!tpu.dma_semaphore, #tpu.memory_space<semaphore_mem>>) src(%dma_wait3A_70 : memref<120x128xf32, #tpu.memory_space<vmem_shared>>) dst(%dma_wait3A_68 : memref<120x128xf32, #tpu.memory_space<vmem>>)
      tpu.yield
    }) : () -> ()
    "tpu.region"() ({
      %run_scoped3A = tpu.sem_alloc : memref<!tpu.dma_semaphore, #tpu.memory_space<semaphore_mem>>
      %dma_start3A = arith.constant 0 : i32
      %dma_start3A_53 = arith.constant 0 : i32
      %dma_start3A_54 = tpu.memref_slice %arg8[%dma_start3A, %dma_start3A_53] : memref<128x128xf32, #tpu.memory_space<vmem>> -> memref<120x128xf32, #tpu.memory_space<vmem>>
      %dma_start3A_55 = arith.constant 0 : i32
      %dma_start3A_56 = tpu.memref_slice %arg5[%arg0, %add3A_52, %dma_start3A_55] : memref<2x10112x128xf32, #tpu.memory_space<hbm>> -> memref<1x120x128xf32, #tpu.memory_space<hbm>>
      %dma_start3A_57 = tpu.memref_squeeze %dma_start3A_56 : memref<1x120x128xf32, #tpu.memory_space<hbm>> -> memref<120x128xf32, #tpu.memory_space<hbm>>
      %dma_start3A_58 = arith.constant 0 : i32
      %dma_start3A_59 = tpu.memref_slice %arg5[%arg0, %add3A_52, %dma_start3A_58] : memref<2x10112x128xf32, #tpu.memory_space<hbm>> -> memref<1x120x128xf32, #tpu.memory_space<hbm>>
      %dma_start3A_60 = tpu.memref_squeeze %dma_start3A_59 : memref<1x120x128xf32, #tpu.memory_space<hbm>> -> memref<120x128xf32, #tpu.memory_space<hbm>>
      %dma_start3A_61 = arith.constant 0 : i32
      %dma_start3A_62 = arith.constant 0 : i32
      %dma_start3A_63 = tpu.memref_slice %arg8[%dma_start3A_61, %dma_start3A_62] : memref<128x128xf32, #tpu.memory_space<vmem>> -> memref<120x128xf32, #tpu.memory_space<vmem>>
      tpu.enqueue_dma source(%dma_start3A_63 : memref<120x128xf32, #tpu.memory_space<vmem>>) target(%dma_start3A_60 : memref<120x128xf32, #tpu.memory_space<hbm>>) target_semaphore(%run_scoped3A : memref<!tpu.dma_semaphore, #tpu.memory_space<semaphore_mem>>)
      %dma_wait3A = arith.constant 0 : i32
      %dma_wait3A_64 = arith.constant 0 : i32
      %dma_wait3A_65 = tpu.memref_slice %arg8[%dma_wait3A, %dma_wait3A_64] : memref<128x128xf32, #tpu.memory_space<vmem>> -> memref<120x128xf32, #tpu.memory_space<vmem>>
      %dma_wait3A_66 = arith.constant 0 : i32
      %dma_wait3A_67 = tpu.memref_slice %arg5[%arg0, %add3A_52, %dma_wait3A_66] : memref<2x10112x128xf32, #tpu.memory_space<hbm>> -> memref<1x120x128xf32, #tpu.memory_space<hbm>>
      %dma_wait3A_68 = tpu.memref_squeeze %dma_wait3A_67 : memref<1x120x128xf32, #tpu.memory_space<hbm>> -> memref<120x128xf32, #tpu.memory_space<hbm>>
      %dma_wait3A_69 = arith.constant 0 : i32
      %dma_wait3A_70 = tpu.memref_slice %arg5[%arg0, %add3A_52, %dma_wait3A_69] : memref<2x10112x128xf32, #tpu.memory_space<hbm>> -> memref<1x120x128xf32, #tpu.memory_space<hbm>>
      %dma_wait3A_71 = tpu.memref_squeeze %dma_wait3A_70 : memref<1x120x128xf32, #tpu.memory_space<hbm>> -> memref<120x128xf32, #tpu.memory_space<hbm>>
      %dma_wait3A_72 = arith.constant 0 : i32
      %dma_wait3A_73 = arith.constant 0 : i32
      %dma_wait3A_74 = tpu.memref_slice %arg8[%dma_wait3A_72, %dma_wait3A_73] : memref<128x128xf32, #tpu.memory_space<vmem>> -> memref<120x128xf32, #tpu.memory_space<vmem>>
      tpu.wait_dma2 semaphore(%run_scoped3A : memref<!tpu.dma_semaphore, #tpu.memory_space<semaphore_mem>>) src(%dma_wait3A_74 : memref<120x128xf32, #tpu.memory_space<vmem>>) dst(%dma_wait3A_71 : memref<120x128xf32, #tpu.memory_space<hbm>>)
      tpu.yield
    }) : () -> ()
    return
  }
}

module attributes {stable_mosaic.version = 14 : i64} {
  func.func @node_matmul(%arg0: i32, %arg1: memref<8x4xf32, #tpu.memory_space<smem>>, %arg2: memref<4x128x128xf32, #tpu.memory_space<vmem>>, %arg3: memref<128x128xf32, #tpu.memory_space<vmem>>, %arg4: memref<1000x128xf32, #tpu.memory_space<vmem>>, %arg5: memref<1000x1152xf32, #tpu.memory_space<vmem>>, %arg6: memref<128x1152xf32, #tpu.memory_space<vmem>>) attributes {dimension_semantics = [#tpu.dimension_semantics<arbitrary>], iteration_bounds = array<i64: 10>, scalar_prefetch = 0 : i64, scratch_operands = 1 : i64, tpu.core_type = #tpu.core_type<tc>, window_params = [{transform_indices = @transform_0, window_bounds = array<i64: 8, 4>}, {pipeline_mode = #tpu.pipeline_mode<synchronous>, transform_indices = @transform_1, window_bounds = array<i64: 4, 128, 128>}, {pipeline_mode = #tpu.pipeline_mode<synchronous>, transform_indices = @transform_2, window_bounds = array<i64: 128, 128>}, {transform_indices = @transform_3, window_bounds = array<i64: 1000, 128>}, {transform_indices = @transform_4, window_bounds = array<i64: 1000, 1152>}]} {
    %eq3A = arith.constant 0 : i32
    %eq3A_0 = arith.cmpi eq, %arg0, %eq3A : i32
    %convert_element_type3A = arith.extui %eq3A_0 : i1 to i32
    %cond3A = arith.constant 0 : i32
    %cond3A_1 = arith.cmpi ne, %convert_element_type3A, %cond3A : i32
    scf.if %cond3A_1 {
      %get3A_10 = arith.constant 0 : index
      %get3A_11 = arith.constant 0 : index
      %get3A_12 = memref.load %arg1[%get3A_10, %get3A_11] : memref<8x4xf32, #tpu.memory_space<smem>>
      %get3A_13 = arith.constant 0 : index
      %get3A_14 = arith.constant 0 : index
      %get3A_15 = arith.constant 0 : index
      %get3A_16 = vector.load %arg2[%get3A_13, %get3A_14, %get3A_15] : memref<4x128x128xf32, #tpu.memory_space<vmem>>, vector<1x128x128xf32>
      %get3A_17 = vector.shape_cast %get3A_16 : vector<1x128x128xf32> to vector<128x128xf32>
      %mul3A = vector.broadcast %get3A_12 : f32 to vector<128x128xf32>
      %mul3A_18 = arith.mulf %mul3A, %get3A_17 : vector<128x128xf32>
      %get3A_19 = arith.constant 0 : index
      %get3A_20 = arith.constant 1 : index
      %get3A_21 = memref.load %arg1[%get3A_19, %get3A_20] : memref<8x4xf32, #tpu.memory_space<smem>>
      %get3A_22 = arith.constant 1 : index
      %get3A_23 = arith.constant 0 : index
      %get3A_24 = arith.constant 0 : index
      %get3A_25 = vector.load %arg2[%get3A_22, %get3A_23, %get3A_24] : memref<4x128x128xf32, #tpu.memory_space<vmem>>, vector<1x128x128xf32>
      %get3A_26 = vector.shape_cast %get3A_25 : vector<1x128x128xf32> to vector<128x128xf32>
      %mul3A_27 = vector.broadcast %get3A_21 : f32 to vector<128x128xf32>
      %mul3A_28 = arith.mulf %mul3A_27, %get3A_26 : vector<128x128xf32>
      %add3A = arith.addf %mul3A_18, %mul3A_28 : vector<128x128xf32>
      %get3A_29 = arith.constant 0 : index
      %get3A_30 = arith.constant 2 : index
      %get3A_31 = memref.load %arg1[%get3A_29, %get3A_30] : memref<8x4xf32, #tpu.memory_space<smem>>
      %get3A_32 = arith.constant 2 : index
      %get3A_33 = arith.constant 0 : index
      %get3A_34 = arith.constant 0 : index
      %get3A_35 = vector.load %arg2[%get3A_32, %get3A_33, %get3A_34] : memref<4x128x128xf32, #tpu.memory_space<vmem>>, vector<1x128x128xf32>
      %get3A_36 = vector.shape_cast %get3A_35 : vector<1x128x128xf32> to vector<128x128xf32>
      %mul3A_37 = vector.broadcast %get3A_31 : f32 to vector<128x128xf32>
      %mul3A_38 = arith.mulf %mul3A_37, %get3A_36 : vector<128x128xf32>
      %add3A_39 = arith.addf %add3A, %mul3A_38 : vector<128x128xf32>
      %get3A_40 = arith.constant 0 : index
      %get3A_41 = arith.constant 3 : index
      %get3A_42 = memref.load %arg1[%get3A_40, %get3A_41] : memref<8x4xf32, #tpu.memory_space<smem>>
      %get3A_43 = arith.constant 3 : index
      %get3A_44 = arith.constant 0 : index
      %get3A_45 = arith.constant 0 : index
      %get3A_46 = vector.load %arg2[%get3A_43, %get3A_44, %get3A_45] : memref<4x128x128xf32, #tpu.memory_space<vmem>>, vector<1x128x128xf32>
      %get3A_47 = vector.shape_cast %get3A_46 : vector<1x128x128xf32> to vector<128x128xf32>
      %mul3A_48 = vector.broadcast %get3A_42 : f32 to vector<128x128xf32>
      %mul3A_49 = arith.mulf %mul3A_48, %get3A_47 : vector<128x128xf32>
      %add3A_50 = arith.addf %add3A_39, %mul3A_49 : vector<128x128xf32>
      %swap3A_51 = arith.constant 0 : index
      %swap3A_52 = arith.constant 0 : index
      %swap3A_53 = vector.load %arg6[%swap3A_51, %swap3A_52] : memref<128x1152xf32, #tpu.memory_space<vmem>>, vector<128x128xf32>
      tpu.vector_store %arg6[%swap3A_51, %swap3A_52], %add3A_50 {strides = array<i32>} : memref<128x1152xf32, #tpu.memory_space<vmem>>, vector<128x128xf32>,
      %get3A_54 = arith.constant 1 : index
      %get3A_55 = arith.constant 0 : index
      %get3A_56 = memref.load %arg1[%get3A_54, %get3A_55] : memref<8x4xf32, #tpu.memory_space<smem>>
      %get3A_57 = arith.constant 0 : index
      %get3A_58 = arith.constant 0 : index
      %get3A_59 = arith.constant 0 : index
      %get3A_60 = vector.load %arg2[%get3A_57, %get3A_58, %get3A_59] : memref<4x128x128xf32, #tpu.memory_space<vmem>>, vector<1x128x128xf32>
      %get3A_61 = vector.shape_cast %get3A_60 : vector<1x128x128xf32> to vector<128x128xf32>
      %mul3A_62 = vector.broadcast %get3A_56 : f32 to vector<128x128xf32>
      %mul3A_63 = arith.mulf %mul3A_62, %get3A_61 : vector<128x128xf32>
      %get3A_64 = arith.constant 1 : index
      %get3A_65 = arith.constant 1 : index
      %get3A_66 = memref.load %arg1[%get3A_64, %get3A_65] : memref<8x4xf32, #tpu.memory_space<smem>>
      %get3A_67 = arith.constant 1 : index
      %get3A_68 = arith.constant 0 : index
      %get3A_69 = arith.constant 0 : index
      %get3A_70 = vector.load %arg2[%get3A_67, %get3A_68, %get3A_69] : memref<4x128x128xf32, #tpu.memory_space<vmem>>, vector<1x128x128xf32>
      %get3A_71 = vector.shape_cast %get3A_70 : vector<1x128x128xf32> to vector<128x128xf32>
      %mul3A_72 = vector.broadcast %get3A_66 : f32 to vector<128x128xf32>
      %mul3A_73 = arith.mulf %mul3A_72, %get3A_71 : vector<128x128xf32>
      %add3A_74 = arith.addf %mul3A_63, %mul3A_73 : vector<128x128xf32>
      %get3A_75 = arith.constant 1 : index
      %get3A_76 = arith.constant 2 : index
      %get3A_77 = memref.load %arg1[%get3A_75, %get3A_76] : memref<8x4xf32, #tpu.memory_space<smem>>
      %get3A_78 = arith.constant 2 : index
      %get3A_79 = arith.constant 0 : index
      %get3A_80 = arith.constant 0 : index
      %get3A_81 = vector.load %arg2[%get3A_78, %get3A_79, %get3A_80] : memref<4x128x128xf32, #tpu.memory_space<vmem>>, vector<1x128x128xf32>
      %get3A_82 = vector.shape_cast %get3A_81 : vector<1x128x128xf32> to vector<128x128xf32>
      %mul3A_83 = vector.broadcast %get3A_77 : f32 to vector<128x128xf32>
      %mul3A_84 = arith.mulf %mul3A_83, %get3A_82 : vector<128x128xf32>
      %add3A_85 = arith.addf %add3A_74, %mul3A_84 : vector<128x128xf32>
      %get3A_86 = arith.constant 1 : index
      %get3A_87 = arith.constant 3 : index
      %get3A_88 = memref.load %arg1[%get3A_86, %get3A_87] : memref<8x4xf32, #tpu.memory_space<smem>>
      %get3A_89 = arith.constant 3 : index
      %get3A_90 = arith.constant 0 : index
      %get3A_91 = arith.constant 0 : index
      %get3A_92 = vector.load %arg2[%get3A_89, %get3A_90, %get3A_91] : memref<4x128x128xf32, #tpu.memory_space<vmem>>, vector<1x128x128xf32>
      %get3A_93 = vector.shape_cast %get3A_92 : vector<1x128x128xf32> to vector<128x128xf32>
      %mul3A_94 = vector.broadcast %get3A_88 : f32 to vector<128x128xf32>
      %mul3A_95 = arith.mulf %mul3A_94, %get3A_93 : vector<128x128xf32>
      %add3A_96 = arith.addf %add3A_85, %mul3A_95 : vector<128x128xf32>
      %swap3A_97 = arith.constant 0 : index
      %swap3A_98 = arith.constant 128 : index
      %swap3A_99 = vector.load %arg6[%swap3A_97, %swap3A_98] : memref<128x1152xf32, #tpu.memory_space<vmem>>, vector<128x128xf32>
      tpu.vector_store %arg6[%swap3A_97, %swap3A_98], %add3A_96 {strides = array<i32>} : memref<128x1152xf32, #tpu.memory_space<vmem>>, vector<128x128xf32>,
      %get3A_100 = arith.constant 2 : index
      %get3A_101 = arith.constant 0 : index
      %get3A_102 = memref.load %arg1[%get3A_100, %get3A_101] : memref<8x4xf32, #tpu.memory_space<smem>>
      %get3A_103 = arith.constant 0 : index
      %get3A_104 = arith.constant 0 : index
      %get3A_105 = arith.constant 0 : index
      %get3A_106 = vector.load %arg2[%get3A_103, %get3A_104, %get3A_105] : memref<4x128x128xf32, #tpu.memory_space<vmem>>, vector<1x128x128xf32>
      %get3A_107 = vector.shape_cast %get3A_106 : vector<1x128x128xf32> to vector<128x128xf32>
      %mul3A_108 = vector.broadcast %get3A_102 : f32 to vector<128x128xf32>
      %mul3A_109 = arith.mulf %mul3A_108, %get3A_107 : vector<128x128xf32>
      %get3A_110 = arith.constant 2 : index
      %get3A_111 = arith.constant 1 : index
      %get3A_112 = memref.load %arg1[%get3A_110, %get3A_111] : memref<8x4xf32, #tpu.memory_space<smem>>
      %get3A_113 = arith.constant 1 : index
      %get3A_114 = arith.constant 0 : index
      %get3A_115 = arith.constant 0 : index
      %get3A_116 = vector.load %arg2[%get3A_113, %get3A_114, %get3A_115] : memref<4x128x128xf32, #tpu.memory_space<vmem>>, vector<1x128x128xf32>
      %get3A_117 = vector.shape_cast %get3A_116 : vector<1x128x128xf32> to vector<128x128xf32>
      %mul3A_118 = vector.broadcast %get3A_112 : f32 to vector<128x128xf32>
      %mul3A_119 = arith.mulf %mul3A_118, %get3A_117 : vector<128x128xf32>
      %add3A_120 = arith.addf %mul3A_109, %mul3A_119 : vector<128x128xf32>
      %get3A_121 = arith.constant 2 : index
      %get3A_122 = arith.constant 2 : index
      %get3A_123 = memref.load %arg1[%get3A_121, %get3A_122] : memref<8x4xf32, #tpu.memory_space<smem>>
      %get3A_124 = arith.constant 2 : index
      %get3A_125 = arith.constant 0 : index
      %get3A_126 = arith.constant 0 : index
      %get3A_127 = vector.load %arg2[%get3A_124, %get3A_125, %get3A_126] : memref<4x128x128xf32, #tpu.memory_space<vmem>>, vector<1x128x128xf32>
      %get3A_128 = vector.shape_cast %get3A_127 : vector<1x128x128xf32> to vector<128x128xf32>
      %mul3A_129 = vector.broadcast %get3A_123 : f32 to vector<128x128xf32>
      %mul3A_130 = arith.mulf %mul3A_129, %get3A_128 : vector<128x128xf32>
      %add3A_131 = arith.addf %add3A_120, %mul3A_130 : vector<128x128xf32>
      %get3A_132 = arith.constant 2 : index
      %get3A_133 = arith.constant 3 : index
      %get3A_134 = memref.load %arg1[%get3A_132, %get3A_133] : memref<8x4xf32, #tpu.memory_space<smem>>
      %get3A_135 = arith.constant 3 : index
      %get3A_136 = arith.constant 0 : index
      %get3A_137 = arith.constant 0 : index
      %get3A_138 = vector.load %arg2[%get3A_135, %get3A_136, %get3A_137] : memref<4x128x128xf32, #tpu.memory_space<vmem>>, vector<1x128x128xf32>
      %get3A_139 = vector.shape_cast %get3A_138 : vector<1x128x128xf32> to vector<128x128xf32>
      %mul3A_140 = vector.broadcast %get3A_134 : f32 to vector<128x128xf32>
      %mul3A_141 = arith.mulf %mul3A_140, %get3A_139 : vector<128x128xf32>
      %add3A_142 = arith.addf %add3A_131, %mul3A_141 : vector<128x128xf32>
      %swap3A_143 = arith.constant 0 : index
      %swap3A_144 = arith.constant 256 : index
      %swap3A_145 = vector.load %arg6[%swap3A_143, %swap3A_144] : memref<128x1152xf32, #tpu.memory_space<vmem>>, vector<128x128xf32>
      tpu.vector_store %arg6[%swap3A_143, %swap3A_144], %add3A_142 {strides = array<i32>} : memref<128x1152xf32, #tpu.memory_space<vmem>>, vector<128x128xf32>,
      %get3A_146 = arith.constant 3 : index
      %get3A_147 = arith.constant 0 : index
      %get3A_148 = memref.load %arg1[%get3A_146, %get3A_147] : memref<8x4xf32, #tpu.memory_space<smem>>
      %get3A_149 = arith.constant 0 : index
      %get3A_150 = arith.constant 0 : index
      %get3A_151 = arith.constant 0 : index
      %get3A_152 = vector.load %arg2[%get3A_149, %get3A_150, %get3A_151] : memref<4x128x128xf32, #tpu.memory_space<vmem>>, vector<1x128x128xf32>
      %get3A_153 = vector.shape_cast %get3A_152 : vector<1x128x128xf32> to vector<128x128xf32>
      %mul3A_154 = vector.broadcast %get3A_148 : f32 to vector<128x128xf32>
      %mul3A_155 = arith.mulf %mul3A_154, %get3A_153 : vector<128x128xf32>
      %get3A_156 = arith.constant 3 : index
      %get3A_157 = arith.constant 1 : index
      %get3A_158 = memref.load %arg1[%get3A_156, %get3A_157] : memref<8x4xf32, #tpu.memory_space<smem>>
      %get3A_159 = arith.constant 1 : index
      %get3A_160 = arith.constant 0 : index
      %get3A_161 = arith.constant 0 : index
      %get3A_162 = vector.load %arg2[%get3A_159, %get3A_160, %get3A_161] : memref<4x128x128xf32, #tpu.memory_space<vmem>>, vector<1x128x128xf32>
      %get3A_163 = vector.shape_cast %get3A_162 : vector<1x128x128xf32> to vector<128x128xf32>
      %mul3A_164 = vector.broadcast %get3A_158 : f32 to vector<128x128xf32>
      %mul3A_165 = arith.mulf %mul3A_164, %get3A_163 : vector<128x128xf32>
      %add3A_166 = arith.addf %mul3A_155, %mul3A_165 : vector<128x128xf32>
      %get3A_167 = arith.constant 3 : index
      %get3A_168 = arith.constant 2 : index
      %get3A_169 = memref.load %arg1[%get3A_167, %get3A_168] : memref<8x4xf32, #tpu.memory_space<smem>>
      %get3A_170 = arith.constant 2 : index
      %get3A_171 = arith.constant 0 : index
      %get3A_172 = arith.constant 0 : index
      %get3A_173 = vector.load %arg2[%get3A_170, %get3A_171, %get3A_172] : memref<4x128x128xf32, #tpu.memory_space<vmem>>, vector<1x128x128xf32>
      %get3A_174 = vector.shape_cast %get3A_173 : vector<1x128x128xf32> to vector<128x128xf32>
      %mul3A_175 = vector.broadcast %get3A_169 : f32 to vector<128x128xf32>
      %mul3A_176 = arith.mulf %mul3A_175, %get3A_174 : vector<128x128xf32>
      %add3A_177 = arith.addf %add3A_166, %mul3A_176 : vector<128x128xf32>
      %get3A_178 = arith.constant 3 : index
      %get3A_179 = arith.constant 3 : index
      %get3A_180 = memref.load %arg1[%get3A_178, %get3A_179] : memref<8x4xf32, #tpu.memory_space<smem>>
      %get3A_181 = arith.constant 3 : index
      %get3A_182 = arith.constant 0 : index
      %get3A_183 = arith.constant 0 : index
      %get3A_184 = vector.load %arg2[%get3A_181, %get3A_182, %get3A_183] : memref<4x128x128xf32, #tpu.memory_space<vmem>>, vector<1x128x128xf32>
      %get3A_185 = vector.shape_cast %get3A_184 : vector<1x128x128xf32> to vector<128x128xf32>
      %mul3A_186 = vector.broadcast %get3A_180 : f32 to vector<128x128xf32>
      %mul3A_187 = arith.mulf %mul3A_186, %get3A_185 : vector<128x128xf32>
      %add3A_188 = arith.addf %add3A_177, %mul3A_187 : vector<128x128xf32>
      %swap3A_189 = arith.constant 0 : index
      %swap3A_190 = arith.constant 384 : index
      %swap3A_191 = vector.load %arg6[%swap3A_189, %swap3A_190] : memref<128x1152xf32, #tpu.memory_space<vmem>>, vector<128x128xf32>
      tpu.vector_store %arg6[%swap3A_189, %swap3A_190], %add3A_188 {strides = array<i32>} : memref<128x1152xf32, #tpu.memory_space<vmem>>, vector<128x128xf32>,
      %get3A_192 = arith.constant 4 : index
      %get3A_193 = arith.constant 0 : index
      %get3A_194 = memref.load %arg1[%get3A_192, %get3A_193] : memref<8x4xf32, #tpu.memory_space<smem>>
      %get3A_195 = arith.constant 0 : index
      %get3A_196 = arith.constant 0 : index
      %get3A_197 = arith.constant 0 : index
      %get3A_198 = vector.load %arg2[%get3A_195, %get3A_196, %get3A_197] : memref<4x128x128xf32, #tpu.memory_space<vmem>>, vector<1x128x128xf32>
      %get3A_199 = vector.shape_cast %get3A_198 : vector<1x128x128xf32> to vector<128x128xf32>
      %mul3A_200 = vector.broadcast %get3A_194 : f32 to vector<128x128xf32>
      %mul3A_201 = arith.mulf %mul3A_200, %get3A_199 : vector<128x128xf32>
      %get3A_202 = arith.constant 4 : index
      %get3A_203 = arith.constant 1 : index
      %get3A_204 = memref.load %arg1[%get3A_202, %get3A_203] : memref<8x4xf32, #tpu.memory_space<smem>>
      %get3A_205 = arith.constant 1 : index
      %get3A_206 = arith.constant 0 : index
      %get3A_207 = arith.constant 0 : index
      %get3A_208 = vector.load %arg2[%get3A_205, %get3A_206, %get3A_207] : memref<4x128x128xf32, #tpu.memory_space<vmem>>, vector<1x128x128xf32>
      %get3A_209 = vector.shape_cast %get3A_208 : vector<1x128x128xf32> to vector<128x128xf32>
      %mul3A_210 = vector.broadcast %get3A_204 : f32 to vector<128x128xf32>
      %mul3A_211 = arith.mulf %mul3A_210, %get3A_209 : vector<128x128xf32>
      %add3A_212 = arith.addf %mul3A_201, %mul3A_211 : vector<128x128xf32>
      %get3A_213 = arith.constant 4 : index
      %get3A_214 = arith.constant 2 : index
      %get3A_215 = memref.load %arg1[%get3A_213, %get3A_214] : memref<8x4xf32, #tpu.memory_space<smem>>
      %get3A_216 = arith.constant 2 : index
      %get3A_217 = arith.constant 0 : index
      %get3A_218 = arith.constant 0 : index
      %get3A_219 = vector.load %arg2[%get3A_216, %get3A_217, %get3A_218] : memref<4x128x128xf32, #tpu.memory_space<vmem>>, vector<1x128x128xf32>
      %get3A_220 = vector.shape_cast %get3A_219 : vector<1x128x128xf32> to vector<128x128xf32>
      %mul3A_221 = vector.broadcast %get3A_215 : f32 to vector<128x128xf32>
      %mul3A_222 = arith.mulf %mul3A_221, %get3A_220 : vector<128x128xf32>
      %add3A_223 = arith.addf %add3A_212, %mul3A_222 : vector<128x128xf32>
      %get3A_224 = arith.constant 4 : index
      %get3A_225 = arith.constant 3 : index
      %get3A_226 = memref.load %arg1[%get3A_224, %get3A_225] : memref<8x4xf32, #tpu.memory_space<smem>>
      %get3A_227 = arith.constant 3 : index
      %get3A_228 = arith.constant 0 : index
      %get3A_229 = arith.constant 0 : index
      %get3A_230 = vector.load %arg2[%get3A_227, %get3A_228, %get3A_229] : memref<4x128x128xf32, #tpu.memory_space<vmem>>, vector<1x128x128xf32>
      %get3A_231 = vector.shape_cast %get3A_230 : vector<1x128x128xf32> to vector<128x128xf32>
      %mul3A_232 = vector.broadcast %get3A_226 : f32 to vector<128x128xf32>
      %mul3A_233 = arith.mulf %mul3A_232, %get3A_231 : vector<128x128xf32>
      %add3A_234 = arith.addf %add3A_223, %mul3A_233 : vector<128x128xf32>
      %swap3A_235 = arith.constant 0 : index
      %swap3A_236 = arith.constant 512 : index
      %swap3A_237 = vector.load %arg6[%swap3A_235, %swap3A_236] : memref<128x1152xf32, #tpu.memory_space<vmem>>, vector<128x128xf32>
      tpu.vector_store %arg6[%swap3A_235, %swap3A_236], %add3A_234 {strides = array<i32>} : memref<128x1152xf32, #tpu.memory_space<vmem>>, vector<128x128xf32>,
      %get3A_238 = arith.constant 5 : index
      %get3A_239 = arith.constant 0 : index
      %get3A_240 = memref.load %arg1[%get3A_238, %get3A_239] : memref<8x4xf32, #tpu.memory_space<smem>>
      %get3A_241 = arith.constant 0 : index
      %get3A_242 = arith.constant 0 : index
      %get3A_243 = arith.constant 0 : index
      %get3A_244 = vector.load %arg2[%get3A_241, %get3A_242, %get3A_243] : memref<4x128x128xf32, #tpu.memory_space<vmem>>, vector<1x128x128xf32>
      %get3A_245 = vector.shape_cast %get3A_244 : vector<1x128x128xf32> to vector<128x128xf32>
      %mul3A_246 = vector.broadcast %get3A_240 : f32 to vector<128x128xf32>
      %mul3A_247 = arith.mulf %mul3A_246, %get3A_245 : vector<128x128xf32>
      %get3A_248 = arith.constant 5 : index
      %get3A_249 = arith.constant 1 : index
      %get3A_250 = memref.load %arg1[%get3A_248, %get3A_249] : memref<8x4xf32, #tpu.memory_space<smem>>
      %get3A_251 = arith.constant 1 : index
      %get3A_252 = arith.constant 0 : index
      %get3A_253 = arith.constant 0 : index
      %get3A_254 = vector.load %arg2[%get3A_251, %get3A_252, %get3A_253] : memref<4x128x128xf32, #tpu.memory_space<vmem>>, vector<1x128x128xf32>
      %get3A_255 = vector.shape_cast %get3A_254 : vector<1x128x128xf32> to vector<128x128xf32>
      %mul3A_256 = vector.broadcast %get3A_250 : f32 to vector<128x128xf32>
      %mul3A_257 = arith.mulf %mul3A_256, %get3A_255 : vector<128x128xf32>
      %add3A_258 = arith.addf %mul3A_247, %mul3A_257 : vector<128x128xf32>
      %get3A_259 = arith.constant 5 : index
      %get3A_260 = arith.constant 2 : index
      %get3A_261 = memref.load %arg1[%get3A_259, %get3A_260] : memref<8x4xf32, #tpu.memory_space<smem>>
      %get3A_262 = arith.constant 2 : index
      %get3A_263 = arith.constant 0 : index
      %get3A_264 = arith.constant 0 : index
      %get3A_265 = vector.load %arg2[%get3A_262, %get3A_263, %get3A_264] : memref<4x128x128xf32, #tpu.memory_space<vmem>>, vector<1x128x128xf32>
      %get3A_266 = vector.shape_cast %get3A_265 : vector<1x128x128xf32> to vector<128x128xf32>
      %mul3A_267 = vector.broadcast %get3A_261 : f32 to vector<128x128xf32>
      %mul3A_268 = arith.mulf %mul3A_267, %get3A_266 : vector<128x128xf32>
      %add3A_269 = arith.addf %add3A_258, %mul3A_268 : vector<128x128xf32>
      %get3A_270 = arith.constant 5 : index
      %get3A_271 = arith.constant 3 : index
      %get3A_272 = memref.load %arg1[%get3A_270, %get3A_271] : memref<8x4xf32, #tpu.memory_space<smem>>
      %get3A_273 = arith.constant 3 : index
      %get3A_274 = arith.constant 0 : index
      %get3A_275 = arith.constant 0 : index
      %get3A_276 = vector.load %arg2[%get3A_273, %get3A_274, %get3A_275] : memref<4x128x128xf32, #tpu.memory_space<vmem>>, vector<1x128x128xf32>
      %get3A_277 = vector.shape_cast %get3A_276 : vector<1x128x128xf32> to vector<128x128xf32>
      %mul3A_278 = vector.broadcast %get3A_272 : f32 to vector<128x128xf32>
      %mul3A_279 = arith.mulf %mul3A_278, %get3A_277 : vector<128x128xf32>
      %add3A_280 = arith.addf %add3A_269, %mul3A_279 : vector<128x128xf32>
      %swap3A_281 = arith.constant 0 : index
      %swap3A_282 = arith.constant 640 : index
      %swap3A_283 = vector.load %arg6[%swap3A_281, %swap3A_282] : memref<128x1152xf32, #tpu.memory_space<vmem>>, vector<128x128xf32>
      tpu.vector_store %arg6[%swap3A_281, %swap3A_282], %add3A_280 {strides = array<i32>} : memref<128x1152xf32, #tpu.memory_space<vmem>>, vector<128x128xf32>,
      %get3A_284 = arith.constant 6 : index
      %get3A_285 = arith.constant 0 : index
      %get3A_286 = memref.load %arg1[%get3A_284, %get3A_285] : memref<8x4xf32, #tpu.memory_space<smem>>
      %get3A_287 = arith.constant 0 : index
      %get3A_288 = arith.constant 0 : index
      %get3A_289 = arith.constant 0 : index
      %get3A_290 = vector.load %arg2[%get3A_287, %get3A_288, %get3A_289] : memref<4x128x128xf32, #tpu.memory_space<vmem>>, vector<1x128x128xf32>
      %get3A_291 = vector.shape_cast %get3A_290 : vector<1x128x128xf32> to vector<128x128xf32>
      %mul3A_292 = vector.broadcast %get3A_286 : f32 to vector<128x128xf32>
      %mul3A_293 = arith.mulf %mul3A_292, %get3A_291 : vector<128x128xf32>
      %get3A_294 = arith.constant 6 : index
      %get3A_295 = arith.constant 1 : index
      %get3A_296 = memref.load %arg1[%get3A_294, %get3A_295] : memref<8x4xf32, #tpu.memory_space<smem>>
      %get3A_297 = arith.constant 1 : index
      %get3A_298 = arith.constant 0 : index
      %get3A_299 = arith.constant 0 : index
      %get3A_300 = vector.load %arg2[%get3A_297, %get3A_298, %get3A_299] : memref<4x128x128xf32, #tpu.memory_space<vmem>>, vector<1x128x128xf32>
      %get3A_301 = vector.shape_cast %get3A_300 : vector<1x128x128xf32> to vector<128x128xf32>
      %mul3A_302 = vector.broadcast %get3A_296 : f32 to vector<128x128xf32>
      %mul3A_303 = arith.mulf %mul3A_302, %get3A_301 : vector<128x128xf32>
      %add3A_304 = arith.addf %mul3A_293, %mul3A_303 : vector<128x128xf32>
      %get3A_305 = arith.constant 6 : index
      %get3A_306 = arith.constant 2 : index
      %get3A_307 = memref.load %arg1[%get3A_305, %get3A_306] : memref<8x4xf32, #tpu.memory_space<smem>>
      %get3A_308 = arith.constant 2 : index
      %get3A_309 = arith.constant 0 : index
      %get3A_310 = arith.constant 0 : index
      %get3A_311 = vector.load %arg2[%get3A_308, %get3A_309, %get3A_310] : memref<4x128x128xf32, #tpu.memory_space<vmem>>, vector<1x128x128xf32>
      %get3A_312 = vector.shape_cast %get3A_311 : vector<1x128x128xf32> to vector<128x128xf32>
      %mul3A_313 = vector.broadcast %get3A_307 : f32 to vector<128x128xf32>
      %mul3A_314 = arith.mulf %mul3A_313, %get3A_312 : vector<128x128xf32>
      %add3A_315 = arith.addf %add3A_304, %mul3A_314 : vector<128x128xf32>
      %get3A_316 = arith.constant 6 : index
      %get3A_317 = arith.constant 3 : index
      %get3A_318 = memref.load %arg1[%get3A_316, %get3A_317] : memref<8x4xf32, #tpu.memory_space<smem>>
      %get3A_319 = arith.constant 3 : index
      %get3A_320 = arith.constant 0 : index
      %get3A_321 = arith.constant 0 : index
      %get3A_322 = vector.load %arg2[%get3A_319, %get3A_320, %get3A_321] : memref<4x128x128xf32, #tpu.memory_space<vmem>>, vector<1x128x128xf32>
      %get3A_323 = vector.shape_cast %get3A_322 : vector<1x128x128xf32> to vector<128x128xf32>
      %mul3A_324 = vector.broadcast %get3A_318 : f32 to vector<128x128xf32>
      %mul3A_325 = arith.mulf %mul3A_324, %get3A_323 : vector<128x128xf32>
      %add3A_326 = arith.addf %add3A_315, %mul3A_325 : vector<128x128xf32>
      %swap3A_327 = arith.constant 0 : index
      %swap3A_328 = arith.constant 768 : index
      %swap3A_329 = vector.load %arg6[%swap3A_327, %swap3A_328] : memref<128x1152xf32, #tpu.memory_space<vmem>>, vector<128x128xf32>
      tpu.vector_store %arg6[%swap3A_327, %swap3A_328], %add3A_326 {strides = array<i32>} : memref<128x1152xf32, #tpu.memory_space<vmem>>, vector<128x128xf32>,
      %get3A_330 = arith.constant 7 : index
      %get3A_331 = arith.constant 0 : index
      %get3A_332 = memref.load %arg1[%get3A_330, %get3A_331] : memref<8x4xf32, #tpu.memory_space<smem>>
      %get3A_333 = arith.constant 0 : index
      %get3A_334 = arith.constant 0 : index
      %get3A_335 = arith.constant 0 : index
      %get3A_336 = vector.load %arg2[%get3A_333, %get3A_334, %get3A_335] : memref<4x128x128xf32, #tpu.memory_space<vmem>>, vector<1x128x128xf32>
      %get3A_337 = vector.shape_cast %get3A_336 : vector<1x128x128xf32> to vector<128x128xf32>
      %mul3A_338 = vector.broadcast %get3A_332 : f32 to vector<128x128xf32>
      %mul3A_339 = arith.mulf %mul3A_338, %get3A_337 : vector<128x128xf32>
      %get3A_340 = arith.constant 7 : index
      %get3A_341 = arith.constant 1 : index
      %get3A_342 = memref.load %arg1[%get3A_340, %get3A_341] : memref<8x4xf32, #tpu.memory_space<smem>>
      %get3A_343 = arith.constant 1 : index
      %get3A_344 = arith.constant 0 : index
      %get3A_345 = arith.constant 0 : index
      %get3A_346 = vector.load %arg2[%get3A_343, %get3A_344, %get3A_345] : memref<4x128x128xf32, #tpu.memory_space<vmem>>, vector<1x128x128xf32>
      %get3A_347 = vector.shape_cast %get3A_346 : vector<1x128x128xf32> to vector<128x128xf32>
      %mul3A_348 = vector.broadcast %get3A_342 : f32 to vector<128x128xf32>
      %mul3A_349 = arith.mulf %mul3A_348, %get3A_347 : vector<128x128xf32>
      %add3A_350 = arith.addf %mul3A_339, %mul3A_349 : vector<128x128xf32>
      %get3A_351 = arith.constant 7 : index
      %get3A_352 = arith.constant 2 : index
      %get3A_353 = memref.load %arg1[%get3A_351, %get3A_352] : memref<8x4xf32, #tpu.memory_space<smem>>
      %get3A_354 = arith.constant 2 : index
      %get3A_355 = arith.constant 0 : index
      %get3A_356 = arith.constant 0 : index
      %get3A_357 = vector.load %arg2[%get3A_354, %get3A_355, %get3A_356] : memref<4x128x128xf32, #tpu.memory_space<vmem>>, vector<1x128x128xf32>
      %get3A_358 = vector.shape_cast %get3A_357 : vector<1x128x128xf32> to vector<128x128xf32>
      %mul3A_359 = vector.broadcast %get3A_353 : f32 to vector<128x128xf32>
      %mul3A_360 = arith.mulf %mul3A_359, %get3A_358 : vector<128x128xf32>
      %add3A_361 = arith.addf %add3A_350, %mul3A_360 : vector<128x128xf32>
      %get3A_362 = arith.constant 7 : index
      %get3A_363 = arith.constant 3 : index
      %get3A_364 = memref.load %arg1[%get3A_362, %get3A_363] : memref<8x4xf32, #tpu.memory_space<smem>>
      %get3A_365 = arith.constant 3 : index
      %get3A_366 = arith.constant 0 : index
      %get3A_367 = arith.constant 0 : index
      %get3A_368 = vector.load %arg2[%get3A_365, %get3A_366, %get3A_367] : memref<4x128x128xf32, #tpu.memory_space<vmem>>, vector<1x128x128xf32>
      %get3A_369 = vector.shape_cast %get3A_368 : vector<1x128x128xf32> to vector<128x128xf32>
      %mul3A_370 = vector.broadcast %get3A_364 : f32 to vector<128x128xf32>
      %mul3A_371 = arith.mulf %mul3A_370, %get3A_369 : vector<128x128xf32>
      %add3A_372 = arith.addf %add3A_361, %mul3A_371 : vector<128x128xf32>
      %swap3A_373 = arith.constant 0 : index
      %swap3A_374 = arith.constant 896 : index
      %swap3A_375 = vector.load %arg6[%swap3A_373, %swap3A_374] : memref<128x1152xf32, #tpu.memory_space<vmem>>, vector<128x128xf32>
      tpu.vector_store %arg6[%swap3A_373, %swap3A_374], %add3A_372 {strides = array<i32>} : memref<128x1152xf32, #tpu.memory_space<vmem>>, vector<128x128xf32>,
      %get3A_376 = arith.constant 0 : index
      %get3A_377 = arith.constant 0 : index
      %get3A_378 = vector.load %arg3[%get3A_376, %get3A_377] : memref<128x128xf32, #tpu.memory_space<vmem>>, vector<128x128xf32>
      %swap3A_379 = arith.constant 0 : index
      %swap3A_380 = arith.constant 1024 : index
      %swap3A_381 = vector.load %arg6[%swap3A_379, %swap3A_380] : memref<128x1152xf32, #tpu.memory_space<vmem>>, vector<128x128xf32>
      tpu.vector_store %arg6[%swap3A_379, %swap3A_380], %get3A_378 {strides = array<i32>} : memref<128x1152xf32, #tpu.memory_space<vmem>>, vector<128x128xf32>,
    } else {
    }
    %get3A = arith.constant 0 : index
    %get3A_2 = arith.constant 0 : index
    %get3A_3 = vector.load %arg4[%get3A, %get3A_2] : memref<1000x128xf32, #tpu.memory_space<vmem>>, vector<1000x128xf32>
    %get3A_4 = arith.constant 0 : index
    %get3A_5 = arith.constant 0 : index
    %get3A_6 = vector.load %arg6[%get3A_4, %get3A_5] : memref<128x1152xf32, #tpu.memory_space<vmem>>, vector<128x1152xf32>
    %dot_general3A = arith.constant dense<0.000000e+00> : vector<1000x1152xf32>
    %dot_general3A_7 = tpu.matmul %get3A_3, %get3A_6, %dot_general3A {dimension_numbers = #tpu.dot_dimension_numbers<[1], [0], [0], [1], [0, 0, 1, 1], [], []>, transpose_lhs_hint = false} : vector<1000x128xf32>, vector<128x1152xf32>, vector<1000x1152xf32> -> vector<1000x1152xf32>
    %swap3A = arith.constant 0 : index
    %swap3A_8 = arith.constant 0 : index
    %swap3A_9 = vector.load %arg5[%swap3A, %swap3A_8] : memref<1000x1152xf32, #tpu.memory_space<vmem>>, vector<1000x1152xf32>
    tpu.vector_store %arg5[%swap3A, %swap3A_8], %dot_general3A_7 {strides = array<i32>} : memref<1000x1152xf32, #tpu.memory_space<vmem>>, vector<1000x1152xf32>,
    return
  }
  func.func @transform_0(%arg0: i32) -> (i32, i32) {
    %c0_i32 = arith.constant 0 : i32
    %c0_i32_0 = arith.constant 0 : i32
    %c0_i32_1 = arith.constant 0 : i32
    return %c0_i32, %c0_i32_0 : i32, i32
  }
  func.func @transform_1(%arg0: i32) -> (i32, i32, i32) {
    %c0_i32 = arith.constant 0 : i32
    %c0_i32_0 = arith.constant 0 : i32
    %c0_i32_1 = arith.constant 0 : i32
    %c0_i32_2 = arith.constant 0 : i32
    return %c0_i32, %c0_i32_0, %c0_i32_1 : i32, i32, i32
  }
  func.func @transform_2(%arg0: i32) -> (i32, i32) {
    %c0_i32 = arith.constant 0 : i32
    %c0_i32_0 = arith.constant 0 : i32
    %c0_i32_1 = arith.constant 0 : i32
    return %c0_i32, %c0_i32_0 : i32, i32
  }
  func.func @transform_3(%arg0: i32) -> (i32, i32) {
    %c0_i32 = arith.constant 0 : i32
    %c0_i32_0 = arith.constant 0 : i32
    return %arg0, %c0_i32 : i32, i32
  }
  func.func @transform_4(%arg0: i32) -> (i32, i32) {
    %c0_i32 = arith.constant 0 : i32
    %c0_i32_0 = arith.constant 0 : i32
    return %arg0, %c0_i32 : i32, i32
  }
}

module attributes {stable_mosaic.version = 14 : i64} {
  func.func @edge_gather_idx(%arg0: memref<1280x128xi32, #tpu.memory_space<vmem>>, %arg1: memref<1280x128xi32, #tpu.memory_space<vmem>>, %arg2: memref<1280x128xi32, #tpu.memory_space<vmem>>) attributes {dimension_semantics = [], scalar_prefetch = 0 : i64, scratch_operands = 0 : i64, tpu.core_type = #tpu.core_type<tc>} {
    %get3A = arith.constant 0 : index
    %get3A_0 = arith.constant 0 : index
    %get3A_1 = vector.load %arg0[%get3A, %get3A_0] : memref<1280x128xi32, #tpu.memory_space<vmem>>, vector<1280x128xi32>
    %mul3A = arith.constant 9 : i32
    %mul3A_2 = vector.broadcast %mul3A : i32 to vector<1280x128xi32>
    %mul3A_3 = arith.muli %get3A_1, %mul3A_2 : vector<1280x128xi32>
    %get3A_4 = arith.constant 0 : index
    %get3A_5 = arith.constant 0 : index
    %get3A_6 = vector.load %arg1[%get3A_4, %get3A_5] : memref<1280x128xi32, #tpu.memory_space<vmem>>, vector<1280x128xi32>
    %add3A = arith.addi %mul3A_3, %get3A_6 : vector<1280x128xi32>
    %swap3A = arith.constant 0 : index
    %swap3A_7 = arith.constant 0 : index
    %swap3A_8 = vector.load %arg2[%swap3A, %swap3A_7] : memref<1280x128xi32, #tpu.memory_space<vmem>>, vector<1280x128xi32>
    tpu.vector_store %arg2[%swap3A, %swap3A_7], %add3A {strides = array<i32>} : memref<1280x128xi32, #tpu.memory_space<vmem>>, vector<1280x128xi32>,
    return
  }
}

module attributes {stable_mosaic.version = 14 : i64} {
  func.func @agg_finalize_stats(%arg0: i32, %arg1: memref<2x1000x128xf32, #tpu.memory_space<vmem>>, %arg2: memref<2x1000x128xf32, #tpu.memory_space<vmem>>, %arg3: memref<1000x128xf32, #tpu.memory_space<vmem>>, %arg4: memref<1x128xf32, #tpu.memory_space<vmem>>, %arg5: memref<1000x128xf32, #tpu.memory_space<vmem>>, %arg6: memref<2x128xf32, #tpu.memory_space<vmem>>, %arg7: memref<2x128xf32, #tpu.memory_space<vmem>>) attributes {dimension_semantics = [#tpu.dimension_semantics<arbitrary>], iteration_bounds = array<i64: 10>, scalar_prefetch = 0 : i64, scratch_operands = 1 : i64, tpu.core_type = #tpu.core_type<tc>, window_params = [{transform_indices = @transform_0, window_bounds = array<i64: 2, 1000, 128>}, {transform_indices = @transform_1, window_bounds = array<i64: 2, 1000, 128>}, {transform_indices = @transform_2, window_bounds = array<i64: 1000, 128>}, {pipeline_mode = #tpu.pipeline_mode<synchronous>, transform_indices = @transform_3, window_bounds = array<i64: 1, 128>}, {transform_indices = @transform_4, window_bounds = array<i64: 1000, 128>}, {pipeline_mode = #tpu.pipeline_mode<synchronous>, transform_indices = @transform_5, window_bounds = array<i64: 2, 128>}]} {
    %get3A = arith.constant 0 : index
    %get3A_0 = arith.constant 0 : index
    %get3A_1 = arith.constant 0 : index
    %get3A_2 = vector.load %arg1[%get3A, %get3A_0, %get3A_1] : memref<2x1000x128xf32, #tpu.memory_space<vmem>>, vector<1x1000x128xf32>
    %get3A_3 = vector.shape_cast %get3A_2 : vector<1x1000x128xf32> to vector<1000x128xf32>
    %get3A_4 = arith.constant 1 : index
    %get3A_5 = arith.constant 0 : index
    %get3A_6 = arith.constant 0 : index
    %get3A_7 = vector.load %arg1[%get3A_4, %get3A_5, %get3A_6] : memref<2x1000x128xf32, #tpu.memory_space<vmem>>, vector<1x1000x128xf32>
    %get3A_8 = vector.shape_cast %get3A_7 : vector<1x1000x128xf32> to vector<1000x128xf32>
    %add3A = arith.addf %get3A_3, %get3A_8 : vector<1000x128xf32>
    %get3A_9 = arith.constant 0 : index
    %get3A_10 = arith.constant 0 : index
    %get3A_11 = arith.constant 0 : index
    %get3A_12 = vector.load %arg2[%get3A_9, %get3A_10, %get3A_11] : memref<2x1000x128xf32, #tpu.memory_space<vmem>>, vector<1x1000x1xf32>
    %get3A_13 = vector.shape_cast %get3A_12 : vector<1x1000x1xf32> to vector<1000x1xf32>
    %get3A_14 = arith.constant 1 : index
    %get3A_15 = arith.constant 0 : index
    %get3A_16 = arith.constant 0 : index
    %get3A_17 = vector.load %arg2[%get3A_14, %get3A_15, %get3A_16] : memref<2x1000x128xf32, #tpu.memory_space<vmem>>, vector<1x1000x1xf32>
    %get3A_18 = vector.shape_cast %get3A_17 : vector<1x1000x1xf32> to vector<1000x1xf32>
    %add3A_19 = arith.addf %get3A_13, %get3A_18 : vector<1000x1xf32>
    %max3A = arith.constant 1.000000e+00 : f32
    %max3A_20 = vector.broadcast %max3A : f32 to vector<1000x1xf32>
    %max3A_21 = arith.maximumf %add3A_19, %max3A_20 : vector<1000x1xf32>
    %div3A = arith.constant 1.000000e+00 : f32
    %div3A_22 = vector.broadcast %div3A : f32 to vector<1000x1xf32>
    %div3A_23 = arith.divf %div3A_22, %max3A_21 : vector<1000x1xf32>
    %mul3A = vector.broadcast %div3A_23 : vector<1000x1xf32> to vector<1000x128xf32>
    %mul3A_24 = arith.mulf %add3A, %mul3A : vector<1000x128xf32>
    %get3A_25 = arith.constant 0 : index
    %get3A_26 = arith.constant 0 : index
    %get3A_27 = vector.load %arg3[%get3A_25, %get3A_26] : memref<1000x128xf32, #tpu.memory_space<vmem>>, vector<1000x128xf32>
    %add3A_28 = arith.addf %mul3A_24, %get3A_27 : vector<1000x128xf32>
    %get3A_29 = arith.constant 0 : index
    %get3A_30 = arith.constant 0 : index
    %get3A_31 = vector.load %arg4[%get3A_29, %get3A_30] : memref<1x128xf32, #tpu.memory_space<vmem>>, vector<1x128xf32>
    %add3A_32 = vector.broadcast %get3A_31 : vector<1x128xf32> to vector<1000x128xf32>
    %add3A_33 = arith.addf %add3A_28, %add3A_32 : vector<1000x128xf32>
    %swap3A = arith.constant 0 : index
    %swap3A_34 = arith.constant 0 : index
    %swap3A_35 = vector.load %arg5[%swap3A, %swap3A_34] : memref<1000x128xf32, #tpu.memory_space<vmem>>, vector<1000x128xf32>
    tpu.vector_store %arg5[%swap3A, %swap3A_34], %add3A_33 {strides = array<i32>} : memref<1000x128xf32, #tpu.memory_space<vmem>>, vector<1000x128xf32>,
    %eq3A = arith.constant 0 : i32
    %eq3A_36 = arith.cmpi eq, %arg0, %eq3A : i32
    %convert_element_type3A = arith.extui %eq3A_36 : i1 to i32
    %cond3A = arith.constant 0 : i32
    %cond3A_37 = arith.cmpi ne, %convert_element_type3A, %cond3A : i32
    scf.if %cond3A_37 {
      %broadcast_in_dim3A_62 = arith.constant 0.000000e+00 : f32
      %broadcast_in_dim3A_63 = vector.broadcast %broadcast_in_dim3A_62 : f32 to vector<2x128xf32>
      %swap3A_64 = arith.constant 0 : index
      %swap3A_65 = arith.constant 0 : index
      %swap3A_66 = vector.load %arg7[%swap3A_64, %swap3A_65] : memref<2x128xf32, #tpu.memory_space<vmem>>, vector<2x128xf32>
      tpu.vector_store %arg7[%swap3A_64, %swap3A_65], %broadcast_in_dim3A_63 {strides = array<i32>} : memref<2x128xf32, #tpu.memory_space<vmem>>, vector<2x128xf32>,
    } else {
    }
    %get3A_38 = arith.constant 0 : index
    %get3A_39 = arith.constant 0 : index
    %get3A_40 = vector.load %arg7[%get3A_38, %get3A_39] : memref<2x128xf32, #tpu.memory_space<vmem>>, vector<1x128xf32>
    %reduce_sum3A = arith.constant dense<0.000000e+00> : vector<128xf32>
    %reduce_sum3A_41 = vector.multi_reduction <add>, %add3A_33, %reduce_sum3A [0] : vector<1000x128xf32> to vector<128xf32>
    %broadcast_in_dim3A = vector.shape_cast %reduce_sum3A_41 : vector<128xf32> to vector<1x128xf32>
    %add3A_42 = arith.addf %get3A_40, %broadcast_in_dim3A : vector<1x128xf32>
    %swap3A_43 = arith.constant 0 : index
    %swap3A_44 = arith.constant 0 : index
    %swap3A_45 = vector.load %arg7[%swap3A_43, %swap3A_44] : memref<2x128xf32, #tpu.memory_space<vmem>>, vector<1x128xf32>
    tpu.vector_store %arg7[%swap3A_43, %swap3A_44], %add3A_42 {strides = array<i32>} : memref<2x128xf32, #tpu.memory_space<vmem>>, vector<1x128xf32>,
    %get3A_46 = arith.constant 1 : index
    %get3A_47 = arith.constant 0 : index
    %get3A_48 = vector.load %arg7[%get3A_46, %get3A_47] : memref<2x128xf32, #tpu.memory_space<vmem>>, vector<1x128xf32>
    %mul3A_49 = arith.mulf %add3A_33, %add3A_33 : vector<1000x128xf32>
    %reduce_sum3A_50 = arith.constant dense<0.000000e+00> : vector<128xf32>
    %reduce_sum3A_51 = vector.multi_reduction <add>, %mul3A_49, %reduce_sum3A_50 [0] : vector<1000x128xf32> to vector<128xf32>
    %broadcast_in_dim3A_52 = vector.shape_cast %reduce_sum3A_51 : vector<128xf32> to vector<1x128xf32>
    %add3A_53 = arith.addf %get3A_48, %broadcast_in_dim3A_52 : vector<1x128xf32>
    %swap3A_54 = arith.constant 1 : index
    %swap3A_55 = arith.constant 0 : index
    %swap3A_56 = vector.load %arg7[%swap3A_54, %swap3A_55] : memref<2x128xf32, #tpu.memory_space<vmem>>, vector<1x128xf32>
    tpu.vector_store %arg7[%swap3A_54, %swap3A_55], %add3A_53 {strides = array<i32>} : memref<2x128xf32, #tpu.memory_space<vmem>>, vector<1x128xf32>,
    %eq3A_57 = arith.constant 9 : i32
    %eq3A_58 = arith.cmpi eq, %arg0, %eq3A_57 : i32
    %convert_element_type3A_59 = arith.extui %eq3A_58 : i1 to i32
    %cond3A_60 = arith.constant 0 : i32
    %cond3A_61 = arith.cmpi ne, %convert_element_type3A_59, %cond3A_60 : i32
    scf.if %cond3A_61 {
      %get3A_62 = arith.constant 0 : index
      %get3A_63 = arith.constant 0 : index
      %get3A_64 = vector.load %arg7[%get3A_62, %get3A_63] : memref<2x128xf32, #tpu.memory_space<vmem>>, vector<2x128xf32>
      %swap3A_65 = arith.constant 0 : index
      %swap3A_66 = arith.constant 0 : index
      %swap3A_67 = vector.load %arg6[%swap3A_65, %swap3A_66] : memref<2x128xf32, #tpu.memory_space<vmem>>, vector<2x128xf32>
      tpu.vector_store %arg6[%swap3A_65, %swap3A_66], %get3A_64 {strides = array<i32>} : memref<2x128xf32, #tpu.memory_space<vmem>>, vector<2x128xf32>,
    } else {
    }
    return
  }
  func.func @transform_0(%arg0: i32) -> (i32, i32, i32) {
    %c0_i32 = arith.constant 0 : i32
    %c0_i32_0 = arith.constant 0 : i32
    %c0_i32_1 = arith.constant 0 : i32
    return %c0_i32, %arg0, %c0_i32_0 : i32, i32, i32
  }
  func.func @transform_1(%arg0: i32) -> (i32, i32, i32) {
    %c0_i32 = arith.constant 0 : i32
    %c0_i32_0 = arith.constant 0 : i32
    %c0_i32_1 = arith.constant 0 : i32
    return %c0_i32, %arg0, %c0_i32_0 : i32, i32, i32
  }
  func.func @transform_2(%arg0: i32) -> (i32, i32) {
    %c0_i32 = arith.constant 0 : i32
    %c0_i32_0 = arith.constant 0 : i32
    return %arg0, %c0_i32 : i32, i32
  }
  func.func @transform_3(%arg0: i32) -> (i32, i32) {
    %c0_i32 = arith.constant 0 : i32
    %c0_i32_0 = arith.constant 0 : i32
    %c0_i32_1 = arith.constant 0 : i32
    return %c0_i32, %c0_i32_0 : i32, i32
  }
  func.func @transform_4(%arg0: i32) -> (i32, i32) {
    %c0_i32 = arith.constant 0 : i32
    %c0_i32_0 = arith.constant 0 : i32
    return %arg0, %c0_i32 : i32, i32
  }
  func.func @transform_5(%arg0: i32) -> (i32, i32) {
    %c0_i32 = arith.constant 0 : i32
    %c0_i32_0 = arith.constant 0 : i32
    %c0_i32_1 = arith.constant 0 : i32
    return %c0_i32, %c0_i32_0 : i32, i32
  }
}

module attributes {stable_mosaic.version = 14 : i64} {
  func.func @bn_relu_node_matmul(%arg0: i32, %arg1: memref<8x4xf32, #tpu.memory_space<smem>>, %arg2: memref<4x128x128xf32, #tpu.memory_space<vmem>>, %arg3: memref<128x128xf32, #tpu.memory_space<vmem>>, %arg4: memref<1000x128xf32, #tpu.memory_space<vmem>>, %arg5: memref<2x128xf32, #tpu.memory_space<vmem>>, %arg6: memref<1x128xf32, #tpu.memory_space<vmem>>, %arg7: memref<1x128xf32, #tpu.memory_space<vmem>>, %arg8: memref<1000x1152xf32, #tpu.memory_space<vmem>>, %arg9: memref<128x1152xf32, #tpu.memory_space<vmem>>) attributes {dimension_semantics = [#tpu.dimension_semantics<arbitrary>], iteration_bounds = array<i64: 10>, scalar_prefetch = 0 : i64, scratch_operands = 1 : i64, tpu.core_type = #tpu.core_type<tc>, window_params = [{transform_indices = @transform_0, window_bounds = array<i64: 8, 4>}, {pipeline_mode = #tpu.pipeline_mode<synchronous>, transform_indices = @transform_1, window_bounds = array<i64: 4, 128, 128>}, {pipeline_mode = #tpu.pipeline_mode<synchronous>, transform_indices = @transform_2, window_bounds = array<i64: 128, 128>}, {transform_indices = @transform_3, window_bounds = array<i64: 1000, 128>}, {pipeline_mode = #tpu.pipeline_mode<synchronous>, transform_indices = @transform_4, window_bounds = array<i64: 2, 128>}, {pipeline_mode = #tpu.pipeline_mode<synchronous>, transform_indices = @transform_5, window_bounds = array<i64: 1, 128>}, {pipeline_mode = #tpu.pipeline_mode<synchronous>, transform_indices = @transform_6, window_bounds = array<i64: 1, 128>}, {transform_indices = @transform_7, window_bounds = array<i64: 1000, 1152>}]} {
    %eq3A = arith.constant 0 : i32
    %eq3A_0 = arith.cmpi eq, %arg0, %eq3A : i32
    %convert_element_type3A = arith.extui %eq3A_0 : i1 to i32
    %cond3A = arith.constant 0 : i32
    %cond3A_1 = arith.cmpi ne, %convert_element_type3A, %cond3A : i32
    scf.if %cond3A_1 {
      %get3A_39 = arith.constant 0 : index
      %get3A_40 = arith.constant 0 : index
      %get3A_41 = memref.load %arg1[%get3A_39, %get3A_40] : memref<8x4xf32, #tpu.memory_space<smem>>
      %get3A_42 = arith.constant 0 : index
      %get3A_43 = arith.constant 0 : index
      %get3A_44 = arith.constant 0 : index
      %get3A_45 = vector.load %arg2[%get3A_42, %get3A_43, %get3A_44] : memref<4x128x128xf32, #tpu.memory_space<vmem>>, vector<1x128x128xf32>
      %get3A_46 = vector.shape_cast %get3A_45 : vector<1x128x128xf32> to vector<128x128xf32>
      %mul3A_47 = vector.broadcast %get3A_41 : f32 to vector<128x128xf32>
      %mul3A_48 = arith.mulf %mul3A_47, %get3A_46 : vector<128x128xf32>
      %get3A_49 = arith.constant 0 : index
      %get3A_50 = arith.constant 1 : index
      %get3A_51 = memref.load %arg1[%get3A_49, %get3A_50] : memref<8x4xf32, #tpu.memory_space<smem>>
      %get3A_52 = arith.constant 1 : index
      %get3A_53 = arith.constant 0 : index
      %get3A_54 = arith.constant 0 : index
      %get3A_55 = vector.load %arg2[%get3A_52, %get3A_53, %get3A_54] : memref<4x128x128xf32, #tpu.memory_space<vmem>>, vector<1x128x128xf32>
      %get3A_56 = vector.shape_cast %get3A_55 : vector<1x128x128xf32> to vector<128x128xf32>
      %mul3A_57 = vector.broadcast %get3A_51 : f32 to vector<128x128xf32>
      %mul3A_58 = arith.mulf %mul3A_57, %get3A_56 : vector<128x128xf32>
      %add3A_59 = arith.addf %mul3A_48, %mul3A_58 : vector<128x128xf32>
      %get3A_60 = arith.constant 0 : index
      %get3A_61 = arith.constant 2 : index
      %get3A_62 = memref.load %arg1[%get3A_60, %get3A_61] : memref<8x4xf32, #tpu.memory_space<smem>>
      %get3A_63 = arith.constant 2 : index
      %get3A_64 = arith.constant 0 : index
      %get3A_65 = arith.constant 0 : index
      %get3A_66 = vector.load %arg2[%get3A_63, %get3A_64, %get3A_65] : memref<4x128x128xf32, #tpu.memory_space<vmem>>, vector<1x128x128xf32>
      %get3A_67 = vector.shape_cast %get3A_66 : vector<1x128x128xf32> to vector<128x128xf32>
      %mul3A_68 = vector.broadcast %get3A_62 : f32 to vector<128x128xf32>
      %mul3A_69 = arith.mulf %mul3A_68, %get3A_67 : vector<128x128xf32>
      %add3A_70 = arith.addf %add3A_59, %mul3A_69 : vector<128x128xf32>
      %get3A_71 = arith.constant 0 : index
      %get3A_72 = arith.constant 3 : index
      %get3A_73 = memref.load %arg1[%get3A_71, %get3A_72] : memref<8x4xf32, #tpu.memory_space<smem>>
      %get3A_74 = arith.constant 3 : index
      %get3A_75 = arith.constant 0 : index
      %get3A_76 = arith.constant 0 : index
      %get3A_77 = vector.load %arg2[%get3A_74, %get3A_75, %get3A_76] : memref<4x128x128xf32, #tpu.memory_space<vmem>>, vector<1x128x128xf32>
      %get3A_78 = vector.shape_cast %get3A_77 : vector<1x128x128xf32> to vector<128x128xf32>
      %mul3A_79 = vector.broadcast %get3A_73 : f32 to vector<128x128xf32>
      %mul3A_80 = arith.mulf %mul3A_79, %get3A_78 : vector<128x128xf32>
      %add3A_81 = arith.addf %add3A_70, %mul3A_80 : vector<128x128xf32>
      %swap3A_82 = arith.constant 0 : index
      %swap3A_83 = arith.constant 0 : index
      %swap3A_84 = vector.load %arg9[%swap3A_82, %swap3A_83] : memref<128x1152xf32, #tpu.memory_space<vmem>>, vector<128x128xf32>
      tpu.vector_store %arg9[%swap3A_82, %swap3A_83], %add3A_81 {strides = array<i32>} : memref<128x1152xf32, #tpu.memory_space<vmem>>, vector<128x128xf32>,
      %get3A_85 = arith.constant 1 : index
      %get3A_86 = arith.constant 0 : index
      %get3A_87 = memref.load %arg1[%get3A_85, %get3A_86] : memref<8x4xf32, #tpu.memory_space<smem>>
      %get3A_88 = arith.constant 0 : index
      %get3A_89 = arith.constant 0 : index
      %get3A_90 = arith.constant 0 : index
      %get3A_91 = vector.load %arg2[%get3A_88, %get3A_89, %get3A_90] : memref<4x128x128xf32, #tpu.memory_space<vmem>>, vector<1x128x128xf32>
      %get3A_92 = vector.shape_cast %get3A_91 : vector<1x128x128xf32> to vector<128x128xf32>
      %mul3A_93 = vector.broadcast %get3A_87 : f32 to vector<128x128xf32>
      %mul3A_94 = arith.mulf %mul3A_93, %get3A_92 : vector<128x128xf32>
      %get3A_95 = arith.constant 1 : index
      %get3A_96 = arith.constant 1 : index
      %get3A_97 = memref.load %arg1[%get3A_95, %get3A_96] : memref<8x4xf32, #tpu.memory_space<smem>>
      %get3A_98 = arith.constant 1 : index
      %get3A_99 = arith.constant 0 : index
      %get3A_100 = arith.constant 0 : index
      %get3A_101 = vector.load %arg2[%get3A_98, %get3A_99, %get3A_100] : memref<4x128x128xf32, #tpu.memory_space<vmem>>, vector<1x128x128xf32>
      %get3A_102 = vector.shape_cast %get3A_101 : vector<1x128x128xf32> to vector<128x128xf32>
      %mul3A_103 = vector.broadcast %get3A_97 : f32 to vector<128x128xf32>
      %mul3A_104 = arith.mulf %mul3A_103, %get3A_102 : vector<128x128xf32>
      %add3A_105 = arith.addf %mul3A_94, %mul3A_104 : vector<128x128xf32>
      %get3A_106 = arith.constant 1 : index
      %get3A_107 = arith.constant 2 : index
      %get3A_108 = memref.load %arg1[%get3A_106, %get3A_107] : memref<8x4xf32, #tpu.memory_space<smem>>
      %get3A_109 = arith.constant 2 : index
      %get3A_110 = arith.constant 0 : index
      %get3A_111 = arith.constant 0 : index
      %get3A_112 = vector.load %arg2[%get3A_109, %get3A_110, %get3A_111] : memref<4x128x128xf32, #tpu.memory_space<vmem>>, vector<1x128x128xf32>
      %get3A_113 = vector.shape_cast %get3A_112 : vector<1x128x128xf32> to vector<128x128xf32>
      %mul3A_114 = vector.broadcast %get3A_108 : f32 to vector<128x128xf32>
      %mul3A_115 = arith.mulf %mul3A_114, %get3A_113 : vector<128x128xf32>
      %add3A_116 = arith.addf %add3A_105, %mul3A_115 : vector<128x128xf32>
      %get3A_117 = arith.constant 1 : index
      %get3A_118 = arith.constant 3 : index
      %get3A_119 = memref.load %arg1[%get3A_117, %get3A_118] : memref<8x4xf32, #tpu.memory_space<smem>>
      %get3A_120 = arith.constant 3 : index
      %get3A_121 = arith.constant 0 : index
      %get3A_122 = arith.constant 0 : index
      %get3A_123 = vector.load %arg2[%get3A_120, %get3A_121, %get3A_122] : memref<4x128x128xf32, #tpu.memory_space<vmem>>, vector<1x128x128xf32>
      %get3A_124 = vector.shape_cast %get3A_123 : vector<1x128x128xf32> to vector<128x128xf32>
      %mul3A_125 = vector.broadcast %get3A_119 : f32 to vector<128x128xf32>
      %mul3A_126 = arith.mulf %mul3A_125, %get3A_124 : vector<128x128xf32>
      %add3A_127 = arith.addf %add3A_116, %mul3A_126 : vector<128x128xf32>
      %swap3A_128 = arith.constant 0 : index
      %swap3A_129 = arith.constant 128 : index
      %swap3A_130 = vector.load %arg9[%swap3A_128, %swap3A_129] : memref<128x1152xf32, #tpu.memory_space<vmem>>, vector<128x128xf32>
      tpu.vector_store %arg9[%swap3A_128, %swap3A_129], %add3A_127 {strides = array<i32>} : memref<128x1152xf32, #tpu.memory_space<vmem>>, vector<128x128xf32>,
      %get3A_131 = arith.constant 2 : index
      %get3A_132 = arith.constant 0 : index
      %get3A_133 = memref.load %arg1[%get3A_131, %get3A_132] : memref<8x4xf32, #tpu.memory_space<smem>>
      %get3A_134 = arith.constant 0 : index
      %get3A_135 = arith.constant 0 : index
      %get3A_136 = arith.constant 0 : index
      %get3A_137 = vector.load %arg2[%get3A_134, %get3A_135, %get3A_136] : memref<4x128x128xf32, #tpu.memory_space<vmem>>, vector<1x128x128xf32>
      %get3A_138 = vector.shape_cast %get3A_137 : vector<1x128x128xf32> to vector<128x128xf32>
      %mul3A_139 = vector.broadcast %get3A_133 : f32 to vector<128x128xf32>
      %mul3A_140 = arith.mulf %mul3A_139, %get3A_138 : vector<128x128xf32>
      %get3A_141 = arith.constant 2 : index
      %get3A_142 = arith.constant 1 : index
      %get3A_143 = memref.load %arg1[%get3A_141, %get3A_142] : memref<8x4xf32, #tpu.memory_space<smem>>
      %get3A_144 = arith.constant 1 : index
      %get3A_145 = arith.constant 0 : index
      %get3A_146 = arith.constant 0 : index
      %get3A_147 = vector.load %arg2[%get3A_144, %get3A_145, %get3A_146] : memref<4x128x128xf32, #tpu.memory_space<vmem>>, vector<1x128x128xf32>
      %get3A_148 = vector.shape_cast %get3A_147 : vector<1x128x128xf32> to vector<128x128xf32>
      %mul3A_149 = vector.broadcast %get3A_143 : f32 to vector<128x128xf32>
      %mul3A_150 = arith.mulf %mul3A_149, %get3A_148 : vector<128x128xf32>
      %add3A_151 = arith.addf %mul3A_140, %mul3A_150 : vector<128x128xf32>
      %get3A_152 = arith.constant 2 : index
      %get3A_153 = arith.constant 2 : index
      %get3A_154 = memref.load %arg1[%get3A_152, %get3A_153] : memref<8x4xf32, #tpu.memory_space<smem>>
      %get3A_155 = arith.constant 2 : index
      %get3A_156 = arith.constant 0 : index
      %get3A_157 = arith.constant 0 : index
      %get3A_158 = vector.load %arg2[%get3A_155, %get3A_156, %get3A_157] : memref<4x128x128xf32, #tpu.memory_space<vmem>>, vector<1x128x128xf32>
      %get3A_159 = vector.shape_cast %get3A_158 : vector<1x128x128xf32> to vector<128x128xf32>
      %mul3A_160 = vector.broadcast %get3A_154 : f32 to vector<128x128xf32>
      %mul3A_161 = arith.mulf %mul3A_160, %get3A_159 : vector<128x128xf32>
      %add3A_162 = arith.addf %add3A_151, %mul3A_161 : vector<128x128xf32>
      %get3A_163 = arith.constant 2 : index
      %get3A_164 = arith.constant 3 : index
      %get3A_165 = memref.load %arg1[%get3A_163, %get3A_164] : memref<8x4xf32, #tpu.memory_space<smem>>
      %get3A_166 = arith.constant 3 : index
      %get3A_167 = arith.constant 0 : index
      %get3A_168 = arith.constant 0 : index
      %get3A_169 = vector.load %arg2[%get3A_166, %get3A_167, %get3A_168] : memref<4x128x128xf32, #tpu.memory_space<vmem>>, vector<1x128x128xf32>
      %get3A_170 = vector.shape_cast %get3A_169 : vector<1x128x128xf32> to vector<128x128xf32>
      %mul3A_171 = vector.broadcast %get3A_165 : f32 to vector<128x128xf32>
      %mul3A_172 = arith.mulf %mul3A_171, %get3A_170 : vector<128x128xf32>
      %add3A_173 = arith.addf %add3A_162, %mul3A_172 : vector<128x128xf32>
      %swap3A_174 = arith.constant 0 : index
      %swap3A_175 = arith.constant 256 : index
      %swap3A_176 = vector.load %arg9[%swap3A_174, %swap3A_175] : memref<128x1152xf32, #tpu.memory_space<vmem>>, vector<128x128xf32>
      tpu.vector_store %arg9[%swap3A_174, %swap3A_175], %add3A_173 {strides = array<i32>} : memref<128x1152xf32, #tpu.memory_space<vmem>>, vector<128x128xf32>,
      %get3A_177 = arith.constant 3 : index
      %get3A_178 = arith.constant 0 : index
      %get3A_179 = memref.load %arg1[%get3A_177, %get3A_178] : memref<8x4xf32, #tpu.memory_space<smem>>
      %get3A_180 = arith.constant 0 : index
      %get3A_181 = arith.constant 0 : index
      %get3A_182 = arith.constant 0 : index
      %get3A_183 = vector.load %arg2[%get3A_180, %get3A_181, %get3A_182] : memref<4x128x128xf32, #tpu.memory_space<vmem>>, vector<1x128x128xf32>
      %get3A_184 = vector.shape_cast %get3A_183 : vector<1x128x128xf32> to vector<128x128xf32>
      %mul3A_185 = vector.broadcast %get3A_179 : f32 to vector<128x128xf32>
      %mul3A_186 = arith.mulf %mul3A_185, %get3A_184 : vector<128x128xf32>
      %get3A_187 = arith.constant 3 : index
      %get3A_188 = arith.constant 1 : index
      %get3A_189 = memref.load %arg1[%get3A_187, %get3A_188] : memref<8x4xf32, #tpu.memory_space<smem>>
      %get3A_190 = arith.constant 1 : index
      %get3A_191 = arith.constant 0 : index
      %get3A_192 = arith.constant 0 : index
      %get3A_193 = vector.load %arg2[%get3A_190, %get3A_191, %get3A_192] : memref<4x128x128xf32, #tpu.memory_space<vmem>>, vector<1x128x128xf32>
      %get3A_194 = vector.shape_cast %get3A_193 : vector<1x128x128xf32> to vector<128x128xf32>
      %mul3A_195 = vector.broadcast %get3A_189 : f32 to vector<128x128xf32>
      %mul3A_196 = arith.mulf %mul3A_195, %get3A_194 : vector<128x128xf32>
      %add3A_197 = arith.addf %mul3A_186, %mul3A_196 : vector<128x128xf32>
      %get3A_198 = arith.constant 3 : index
      %get3A_199 = arith.constant 2 : index
      %get3A_200 = memref.load %arg1[%get3A_198, %get3A_199] : memref<8x4xf32, #tpu.memory_space<smem>>
      %get3A_201 = arith.constant 2 : index
      %get3A_202 = arith.constant 0 : index
      %get3A_203 = arith.constant 0 : index
      %get3A_204 = vector.load %arg2[%get3A_201, %get3A_202, %get3A_203] : memref<4x128x128xf32, #tpu.memory_space<vmem>>, vector<1x128x128xf32>
      %get3A_205 = vector.shape_cast %get3A_204 : vector<1x128x128xf32> to vector<128x128xf32>
      %mul3A_206 = vector.broadcast %get3A_200 : f32 to vector<128x128xf32>
      %mul3A_207 = arith.mulf %mul3A_206, %get3A_205 : vector<128x128xf32>
      %add3A_208 = arith.addf %add3A_197, %mul3A_207 : vector<128x128xf32>
      %get3A_209 = arith.constant 3 : index
      %get3A_210 = arith.constant 3 : index
      %get3A_211 = memref.load %arg1[%get3A_209, %get3A_210] : memref<8x4xf32, #tpu.memory_space<smem>>
      %get3A_212 = arith.constant 3 : index
      %get3A_213 = arith.constant 0 : index
      %get3A_214 = arith.constant 0 : index
      %get3A_215 = vector.load %arg2[%get3A_212, %get3A_213, %get3A_214] : memref<4x128x128xf32, #tpu.memory_space<vmem>>, vector<1x128x128xf32>
      %get3A_216 = vector.shape_cast %get3A_215 : vector<1x128x128xf32> to vector<128x128xf32>
      %mul3A_217 = vector.broadcast %get3A_211 : f32 to vector<128x128xf32>
      %mul3A_218 = arith.mulf %mul3A_217, %get3A_216 : vector<128x128xf32>
      %add3A_219 = arith.addf %add3A_208, %mul3A_218 : vector<128x128xf32>
      %swap3A_220 = arith.constant 0 : index
      %swap3A_221 = arith.constant 384 : index
      %swap3A_222 = vector.load %arg9[%swap3A_220, %swap3A_221] : memref<128x1152xf32, #tpu.memory_space<vmem>>, vector<128x128xf32>
      tpu.vector_store %arg9[%swap3A_220, %swap3A_221], %add3A_219 {strides = array<i32>} : memref<128x1152xf32, #tpu.memory_space<vmem>>, vector<128x128xf32>,
      %get3A_223 = arith.constant 4 : index
      %get3A_224 = arith.constant 0 : index
      %get3A_225 = memref.load %arg1[%get3A_223, %get3A_224] : memref<8x4xf32, #tpu.memory_space<smem>>
      %get3A_226 = arith.constant 0 : index
      %get3A_227 = arith.constant 0 : index
      %get3A_228 = arith.constant 0 : index
      %get3A_229 = vector.load %arg2[%get3A_226, %get3A_227, %get3A_228] : memref<4x128x128xf32, #tpu.memory_space<vmem>>, vector<1x128x128xf32>
      %get3A_230 = vector.shape_cast %get3A_229 : vector<1x128x128xf32> to vector<128x128xf32>
      %mul3A_231 = vector.broadcast %get3A_225 : f32 to vector<128x128xf32>
      %mul3A_232 = arith.mulf %mul3A_231, %get3A_230 : vector<128x128xf32>
      %get3A_233 = arith.constant 4 : index
      %get3A_234 = arith.constant 1 : index
      %get3A_235 = memref.load %arg1[%get3A_233, %get3A_234] : memref<8x4xf32, #tpu.memory_space<smem>>
      %get3A_236 = arith.constant 1 : index
      %get3A_237 = arith.constant 0 : index
      %get3A_238 = arith.constant 0 : index
      %get3A_239 = vector.load %arg2[%get3A_236, %get3A_237, %get3A_238] : memref<4x128x128xf32, #tpu.memory_space<vmem>>, vector<1x128x128xf32>
      %get3A_240 = vector.shape_cast %get3A_239 : vector<1x128x128xf32> to vector<128x128xf32>
      %mul3A_241 = vector.broadcast %get3A_235 : f32 to vector<128x128xf32>
      %mul3A_242 = arith.mulf %mul3A_241, %get3A_240 : vector<128x128xf32>
      %add3A_243 = arith.addf %mul3A_232, %mul3A_242 : vector<128x128xf32>
      %get3A_244 = arith.constant 4 : index
      %get3A_245 = arith.constant 2 : index
      %get3A_246 = memref.load %arg1[%get3A_244, %get3A_245] : memref<8x4xf32, #tpu.memory_space<smem>>
      %get3A_247 = arith.constant 2 : index
      %get3A_248 = arith.constant 0 : index
      %get3A_249 = arith.constant 0 : index
      %get3A_250 = vector.load %arg2[%get3A_247, %get3A_248, %get3A_249] : memref<4x128x128xf32, #tpu.memory_space<vmem>>, vector<1x128x128xf32>
      %get3A_251 = vector.shape_cast %get3A_250 : vector<1x128x128xf32> to vector<128x128xf32>
      %mul3A_252 = vector.broadcast %get3A_246 : f32 to vector<128x128xf32>
      %mul3A_253 = arith.mulf %mul3A_252, %get3A_251 : vector<128x128xf32>
      %add3A_254 = arith.addf %add3A_243, %mul3A_253 : vector<128x128xf32>
      %get3A_255 = arith.constant 4 : index
      %get3A_256 = arith.constant 3 : index
      %get3A_257 = memref.load %arg1[%get3A_255, %get3A_256] : memref<8x4xf32, #tpu.memory_space<smem>>
      %get3A_258 = arith.constant 3 : index
      %get3A_259 = arith.constant 0 : index
      %get3A_260 = arith.constant 0 : index
      %get3A_261 = vector.load %arg2[%get3A_258, %get3A_259, %get3A_260] : memref<4x128x128xf32, #tpu.memory_space<vmem>>, vector<1x128x128xf32>
      %get3A_262 = vector.shape_cast %get3A_261 : vector<1x128x128xf32> to vector<128x128xf32>
      %mul3A_263 = vector.broadcast %get3A_257 : f32 to vector<128x128xf32>
      %mul3A_264 = arith.mulf %mul3A_263, %get3A_262 : vector<128x128xf32>
      %add3A_265 = arith.addf %add3A_254, %mul3A_264 : vector<128x128xf32>
      %swap3A_266 = arith.constant 0 : index
      %swap3A_267 = arith.constant 512 : index
      %swap3A_268 = vector.load %arg9[%swap3A_266, %swap3A_267] : memref<128x1152xf32, #tpu.memory_space<vmem>>, vector<128x128xf32>
      tpu.vector_store %arg9[%swap3A_266, %swap3A_267], %add3A_265 {strides = array<i32>} : memref<128x1152xf32, #tpu.memory_space<vmem>>, vector<128x128xf32>,
      %get3A_269 = arith.constant 5 : index
      %get3A_270 = arith.constant 0 : index
      %get3A_271 = memref.load %arg1[%get3A_269, %get3A_270] : memref<8x4xf32, #tpu.memory_space<smem>>
      %get3A_272 = arith.constant 0 : index
      %get3A_273 = arith.constant 0 : index
      %get3A_274 = arith.constant 0 : index
      %get3A_275 = vector.load %arg2[%get3A_272, %get3A_273, %get3A_274] : memref<4x128x128xf32, #tpu.memory_space<vmem>>, vector<1x128x128xf32>
      %get3A_276 = vector.shape_cast %get3A_275 : vector<1x128x128xf32> to vector<128x128xf32>
      %mul3A_277 = vector.broadcast %get3A_271 : f32 to vector<128x128xf32>
      %mul3A_278 = arith.mulf %mul3A_277, %get3A_276 : vector<128x128xf32>
      %get3A_279 = arith.constant 5 : index
      %get3A_280 = arith.constant 1 : index
      %get3A_281 = memref.load %arg1[%get3A_279, %get3A_280] : memref<8x4xf32, #tpu.memory_space<smem>>
      %get3A_282 = arith.constant 1 : index
      %get3A_283 = arith.constant 0 : index
      %get3A_284 = arith.constant 0 : index
      %get3A_285 = vector.load %arg2[%get3A_282, %get3A_283, %get3A_284] : memref<4x128x128xf32, #tpu.memory_space<vmem>>, vector<1x128x128xf32>
      %get3A_286 = vector.shape_cast %get3A_285 : vector<1x128x128xf32> to vector<128x128xf32>
      %mul3A_287 = vector.broadcast %get3A_281 : f32 to vector<128x128xf32>
      %mul3A_288 = arith.mulf %mul3A_287, %get3A_286 : vector<128x128xf32>
      %add3A_289 = arith.addf %mul3A_278, %mul3A_288 : vector<128x128xf32>
      %get3A_290 = arith.constant 5 : index
      %get3A_291 = arith.constant 2 : index
      %get3A_292 = memref.load %arg1[%get3A_290, %get3A_291] : memref<8x4xf32, #tpu.memory_space<smem>>
      %get3A_293 = arith.constant 2 : index
      %get3A_294 = arith.constant 0 : index
      %get3A_295 = arith.constant 0 : index
      %get3A_296 = vector.load %arg2[%get3A_293, %get3A_294, %get3A_295] : memref<4x128x128xf32, #tpu.memory_space<vmem>>, vector<1x128x128xf32>
      %get3A_297 = vector.shape_cast %get3A_296 : vector<1x128x128xf32> to vector<128x128xf32>
      %mul3A_298 = vector.broadcast %get3A_292 : f32 to vector<128x128xf32>
      %mul3A_299 = arith.mulf %mul3A_298, %get3A_297 : vector<128x128xf32>
      %add3A_300 = arith.addf %add3A_289, %mul3A_299 : vector<128x128xf32>
      %get3A_301 = arith.constant 5 : index
      %get3A_302 = arith.constant 3 : index
      %get3A_303 = memref.load %arg1[%get3A_301, %get3A_302] : memref<8x4xf32, #tpu.memory_space<smem>>
      %get3A_304 = arith.constant 3 : index
      %get3A_305 = arith.constant 0 : index
      %get3A_306 = arith.constant 0 : index
      %get3A_307 = vector.load %arg2[%get3A_304, %get3A_305, %get3A_306] : memref<4x128x128xf32, #tpu.memory_space<vmem>>, vector<1x128x128xf32>
      %get3A_308 = vector.shape_cast %get3A_307 : vector<1x128x128xf32> to vector<128x128xf32>
      %mul3A_309 = vector.broadcast %get3A_303 : f32 to vector<128x128xf32>
      %mul3A_310 = arith.mulf %mul3A_309, %get3A_308 : vector<128x128xf32>
      %add3A_311 = arith.addf %add3A_300, %mul3A_310 : vector<128x128xf32>
      %swap3A_312 = arith.constant 0 : index
      %swap3A_313 = arith.constant 640 : index
      %swap3A_314 = vector.load %arg9[%swap3A_312, %swap3A_313] : memref<128x1152xf32, #tpu.memory_space<vmem>>, vector<128x128xf32>
      tpu.vector_store %arg9[%swap3A_312, %swap3A_313], %add3A_311 {strides = array<i32>} : memref<128x1152xf32, #tpu.memory_space<vmem>>, vector<128x128xf32>,
      %get3A_315 = arith.constant 6 : index
      %get3A_316 = arith.constant 0 : index
      %get3A_317 = memref.load %arg1[%get3A_315, %get3A_316] : memref<8x4xf32, #tpu.memory_space<smem>>
      %get3A_318 = arith.constant 0 : index
      %get3A_319 = arith.constant 0 : index
      %get3A_320 = arith.constant 0 : index
      %get3A_321 = vector.load %arg2[%get3A_318, %get3A_319, %get3A_320] : memref<4x128x128xf32, #tpu.memory_space<vmem>>, vector<1x128x128xf32>
      %get3A_322 = vector.shape_cast %get3A_321 : vector<1x128x128xf32> to vector<128x128xf32>
      %mul3A_323 = vector.broadcast %get3A_317 : f32 to vector<128x128xf32>
      %mul3A_324 = arith.mulf %mul3A_323, %get3A_322 : vector<128x128xf32>
      %get3A_325 = arith.constant 6 : index
      %get3A_326 = arith.constant 1 : index
      %get3A_327 = memref.load %arg1[%get3A_325, %get3A_326] : memref<8x4xf32, #tpu.memory_space<smem>>
      %get3A_328 = arith.constant 1 : index
      %get3A_329 = arith.constant 0 : index
      %get3A_330 = arith.constant 0 : index
      %get3A_331 = vector.load %arg2[%get3A_328, %get3A_329, %get3A_330] : memref<4x128x128xf32, #tpu.memory_space<vmem>>, vector<1x128x128xf32>
      %get3A_332 = vector.shape_cast %get3A_331 : vector<1x128x128xf32> to vector<128x128xf32>
      %mul3A_333 = vector.broadcast %get3A_327 : f32 to vector<128x128xf32>
      %mul3A_334 = arith.mulf %mul3A_333, %get3A_332 : vector<128x128xf32>
      %add3A_335 = arith.addf %mul3A_324, %mul3A_334 : vector<128x128xf32>
      %get3A_336 = arith.constant 6 : index
      %get3A_337 = arith.constant 2 : index
      %get3A_338 = memref.load %arg1[%get3A_336, %get3A_337] : memref<8x4xf32, #tpu.memory_space<smem>>
      %get3A_339 = arith.constant 2 : index
      %get3A_340 = arith.constant 0 : index
      %get3A_341 = arith.constant 0 : index
      %get3A_342 = vector.load %arg2[%get3A_339, %get3A_340, %get3A_341] : memref<4x128x128xf32, #tpu.memory_space<vmem>>, vector<1x128x128xf32>
      %get3A_343 = vector.shape_cast %get3A_342 : vector<1x128x128xf32> to vector<128x128xf32>
      %mul3A_344 = vector.broadcast %get3A_338 : f32 to vector<128x128xf32>
      %mul3A_345 = arith.mulf %mul3A_344, %get3A_343 : vector<128x128xf32>
      %add3A_346 = arith.addf %add3A_335, %mul3A_345 : vector<128x128xf32>
      %get3A_347 = arith.constant 6 : index
      %get3A_348 = arith.constant 3 : index
      %get3A_349 = memref.load %arg1[%get3A_347, %get3A_348] : memref<8x4xf32, #tpu.memory_space<smem>>
      %get3A_350 = arith.constant 3 : index
      %get3A_351 = arith.constant 0 : index
      %get3A_352 = arith.constant 0 : index
      %get3A_353 = vector.load %arg2[%get3A_350, %get3A_351, %get3A_352] : memref<4x128x128xf32, #tpu.memory_space<vmem>>, vector<1x128x128xf32>
      %get3A_354 = vector.shape_cast %get3A_353 : vector<1x128x128xf32> to vector<128x128xf32>
      %mul3A_355 = vector.broadcast %get3A_349 : f32 to vector<128x128xf32>
      %mul3A_356 = arith.mulf %mul3A_355, %get3A_354 : vector<128x128xf32>
      %add3A_357 = arith.addf %add3A_346, %mul3A_356 : vector<128x128xf32>
      %swap3A_358 = arith.constant 0 : index
      %swap3A_359 = arith.constant 768 : index
      %swap3A_360 = vector.load %arg9[%swap3A_358, %swap3A_359] : memref<128x1152xf32, #tpu.memory_space<vmem>>, vector<128x128xf32>
      tpu.vector_store %arg9[%swap3A_358, %swap3A_359], %add3A_357 {strides = array<i32>} : memref<128x1152xf32, #tpu.memory_space<vmem>>, vector<128x128xf32>,
      %get3A_361 = arith.constant 7 : index
      %get3A_362 = arith.constant 0 : index
      %get3A_363 = memref.load %arg1[%get3A_361, %get3A_362] : memref<8x4xf32, #tpu.memory_space<smem>>
      %get3A_364 = arith.constant 0 : index
      %get3A_365 = arith.constant 0 : index
      %get3A_366 = arith.constant 0 : index
      %get3A_367 = vector.load %arg2[%get3A_364, %get3A_365, %get3A_366] : memref<4x128x128xf32, #tpu.memory_space<vmem>>, vector<1x128x128xf32>
      %get3A_368 = vector.shape_cast %get3A_367 : vector<1x128x128xf32> to vector<128x128xf32>
      %mul3A_369 = vector.broadcast %get3A_363 : f32 to vector<128x128xf32>
      %mul3A_370 = arith.mulf %mul3A_369, %get3A_368 : vector<128x128xf32>
      %get3A_371 = arith.constant 7 : index
      %get3A_372 = arith.constant 1 : index
      %get3A_373 = memref.load %arg1[%get3A_371, %get3A_372] : memref<8x4xf32, #tpu.memory_space<smem>>
      %get3A_374 = arith.constant 1 : index
      %get3A_375 = arith.constant 0 : index
      %get3A_376 = arith.constant 0 : index
      %get3A_377 = vector.load %arg2[%get3A_374, %get3A_375, %get3A_376] : memref<4x128x128xf32, #tpu.memory_space<vmem>>, vector<1x128x128xf32>
      %get3A_378 = vector.shape_cast %get3A_377 : vector<1x128x128xf32> to vector<128x128xf32>
      %mul3A_379 = vector.broadcast %get3A_373 : f32 to vector<128x128xf32>
      %mul3A_380 = arith.mulf %mul3A_379, %get3A_378 : vector<128x128xf32>
      %add3A_381 = arith.addf %mul3A_370, %mul3A_380 : vector<128x128xf32>
      %get3A_382 = arith.constant 7 : index
      %get3A_383 = arith.constant 2 : index
      %get3A_384 = memref.load %arg1[%get3A_382, %get3A_383] : memref<8x4xf32, #tpu.memory_space<smem>>
      %get3A_385 = arith.constant 2 : index
      %get3A_386 = arith.constant 0 : index
      %get3A_387 = arith.constant 0 : index
      %get3A_388 = vector.load %arg2[%get3A_385, %get3A_386, %get3A_387] : memref<4x128x128xf32, #tpu.memory_space<vmem>>, vector<1x128x128xf32>
      %get3A_389 = vector.shape_cast %get3A_388 : vector<1x128x128xf32> to vector<128x128xf32>
      %mul3A_390 = vector.broadcast %get3A_384 : f32 to vector<128x128xf32>
      %mul3A_391 = arith.mulf %mul3A_390, %get3A_389 : vector<128x128xf32>
      %add3A_392 = arith.addf %add3A_381, %mul3A_391 : vector<128x128xf32>
      %get3A_393 = arith.constant 7 : index
      %get3A_394 = arith.constant 3 : index
      %get3A_395 = memref.load %arg1[%get3A_393, %get3A_394] : memref<8x4xf32, #tpu.memory_space<smem>>
      %get3A_396 = arith.constant 3 : index
      %get3A_397 = arith.constant 0 : index
      %get3A_398 = arith.constant 0 : index
      %get3A_399 = vector.load %arg2[%get3A_396, %get3A_397, %get3A_398] : memref<4x128x128xf32, #tpu.memory_space<vmem>>, vector<1x128x128xf32>
      %get3A_400 = vector.shape_cast %get3A_399 : vector<1x128x128xf32> to vector<128x128xf32>
      %mul3A_401 = vector.broadcast %get3A_395 : f32 to vector<128x128xf32>
      %mul3A_402 = arith.mulf %mul3A_401, %get3A_400 : vector<128x128xf32>
      %add3A_403 = arith.addf %add3A_392, %mul3A_402 : vector<128x128xf32>
      %swap3A_404 = arith.constant 0 : index
      %swap3A_405 = arith.constant 896 : index
      %swap3A_406 = vector.load %arg9[%swap3A_404, %swap3A_405] : memref<128x1152xf32, #tpu.memory_space<vmem>>, vector<128x128xf32>
      tpu.vector_store %arg9[%swap3A_404, %swap3A_405], %add3A_403 {strides = array<i32>} : memref<128x1152xf32, #tpu.memory_space<vmem>>, vector<128x128xf32>,
      %get3A_407 = arith.constant 0 : index
      %get3A_408 = arith.constant 0 : index
      %get3A_409 = vector.load %arg3[%get3A_407, %get3A_408] : memref<128x128xf32, #tpu.memory_space<vmem>>, vector<128x128xf32>
      %swap3A_410 = arith.constant 0 : index
      %swap3A_411 = arith.constant 1024 : index
      %swap3A_412 = vector.load %arg9[%swap3A_410, %swap3A_411] : memref<128x1152xf32, #tpu.memory_space<vmem>>, vector<128x128xf32>
      tpu.vector_store %arg9[%swap3A_410, %swap3A_411], %get3A_409 {strides = array<i32>} : memref<128x1152xf32, #tpu.memory_space<vmem>>, vector<128x128xf32>,
    } else {
    }
    %get3A = arith.constant 0 : index
    %get3A_2 = arith.constant 0 : index
    %get3A_3 = vector.load %arg5[%get3A, %get3A_2] : memref<2x128xf32, #tpu.memory_space<vmem>>, vector<1x128xf32>
    %mul3A = arith.constant 9.99999974E-5 : f32
    %mul3A_4 = vector.broadcast %mul3A : f32 to vector<1x128xf32>
    %mul3A_5 = arith.mulf %get3A_3, %mul3A_4 : vector<1x128xf32>
    %get3A_6 = arith.constant 1 : index
    %get3A_7 = arith.constant 0 : index
    %get3A_8 = vector.load %arg5[%get3A_6, %get3A_7] : memref<2x128xf32, #tpu.memory_space<vmem>>, vector<1x128xf32>
    %mul3A_9 = arith.constant 9.99999974E-5 : f32
    %mul3A_10 = vector.broadcast %mul3A_9 : f32 to vector<1x128xf32>
    %mul3A_11 = arith.mulf %get3A_8, %mul3A_10 : vector<1x128xf32>
    %mul3A_12 = arith.mulf %mul3A_5, %mul3A_5 : vector<1x128xf32>
    %sub3A = arith.subf %mul3A_11, %mul3A_12 : vector<1x128xf32>
    %add3A = arith.constant 9.99999974E-6 : f32
    %add3A_13 = vector.broadcast %add3A : f32 to vector<1x128xf32>
    %add3A_14 = arith.addf %sub3A, %add3A_13 : vector<1x128xf32>
    %rsqrt3A = math.rsqrt %add3A_14 : vector<1x128xf32>
    %get3A_15 = arith.constant 0 : index
    %get3A_16 = arith.constant 0 : index
    %get3A_17 = vector.load %arg6[%get3A_15, %get3A_16] : memref<1x128xf32, #tpu.memory_space<vmem>>, vector<1x128xf32>
    %mul3A_18 = arith.mulf %get3A_17, %rsqrt3A : vector<1x128xf32>
    %get3A_19 = arith.constant 0 : index
    %get3A_20 = arith.constant 0 : index
    %get3A_21 = vector.load %arg7[%get3A_19, %get3A_20] : memref<1x128xf32, #tpu.memory_space<vmem>>, vector<1x128xf32>
    %mul3A_22 = arith.mulf %mul3A_5, %mul3A_18 : vector<1x128xf32>
    %sub3A_23 = arith.subf %get3A_21, %mul3A_22 : vector<1x128xf32>
    %get3A_24 = arith.constant 0 : index
    %get3A_25 = arith.constant 0 : index
    %get3A_26 = vector.load %arg4[%get3A_24, %get3A_25] : memref<1000x128xf32, #tpu.memory_space<vmem>>, vector<1000x128xf32>
    %mul3A_27 = vector.broadcast %mul3A_18 : vector<1x128xf32> to vector<1000x128xf32>
    %mul3A_28 = arith.mulf %get3A_26, %mul3A_27 : vector<1000x128xf32>
    %add3A_29 = vector.broadcast %sub3A_23 : vector<1x128xf32> to vector<1000x128xf32>
    %add3A_30 = arith.addf %mul3A_28, %add3A_29 : vector<1000x128xf32>
    %max3A = arith.constant 0.000000e+00 : f32
    %max3A_31 = vector.broadcast %max3A : f32 to vector<1000x128xf32>
    %max3A_32 = arith.maximumf %add3A_30, %max3A_31 : vector<1000x128xf32>
    %get3A_33 = arith.constant 0 : index
    %get3A_34 = arith.constant 0 : index
    %get3A_35 = vector.load %arg9[%get3A_33, %get3A_34] : memref<128x1152xf32, #tpu.memory_space<vmem>>, vector<128x1152xf32>
    %dot_general3A = arith.constant dense<0.000000e+00> : vector<1000x1152xf32>
    %dot_general3A_36 = tpu.matmul %max3A_32, %get3A_35, %dot_general3A {dimension_numbers = #tpu.dot_dimension_numbers<[1], [0], [0], [1], [0, 0, 1, 1], [], []>, transpose_lhs_hint = false} : vector<1000x128xf32>, vector<128x1152xf32>, vector<1000x1152xf32> -> vector<1000x1152xf32>
    %swap3A = arith.constant 0 : index
    %swap3A_37 = arith.constant 0 : index
    %swap3A_38 = vector.load %arg8[%swap3A, %swap3A_37] : memref<1000x1152xf32, #tpu.memory_space<vmem>>, vector<1000x1152xf32>
    tpu.vector_store %arg8[%swap3A, %swap3A_37], %dot_general3A_36 {strides = array<i32>} : memref<1000x1152xf32, #tpu.memory_space<vmem>>, vector<1000x1152xf32>,
    return
  }
  func.func @transform_0(%arg0: i32) -> (i32, i32) {
    %c0_i32 = arith.constant 0 : i32
    %c0_i32_0 = arith.constant 0 : i32
    %c0_i32_1 = arith.constant 0 : i32
    return %c0_i32, %c0_i32_0 : i32, i32
  }
  func.func @transform_1(%arg0: i32) -> (i32, i32, i32) {
    %c0_i32 = arith.constant 0 : i32
    %c0_i32_0 = arith.constant 0 : i32
    %c0_i32_1 = arith.constant 0 : i32
    %c0_i32_2 = arith.constant 0 : i32
    return %c0_i32, %c0_i32_0, %c0_i32_1 : i32, i32, i32
  }
  func.func @transform_2(%arg0: i32) -> (i32, i32) {
    %c0_i32 = arith.constant 0 : i32
    %c0_i32_0 = arith.constant 0 : i32
    %c0_i32_1 = arith.constant 0 : i32
    return %c0_i32, %c0_i32_0 : i32, i32
  }
  func.func @transform_3(%arg0: i32) -> (i32, i32) {
    %c0_i32 = arith.constant 0 : i32
    %c0_i32_0 = arith.constant 0 : i32
    return %arg0, %c0_i32 : i32, i32
  }
  func.func @transform_4(%arg0: i32) -> (i32, i32) {
    %c0_i32 = arith.constant 0 : i32
    %c0_i32_0 = arith.constant 0 : i32
    %c0_i32_1 = arith.constant 0 : i32
    return %c0_i32, %c0_i32_0 : i32, i32
  }
  func.func @transform_5(%arg0: i32) -> (i32, i32) {
    %c0_i32 = arith.constant 0 : i32
    %c0_i32_0 = arith.constant 0 : i32
    %c0_i32_1 = arith.constant 0 : i32
    return %c0_i32, %c0_i32_0 : i32, i32
  }
  func.func @transform_6(%arg0: i32) -> (i32, i32) {
    %c0_i32 = arith.constant 0 : i32
    %c0_i32_0 = arith.constant 0 : i32
    %c0_i32_1 = arith.constant 0 : i32
    return %c0_i32, %c0_i32_0 : i32, i32
  }
  func.func @transform_7(%arg0: i32) -> (i32, i32) {
    %c0_i32 = arith.constant 0 : i32
    %c0_i32_0 = arith.constant 0 : i32
    return %arg0, %c0_i32 : i32, i32
  }
}

module attributes {stable_mosaic.version = 14 : i64} {
  func.func @bn_relu_clf(%arg0: i32, %arg1: memref<1000x128xf32, #tpu.memory_space<vmem>>, %arg2: memref<2x128xf32, #tpu.memory_space<vmem>>, %arg3: memref<1x128xf32, #tpu.memory_space<vmem>>, %arg4: memref<1x128xf32, #tpu.memory_space<vmem>>, %arg5: memref<128x128xf32, #tpu.memory_space<vmem>>, %arg6: memref<1x128xf32, #tpu.memory_space<vmem>>, %arg7: memref<1000x128xf32, #tpu.memory_space<vmem>>) attributes {dimension_semantics = [#tpu.dimension_semantics<arbitrary>], iteration_bounds = array<i64: 6>, scalar_prefetch = 0 : i64, scratch_operands = 0 : i64, tpu.core_type = #tpu.core_type<tc>, window_params = [{transform_indices = @transform_0, window_bounds = array<i64: 1000, 128>}, {pipeline_mode = #tpu.pipeline_mode<synchronous>, transform_indices = @transform_1, window_bounds = array<i64: 2, 128>}, {pipeline_mode = #tpu.pipeline_mode<synchronous>, transform_indices = @transform_2, window_bounds = array<i64: 1, 128>}, {pipeline_mode = #tpu.pipeline_mode<synchronous>, transform_indices = @transform_3, window_bounds = array<i64: 1, 128>}, {pipeline_mode = #tpu.pipeline_mode<synchronous>, transform_indices = @transform_4, window_bounds = array<i64: 128, 128>}, {pipeline_mode = #tpu.pipeline_mode<synchronous>, transform_indices = @transform_5, window_bounds = array<i64: 1, 128>}, {transform_indices = @transform_6, window_bounds = array<i64: 1000, 128>}]} {
    %get3A = arith.constant 0 : index
    %get3A_0 = arith.constant 0 : index
    %get3A_1 = vector.load %arg2[%get3A, %get3A_0] : memref<2x128xf32, #tpu.memory_space<vmem>>, vector<1x128xf32>
    %mul3A = arith.constant 9.99999974E-5 : f32
    %mul3A_2 = vector.broadcast %mul3A : f32 to vector<1x128xf32>
    %mul3A_3 = arith.mulf %get3A_1, %mul3A_2 : vector<1x128xf32>
    %get3A_4 = arith.constant 1 : index
    %get3A_5 = arith.constant 0 : index
    %get3A_6 = vector.load %arg2[%get3A_4, %get3A_5] : memref<2x128xf32, #tpu.memory_space<vmem>>, vector<1x128xf32>
    %mul3A_7 = arith.constant 9.99999974E-5 : f32
    %mul3A_8 = vector.broadcast %mul3A_7 : f32 to vector<1x128xf32>
    %mul3A_9 = arith.mulf %get3A_6, %mul3A_8 : vector<1x128xf32>
    %mul3A_10 = arith.mulf %mul3A_3, %mul3A_3 : vector<1x128xf32>
    %sub3A = arith.subf %mul3A_9, %mul3A_10 : vector<1x128xf32>
    %add3A = arith.constant 9.99999974E-6 : f32
    %add3A_11 = vector.broadcast %add3A : f32 to vector<1x128xf32>
    %add3A_12 = arith.addf %sub3A, %add3A_11 : vector<1x128xf32>
    %rsqrt3A = math.rsqrt %add3A_12 : vector<1x128xf32>
    %get3A_13 = arith.constant 0 : index
    %get3A_14 = arith.constant 0 : index
    %get3A_15 = vector.load %arg3[%get3A_13, %get3A_14] : memref<1x128xf32, #tpu.memory_space<vmem>>, vector<1x128xf32>
    %mul3A_16 = arith.mulf %get3A_15, %rsqrt3A : vector<1x128xf32>
    %get3A_17 = arith.constant 0 : index
    %get3A_18 = arith.constant 0 : index
    %get3A_19 = vector.load %arg4[%get3A_17, %get3A_18] : memref<1x128xf32, #tpu.memory_space<vmem>>, vector<1x128xf32>
    %mul3A_20 = arith.mulf %mul3A_3, %mul3A_16 : vector<1x128xf32>
    %sub3A_21 = arith.subf %get3A_19, %mul3A_20 : vector<1x128xf32>
    %get3A_22 = arith.constant 0 : index
    %get3A_23 = arith.constant 0 : index
    %get3A_24 = vector.load %arg1[%get3A_22, %get3A_23] : memref<1000x128xf32, #tpu.memory_space<vmem>>, vector<1000x128xf32>
    %mul3A_25 = vector.broadcast %mul3A_16 : vector<1x128xf32> to vector<1000x128xf32>
    %mul3A_26 = arith.mulf %get3A_24, %mul3A_25 : vector<1000x128xf32>
    %add3A_27 = vector.broadcast %sub3A_21 : vector<1x128xf32> to vector<1000x128xf32>
    %add3A_28 = arith.addf %mul3A_26, %add3A_27 : vector<1000x128xf32>
    %max3A = arith.constant 0.000000e+00 : f32
    %max3A_29 = vector.broadcast %max3A : f32 to vector<1000x128xf32>
    %max3A_30 = arith.maximumf %add3A_28, %max3A_29 : vector<1000x128xf32>
    %get3A_31 = arith.constant 0 : index
    %get3A_32 = arith.constant 0 : index
    %get3A_33 = vector.load %arg5[%get3A_31, %get3A_32] : memref<128x128xf32, #tpu.memory_space<vmem>>, vector<128x128xf32>
    %dot_general3A = arith.constant dense<0.000000e+00> : vector<1000x128xf32>
    %dot_general3A_34 = tpu.matmul %max3A_30, %get3A_33, %dot_general3A {dimension_numbers = #tpu.dot_dimension_numbers<[1], [0], [0], [1], [0, 0, 1, 1], [], []>, transpose_lhs_hint = false} : vector<1000x128xf32>, vector<128x128xf32>, vector<1000x128xf32> -> vector<1000x128xf32>
    %get3A_35 = arith.constant 0 : index
    %get3A_36 = arith.constant 0 : index
    %get3A_37 = vector.load %arg6[%get3A_35, %get3A_36] : memref<1x128xf32, #tpu.memory_space<vmem>>, vector<1x128xf32>
    %add3A_38 = vector.broadcast %get3A_37 : vector<1x128xf32> to vector<1000x128xf32>
    %add3A_39 = arith.addf %dot_general3A_34, %add3A_38 : vector<1000x128xf32>
    %swap3A = arith.constant 0 : index
    %swap3A_40 = arith.constant 0 : index
    %swap3A_41 = vector.load %arg7[%swap3A, %swap3A_40] : memref<1000x128xf32, #tpu.memory_space<vmem>>, vector<1000x128xf32>
    tpu.vector_store %arg7[%swap3A, %swap3A_40], %add3A_39 {strides = array<i32>} : memref<1000x128xf32, #tpu.memory_space<vmem>>, vector<1000x128xf32>,
    return
  }
  func.func @transform_0(%arg0: i32) -> (i32, i32) {
    %c0_i32 = arith.constant 0 : i32
    %c0_i32_0 = arith.constant 0 : i32
    return %arg0, %c0_i32 : i32, i32
  }
  func.func @transform_1(%arg0: i32) -> (i32, i32) {
    %c0_i32 = arith.constant 0 : i32
    %c0_i32_0 = arith.constant 0 : i32
    %c0_i32_1 = arith.constant 0 : i32
    return %c0_i32, %c0_i32_0 : i32, i32
  }
  func.func @transform_2(%arg0: i32) -> (i32, i32) {
    %c0_i32 = arith.constant 0 : i32
    %c0_i32_0 = arith.constant 0 : i32
    %c0_i32_1 = arith.constant 0 : i32
    return %c0_i32, %c0_i32_0 : i32, i32
  }
  func.func @transform_3(%arg0: i32) -> (i32, i32) {
    %c0_i32 = arith.constant 0 : i32
    %c0_i32_0 = arith.constant 0 : i32
    %c0_i32_1 = arith.constant 0 : i32
    return %c0_i32, %c0_i32_0 : i32, i32
  }
  func.func @transform_4(%arg0: i32) -> (i32, i32) {
    %c0_i32 = arith.constant 0 : i32
    %c0_i32_0 = arith.constant 0 : i32
    %c0_i32_1 = arith.constant 0 : i32
    return %c0_i32, %c0_i32_0 : i32, i32
  }
  func.func @transform_5(%arg0: i32) -> (i32, i32) {
    %c0_i32 = arith.constant 0 : i32
    %c0_i32_0 = arith.constant 0 : i32
    %c0_i32_1 = arith.constant 0 : i32
    return %c0_i32, %c0_i32_0 : i32, i32
  }
  func.func @transform_6(%arg0: i32) -> (i32, i32) {
    %c0_i32 = arith.constant 0 : i32
    %c0_i32_0 = arith.constant 0 : i32
    return %arg0, %c0_i32 : i32, i32
  }
}

</mosaic_0001>

<sc_bundles>
// kernel: sc_rgcn_agg.4.cloned.1.call-start
scs
__scs_entry_jumppad:
0x0: {  	(pc) =	sbr.rel $0x88, $3  }
0x1: {  	(tag) =	ssettag $0x0;
	lr =	simm.s32 $0x1  }
0x2: {  	[smem:$0x3F8E] =	sst lr;
	_ =	strace $0xD0000000  }
0x3: {  	_ = 	snop  }
0x4: {  	_ = 	snop  }
0x5: {  	_ = 	snop  }
0x6: {  	_ = 	snop  }
0x7: {  	_ = 	snop  }
__scs_overlays_trampoline_lowered:
0x8: {  	[smem:$0x3F9D] =	sst s0  }
0x9: {  	[smem:$0x3F9E] =	sst s1  }
0xa: {  	[smem:$0x3F9F] =	sst s2  }
0xb: {  	[smem:$0x3FA0] =	sst s3  }
0xc: {  	[smem:$0x3FA1] =	sst s4  }
0xd: {  	[smem:$0x3FA2] =	sst s5  }
0xe: {  	[smem:$0x3FA3] =	sst s6  }
0xf: {  	[smem:$0x3FA4] =	sst s7  }
0x10: {  	[smem:$0x3FA5] =	sst s8  }
0x11: {  	[smem:$0x3FA6] =	sst s9;
	s0 =	simm.s32 @!p0 $0x0  }
0x12: {  	s1 =	sld [smem:$0x3F8C];
	s0 =	simm.s32 @p0 $0x1  }
0x13: {  	[smem:$0x3FA7] =	sst s0;
	s0 =	simm.s32 @!p1 $0x0  }
0x14: {  	s2 =	sld [smem:$0x3F8B];
	s0 =	simm.s32 @p1 $0x1  }
0x15: {  	[smem:$0x3FA8] =	sst s0;
	s0 =	simm.s32 @!p2 $0x0  }
0x16: {  	s3 =	sld [smem:$0x3FDB];
	s0 =	simm.s32 @p2 $0x1  }
0x17: {  	s4 =	simm.s32 $0x1BF5;
	[smem:$0x3FAA] =	sst s0  }
0x18: {  	s0 =	sld [smem:$0x3F8D];
	_ =	swait.ge [sflag:s4], $0x0  }
0x19: {  	s7 =	sld [smem:$0x3F8E]  }
0x1a: {  	s8 =	sadd.s32 $0xFFFFE003, lr  }
0x1b: {  	s9 =	sadd.s32 $0xFFFFFEF7, lr;
	s5 =	simm.s32 $0xFFFFFFFF;
	p2 =	slt.u32 s8, $0xFFFFF086  }
0x1c: {  	p1 =	slt.u32 s9, $0xF7A;
	s5 =	simm.s32 @!p2 $0x0  }
0x1d: {  	s5 =	simm.s32 @p1 $0x1;
	p0 =	seq.s32 s7, s2  }
0x1e: {  	s7 =	smul.u32 @!p0 $0xF7A, s2;
	p2 =	seq.s32 @!p0 s5, $0x0  }
0x1f: {  	s9 =	smul.u32 $0xF7A, s1;
	s8 =	simm.s32 @!p0 $0x1BF5;
	p2 =	por !p2, p0  }
0x20: {  	[sflag:s8] =	ssyncset.s32 @!p0 $0xFFFFF086;
	s6 =	sadd.s32 @!p0 s3, s7;
	s7 =	simm.s32 @!p0 $0x108  }
0x21: {  	s3 =	sadd.s32 s3, s9;
	s6 =	sadd.s32 @!p0 $0x88, s6;
	s7 =	simm.s32 @p2 $0x1082  }
0x22: {  	[simem:s7], [sflag:s8] =	dma.local @!p0 [hbm:s6], $0xF7A  }
0x23: {  	s9 =	sor.u32 $0xD0000000, s2;
	s6 =	simm.s32 $0x108;
	_ =	swait.ge @!p0 [sflag:s8], $0x0  }
0x24: {  	s3 =	sadd.s32 $0x88, s3;
	s6 =	simm.s32 @!p1 $0x1082;
	[sflag:s4] =	ssyncset.s32 $0xFFFFF086  }
0x25: {  	[simem:s6], [sflag:s4] =	dma.local [hbm:s3], $0xF7A  }
0x26: {  	[smem:$0x3F8E] =	sst s1;
	(tag) =	ssettag s2;
	_ =	strace s9  }
0x27: {  	s1 =	sld [smem:$0x3F9E]  }
0x28: {  	s2 =	sld [smem:$0x3F9F]  }
0x29: {  	s4 =	sld [smem:$0x3FA1]  }
0x2a: {  	p0 =	seq.s32 s5, $0x0;
	s5 =	sld [smem:$0x3FA2]  }
0x2b: {  	s6 =	sld [smem:$0x3FA3]  }
0x2c: {  	s7 =	sld [smem:$0x3FA4]  }
0x2d: {  	s3 =	simm.s32 $0x108;
	s8 =	sld [smem:$0x3FA5]  }
0x2e: {  	s3 =	simm.s32 @!p0 $0x1082;
	s9 =	sld [smem:$0x3FA6]  }
0x2f: {  	lr =	sadd.s32 s0, s3;
	s0 =	sld [smem:$0x3F9D]  }
0x30: {  	s3 =	sld [smem:$0x3FA0]  }
0x31: {  	[smem:$0x3FA9] =	sst s10  }
0x32: {  	s10 =	sld [smem:$0x3FA7];
	_ =	sdelay $0x3  }
0x33: {  	p0 =	seq.s32 s10, $0x1;
	s10 =	sld [smem:$0x3FA9];
	_ =	sdelay $0x3  }
0x34: {  	[smem:$0x3FA9] =	sst s10  }
0x35: {  	s10 =	sld [smem:$0x3FA8];
	_ =	sdelay $0x3  }
0x36: {  	p1 =	seq.s32 s10, $0x1;
	s10 =	sld [smem:$0x3FA9];
	_ =	sdelay $0x3  }
0x37: {  	[smem:$0x3FA9] =	sst s10  }
0x38: {  	s10 =	sld [smem:$0x3FAA]  }
0x39: {  	_ = 	snop;
	(pc) =	sbr.ind lr, $3  }
0x3a: {  	_ = 	snop  }
0x3b: {  	_ = 	snop  }
0x3c: {  	p2 =	seq.s32 s10, $0x1;
	s10 =	sld [smem:$0x3FA9]  }
0x3d: {  	_ =	shalt  }
0x3e: {  	_ =	shalt  }
0x3f: {  	_ =	shalt  }
0x40: {  	_ =	shalt  }
0x41: {  	_ =	shalt  }
0x42: {  	_ =	shalt  }
0x43: {  	_ =	shalt  }
0x44: {  	_ =	shalt  }
0x45: {  	_ =	shalt  }
0x46: {  	_ =	shalt  }
0x47: {  	_ =	shalt  }
0x48: {  	_ =	shalt  }
0x49: {  	_ =	shalt  }
0x4a: {  	_ =	shalt  }
0x4b: {  	_ =	shalt  }
0x4c: {  	_ =	shalt  }
0x4d: {  	_ =	shalt  }
0x4e: {  	_ =	shalt  }
0x4f: {  	_ =	shalt  }
0x50: {  	_ =	shalt  }
0x51: {  	_ =	shalt  }
0x52: {  	_ =	shalt  }
0x53: {  	_ =	shalt  }
0x54: {  	_ =	shalt  }
0x55: {  	_ =	shalt  }
0x56: {  	_ =	shalt  }
0x57: {  	_ =	shalt  }
0x58: {  	_ =	shalt  }
0x59: {  	_ =	shalt  }
0x5a: {  	_ =	shalt  }
0x5b: {  	_ =	shalt  }
0x5c: {  	_ =	shalt  }
0x5d: {  	_ =	shalt  }
0x5e: {  	_ =	shalt  }
0x5f: {  	_ =	shalt  }
0x60: {  	_ =	shalt  }
0x61: {  	_ =	shalt  }
0x62: {  	_ =	shalt  }
0x63: {  	_ =	shalt  }
0x64: {  	_ =	shalt  }
0x65: {  	_ =	shalt  }
0x66: {  	_ =	shalt  }
0x67: {  	_ =	shalt  }
0x68: {  	_ =	shalt  }
0x69: {  	_ =	shalt  }
0x6a: {  	_ =	shalt  }
0x6b: {  	_ =	shalt  }
0x6c: {  	_ =	shalt  }
0x6d: {  	_ =	shalt  }
0x6e: {  	_ =	shalt  }
0x6f: {  	_ =	shalt  }
0x70: {  	_ =	shalt  }
0x71: {  	_ =	shalt  }
0x72: {  	_ =	shalt  }
0x73: {  	_ =	shalt  }
0x74: {  	_ =	shalt  }
0x75: {  	_ =	shalt  }
0x76: {  	_ =	shalt  }
0x77: {  	_ =	shalt  }
0x78: {  	_ =	shalt  }
0x79: {  	_ =	shalt  }
0x7a: {  	_ =	shalt  }
0x7b: {  	_ =	shalt  }
0x7c: {  	_ =	shalt  }
0x7d: {  	_ =	shalt  }
0x7e: {  	_ =	shalt  }
0x7f: {  	_ =	shalt  }
0x80: {  	_ =	shalt  }
0x81: {  	_ =	shalt  }
0x82: {  	_ =	shalt  }
0x83: {  	_ =	shalt  }
0x84: {  	_ =	shalt  }
0x85: {  	_ =	shalt  }
0x86: {  	_ =	shalt  }
0x87: {  	_ =	shalt  }
.Lfunc_end0:
.L_simem_size_0:
called_computation.1_lowered:
.L_overlay_start_0:
0x88: {  	s2 =	sld [smem:$0x3FD9]  }
0x89: {  	s3 =	sld [smem:$0x3FFE];
	_ =	sdelay $0x1  }
0x8a: {  	s1 =	srdreg.scid  }
0x8b: {  	s0 =	sand.u32 $0x1, s1  }
0x8c: {  	s17 =	sshll.u32 s0, $0xA;
	s2 =	sadd.s32 s3, s2  }
0x8d: {  	s2 =	sadd.s32 s2, s17  }
0x8e: {  	[smem:$0x3FB5] =	sst s2  }
0x8f: {  	_ = 	snop  }
0x90: {  	(tm) =	ssettm $0x1  }
0x91: {  	s18 =	sld [smem:$0x3FFB];
	_ =	sdelay $0x3  }
0x92: {  	_ =	strace s18  }
0x93: {  	s2 =	sld [smem:$0x3FFC];
	_ =	sdelay $0x3  }
0x94: {  	_ =	strace s2  }
0x95: {  	s2 =	sld [smem:$0x3FFD];
	_ =	sdelay $0x3  }
0x96: {  	_ =	strace s2  }
0x97: {  	_ =	strace $0x8FFFFFFF  }
0x98: {  	s19 =	sld [smem:$0x3FDB];
	_ =	sdelay $0x1  }
0x99: {  	s20 =	simm.s32 $_scs_section_size  }
0x9a: {  	s4 =	simm.s32 $_size__tile_overlayer_lowered;
	s5 =	simm.s32 $_tile_overlayer_lowered  }
0x9b: {  	s6 =	simm.s32 $0x1BFF;
	s21 =	sshll.u32 s5, $0x1;
	s3 =	sadd.s32 s20, s19  }
0x9c: {  	s22 =	simm.s32 $0x0;
	s4 =	sshll.u32 s4, $0x1;
	s5 =	sadd.s32 s21, s3  }
0x9d: {  	[timem:s22], [sflag:s6] =	dma.local [hbm:s5], s4  }
0x9e: {  	_ =	swait.ge [sflag:s6], s4  }
0x9f: {  	s4 =	ssub.s32 $0x0, s4;
	[sflag:s6] =	ssyncset.done $0x0  }
0xa0: {  	[sflag:s6] =	ssyncadd.s32 s4;
	_ =	sdelay $0x1  }
0xa1: {  	s23 =	simm.s32 $0x1B8B  }
0xa2: {  	_ =	swait.ge [sflag:s23], $0x1  }
0xa3: {  	[sflag:s23] =	ssyncset.done $0x0  }
0xa4: {  	[sflag:s23] =	ssyncadd.s32 $0xFFFFFFFF  }
0xa5: {  	s4 =	sld [smem:$0x0]  }
0xa6: {  	s5 =	sand.u32 $0xFFFFFFFE, s1  }
0xa7: {  	p0 =	sne.s32 s1, s5  }
0xa8: {  	s5 =	sshll.u32 @p0 s5, $0xE  }
0xa9: {  	s5 =	sadd.s32 @p0 $0x11B8D, s5;
	s6 =	sshll.u32 @p0 s4, $0x11  }
0xaa: {  	s5 =	sor.u32 @p0 s6, s5  }
0xab: {  	[sflag:s5] =	ssyncadd.remote.s32 @p0 $0x1;
	_ =	sdelay $0x1  }
0xac: {  	s5 =	simm.s32 @p0 $0x1B8D  }
0xad: {  	_ =	swait.eq @p0 [sflag:s5], $0x1  }
0xae: {  	[sflag:s5] =	ssyncadd.s32 @p0 $0xFFFFFFFF  }
0xaf: {  	s6 =	sshll.u32 @!p0 s1, $0xE  }
0xb0: {  	s6 =	sor.u32 @!p0 $0x4000, s6;
	s5 =	simm.s32 @!p0 $0x1B8D  }
0xb1: {  	s4 =	sshll.u32 @!p0 s4, $0x11;
	s6 =	sadd.s32 @!p0 $0x11B8D, s6;
	_ =	swait.eq @!p0 [sflag:s5], $0x1  }
0xb2: {  	s4 =	sor.u32 @!p0 s4, s6;
	[sflag:s5] =	ssyncadd.s32 @!p0 $0xFFFFFFFF  }
0xb3: {  	s25 =	simm.s32 $0x1B8E;
	s24 =	sld [smem:$0x3FFE];
	[sflag:s4] =	ssyncadd.remote.s32 @!p0 $0x1  }
0xb4: {  	s26 =	simm.s32 $execute0_lowered;
	[smem:$0x3FD2] =	sst s25  }
0xb5: {  	s5 =	sshll.u32 s26, $0x1;
	_ =	strace $0x80000049;
	[dreg:$0x1] =	wrdreg $0xFFFFFFFF  }
0xb6: {  	s28 =	simm.s32 $_size_execute0_lowered;
	s3 =	sadd.s32 s3, s5;
	[dreg:$0x0] =	wrdreg $0x0  }
0xb7: {  	s5 =	sshll.u32 s28, $0x1;
	[dreg:$0x2] =	wrdreg s3  }
0xb8: {  	[dreg:$0x3] =	wrdreg s5  }
0xb9: {  	[dreg:$0x4] =	wrdreg $0xC0  }
0xba: {  	_ =	task [dreg:s22], $0x5FFFF  }
0xbb: {  	[dreg:$0x1] =	wrdreg $0xFFFFFFFF  }
0xbc: {  	[dreg:$0x0] =	wrdreg $0x60  }
0xbd: {  	[dreg:$0x2] =	wrdreg s24  }
0xbe: {  	[dreg:$0x3] =	wrdreg $0x88000  }
0xbf: {  	[dreg:$0x4] =	wrdreg $0xA  }
0xc0: {  	_ =	task.clear_ibuf [dreg:s22], $0x5FFFF;
	_ =	strace $0x90000049  }
0xc1: {  	s29 =	simm.s32 $0xA;
	_ =	strace $0x8000004B  }
0xc2: {  	_ =	swait.ge [sflag:s29], $0x1  }
0xc3: {  	[sflag:s29] =	ssyncadd.s32 $0xFFFFFFFF  }
0xc4: {  	_ =	strace $0x9000004B  }
0xc5: {  	_ =	sfence  }
0xc6: {  	s30 =	sld [smem:$0x0];
	_ =	sdelay $0x2  }
0xc7: {  	s31 =	sshll.u32 s1, $0xD;
	s1 =	sshrl.u32 s1, $0x2  }
0xc8: {  	s4 =	sand.u32 $0x4000, s31;
	s1 =	sadd.s32 s1, s30  }
0xc9: {  	s0 =	sor.u32 s4, s0;
	s1 =	sshll.u32 s1, $0x11  }
0xca: {  	s0 =	sor.u32 s1, s0  }
0xcb: {  	s0 =	sadd.s32 $0x8F2B, s0  }
0xcc: {  	[sflag:s0] =	ssyncadd.remote.s32 $0x1  }
0xcd: {  	_ =	sfence.sel $0xFFFF  }
0xce: {  	[dreg:$0x0] =	wrdreg $0xFFFFFFFF;
	(pc) =	sbr.abs _section_cstart, $3  }
0xcf: {  	[dreg:$0x1] =	wrdreg $0xFFFFFFFF  }
0xd0: {  	_ =	task.clear_ibuf [dreg:s22], $0x2FFFF;
	_ =	strace $0x9FFFFFFF  }
0xd1: {  	(tm) =	ssettm $0x7FFFFFFF  }
tec
execute0_lowered:
.L_overlay_start_1:
0x0: {  	(tag) =	ssettag $0x1  }
0x1: {  	s4 =	rddreg [dreg:$0x0]  }
0x2: {  	s1 =	rddreg [dreg:$0x1]  }
0x3: {  	s0 =	rddreg [dreg:$0x2];
	s2 =	simm.s32 $0x0  }
0x4: {  	s5 =	srdreg.scid;
	s3 =	sadd.s32 $0x1B6E00, s4;
	s7 =	sadd.s32 $0x316800, s4  }
0x5: {  	s8 =	sadd.s32 $0x3400, s4;
	s18 =	sadd.s32 $0x31B800, s4;
	s4 =	stileid.u32  }
0x6: {  	s24 =	simm.s32 $0x0;
	[smem:$0x7FF] =	sst s2;
	s9 =	smul.u32 $0x480, s4  }
0x7: {  	s20 =	sand.u32 $0x1, s5;
	_ =	strace $0x8000004A;
	s11 =	smul.u32 $0x4F000, s4  }
0x8: {  	s5 =	ssub.s32 $0x2, s20;
	s6 =	sshll.u32 s4, $0x7;
	s13 =	smul.u32 $0x13C00, s4  }
0x9: {  	s21 =	smul.u32 $0x13C000, s20;
	p0 =	sne.s32 s20, $0x0;
	s10 =	sshrl.u32 s5, $0x1  }
0xa: {  	s20 =	simm.s32 $0x4800;
	s6 =	sor.u32 $0x4800, s6;
	s19 =	ssub.s32 s5, s10  }
0xb: {  	s5 =	sadd.s32 s7, s6;
	s6 =	sadd.s32 s8, s6;
	s7 =	sadd.s32 s7, s9  }
0xc: {  	s31 =	sshrl.u32 s11, $0x2;
	s8 =	sadd.s32 s8, s9;
	s14 =	sadd.s32 $0x4000, s13  }
0xd: {  	s16 =	sadd.s32 $0x8000, s13;
	s17 =	sadd.s32 $0xC000, s13;
	s22 =	sadd.s32 $0x10000, s13  }
0xe: {  	s15 =	sadd.s32 s13, s21;
	s9 =	sadd.s32 s31, s1;
	s10 =	sadd.s32 s14, s1  }
0xf: {  	s11 =	sadd.s32 s16, s1;
	s12 =	sadd.s32 s17, s1;
	s14 =	sadd.s32 s21, s14  }
0x10: {  	s13 =	sadd.s32 s22, s1;
	s15 =	sshrl.u32 s15, $0x3;
	s16 =	sadd.s32 s21, s16  }
0x11: {  	s17 =	sadd.s32 s21, s17;
	s21 =	sadd.s32 s21, s22;
	s19 =	smax.u32 s19, $0x1  }
0x12: {  	s22 =	simm.s32 $0x80;
	s23 =	sshrl.u32 s14, $0x3;
	s14 =	sadd.s32 s18, s15  }
0x13: {  	s16 =	sshrl.u32 s16, $0x3;
	s17 =	sshrl.u32 s17, $0x3;
	s21 =	sshrl.u32 s21, $0x3  }
0x14: {  	s15 =	sadd.s32 s18, s23;
	s16 =	sadd.s32 s18, s16;
	s17 =	sadd.s32 s18, s17  }
0x15: {  	v0 =	vimm.f32 $0.0e+00;
	s18 =	sadd.s32 s18, s21;
	s21 =	simm.s32 $0x2;
	s23 =	simm.s32 $0x1  }
.LBB2_1:
0x16: {  	s25 =	simm.s32 @p0 $0x0;
	s26 =	simm.s32 @p0 $0x2  }
0x17: {  	[tilespmem:s25], [sflag:$0x2] =	stream.linear.gather @p0 [hbm4b:s5+s25], $0x400, $0x38;
	[tilespmem:$0x1C400] =	vst v63  }
0x18: {  	_ =	swait.ge @p0 [sflag:s26], $0x400  }
0x19: {  	[sflag:s26] =	ssyncset.done @p0 $0x0  }
0x1a: {  	s28 =	simm.s32 @p0 $0x2400;
	[sflag:s26] =	ssyncadd.s32 @p0 $0xFFFFFC00  }
0x1b: {  	[tilespmem:s28], [sflag:$0x2] =	stream.linear.gather @p0 [hbm4b:s6+s25], $0x400, $0x38;
	[tilespmem:$0x1C400] =	vst v63  }
0x1c: {  	_ =	swait.ge @p0 [sflag:s26], $0x400  }
0x1d: {  	[sflag:s26] =	ssyncset.done @p0 $0x0  }
0x1e: {  	s25 =	simm.s32 @!p0 $0x0;
	[sflag:s26] =	ssyncadd.s32 @p0 $0xFFFFFC00;
	s26 =	simm.s32 @!p0 $0x2  }
0x1f: {  	[tilespmem:s25], [sflag:$0x2] =	stream.linear.gather @!p0 [hbm4b:s7+s25], $0x2400, $0x38;
	[tilespmem:$0x1C400] =	vst v63  }
0x20: {  	_ =	swait.ge @!p0 [sflag:s26], $0x2400  }
0x21: {  	[sflag:s26] =	ssyncset.done @!p0 $0x0  }
0x22: {  	s28 =	simm.s32 @!p0 $0x2400;
	[sflag:s26] =	ssyncadd.s32 @!p0 $0xFFFFDC00  }
0x23: {  	[tilespmem:s28], [sflag:$0x2] =	stream.linear.gather @!p0 [hbm4b:s8+s25], $0x2400, $0x38;
	[tilespmem:$0x1C400] =	vst v63  }
0x24: {  	_ =	swait.ge @!p0 [sflag:s26], $0x2400  }
0x25: {  	s25 =	simm.s32 @!p0 $0x48;
	s28 =	simm.s32 $0x200;
	[sflag:s26] =	ssyncset.done @!p0 $0x0  }
0x26: {  	s25 =	simm.s32 @p0 $0x8;
	[sflag:s26] =	ssyncadd.s32 @!p0 $0xFFFFDC00;
	s26 =	simm.s32 $0x0  }
.LBB2_2:
0x27: {  	p1 =	sne.s32 s28, $0xFE00;
	[tilespmem:s26+$0x4870] =	vst v0  }
0x28: {  	[tilespmem:s26+$0x4800] =	vst v0  }
0x29: {  	[tilespmem:s26+$0x4810] =	vst v0  }
.Ltmp0:
0x2a: {  	[tilespmem:s26+$0x4820] =	vst v0;
	(pc) =	sbr.rel @p1 .LBB2_2-.Ltmp0, $4  }
0x2b: {  	[tilespmem:s26+$0x4830] =	vst v0  }
0x2c: {  	[tilespmem:s26+$0x4840] =	vst v0  }
0x2d: {  	[tilespmem:s26+$0x4850] =	vst v0  }
0x2e: {  	[tilespmem:s26+$0x4860] =	vst v0;
	s26 =	sshra.s32 s28, $0x2;
	s28 =	sadd.s32 $0x200, s28  }
0x2f: {  	[tilespmem:s26+$0x4870] =	vst v0  }
0x30: {  	[tilespmem:s26+$0x4800] =	vst v0  }
0x31: {  	[tilespmem:s26+$0x4810] =	vst v0  }
0x32: {  	[tilespmem:s26+$0x4820] =	vst v0  }
0x33: {  	[tilespmem:s26+$0x4830] =	vst v0  }
0x34: {  	[tilespmem:s26+$0x4840] =	vst v0  }
0x35: {  	[tilespmem:s26+$0x4850] =	vst v0  }
0x36: {  	[tilespmem:s26+$0x4860] =	vst v0  }
0x37: {  	[spmem:s9] =	stream.linear.scatter [tilespmem:s20], [sflag:$0x2], $0x4000, $0x38;
	[tilespmem:$0x1C400] =	vst v63  }
0x38: {  	_ =	swait.ge [sflag:s21], $0x4000  }
0x39: {  	[sflag:s21] =	ssyncset.done $0x0  }
0x3a: {  	[sflag:s21] =	ssyncadd.s32 $0xFFFFC000  }
0x3b: {  	[spmem:s10] =	stream.linear.scatter [tilespmem:s20], [sflag:$0x2], $0x4000, $0x38;
	[tilespmem:$0x1C400] =	vst v63  }
0x3c: {  	_ =	swait.ge [sflag:s21], $0x4000  }
0x3d: {  	[sflag:s21] =	ssyncset.done $0x0  }
0x3e: {  	[sflag:s21] =	ssyncadd.s32 $0xFFFFC000  }
0x3f: {  	[spmem:s11] =	stream.linear.scatter [tilespmem:s20], [sflag:$0x2], $0x4000, $0x38;
	[tilespmem:$0x1C400] =	vst v63  }
0x40: {  	_ =	swait.ge [sflag:s21], $0x4000  }
0x41: {  	[sflag:s21] =	ssyncset.done $0x0  }
0x42: {  	[sflag:s21] =	ssyncadd.s32 $0xFFFFC000  }
0x43: {  	[spmem:s12] =	stream.linear.scatter [tilespmem:s20], [sflag:$0x2], $0x4000, $0x38;
	[tilespmem:$0x1C400] =	vst v63  }
0x44: {  	_ =	swait.ge [sflag:s21], $0x4000  }
0x45: {  	[sflag:s21] =	ssyncset.done $0x0  }
0x46: {  	[sflag:s21] =	ssyncadd.s32 $0xFFFFC000  }
0x47: {  	[spmem:s13] =	stream.linear.scatter [tilespmem:s20], [sflag:$0x2], $0x3C00, $0x38;
	[tilespmem:$0x1C400] =	vst v63  }
0x48: {  	_ =	swait.ge [sflag:s21], $0x3C00  }
0x49: {  	[sflag:s21] =	ssyncset.done $0x0  }
0x4a: {  	[sflag:s21] =	ssyncadd.s32 $0xFFFFC400  }
0x4b: {  	s26 =	simm.s32 $0x0;
	[bflag:$0x0] =	sbarrier.arrive $0xFFFF  }
0x4c: {  	[tilespmem:s20], [sflag:$0x1] =	stream.indirect.gather [hbm4b:s3+s22], $0x80, s26, s22, $0xb8;
	[tilespmem:$0x1C400] =	vst v63  }
0x4d: {  	p1 =	sne.s32 s25, $0x1;
	_ =	swait.ge [sflag:s23], $0x4000  }
.Ltmp1:
0x4e: {  	[sflag:s23] =	ssyncset.done $0x0;
	(pc) =	sbr.rel @!p1 .LBB2_5-.Ltmp1, $4  }
0x4f: {  	s28 =	simm.s32 $0x2400;
	[sflag:s23] =	ssyncadd.s32 $0xFFFFC000  }
0x50: {  	[spmem:s1] =	stream.indirect.scatter.add.f32 [tilespmem:s20], [sflag:$0x2], $0x80, s28, s22, $0xb8;
	[tilespmem:$0x1C400] =	vst v63  }
0x51: {  	_ =	swait.ge [sflag:s21], $0x4000  }
0x52: {  	s25 =	sadd.s32 $0xFFFFFFFF, s25;
	[sflag:s21] =	ssyncset.done $0x0  }
.LBB2_4:
0x53: {  	[sflag:s21] =	ssyncadd.s32 $0xFFFFC000;
	s26 =	sadd.s32 $0x80, s26;
	s28 =	sadd.s32 $0x80, s28  }
0x54: {  	[tilespmem:s20], [sflag:$0x1] =	stream.indirect.gather [hbm4b:s3+s22], $0x80, s26, s22, $0xb8;
	[tilespmem:$0x1C400] =	vst v63  }
0x55: {  	p1 =	sne.s32 s25, $0x1;
	s25 =	sadd.s32 $0xFFFFFFFF, s25;
	_ =	swait.ge [sflag:s23], $0x4000  }
.Ltmp2:
0x56: {  	[sflag:s23] =	ssyncset.done $0x0;
	(pc) =	sbr.rel @p1 .LBB2_4-.Ltmp2, $4  }
0x57: {  	[sflag:s23] =	ssyncadd.s32 $0xFFFFC000  }
0x58: {  	[spmem:s1] =	stream.indirect.scatter.add.f32 [tilespmem:s20], [sflag:$0x2], $0x80, s28, s22, $0xb8;
	[tilespmem:$0x1C400] =	vst v63  }
0x59: {  	_ =	swait.ge [sflag:s21], $0x4000  }
0x5a: {  	[sflag:s21] =	ssyncset.done $0x0  }
.LBB2_5:
0x5b: {  	[sflag:s21] =	ssyncadd.s32 $0xFFFFC000  }
0x5c: {  	[bflag:$0x0] =	sbarrier.arrive $0xFFFF  }
0x5d: {  	[tilespmem:s20], [sflag:$0x2] =	stream.linear.gather [spmem:s9], $0x4000, $0x38;
	[tilespmem:$0x1C400] =	vst v63  }
0x5e: {  	_ =	swait.ge [sflag:s21], $0x4000  }
0x5f: {  	[sflag:s21] =	ssyncset.done $0x0  }
0x60: {  	[sflag:s21] =	ssyncadd.s32 $0xFFFFC000  }
0x61: {  	[hbm4b:s14+s2] =	stream.linear.scatter [tilespmem:s20], [sflag:$0x2], $0x4000, $0x38;
	[tilespmem:$0x1C400] =	vst v63  }
0x62: {  	_ =	swait.ge [sflag:s21], $0x4000  }
0x63: {  	[sflag:s21] =	ssyncset.done $0x0  }
0x64: {  	[sflag:s21] =	ssyncadd.s32 $0xFFFFC000  }
0x65: {  	[tilespmem:s20], [sflag:$0x2] =	stream.linear.gather [spmem:s10], $0x4000, $0x38;
	[tilespmem:$0x1C400] =	vst v63  }
0x66: {  	_ =	swait.ge [sflag:s21], $0x4000  }
0x67: {  	[sflag:s21] =	ssyncset.done $0x0  }
0x68: {  	[sflag:s21] =	ssyncadd.s32 $0xFFFFC000  }
0x69: {  	[hbm4b:s15+s2] =	stream.linear.scatter [tilespmem:s20], [sflag:$0x2], $0x4000, $0x38;
	[tilespmem:$0x1C400] =	vst v63  }
0x6a: {  	_ =	swait.ge [sflag:s21], $0x4000  }
0x6b: {  	[sflag:s21] =	ssyncset.done $0x0  }
0x6c: {  	[sflag:s21] =	ssyncadd.s32 $0xFFFFC000  }
0x6d: {  	[tilespmem:s20], [sflag:$0x2] =	stream.linear.gather [spmem:s11], $0x4000, $0x38;
	[tilespmem:$0x1C400] =	vst v63  }
0x6e: {  	_ =	swait.ge [sflag:s21], $0x4000  }
0x6f: {  	[sflag:s21] =	ssyncset.done $0x0  }
0x70: {  	[sflag:s21] =	ssyncadd.s32 $0xFFFFC000  }
0x71: {  	[hbm4b:s16+s2] =	stream.linear.scatter [tilespmem:s20], [sflag:$0x2], $0x4000, $0x38;
	[tilespmem:$0x1C400] =	vst v63  }
0x72: {  	_ =	swait.ge [sflag:s21], $0x4000  }
0x73: {  	[sflag:s21] =	ssyncset.done $0x0  }
0x74: {  	[sflag:s21] =	ssyncadd.s32 $0xFFFFC000  }
0x75: {  	[tilespmem:s20], [sflag:$0x2] =	stream.linear.gather [spmem:s12], $0x4000, $0x38;
	[tilespmem:$0x1C400] =	vst v63  }
0x76: {  	_ =	swait.ge [sflag:s21], $0x4000  }
0x77: {  	[sflag:s21] =	ssyncset.done $0x0  }
0x78: {  	[sflag:s21] =	ssyncadd.s32 $0xFFFFC000  }
0x79: {  	[hbm4b:s17+s2] =	stream.linear.scatter [tilespmem:s20], [sflag:$0x2], $0x4000, $0x38;
	[tilespmem:$0x1C400] =	vst v63  }
0x7a: {  	_ =	swait.ge [sflag:s21], $0x4000  }
0x7b: {  	[sflag:s21] =	ssyncset.done $0x0  }
0x7c: {  	[sflag:s21] =	ssyncadd.s32 $0xFFFFC000  }
0x7d: {  	[tilespmem:s20], [sflag:$0x2] =	stream.linear.gather [spmem:s13], $0x3C00, $0x38;
	[tilespmem:$0x1C400] =	vst v63  }
0x7e: {  	s24 =	sadd.s32 $0x1, s24;
	_ =	swait.ge [sflag:s21], $0x3C00  }
0x7f: {  	p1 =	sne.s32 s24, s19;
	[sflag:s21] =	ssyncset.done $0x0  }
.Ltmp3:
0x80: {  	[sflag:s21] =	ssyncadd.s32 $0xFFFFC400;
	(pc) =	sbr.rel @p1 .LBB2_1-.Ltmp3, $4  }
0x81: {  	[hbm4b:s18+s2] =	stream.linear.scatter [tilespmem:s20], [sflag:$0x2], $0x3C00, $0x38;
	[tilespmem:$0x1C400] =	vst v63  }
0x82: {  	_ =	swait.ge [sflag:s21], $0x3C00  }
0x83: {  	[sflag:s21] =	ssyncset.done $0x0  }
0x84: {  	[sflag:s21] =	ssyncadd.s32 $0xFFFFC400  }
0x85: {  	_ =	sfence.sel $0x180000  }
0x86: {  	[bflag:$0x0] =	sbarrier.arrive $0xFFFF  }
0x87: {  	p0 =	sne.s32 s4, $0x0;
	_ =	strace $0x9000004A  }
0x88: {  	s0 =	sadd.s32 @!p0 $0x100000, s0;
	[bflag:$0x2] =	sbarrier.arrive $0xFFFF  }
0x89: {  	[sflag:s0] =	ssyncadd.tile.s32 @!p0 $0x1;
	_ =	shalt  }
.Lfunc_end2:
_tile_overlayer_lowered:
.L_overlay_start_2:
0x8a: {  	(tag) =	ssettag $0x2  }
0x8b: {  	s0 =	rddreg [dreg:$0x0];
	s2 =	stileid.u32  }
0x8c: {  	s1 =	rddreg [dreg:$0x1];
	p0 =	sne.s32 s2, $0x0  }
0x8d: {  	s3 =	rddreg [dreg:$0x2];
	[bflag:$0x3] =	sbarrier.arrive $0xFFFF;
	s2 =	simm.s32 @!p0 $0x1C02  }
0x8e: {  	[timem:s3], [sflag:s2] =	dma.local @!p0 [hbm:s0], s1  }
0x8f: {  	s0 =	simm.s32 @!p0 $0x2  }
0x90: {  	_ =	swait.ge @!p0 [sflag:s0], s1  }
0x91: {  	s1 =	ssub.s32 @!p0 $0x0, s1;
	[sflag:s0] =	ssyncset.done @!p0 $0x0  }
0x92: {  	[sflag:s0] =	ssyncadd.s32 @!p0 s1  }
0x93: {  	[bflag:$0x3] =	sbarrier.arrive $0xFFFF  }
0x94: {  	_ =	shalt  }

// kernel: sc_rgcn_agg.7.cloned.1.call-start
scs
__scs_entry_jumppad:
0x0: {  	(pc) =	sbr.rel $0x88, $3  }
0x1: {  	(tag) =	ssettag $0x0;
	lr =	simm.s32 $0x1  }
0x2: {  	[smem:$0x3F8E] =	sst lr;
	_ =	strace $0xD0000000  }
0x3: {  	_ = 	snop  }
0x4: {  	_ = 	snop  }
0x5: {  	_ = 	snop  }
0x6: {  	_ = 	snop  }
0x7: {  	_ = 	snop  }
__scs_overlays_trampoline_lowered:
0x8: {  	[smem:$0x3F9D] =	sst s0  }
0x9: {  	[smem:$0x3F9E] =	sst s1  }
0xa: {  	[smem:$0x3F9F] =	sst s2  }
0xb: {  	[smem:$0x3FA0] =	sst s3  }
0xc: {  	[smem:$0x3FA1] =	sst s4  }
0xd: {  	[smem:$0x3FA2] =	sst s5  }
0xe: {  	[smem:$0x3FA3] =	sst s6  }
0xf: {  	[smem:$0x3FA4] =	sst s7  }
0x10: {  	[smem:$0x3FA5] =	sst s8  }
0x11: {  	[smem:$0x3FA6] =	sst s9;
	s0 =	simm.s32 @!p0 $0x0  }
0x12: {  	s1 =	sld [smem:$0x3F8C];
	s0 =	simm.s32 @p0 $0x1  }
0x13: {  	[smem:$0x3FA7] =	sst s0;
	s0 =	simm.s32 @!p1 $0x0  }
0x14: {  	s2 =	sld [smem:$0x3F8B];
	s0 =	simm.s32 @p1 $0x1  }
0x15: {  	[smem:$0x3FA8] =	sst s0;
	s0 =	simm.s32 @!p2 $0x0  }
0x16: {  	s3 =	sld [smem:$0x3FDB];
	s0 =	simm.s32 @p2 $0x1  }
0x17: {  	s4 =	simm.s32 $0x1BF5;
	[smem:$0x3FAA] =	sst s0  }
0x18: {  	s0 =	sld [smem:$0x3F8D];
	_ =	swait.ge [sflag:s4], $0x0  }
0x19: {  	s7 =	sld [smem:$0x3F8E]  }
0x1a: {  	s8 =	sadd.s32 $0xFFFFE003, lr  }
0x1b: {  	s9 =	sadd.s32 $0xFFFFFEF7, lr;
	s5 =	simm.s32 $0xFFFFFFFF;
	p2 =	slt.u32 s8, $0xFFFFF086  }
0x1c: {  	p1 =	slt.u32 s9, $0xF7A;
	s5 =	simm.s32 @!p2 $0x0  }
0x1d: {  	s5 =	simm.s32 @p1 $0x1;
	p0 =	seq.s32 s7, s2  }
0x1e: {  	s7 =	smul.u32 @!p0 $0xF7A, s2;
	p2 =	seq.s32 @!p0 s5, $0x0  }
0x1f: {  	s9 =	smul.u32 $0xF7A, s1;
	s8 =	simm.s32 @!p0 $0x1BF5;
	p2 =	por !p2, p0  }
0x20: {  	[sflag:s8] =	ssyncset.s32 @!p0 $0xFFFFF086;
	s6 =	sadd.s32 @!p0 s3, s7;
	s7 =	simm.s32 @!p0 $0x108  }
0x21: {  	s3 =	sadd.s32 s3, s9;
	s6 =	sadd.s32 @!p0 $0x88, s6;
	s7 =	simm.s32 @p2 $0x1082  }
0x22: {  	[simem:s7], [sflag:s8] =	dma.local @!p0 [hbm:s6], $0xF7A  }
0x23: {  	s9 =	sor.u32 $0xD0000000, s2;
	s6 =	simm.s32 $0x108;
	_ =	swait.ge @!p0 [sflag:s8], $0x0  }
0x24: {  	s3 =	sadd.s32 $0x88, s3;
	s6 =	simm.s32 @!p1 $0x1082;
	[sflag:s4] =	ssyncset.s32 $0xFFFFF086  }
0x25: {  	[simem:s6], [sflag:s4] =	dma.local [hbm:s3], $0xF7A  }
0x26: {  	[smem:$0x3F8E] =	sst s1;
	(tag) =	ssettag s2;
	_ =	strace s9  }
0x27: {  	s1 =	sld [smem:$0x3F9E]  }
0x28: {  	s2 =	sld [smem:$0x3F9F]  }
0x29: {  	s4 =	sld [smem:$0x3FA1]  }
0x2a: {  	p0 =	seq.s32 s5, $0x0;
	s5 =	sld [smem:$0x3FA2]  }
0x2b: {  	s6 =	sld [smem:$0x3FA3]  }
0x2c: {  	s7 =	sld [smem:$0x3FA4]  }
0x2d: {  	s3 =	simm.s32 $0x108;
	s8 =	sld [smem:$0x3FA5]  }
0x2e: {  	s3 =	simm.s32 @!p0 $0x1082;
	s9 =	sld [smem:$0x3FA6]  }
0x2f: {  	lr =	sadd.s32 s0, s3;
	s0 =	sld [smem:$0x3F9D]  }
0x30: {  	s3 =	sld [smem:$0x3FA0]  }
0x31: {  	[smem:$0x3FA9] =	sst s10  }
0x32: {  	s10 =	sld [smem:$0x3FA7];
	_ =	sdelay $0x3  }
0x33: {  	p0 =	seq.s32 s10, $0x1;
	s10 =	sld [smem:$0x3FA9];
	_ =	sdelay $0x3  }
0x34: {  	[smem:$0x3FA9] =	sst s10  }
0x35: {  	s10 =	sld [smem:$0x3FA8];
	_ =	sdelay $0x3  }
0x36: {  	p1 =	seq.s32 s10, $0x1;
	s10 =	sld [smem:$0x3FA9];
	_ =	sdelay $0x3  }
0x37: {  	[smem:$0x3FA9] =	sst s10  }
0x38: {  	s10 =	sld [smem:$0x3FAA]  }
0x39: {  	_ = 	snop;
	(pc) =	sbr.ind lr, $3  }
0x3a: {  	_ = 	snop  }
0x3b: {  	_ = 	snop  }
0x3c: {  	p2 =	seq.s32 s10, $0x1;
	s10 =	sld [smem:$0x3FA9]  }
0x3d: {  	_ =	shalt  }
0x3e: {  	_ =	shalt  }
0x3f: {  	_ =	shalt  }
0x40: {  	_ =	shalt  }
0x41: {  	_ =	shalt  }
0x42: {  	_ =	shalt  }
0x43: {  	_ =	shalt  }
0x44: {  	_ =	shalt  }
0x45: {  	_ =	shalt  }
0x46: {  	_ =	shalt  }
0x47: {  	_ =	shalt  }
0x48: {  	_ =	shalt  }
0x49: {  	_ =	shalt  }
0x4a: {  	_ =	shalt  }
0x4b: {  	_ =	shalt  }
0x4c: {  	_ =	shalt  }
0x4d: {  	_ =	shalt  }
0x4e: {  	_ =	shalt  }
0x4f: {  	_ =	shalt  }
0x50: {  	_ =	shalt  }
0x51: {  	_ =	shalt  }
0x52: {  	_ =	shalt  }
0x53: {  	_ =	shalt  }
0x54: {  	_ =	shalt  }
0x55: {  	_ =	shalt  }
0x56: {  	_ =	shalt  }
0x57: {  	_ =	shalt  }
0x58: {  	_ =	shalt  }
0x59: {  	_ =	shalt  }
0x5a: {  	_ =	shalt  }
0x5b: {  	_ =	shalt  }
0x5c: {  	_ =	shalt  }
0x5d: {  	_ =	shalt  }
0x5e: {  	_ =	shalt  }
0x5f: {  	_ =	shalt  }
0x60: {  	_ =	shalt  }
0x61: {  	_ =	shalt  }
0x62: {  	_ =	shalt  }
0x63: {  	_ =	shalt  }
0x64: {  	_ =	shalt  }
0x65: {  	_ =	shalt  }
0x66: {  	_ =	shalt  }
0x67: {  	_ =	shalt  }
0x68: {  	_ =	shalt  }
0x69: {  	_ =	shalt  }
0x6a: {  	_ =	shalt  }
0x6b: {  	_ =	shalt  }
0x6c: {  	_ =	shalt  }
0x6d: {  	_ =	shalt  }
0x6e: {  	_ =	shalt  }
0x6f: {  	_ =	shalt  }
0x70: {  	_ =	shalt  }
0x71: {  	_ =	shalt  }
0x72: {  	_ =	shalt  }
0x73: {  	_ =	shalt  }
0x74: {  	_ =	shalt  }
0x75: {  	_ =	shalt  }
0x76: {  	_ =	shalt  }
0x77: {  	_ =	shalt  }
0x78: {  	_ =	shalt  }
0x79: {  	_ =	shalt  }
0x7a: {  	_ =	shalt  }
0x7b: {  	_ =	shalt  }
0x7c: {  	_ =	shalt  }
0x7d: {  	_ =	shalt  }
0x7e: {  	_ =	shalt  }
0x7f: {  	_ =	shalt  }
0x80: {  	_ =	shalt  }
0x81: {  	_ =	shalt  }
0x82: {  	_ =	shalt  }
0x83: {  	_ =	shalt  }
0x84: {  	_ =	shalt  }
0x85: {  	_ =	shalt  }
0x86: {  	_ =	shalt  }
0x87: {  	_ =	shalt  }
.Lfunc_end0:
.L_simem_size_0:
called_computation.2_lowered:
.L_overlay_start_0:
0x88: {  	s2 =	sld [smem:$0x3FD9]  }
0x89: {  	s3 =	sld [smem:$0x3FFE];
	_ =	sdelay $0x1  }
0x8a: {  	s1 =	srdreg.scid  }
0x8b: {  	s0 =	sand.u32 $0x1, s1  }
0x8c: {  	s16 =	sshll.u32 s0, $0xA;
	s2 =	sadd.s32 s3, s2  }
0x8d: {  	s2 =	sadd.s32 s2, s16  }
0x8e: {  	[smem:$0x3FB5] =	sst s2  }
0x8f: {  	_ = 	snop  }
0x90: {  	(tm) =	ssettm $0x1  }
0x91: {  	s17 =	sld [smem:$0x3FFB];
	_ =	sdelay $0x3  }
0x92: {  	_ =	strace s17  }
0x93: {  	s2 =	sld [smem:$0x3FFC];
	_ =	sdelay $0x3  }
0x94: {  	_ =	strace s2  }
0x95: {  	s2 =	sld [smem:$0x3FFD];
	_ =	sdelay $0x3  }
0x96: {  	_ =	strace s2  }
0x97: {  	_ =	strace $0x8FFFFFFF  }
0x98: {  	s18 =	sld [smem:$0x3FDB];
	_ =	sdelay $0x1  }
0x99: {  	s19 =	simm.s32 $_scs_section_size  }
0x9a: {  	s4 =	simm.s32 $_size__tile_overlayer_lowered;
	s5 =	simm.s32 $_tile_overlayer_lowered  }
0x9b: {  	s22 =	simm.s32 $0x1BFF;
	s21 =	sshll.u32 s5, $0x1;
	s2 =	sadd.s32 s19, s18  }
0x9c: {  	s6 =	simm.s32 $0x0;
	s20 =	sshll.u32 s4, $0x1;
	s4 =	sadd.s32 s21, s2  }
0x9d: {  	[timem:s6], [sflag:s22] =	dma.local [hbm:s4], s20  }
0x9e: {  	_ =	swait.ge [sflag:s22], s20  }
0x9f: {  	s3 =	ssub.s32 $0x0, s20;
	[sflag:s22] =	ssyncset.done $0x0  }
0xa0: {  	[sflag:s22] =	ssyncadd.s32 s3;
	_ =	sdelay $0x1  }
0xa1: {  	s23 =	simm.s32 $0x1B8B  }
0xa2: {  	_ =	swait.ge [sflag:s23], $0x1  }
0xa3: {  	[sflag:s23] =	ssyncset.done $0x0  }
0xa4: {  	s25 =	simm.s32 $0x1B8E;
	s24 =	sld [smem:$0x3FFE];
	[sflag:s23] =	ssyncadd.s32 $0xFFFFFFFF  }
0xa5: {  	s26 =	simm.s32 $execute0_lowered;
	[smem:$0x3FD2] =	sst s25  }
0xa6: {  	s4 =	sshll.u32 s26, $0x1;
	_ =	strace $0x8000004C;
	[dreg:$0x1] =	wrdreg $0xFFFFFFFF  }
0xa7: {  	s28 =	simm.s32 $_size_execute0_lowered;
	s2 =	sadd.s32 s2, s4;
	[dreg:$0x0] =	wrdreg $0x0  }
0xa8: {  	s4 =	sshll.u32 s28, $0x1;
	[dreg:$0x2] =	wrdreg s2  }
0xa9: {  	[dreg:$0x3] =	wrdreg s4  }
0xaa: {  	[dreg:$0x4] =	wrdreg $0xC0  }
0xab: {  	_ =	task [dreg:s6], $0x5FFFF  }
0xac: {  	[dreg:$0x1] =	wrdreg $0xFFFFFFFF  }
0xad: {  	[dreg:$0x0] =	wrdreg $0x60  }
0xae: {  	[dreg:$0x2] =	wrdreg s24  }
0xaf: {  	[dreg:$0x3] =	wrdreg $0x88000  }
0xb0: {  	[dreg:$0x4] =	wrdreg $0x9  }
0xb1: {  	_ =	task.clear_ibuf [dreg:s6], $0x5FFFF;
	_ =	strace $0x9000004C  }
0xb2: {  	s29 =	simm.s32 $0x9;
	_ =	strace $0x8000004E  }
0xb3: {  	_ =	swait.ge [sflag:s29], $0x1  }
0xb4: {  	[sflag:s29] =	ssyncadd.s32 $0xFFFFFFFF  }
0xb5: {  	_ =	strace $0x9000004E  }
0xb6: {  	_ =	sfence  }
0xb7: {  	s30 =	sld [smem:$0x0];
	_ =	sdelay $0x2  }
0xb8: {  	s31 =	sshll.u32 s1, $0xD;
	s1 =	sshrl.u32 s1, $0x2  }
0xb9: {  	s3 =	sand.u32 $0x4000, s31;
	s1 =	sadd.s32 s1, s30  }
0xba: {  	s0 =	sor.u32 s3, s0;
	s1 =	sshll.u32 s1, $0x11  }
0xbb: {  	s0 =	sor.u32 s1, s0  }
0xbc: {  	s0 =	sadd.s32 $0x8F2B, s0  }
0xbd: {  	[sflag:s0] =	ssyncadd.remote.s32 $0x1  }
0xbe: {  	_ =	sfence.sel $0xFFFF  }
0xbf: {  	[dreg:$0x0] =	wrdreg $0xFFFFFFFF;
	(pc) =	sbr.abs _section_cstart, $3  }
0xc0: {  	[dreg:$0x1] =	wrdreg $0xFFFFFFFF  }
0xc1: {  	_ =	task.clear_ibuf [dreg:s6], $0x2FFFF;
	_ =	strace $0x9FFFFFFF  }
0xc2: {  	(tm) =	ssettm $0x7FFFFFFF  }
0xc3: {  	_ =	shalt  }
tec
execute0_lowered:
.L_overlay_start_1:
0x0: {  	(tag) =	ssettag $0x1  }
0x1: {  	s4 =	rddreg [dreg:$0x0]  }
0x2: {  	s1 =	rddreg [dreg:$0x1]  }
0x3: {  	s0 =	rddreg [dreg:$0x2];
	s2 =	simm.s32 $0x0  }
0x4: {  	s5 =	srdreg.scid;
	s3 =	sadd.s32 $0x1B6E00, s4;
	s7 =	sadd.s32 $0x316800, s4  }
0x5: {  	s8 =	sadd.s32 $0x3400, s4;
	s18 =	sadd.s32 $0x31B800, s4;
	s4 =	stileid.u32  }
0x6: {  	s24 =	simm.s32 $0x0;
	[smem:$0x7FF] =	sst s2;
	s9 =	smul.u32 $0x480, s4  }
0x7: {  	s20 =	sand.u32 $0x1, s5;
	_ =	strace $0x8000004D;
	s11 =	smul.u32 $0x4F000, s4  }
0x8: {  	s5 =	ssub.s32 $0x2, s20;
	s6 =	sshll.u32 s4, $0x7;
	s13 =	smul.u32 $0x13C00, s4  }
0x9: {  	s21 =	smul.u32 $0x13C000, s20;
	p0 =	sne.s32 s20, $0x0;
	s10 =	sshrl.u32 s5, $0x1  }
0xa: {  	s20 =	simm.s32 $0x4800;
	s6 =	sor.u32 $0x4800, s6;
	s19 =	ssub.s32 s5, s10  }
0xb: {  	s5 =	sadd.s32 s7, s6;
	s6 =	sadd.s32 s8, s6;
	s7 =	sadd.s32 s7, s9  }
0xc: {  	s31 =	sshrl.u32 s11, $0x2;
	s8 =	sadd.s32 s8, s9;
	s14 =	sadd.s32 $0x4000, s13  }
0xd: {  	s16 =	sadd.s32 $0x8000, s13;
	s17 =	sadd.s32 $0xC000, s13;
	s22 =	sadd.s32 $0x10000, s13  }
0xe: {  	s15 =	sadd.s32 s13, s21;
	s9 =	sadd.s32 s31, s1;
	s10 =	sadd.s32 s14, s1  }
0xf: {  	s11 =	sadd.s32 s16, s1;
	s12 =	sadd.s32 s17, s1;
	s14 =	sadd.s32 s21, s14  }
0x10: {  	s13 =	sadd.s32 s22, s1;
	s15 =	sshrl.u32 s15, $0x3;
	s16 =	sadd.s32 s21, s16  }
0x11: {  	s17 =	sadd.s32 s21, s17;
	s21 =	sadd.s32 s21, s22;
	s19 =	smax.u32 s19, $0x1  }
0x12: {  	s22 =	simm.s32 $0x80;
	s23 =	sshrl.u32 s14, $0x3;
	s14 =	sadd.s32 s18, s15  }
0x13: {  	s16 =	sshrl.u32 s16, $0x3;
	s17 =	sshrl.u32 s17, $0x3;
	s21 =	sshrl.u32 s21, $0x3  }
0x14: {  	s15 =	sadd.s32 s18, s23;
	s16 =	sadd.s32 s18, s16;
	s17 =	sadd.s32 s18, s17  }
0x15: {  	v0 =	vimm.f32 $0.0e+00;
	s18 =	sadd.s32 s18, s21;
	s21 =	simm.s32 $0x2;
	s23 =	simm.s32 $0x1  }
.LBB2_1:
0x16: {  	s25 =	simm.s32 @p0 $0x0;
	s26 =	simm.s32 @p0 $0x2  }
0x17: {  	[tilespmem:s25], [sflag:$0x2] =	stream.linear.gather @p0 [hbm4b:s5+s25], $0x400, $0x38;
	[tilespmem:$0x1C400] =	vst v63  }
0x18: {  	_ =	swait.ge @p0 [sflag:s26], $0x400  }
0x19: {  	[sflag:s26] =	ssyncset.done @p0 $0x0  }
0x1a: {  	s28 =	simm.s32 @p0 $0x2400;
	[sflag:s26] =	ssyncadd.s32 @p0 $0xFFFFFC00  }
0x1b: {  	[tilespmem:s28], [sflag:$0x2] =	stream.linear.gather @p0 [hbm4b:s6+s25], $0x400, $0x38;
	[tilespmem:$0x1C400] =	vst v63  }
0x1c: {  	_ =	swait.ge @p0 [sflag:s26], $0x400  }
0x1d: {  	[sflag:s26] =	ssyncset.done @p0 $0x0  }
0x1e: {  	s25 =	simm.s32 @!p0 $0x0;
	[sflag:s26] =	ssyncadd.s32 @p0 $0xFFFFFC00;
	s26 =	simm.s32 @!p0 $0x2  }
0x1f: {  	[tilespmem:s25], [sflag:$0x2] =	stream.linear.gather @!p0 [hbm4b:s7+s25], $0x2400, $0x38;
	[tilespmem:$0x1C400] =	vst v63  }
0x20: {  	_ =	swait.ge @!p0 [sflag:s26], $0x2400  }
0x21: {  	[sflag:s26] =	ssyncset.done @!p0 $0x0  }
0x22: {  	s28 =	simm.s32 @!p0 $0x2400;
	[sflag:s26] =	ssyncadd.s32 @!p0 $0xFFFFDC00  }
0x23: {  	[tilespmem:s28], [sflag:$0x2] =	stream.linear.gather @!p0 [hbm4b:s8+s25], $0x2400, $0x38;
	[tilespmem:$0x1C400] =	vst v63  }
0x24: {  	_ =	swait.ge @!p0 [sflag:s26], $0x2400  }
0x25: {  	s25 =	simm.s32 @!p0 $0x48;
	s28 =	simm.s32 $0x200;
	[sflag:s26] =	ssyncset.done @!p0 $0x0  }
0x26: {  	s25 =	simm.s32 @p0 $0x8;
	[sflag:s26] =	ssyncadd.s32 @!p0 $0xFFFFDC00;
	s26 =	simm.s32 $0x0  }
.LBB2_2:
0x27: {  	p1 =	sne.s32 s28, $0xFE00;
	[tilespmem:s26+$0x4870] =	vst v0  }
0x28: {  	[tilespmem:s26+$0x4800] =	vst v0  }
0x29: {  	[tilespmem:s26+$0x4810] =	vst v0  }
.Ltmp0:
0x2a: {  	[tilespmem:s26+$0x4820] =	vst v0;
	(pc) =	sbr.rel @p1 .LBB2_2-.Ltmp0, $4  }
0x2b: {  	[tilespmem:s26+$0x4830] =	vst v0  }
0x2c: {  	[tilespmem:s26+$0x4840] =	vst v0  }
0x2d: {  	[tilespmem:s26+$0x4850] =	vst v0  }
0x2e: {  	[tilespmem:s26+$0x4860] =	vst v0;
	s26 =	sshra.s32 s28, $0x2;
	s28 =	sadd.s32 $0x200, s28  }
0x2f: {  	[tilespmem:s26+$0x4870] =	vst v0  }
0x30: {  	[tilespmem:s26+$0x4800] =	vst v0  }
0x31: {  	[tilespmem:s26+$0x4810] =	vst v0  }
0x32: {  	[tilespmem:s26+$0x4820] =	vst v0  }
0x33: {  	[tilespmem:s26+$0x4830] =	vst v0  }
0x34: {  	[tilespmem:s26+$0x4840] =	vst v0  }
0x35: {  	[tilespmem:s26+$0x4850] =	vst v0  }
0x36: {  	[tilespmem:s26+$0x4860] =	vst v0  }
0x37: {  	[spmem:s9] =	stream.linear.scatter [tilespmem:s20], [sflag:$0x2], $0x4000, $0x38;
	[tilespmem:$0x1C400] =	vst v63  }
0x38: {  	_ =	swait.ge [sflag:s21], $0x4000  }
0x39: {  	[sflag:s21] =	ssyncset.done $0x0  }
0x3a: {  	[sflag:s21] =	ssyncadd.s32 $0xFFFFC000  }
0x3b: {  	[spmem:s10] =	stream.linear.scatter [tilespmem:s20], [sflag:$0x2], $0x4000, $0x38;
	[tilespmem:$0x1C400] =	vst v63  }
0x3c: {  	_ =	swait.ge [sflag:s21], $0x4000  }
0x3d: {  	[sflag:s21] =	ssyncset.done $0x0  }
0x3e: {  	[sflag:s21] =	ssyncadd.s32 $0xFFFFC000  }
0x3f: {  	[spmem:s11] =	stream.linear.scatter [tilespmem:s20], [sflag:$0x2], $0x4000, $0x38;
	[tilespmem:$0x1C400] =	vst v63  }
0x40: {  	_ =	swait.ge [sflag:s21], $0x4000  }
0x41: {  	[sflag:s21] =	ssyncset.done $0x0  }
0x42: {  	[sflag:s21] =	ssyncadd.s32 $0xFFFFC000  }
0x43: {  	[spmem:s12] =	stream.linear.scatter [tilespmem:s20], [sflag:$0x2], $0x4000, $0x38;
	[tilespmem:$0x1C400] =	vst v63  }
0x44: {  	_ =	swait.ge [sflag:s21], $0x4000  }
0x45: {  	[sflag:s21] =	ssyncset.done $0x0  }
0x46: {  	[sflag:s21] =	ssyncadd.s32 $0xFFFFC000  }
0x47: {  	[spmem:s13] =	stream.linear.scatter [tilespmem:s20], [sflag:$0x2], $0x3C00, $0x38;
	[tilespmem:$0x1C400] =	vst v63  }
0x48: {  	_ =	swait.ge [sflag:s21], $0x3C00  }
0x49: {  	[sflag:s21] =	ssyncset.done $0x0  }
0x4a: {  	[sflag:s21] =	ssyncadd.s32 $0xFFFFC400  }
0x4b: {  	s26 =	simm.s32 $0x0;
	[bflag:$0x0] =	sbarrier.arrive $0xFFFF  }
0x4c: {  	[tilespmem:s20], [sflag:$0x1] =	stream.indirect.gather [hbm4b:s3+s22], $0x80, s26, s22, $0xb8;
	[tilespmem:$0x1C400] =	vst v63  }
0x4d: {  	p1 =	sne.s32 s25, $0x1;
	_ =	swait.ge [sflag:s23], $0x4000  }
.Ltmp1:
0x4e: {  	[sflag:s23] =	ssyncset.done $0x0;
	(pc) =	sbr.rel @!p1 .LBB2_5-.Ltmp1, $4  }
0x4f: {  	s28 =	simm.s32 $0x2400;
	[sflag:s23] =	ssyncadd.s32 $0xFFFFC000  }
0x50: {  	[spmem:s1] =	stream.indirect.scatter.add.f32 [tilespmem:s20], [sflag:$0x2], $0x80, s28, s22, $0xb8;
	[tilespmem:$0x1C400] =	vst v63  }
0x51: {  	_ =	swait.ge [sflag:s21], $0x4000  }
0x52: {  	s25 =	sadd.s32 $0xFFFFFFFF, s25;
	[sflag:s21] =	ssyncset.done $0x0  }
.LBB2_4:
0x53: {  	[sflag:s21] =	ssyncadd.s32 $0xFFFFC000;
	s26 =	sadd.s32 $0x80, s26;
	s28 =	sadd.s32 $0x80, s28  }
0x54: {  	[tilespmem:s20], [sflag:$0x1] =	stream.indirect.gather [hbm4b:s3+s22], $0x80, s26, s22, $0xb8;
	[tilespmem:$0x1C400] =	vst v63  }
0x55: {  	p1 =	sne.s32 s25, $0x1;
	s25 =	sadd.s32 $0xFFFFFFFF, s25;
	_ =	swait.ge [sflag:s23], $0x4000  }
.Ltmp2:
0x56: {  	[sflag:s23] =	ssyncset.done $0x0;
	(pc) =	sbr.rel @p1 .LBB2_4-.Ltmp2, $4  }
0x57: {  	[sflag:s23] =	ssyncadd.s32 $0xFFFFC000  }
0x58: {  	[spmem:s1] =	stream.indirect.scatter.add.f32 [tilespmem:s20], [sflag:$0x2], $0x80, s28, s22, $0xb8;
	[tilespmem:$0x1C400] =	vst v63  }
0x59: {  	_ =	swait.ge [sflag:s21], $0x4000  }
0x5a: {  	[sflag:s21] =	ssyncset.done $0x0  }
.LBB2_5:
0x5b: {  	[sflag:s21] =	ssyncadd.s32 $0xFFFFC000  }
0x5c: {  	[bflag:$0x0] =	sbarrier.arrive $0xFFFF  }
0x5d: {  	[tilespmem:s20], [sflag:$0x2] =	stream.linear.gather [spmem:s9], $0x4000, $0x38;
	[tilespmem:$0x1C400] =	vst v63  }
0x5e: {  	_ =	swait.ge [sflag:s21], $0x4000  }
0x5f: {  	[sflag:s21] =	ssyncset.done $0x0  }
0x60: {  	[sflag:s21] =	ssyncadd.s32 $0xFFFFC000  }
0x61: {  	[hbm4b:s14+s2] =	stream.linear.scatter [tilespmem:s20], [sflag:$0x2], $0x4000, $0x38;
	[tilespmem:$0x1C400] =	vst v63  }
0x62: {  	_ =	swait.ge [sflag:s21], $0x4000  }
0x63: {  	[sflag:s21] =	ssyncset.done $0x0  }
0x64: {  	[sflag:s21] =	ssyncadd.s32 $0xFFFFC000  }
0x65: {  	[tilespmem:s20], [sflag:$0x2] =	stream.linear.gather [spmem:s10], $0x4000, $0x38;
	[tilespmem:$0x1C400] =	vst v63  }
0x66: {  	_ =	swait.ge [sflag:s21], $0x4000  }
0x67: {  	[sflag:s21] =	ssyncset.done $0x0  }
0x68: {  	[sflag:s21] =	ssyncadd.s32 $0xFFFFC000  }
0x69: {  	[hbm4b:s15+s2] =	stream.linear.scatter [tilespmem:s20], [sflag:$0x2], $0x4000, $0x38;
	[tilespmem:$0x1C400] =	vst v63  }
0x6a: {  	_ =	swait.ge [sflag:s21], $0x4000  }
0x6b: {  	[sflag:s21] =	ssyncset.done $0x0  }
0x6c: {  	[sflag:s21] =	ssyncadd.s32 $0xFFFFC000  }
0x6d: {  	[tilespmem:s20], [sflag:$0x2] =	stream.linear.gather [spmem:s11], $0x4000, $0x38;
	[tilespmem:$0x1C400] =	vst v63  }
0x6e: {  	_ =	swait.ge [sflag:s21], $0x4000  }
0x6f: {  	[sflag:s21] =	ssyncset.done $0x0  }
0x70: {  	[sflag:s21] =	ssyncadd.s32 $0xFFFFC000  }
0x71: {  	[hbm4b:s16+s2] =	stream.linear.scatter [tilespmem:s20], [sflag:$0x2], $0x4000, $0x38;
	[tilespmem:$0x1C400] =	vst v63  }
0x72: {  	_ =	swait.ge [sflag:s21], $0x4000  }
0x73: {  	[sflag:s21] =	ssyncset.done $0x0  }
0x74: {  	[sflag:s21] =	ssyncadd.s32 $0xFFFFC000  }
0x75: {  	[tilespmem:s20], [sflag:$0x2] =	stream.linear.gather [spmem:s12], $0x4000, $0x38;
	[tilespmem:$0x1C400] =	vst v63  }
0x76: {  	_ =	swait.ge [sflag:s21], $0x4000  }
0x77: {  	[sflag:s21] =	ssyncset.done $0x0  }
0x78: {  	[sflag:s21] =	ssyncadd.s32 $0xFFFFC000  }
0x79: {  	[hbm4b:s17+s2] =	stream.linear.scatter [tilespmem:s20], [sflag:$0x2], $0x4000, $0x38;
	[tilespmem:$0x1C400] =	vst v63  }
0x7a: {  	_ =	swait.ge [sflag:s21], $0x4000  }
0x7b: {  	[sflag:s21] =	ssyncset.done $0x0  }
0x7c: {  	[sflag:s21] =	ssyncadd.s32 $0xFFFFC000  }
0x7d: {  	[tilespmem:s20], [sflag:$0x2] =	stream.linear.gather [spmem:s13], $0x3C00, $0x38;
	[tilespmem:$0x1C400] =	vst v63  }
0x7e: {  	s24 =	sadd.s32 $0x1, s24;
	_ =	swait.ge [sflag:s21], $0x3C00  }
0x7f: {  	p1 =	sne.s32 s24, s19;
	[sflag:s21] =	ssyncset.done $0x0  }
.Ltmp3:
0x80: {  	[sflag:s21] =	ssyncadd.s32 $0xFFFFC400;
	(pc) =	sbr.rel @p1 .LBB2_1-.Ltmp3, $4  }
0x81: {  	[hbm4b:s18+s2] =	stream.linear.scatter [tilespmem:s20], [sflag:$0x2], $0x3C00, $0x38;
	[tilespmem:$0x1C400] =	vst v63  }
0x82: {  	_ =	swait.ge [sflag:s21], $0x3C00  }
0x83: {  	[sflag:s21] =	ssyncset.done $0x0  }
0x84: {  	[sflag:s21] =	ssyncadd.s32 $0xFFFFC400  }
0x85: {  	_ =	sfence.sel $0x180000  }
0x86: {  	[bflag:$0x0] =	sbarrier.arrive $0xFFFF  }
0x87: {  	p0 =	sne.s32 s4, $0x0;
	_ =	strace $0x9000004D  }
0x88: {  	s0 =	sadd.s32 @!p0 $0x100000, s0;
	[bflag:$0x2] =	sbarrier.arrive $0xFFFF  }
0x89: {  	[sflag:s0] =	ssyncadd.tile.s32 @!p0 $0x1;
	_ =	shalt  }
.Lfunc_end2:
_tile_overlayer_lowered:
.L_overlay_start_2:
0x8a: {  	(tag) =	ssettag $0x2  }
0x8b: {  	s0 =	rddreg [dreg:$0x0];
	s2 =	stileid.u32  }
0x8c: {  	s1 =	rddreg [dreg:$0x1];
	p0 =	sne.s32 s2, $0x0  }
0x8d: {  	s3 =	rddreg [dreg:$0x2];
	[bflag:$0x3] =	sbarrier.arrive $0xFFFF;
	s2 =	simm.s32 @!p0 $0x1C02  }
0x8e: {  	[timem:s3], [sflag:s2] =	dma.local @!p0 [hbm:s0], s1  }
0x8f: {  	s0 =	simm.s32 @!p0 $0x2  }
0x90: {  	_ =	swait.ge @!p0 [sflag:s0], s1  }
0x91: {  	s1 =	ssub.s32 @!p0 $0x0, s1;
	[sflag:s0] =	ssyncset.done @!p0 $0x0  }
0x92: {  	[sflag:s0] =	ssyncadd.s32 @!p0 s1  }
0x93: {  	[bflag:$0x3] =	sbarrier.arrive $0xFFFF  }
0x94: {  	_ =	shalt  }

// kernel: sc_rgcn_count.3.cloned.1.call-start
scs
__scs_entry_jumppad:
0x0: {  	(pc) =	sbr.rel $0x88, $3  }
0x1: {  	(tag) =	ssettag $0x0;
	lr =	simm.s32 $0x1  }
0x2: {  	[smem:$0x3F8E] =	sst lr;
	_ =	strace $0xD0000000  }
0x3: {  	_ = 	snop  }
0x4: {  	_ = 	snop  }
0x5: {  	_ = 	snop  }
0x6: {  	_ = 	snop  }
0x7: {  	_ = 	snop  }
__scs_overlays_trampoline_lowered:
0x8: {  	[smem:$0x3F9D] =	sst s0  }
0x9: {  	[smem:$0x3F9E] =	sst s1  }
0xa: {  	[smem:$0x3F9F] =	sst s2  }
0xb: {  	[smem:$0x3FA0] =	sst s3  }
0xc: {  	[smem:$0x3FA1] =	sst s4  }
0xd: {  	[smem:$0x3FA2] =	sst s5  }
0xe: {  	[smem:$0x3FA3] =	sst s6  }
0xf: {  	[smem:$0x3FA4] =	sst s7  }
0x10: {  	[smem:$0x3FA5] =	sst s8  }
0x11: {  	[smem:$0x3FA6] =	sst s9;
	s0 =	simm.s32 @!p0 $0x0  }
0x12: {  	s1 =	sld [smem:$0x3F8C];
	s0 =	simm.s32 @p0 $0x1  }
0x13: {  	[smem:$0x3FA7] =	sst s0;
	s0 =	simm.s32 @!p1 $0x0  }
0x14: {  	s2 =	sld [smem:$0x3F8B];
	s0 =	simm.s32 @p1 $0x1  }
0x15: {  	[smem:$0x3FA8] =	sst s0;
	s0 =	simm.s32 @!p2 $0x0  }
0x16: {  	s3 =	sld [smem:$0x3FDB];
	s0 =	simm.s32 @p2 $0x1  }
0x17: {  	s4 =	simm.s32 $0x1BF5;
	[smem:$0x3FAA] =	sst s0  }
0x18: {  	s0 =	sld [smem:$0x3F8D];
	_ =	swait.ge [sflag:s4], $0x0  }
0x19: {  	s7 =	sld [smem:$0x3F8E]  }
0x1a: {  	s8 =	sadd.s32 $0xFFFFE003, lr  }
0x1b: {  	s9 =	sadd.s32 $0xFFFFFEF7, lr;
	s5 =	simm.s32 $0xFFFFFFFF;
	p2 =	slt.u32 s8, $0xFFFFF086  }
0x1c: {  	p1 =	slt.u32 s9, $0xF7A;
	s5 =	simm.s32 @!p2 $0x0  }
0x1d: {  	s5 =	simm.s32 @p1 $0x1;
	p0 =	seq.s32 s7, s2  }
0x1e: {  	s7 =	smul.u32 @!p0 $0xF7A, s2;
	p2 =	seq.s32 @!p0 s5, $0x0  }
0x1f: {  	s9 =	smul.u32 $0xF7A, s1;
	s8 =	simm.s32 @!p0 $0x1BF5;
	p2 =	por !p2, p0  }
0x20: {  	[sflag:s8] =	ssyncset.s32 @!p0 $0xFFFFF086;
	s6 =	sadd.s32 @!p0 s3, s7;
	s7 =	simm.s32 @!p0 $0x108  }
0x21: {  	s3 =	sadd.s32 s3, s9;
	s6 =	sadd.s32 @!p0 $0x88, s6;
	s7 =	simm.s32 @p2 $0x1082  }
0x22: {  	[simem:s7], [sflag:s8] =	dma.local @!p0 [hbm:s6], $0xF7A  }
0x23: {  	s9 =	sor.u32 $0xD0000000, s2;
	s6 =	simm.s32 $0x108;
	_ =	swait.ge @!p0 [sflag:s8], $0x0  }
0x24: {  	s3 =	sadd.s32 $0x88, s3;
	s6 =	simm.s32 @!p1 $0x1082;
	[sflag:s4] =	ssyncset.s32 $0xFFFFF086  }
0x25: {  	[simem:s6], [sflag:s4] =	dma.local [hbm:s3], $0xF7A  }
0x26: {  	[smem:$0x3F8E] =	sst s1;
	(tag) =	ssettag s2;
	_ =	strace s9  }
0x27: {  	s1 =	sld [smem:$0x3F9E]  }
0x28: {  	s2 =	sld [smem:$0x3F9F]  }
0x29: {  	s4 =	sld [smem:$0x3FA1]  }
0x2a: {  	p0 =	seq.s32 s5, $0x0;
	s5 =	sld [smem:$0x3FA2]  }
0x2b: {  	s6 =	sld [smem:$0x3FA3]  }
0x2c: {  	s7 =	sld [smem:$0x3FA4]  }
0x2d: {  	s3 =	simm.s32 $0x108;
	s8 =	sld [smem:$0x3FA5]  }
0x2e: {  	s3 =	simm.s32 @!p0 $0x1082;
	s9 =	sld [smem:$0x3FA6]  }
0x2f: {  	lr =	sadd.s32 s0, s3;
	s0 =	sld [smem:$0x3F9D]  }
0x30: {  	s3 =	sld [smem:$0x3FA0]  }
0x31: {  	[smem:$0x3FA9] =	sst s10  }
0x32: {  	s10 =	sld [smem:$0x3FA7];
	_ =	sdelay $0x3  }
0x33: {  	p0 =	seq.s32 s10, $0x1;
	s10 =	sld [smem:$0x3FA9];
	_ =	sdelay $0x3  }
0x34: {  	[smem:$0x3FA9] =	sst s10  }
0x35: {  	s10 =	sld [smem:$0x3FA8];
	_ =	sdelay $0x3  }
0x36: {  	p1 =	seq.s32 s10, $0x1;
	s10 =	sld [smem:$0x3FA9];
	_ =	sdelay $0x3  }
0x37: {  	[smem:$0x3FA9] =	sst s10  }
0x38: {  	s10 =	sld [smem:$0x3FAA]  }
0x39: {  	_ = 	snop;
	(pc) =	sbr.ind lr, $3  }
0x3a: {  	_ = 	snop  }
0x3b: {  	_ = 	snop  }
0x3c: {  	p2 =	seq.s32 s10, $0x1;
	s10 =	sld [smem:$0x3FA9]  }
0x3d: {  	_ =	shalt  }
0x3e: {  	_ =	shalt  }
0x3f: {  	_ =	shalt  }
0x40: {  	_ =	shalt  }
0x41: {  	_ =	shalt  }
0x42: {  	_ =	shalt  }
0x43: {  	_ =	shalt  }
0x44: {  	_ =	shalt  }
0x45: {  	_ =	shalt  }
0x46: {  	_ =	shalt  }
0x47: {  	_ =	shalt  }
0x48: {  	_ =	shalt  }
0x49: {  	_ =	shalt  }
0x4a: {  	_ =	shalt  }
0x4b: {  	_ =	shalt  }
0x4c: {  	_ =	shalt  }
0x4d: {  	_ =	shalt  }
0x4e: {  	_ =	shalt  }
0x4f: {  	_ =	shalt  }
0x50: {  	_ =	shalt  }
0x51: {  	_ =	shalt  }
0x52: {  	_ =	shalt  }
0x53: {  	_ =	shalt  }
0x54: {  	_ =	shalt  }
0x55: {  	_ =	shalt  }
0x56: {  	_ =	shalt  }
0x57: {  	_ =	shalt  }
0x58: {  	_ =	shalt  }
0x59: {  	_ =	shalt  }
0x5a: {  	_ =	shalt  }
0x5b: {  	_ =	shalt  }
0x5c: {  	_ =	shalt  }
0x5d: {  	_ =	shalt  }
0x5e: {  	_ =	shalt  }
0x5f: {  	_ =	shalt  }
0x60: {  	_ =	shalt  }
0x61: {  	_ =	shalt  }
0x62: {  	_ =	shalt  }
0x63: {  	_ =	shalt  }
0x64: {  	_ =	shalt  }
0x65: {  	_ =	shalt  }
0x66: {  	_ =	shalt  }
0x67: {  	_ =	shalt  }
0x68: {  	_ =	shalt  }
0x69: {  	_ =	shalt  }
0x6a: {  	_ =	shalt  }
0x6b: {  	_ =	shalt  }
0x6c: {  	_ =	shalt  }
0x6d: {  	_ =	shalt  }
0x6e: {  	_ =	shalt  }
0x6f: {  	_ =	shalt  }
0x70: {  	_ =	shalt  }
0x71: {  	_ =	shalt  }
0x72: {  	_ =	shalt  }
0x73: {  	_ =	shalt  }
0x74: {  	_ =	shalt  }
0x75: {  	_ =	shalt  }
0x76: {  	_ =	shalt  }
0x77: {  	_ =	shalt  }
0x78: {  	_ =	shalt  }
0x79: {  	_ =	shalt  }
0x7a: {  	_ =	shalt  }
0x7b: {  	_ =	shalt  }
0x7c: {  	_ =	shalt  }
0x7d: {  	_ =	shalt  }
0x7e: {  	_ =	shalt  }
0x7f: {  	_ =	shalt  }
0x80: {  	_ =	shalt  }
0x81: {  	_ =	shalt  }
0x82: {  	_ =	shalt  }
0x83: {  	_ =	shalt  }
0x84: {  	_ =	shalt  }
0x85: {  	_ =	shalt  }
0x86: {  	_ =	shalt  }
0x87: {  	_ =	shalt  }
.Lfunc_end0:
.L_simem_size_0:
called_computation_lowered:
.L_overlay_start_0:
0x88: {  	s2 =	sld [smem:$0x3FD9]  }
0x89: {  	s3 =	sld [smem:$0x3FFE];
	_ =	sdelay $0x1  }
0x8a: {  	s1 =	srdreg.scid  }
0x8b: {  	s0 =	sand.u32 $0x1, s1  }
0x8c: {  	s16 =	sshll.u32 s0, $0xA;
	s2 =	sadd.s32 s3, s2  }
0x8d: {  	s2 =	sadd.s32 s2, s16  }
0x8e: {  	[smem:$0x3FB5] =	sst s2  }
0x8f: {  	_ = 	snop  }
0x90: {  	(tm) =	ssettm $0x1  }
0x91: {  	s17 =	sld [smem:$0x3FFB];
	_ =	sdelay $0x3  }
0x92: {  	_ =	strace s17  }
0x93: {  	s2 =	sld [smem:$0x3FFC];
	_ =	sdelay $0x3  }
0x94: {  	_ =	strace s2  }
0x95: {  	s2 =	sld [smem:$0x3FFD];
	_ =	sdelay $0x3  }
0x96: {  	_ =	strace s2  }
0x97: {  	_ =	strace $0x8FFFFFFF  }
0x98: {  	s18 =	sld [smem:$0x3FDB];
	_ =	sdelay $0x1  }
0x99: {  	s19 =	simm.s32 $_scs_section_size  }
0x9a: {  	s4 =	simm.s32 $_size__tile_overlayer_lowered;
	s5 =	simm.s32 $_tile_overlayer_lowered  }
0x9b: {  	s22 =	simm.s32 $0x1BFF;
	s21 =	sshll.u32 s5, $0x1;
	s2 =	sadd.s32 s19, s18  }
0x9c: {  	s6 =	simm.s32 $0x0;
	s20 =	sshll.u32 s4, $0x1;
	s4 =	sadd.s32 s21, s2  }
0x9d: {  	[timem:s6], [sflag:s22] =	dma.local [hbm:s4], s20  }
0x9e: {  	_ =	swait.ge [sflag:s22], s20  }
0x9f: {  	s3 =	ssub.s32 $0x0, s20;
	[sflag:s22] =	ssyncset.done $0x0  }
0xa0: {  	[sflag:s22] =	ssyncadd.s32 s3;
	_ =	sdelay $0x1  }
0xa1: {  	s23 =	simm.s32 $0x1B8B  }
0xa2: {  	_ =	swait.ge [sflag:s23], $0x1  }
0xa3: {  	[sflag:s23] =	ssyncset.done $0x0  }
0xa4: {  	s25 =	simm.s32 $0x1B8E;
	s24 =	sld [smem:$0x3FFE];
	[sflag:s23] =	ssyncadd.s32 $0xFFFFFFFF  }
0xa5: {  	s26 =	simm.s32 $execute0_lowered;
	[smem:$0x3FD2] =	sst s25  }
0xa6: {  	s4 =	sshll.u32 s26, $0x1;
	_ =	strace $0x80000046;
	[dreg:$0x1] =	wrdreg $0xFFFFFFFF  }
0xa7: {  	s28 =	simm.s32 $_size_execute0_lowered;
	s2 =	sadd.s32 s2, s4;
	[dreg:$0x0] =	wrdreg $0x0  }
0xa8: {  	s4 =	sshll.u32 s28, $0x1;
	[dreg:$0x2] =	wrdreg s2  }
0xa9: {  	[dreg:$0x3] =	wrdreg s4  }
0xaa: {  	[dreg:$0x4] =	wrdreg $0xC0  }
0xab: {  	_ =	task [dreg:s6], $0x5FFFF  }
0xac: {  	[dreg:$0x1] =	wrdreg $0xFFFFFFFF  }
0xad: {  	[dreg:$0x0] =	wrdreg $0x60  }
0xae: {  	[dreg:$0x2] =	wrdreg s24  }
0xaf: {  	[dreg:$0x3] =	wrdreg $0x54000  }
0xb0: {  	[dreg:$0x4] =	wrdreg $0x9  }
0xb1: {  	_ =	task.clear_ibuf [dreg:s6], $0x5FFFF;
	_ =	strace $0x90000046  }
0xb2: {  	s29 =	simm.s32 $0x9;
	_ =	strace $0x80000048  }
0xb3: {  	_ =	swait.ge [sflag:s29], $0x1  }
0xb4: {  	[sflag:s29] =	ssyncadd.s32 $0xFFFFFFFF  }
0xb5: {  	_ =	strace $0x90000048  }
0xb6: {  	_ =	sfence  }
0xb7: {  	s30 =	sld [smem:$0x0];
	_ =	sdelay $0x2  }
0xb8: {  	s31 =	sshll.u32 s1, $0xD;
	s1 =	sshrl.u32 s1, $0x2  }
0xb9: {  	s3 =	sand.u32 $0x4000, s31;
	s1 =	sadd.s32 s1, s30  }
0xba: {  	s0 =	sor.u32 s3, s0;
	s1 =	sshll.u32 s1, $0x11  }
0xbb: {  	s0 =	sor.u32 s1, s0  }
0xbc: {  	s0 =	sadd.s32 $0x8F2B, s0  }
0xbd: {  	[sflag:s0] =	ssyncadd.remote.s32 $0x1  }
0xbe: {  	_ =	sfence.sel $0xFFFF  }
0xbf: {  	[dreg:$0x0] =	wrdreg $0xFFFFFFFF;
	(pc) =	sbr.abs _section_cstart, $3  }
0xc0: {  	[dreg:$0x1] =	wrdreg $0xFFFFFFFF  }
0xc1: {  	_ =	task.clear_ibuf [dreg:s6], $0x2FFFF;
	_ =	strace $0x9FFFFFFF  }
0xc2: {  	(tm) =	ssettm $0x7FFFFFFF  }
0xc3: {  	_ =	shalt  }
tec
execute0_lowered:
.L_overlay_start_1:
0x0: {  	(tag) =	ssettag $0x1  }
0x1: {  	s0 =	srdreg.scid;
	s1 =	rddreg [dreg:$0x0]  }
0x2: {  	s2 =	rddreg [dreg:$0x1];
	s8 =	stileid.u32  }
0x3: {  	s3 =	simm.s32 $0x0;
	s17 =	simm.s32 $0x1400;
	s18 =	simm.s32 $0x80  }
0x4: {  	s19 =	simm.s32 $0xF00;
	s20 =	simm.s32 $0xF80;
	s21 =	simm.s32 $0x1000  }
0x5: {  	s22 =	simm.s32 $0x1080;
	s23 =	simm.s32 $0x1100;
	s24 =	simm.s32 $0x1180  }
0x6: {  	s28 =	simm.s32 $0x1300;
	s29 =	simm.s32 $0x1380;
	s30 =	simm.s32 $0x1  }
0x7: {  	s31 =	simm.s32 $0x0;
	s0 =	sand.u32 $0x1, s0;
	s6 =	smul.u32 $0x4F000, s8  }
0x8: {  	[smem:$0x7FF] =	sst s3;
	s9 =	smul.u32 $0x13C00, s8;
	s4 =	sshll.u32 s0, $0x4  }
0x9: {  	_ =	strace $0x80000047;
	s5 =	ssub.s32 $0x2, s0;
	s0 =	smul.u32 $0x13C000, s0  }
0xa: {  	s4 =	sor.u32 s8, s4;
	s7 =	sshrl.u32 s5, $0x1;
	s25 =	sshrl.u32 s6, $0x2  }
0xb: {  	s10 =	sadd.s32 $0x4000, s9;
	s12 =	sadd.s32 $0x8000, s9;
	s13 =	sadd.s32 $0xC000, s9  }
0xc: {  	s14 =	sadd.s32 $0x10000, s9;
	s4 =	smul.u32 $0x280, s4;
	s15 =	ssub.s32 s5, s7  }
0xd: {  	s5 =	sadd.s32 s25, s2;
	s6 =	sadd.s32 s10, s2;
	s7 =	sadd.s32 s12, s2  }
0xe: {  	s8 =	sadd.s32 s13, s2;
	s11 =	sadd.s32 s9, s0;
	s16 =	sadd.s32 s0, s10  }
0xf: {  	s9 =	sadd.s32 s14, s2;
	s12 =	sadd.s32 s0, s12;
	s13 =	sadd.s32 s0, s13  }
0x10: {  	s0 =	sadd.s32 s0, s14;
	s25 =	simm.s32 $0x1200;
	s11 =	sshrl.u32 s11, $0x3  }
0x11: {  	s26 =	sshrl.u32 s16, $0x3;
	s12 =	sshrl.u32 s12, $0x3;
	s13 =	sshrl.u32 s13, $0x3  }
0x12: {  	s0 =	sshrl.u32 s0, $0x3;
	s15 =	smax.u32 s15, $0x1;
	s4 =	sadd.s32 s4, s1  }
0x13: {  	s16 =	simm.s32 $0x2;
	s1 =	sadd.s32 $0x8400, s1;
	s4 =	sadd.s32 $0x3400, s4  }
0x14: {  	s10 =	sadd.s32 s1, s11;
	s11 =	sadd.s32 s1, s26;
	s12 =	sadd.s32 s1, s12  }
0x15: {  	v0 =	vimm.f32 $0.0e+00;
	v1 =	vimm.f32 $1.000000000e+00;
	s13 =	sadd.s32 s1, s13;
	s14 =	sadd.s32 s1, s0;
	s26 =	simm.s32 $0x1280  }
.LBB2_1:
0x16: {  	[tilespmem:s3], [sflag:$0x2] =	stream.linear.gather [hbm4b:s4+s3], $0x1400, $0x38;
	[tilespmem:$0x19000] =	vst v63  }
0x17: {  	_ =	swait.ge [sflag:s16], $0x1400  }
0x18: {  	[sflag:s16] =	ssyncset.done $0x0  }
0x19: {  	s0 =	simm.s32 $0x0;
	s1 =	simm.s32 $0x200;
	[sflag:s16] =	ssyncadd.s32 $0xFFFFEC00  }
.LBB2_2:
0x1a: {  	p0 =	sne.s32 s1, $0xFE00;
	[tilespmem:s0+$0x1470] =	vst v0  }
0x1b: {  	[tilespmem:s0+$0x1400] =	vst v0  }
0x1c: {  	[tilespmem:s0+$0x1410] =	vst v0  }
.Ltmp0:
0x1d: {  	[tilespmem:s0+$0x1420] =	vst v0;
	(pc) =	sbr.rel @p0 .LBB2_2-.Ltmp0, $4  }
0x1e: {  	[tilespmem:s0+$0x1430] =	vst v0  }
0x1f: {  	[tilespmem:s0+$0x1440] =	vst v0  }
0x20: {  	[tilespmem:s0+$0x1450] =	vst v0  }
0x21: {  	[tilespmem:s0+$0x1460] =	vst v0;
	s0 =	sshra.s32 s1, $0x2;
	s1 =	sadd.s32 $0x200, s1  }
0x22: {  	[tilespmem:s0+$0x1470] =	vst v0  }
0x23: {  	[tilespmem:s0+$0x1400] =	vst v0  }
0x24: {  	[tilespmem:s0+$0x1410] =	vst v0  }
0x25: {  	[tilespmem:s0+$0x1420] =	vst v0  }
0x26: {  	[tilespmem:s0+$0x1430] =	vst v0  }
0x27: {  	[tilespmem:s0+$0x1440] =	vst v0  }
0x28: {  	[tilespmem:s0+$0x1450] =	vst v0  }
0x29: {  	[tilespmem:s0+$0x1460] =	vst v0  }
0x2a: {  	[spmem:s5] =	stream.linear.scatter [tilespmem:s17], [sflag:$0x2], $0x4000, $0x38;
	[tilespmem:$0x19000] =	vst v63  }
0x2b: {  	_ =	swait.ge [sflag:s16], $0x4000  }
0x2c: {  	[sflag:s16] =	ssyncset.done $0x0  }
0x2d: {  	[sflag:s16] =	ssyncadd.s32 $0xFFFFC000  }
0x2e: {  	[spmem:s6] =	stream.linear.scatter [tilespmem:s17], [sflag:$0x2], $0x4000, $0x38;
	[tilespmem:$0x19000] =	vst v63  }
0x2f: {  	_ =	swait.ge [sflag:s16], $0x4000  }
0x30: {  	[sflag:s16] =	ssyncset.done $0x0  }
0x31: {  	[sflag:s16] =	ssyncadd.s32 $0xFFFFC000  }
0x32: {  	[spmem:s7] =	stream.linear.scatter [tilespmem:s17], [sflag:$0x2], $0x4000, $0x38;
	[tilespmem:$0x19000] =	vst v63  }
0x33: {  	_ =	swait.ge [sflag:s16], $0x4000  }
0x34: {  	[sflag:s16] =	ssyncset.done $0x0  }
0x35: {  	[sflag:s16] =	ssyncadd.s32 $0xFFFFC000  }
0x36: {  	[spmem:s8] =	stream.linear.scatter [tilespmem:s17], [sflag:$0x2], $0x4000, $0x38;
	[tilespmem:$0x19000] =	vst v63  }
0x37: {  	_ =	swait.ge [sflag:s16], $0x4000  }
0x38: {  	[sflag:s16] =	ssyncset.done $0x0  }
0x39: {  	[sflag:s16] =	ssyncadd.s32 $0xFFFFC000  }
0x3a: {  	[spmem:s9] =	stream.linear.scatter [tilespmem:s17], [sflag:$0x2], $0x3C00, $0x38;
	[tilespmem:$0x19000] =	vst v63  }
0x3b: {  	_ =	swait.ge [sflag:s16], $0x3C00  }
0x3c: {  	[sflag:s16] =	ssyncset.done $0x0  }
0x3d: {  	s0 =	simm.s32 $0x0;
	s1 =	simm.s32 $0x200;
	[sflag:s16] =	ssyncadd.s32 $0xFFFFC400  }
.LBB2_4:
0x3e: {  	p0 =	sne.s32 s1, $0xFE00;
	[tilespmem:s0+$0x1470] =	vst v1  }
0x3f: {  	[tilespmem:s0+$0x1400] =	vst v1  }
0x40: {  	[tilespmem:s0+$0x1410] =	vst v1  }
.Ltmp1:
0x41: {  	[tilespmem:s0+$0x1420] =	vst v1;
	(pc) =	sbr.rel @p0 .LBB2_4-.Ltmp1, $4  }
0x42: {  	[tilespmem:s0+$0x1430] =	vst v1  }
0x43: {  	[tilespmem:s0+$0x1440] =	vst v1  }
0x44: {  	[tilespmem:s0+$0x1450] =	vst v1  }
0x45: {  	[tilespmem:s0+$0x1460] =	vst v1;
	s0 =	sshra.s32 s1, $0x2;
	s1 =	sadd.s32 $0x200, s1  }
0x46: {  	[tilespmem:s0+$0x1470] =	vst v1  }
0x47: {  	[tilespmem:s0+$0x1400] =	vst v1  }
0x48: {  	[tilespmem:s0+$0x1410] =	vst v1  }
0x49: {  	[tilespmem:s0+$0x1420] =	vst v1  }
0x4a: {  	[tilespmem:s0+$0x1430] =	vst v1  }
0x4b: {  	[tilespmem:s0+$0x1440] =	vst v1  }
0x4c: {  	[tilespmem:s0+$0x1450] =	vst v1  }
0x4d: {  	[tilespmem:s0+$0x1460] =	vst v1  }
0x4e: {  	[bflag:$0x0] =	sbarrier.arrive $0xFFFF  }
0x4f: {  	[spmem:s2] =	stream.indirect.scatter.add.f32 [tilespmem:s17], [sflag:$0x1], $0x80, s3, s18, $0xb8;
	[tilespmem:$0x19000] =	vst v63  }
0x50: {  	_ = 	snop  }
0x51: {  	[spmem:s2] =	stream.indirect.scatter.add.f32 [tilespmem:s17], [sflag:$0x1], $0x80, s18, s18, $0xb8;
	[tilespmem:$0x19000] =	vst v63  }
0x52: {  	s1 =	simm.s32 $0x100  }
0x53: {  	[spmem:s2] =	stream.indirect.scatter.add.f32 [tilespmem:s17], [sflag:$0x1], $0x80, s1, s18, $0xb8;
	[tilespmem:$0x19000] =	vst v63  }
0x54: {  	s1 =	simm.s32 $0x180  }
0x55: {  	[spmem:s2] =	stream.indirect.scatter.add.f32 [tilespmem:s17], [sflag:$0x1], $0x80, s1, s18, $0xb8;
	[tilespmem:$0x19000] =	vst v63  }
0x56: {  	s1 =	simm.s32 $0x200  }
0x57: {  	[spmem:s2] =	stream.indirect.scatter.add.f32 [tilespmem:s17], [sflag:$0x1], $0x80, s1, s18, $0xb8;
	[tilespmem:$0x19000] =	vst v63  }
0x58: {  	s1 =	simm.s32 $0x280  }
0x59: {  	[spmem:s2] =	stream.indirect.scatter.add.f32 [tilespmem:s17], [sflag:$0x1], $0x80, s1, s18, $0xb8;
	[tilespmem:$0x19000] =	vst v63  }
0x5a: {  	s1 =	simm.s32 $0x300  }
0x5b: {  	[spmem:s2] =	stream.indirect.scatter.add.f32 [tilespmem:s17], [sflag:$0x1], $0x80, s1, s18, $0xb8;
	[tilespmem:$0x19000] =	vst v63  }
0x5c: {  	s1 =	simm.s32 $0x380  }
0x5d: {  	[spmem:s2] =	stream.indirect.scatter.add.f32 [tilespmem:s17], [sflag:$0x1], $0x80, s1, s18, $0xb8;
	[tilespmem:$0x19000] =	vst v63  }
0x5e: {  	s1 =	simm.s32 $0x400  }
0x5f: {  	[spmem:s2] =	stream.indirect.scatter.add.f32 [tilespmem:s17], [sflag:$0x1], $0x80, s1, s18, $0xb8;
	[tilespmem:$0x19000] =	vst v63  }
0x60: {  	s1 =	simm.s32 $0x480  }
0x61: {  	[spmem:s2] =	stream.indirect.scatter.add.f32 [tilespmem:s17], [sflag:$0x1], $0x80, s1, s18, $0xb8;
	[tilespmem:$0x19000] =	vst v63  }
0x62: {  	s1 =	simm.s32 $0x500  }
0x63: {  	[spmem:s2] =	stream.indirect.scatter.add.f32 [tilespmem:s17], [sflag:$0x1], $0x80, s1, s18, $0xb8;
	[tilespmem:$0x19000] =	vst v63  }
0x64: {  	s1 =	simm.s32 $0x580  }
0x65: {  	[spmem:s2] =	stream.indirect.scatter.add.f32 [tilespmem:s17], [sflag:$0x1], $0x80, s1, s18, $0xb8;
	[tilespmem:$0x19000] =	vst v63  }
0x66: {  	s1 =	simm.s32 $0x600  }
0x67: {  	[spmem:s2] =	stream.indirect.scatter.add.f32 [tilespmem:s17], [sflag:$0x1], $0x80, s1, s18, $0xb8;
	[tilespmem:$0x19000] =	vst v63  }
0x68: {  	s1 =	simm.s32 $0x680  }
0x69: {  	[spmem:s2] =	stream.indirect.scatter.add.f32 [tilespmem:s17], [sflag:$0x1], $0x80, s1, s18, $0xb8;
	[tilespmem:$0x19000] =	vst v63  }
0x6a: {  	s1 =	simm.s32 $0x700  }
0x6b: {  	[spmem:s2] =	stream.indirect.scatter.add.f32 [tilespmem:s17], [sflag:$0x1], $0x80, s1, s18, $0xb8;
	[tilespmem:$0x19000] =	vst v63  }
0x6c: {  	s1 =	simm.s32 $0x780  }
0x6d: {  	[spmem:s2] =	stream.indirect.scatter.add.f32 [tilespmem:s17], [sflag:$0x1], $0x80, s1, s18, $0xb8;
	[tilespmem:$0x19000] =	vst v63  }
0x6e: {  	s1 =	simm.s32 $0x800  }
0x6f: {  	[spmem:s2] =	stream.indirect.scatter.add.f32 [tilespmem:s17], [sflag:$0x1], $0x80, s1, s18, $0xb8;
	[tilespmem:$0x19000] =	vst v63  }
0x70: {  	s1 =	simm.s32 $0x880  }
0x71: {  	[spmem:s2] =	stream.indirect.scatter.add.f32 [tilespmem:s17], [sflag:$0x1], $0x80, s1, s18, $0xb8;
	[tilespmem:$0x19000] =	vst v63  }
0x72: {  	s1 =	simm.s32 $0x900  }
0x73: {  	[spmem:s2] =	stream.indirect.scatter.add.f32 [tilespmem:s17], [sflag:$0x1], $0x80, s1, s18, $0xb8;
	[tilespmem:$0x19000] =	vst v63  }
0x74: {  	s1 =	simm.s32 $0x980  }
0x75: {  	[spmem:s2] =	stream.indirect.scatter.add.f32 [tilespmem:s17], [sflag:$0x1], $0x80, s1, s18, $0xb8;
	[tilespmem:$0x19000] =	vst v63  }
0x76: {  	s1 =	simm.s32 $0xA00  }
0x77: {  	[spmem:s2] =	stream.indirect.scatter.add.f32 [tilespmem:s17], [sflag:$0x1], $0x80, s1, s18, $0xb8;
	[tilespmem:$0x19000] =	vst v63  }
0x78: {  	s1 =	simm.s32 $0xA80  }
0x79: {  	[spmem:s2] =	stream.indirect.scatter.add.f32 [tilespmem:s17], [sflag:$0x1], $0x80, s1, s18, $0xb8;
	[tilespmem:$0x19000] =	vst v63  }
0x7a: {  	s1 =	simm.s32 $0xB00  }
0x7b: {  	[spmem:s2] =	stream.indirect.scatter.add.f32 [tilespmem:s17], [sflag:$0x1], $0x80, s1, s18, $0xb8;
	[tilespmem:$0x19000] =	vst v63  }
0x7c: {  	s1 =	simm.s32 $0xB80  }
0x7d: {  	[spmem:s2] =	stream.indirect.scatter.add.f32 [tilespmem:s17], [sflag:$0x1], $0x80, s1, s18, $0xb8;
	[tilespmem:$0x19000] =	vst v63  }
0x7e: {  	s1 =	simm.s32 $0xC00  }
0x7f: {  	[spmem:s2] =	stream.indirect.scatter.add.f32 [tilespmem:s17], [sflag:$0x1], $0x80, s1, s18, $0xb8;
	[tilespmem:$0x19000] =	vst v63  }
0x80: {  	s1 =	simm.s32 $0xC80  }
0x81: {  	[spmem:s2] =	stream.indirect.scatter.add.f32 [tilespmem:s17], [sflag:$0x1], $0x80, s1, s18, $0xb8;
	[tilespmem:$0x19000] =	vst v63  }
0x82: {  	s1 =	simm.s32 $0xD00  }
0x83: {  	[spmem:s2] =	stream.indirect.scatter.add.f32 [tilespmem:s17], [sflag:$0x1], $0x80, s1, s18, $0xb8;
	[tilespmem:$0x19000] =	vst v63  }
0x84: {  	s1 =	simm.s32 $0xD80  }
0x85: {  	[spmem:s2] =	stream.indirect.scatter.add.f32 [tilespmem:s17], [sflag:$0x1], $0x80, s1, s18, $0xb8;
	[tilespmem:$0x19000] =	vst v63  }
0x86: {  	s1 =	simm.s32 $0xE00  }
0x87: {  	[spmem:s2] =	stream.indirect.scatter.add.f32 [tilespmem:s17], [sflag:$0x1], $0x80, s1, s18, $0xb8;
	[tilespmem:$0x19000] =	vst v63  }
0x88: {  	s1 =	simm.s32 $0xE80  }
0x89: {  	[spmem:s2] =	stream.indirect.scatter.add.f32 [tilespmem:s17], [sflag:$0x1], $0x80, s1, s18, $0xb8;
	[tilespmem:$0x19000] =	vst v63  }
0x8a: {  	_ = 	snop  }
0x8b: {  	[spmem:s2] =	stream.indirect.scatter.add.f32 [tilespmem:s17], [sflag:$0x1], $0x80, s19, s18, $0xb8;
	[tilespmem:$0x19000] =	vst v63  }
0x8c: {  	_ = 	snop  }
0x8d: {  	[spmem:s2] =	stream.indirect.scatter.add.f32 [tilespmem:s17], [sflag:$0x1], $0x80, s20, s18, $0xb8;
	[tilespmem:$0x19000] =	vst v63  }
0x8e: {  	_ = 	snop  }
0x8f: {  	[spmem:s2] =	stream.indirect.scatter.add.f32 [tilespmem:s17], [sflag:$0x1], $0x80, s21, s18, $0xb8;
	[tilespmem:$0x19000] =	vst v63  }
0x90: {  	_ = 	snop  }
0x91: {  	[spmem:s2] =	stream.indirect.scatter.add.f32 [tilespmem:s17], [sflag:$0x1], $0x80, s22, s18, $0xb8;
	[tilespmem:$0x19000] =	vst v63  }
0x92: {  	_ = 	snop  }
0x93: {  	[spmem:s2] =	stream.indirect.scatter.add.f32 [tilespmem:s17], [sflag:$0x1], $0x80, s23, s18, $0xb8;
	[tilespmem:$0x19000] =	vst v63  }
0x94: {  	_ = 	snop  }
0x95: {  	[spmem:s2] =	stream.indirect.scatter.add.f32 [tilespmem:s17], [sflag:$0x1], $0x80, s24, s18, $0xb8;
	[tilespmem:$0x19000] =	vst v63  }
0x96: {  	_ = 	snop  }
0x97: {  	[spmem:s2] =	stream.indirect.scatter.add.f32 [tilespmem:s17], [sflag:$0x1], $0x80, s25, s18, $0xb8;
	[tilespmem:$0x19000] =	vst v63  }
0x98: {  	_ = 	snop  }
0x99: {  	[spmem:s2] =	stream.indirect.scatter.add.f32 [tilespmem:s17], [sflag:$0x1], $0x80, s26, s18, $0xb8;
	[tilespmem:$0x19000] =	vst v63  }
0x9a: {  	_ = 	snop  }
0x9b: {  	[spmem:s2] =	stream.indirect.scatter.add.f32 [tilespmem:s17], [sflag:$0x1], $0x80, s28, s18, $0xb8;
	[tilespmem:$0x19000] =	vst v63  }
0x9c: {  	_ = 	snop  }
0x9d: {  	[spmem:s2] =	stream.indirect.scatter.add.f32 [tilespmem:s17], [sflag:$0x1], $0x80, s29, s18, $0xb8;
	[tilespmem:$0x19000] =	vst v63  }
0x9e: {  	_ =	swait.ge [sflag:s30], $0x4000  }
0x9f: {  	[sflag:s30] =	ssyncset.done $0x0  }
0xa0: {  	[sflag:s30] =	ssyncadd.s32 $0xFFFFC000  }
0xa1: {  	_ =	swait.ge [sflag:s30], $0x4000  }
0xa2: {  	[sflag:s30] =	ssyncset.done $0x0  }
0xa3: {  	[sflag:s30] =	ssyncadd.s32 $0xFFFFC000  }
0xa4: {  	_ =	swait.ge [sflag:s30], $0x4000  }
0xa5: {  	[sflag:s30] =	ssyncset.done $0x0  }
0xa6: {  	[sflag:s30] =	ssyncadd.s32 $0xFFFFC000  }
0xa7: {  	_ =	swait.ge [sflag:s30], $0x4000  }
0xa8: {  	[sflag:s30] =	ssyncset.done $0x0  }
0xa9: {  	[sflag:s30] =	ssyncadd.s32 $0xFFFFC000  }
0xaa: {  	_ =	swait.ge [sflag:s30], $0x4000  }
0xab: {  	[sflag:s30] =	ssyncset.done $0x0  }
0xac: {  	[sflag:s30] =	ssyncadd.s32 $0xFFFFC000  }
0xad: {  	_ =	swait.ge [sflag:s30], $0x4000  }
0xae: {  	[sflag:s30] =	ssyncset.done $0x0  }
0xaf: {  	[sflag:s30] =	ssyncadd.s32 $0xFFFFC000  }
0xb0: {  	_ =	swait.ge [sflag:s30], $0x4000  }
0xb1: {  	[sflag:s30] =	ssyncset.done $0x0  }
0xb2: {  	[sflag:s30] =	ssyncadd.s32 $0xFFFFC000  }
0xb3: {  	_ =	swait.ge [sflag:s30], $0x4000  }
0xb4: {  	[sflag:s30] =	ssyncset.done $0x0  }
0xb5: {  	[sflag:s30] =	ssyncadd.s32 $0xFFFFC000  }
0xb6: {  	_ =	swait.ge [sflag:s30], $0x4000  }
0xb7: {  	[sflag:s30] =	ssyncset.done $0x0  }
0xb8: {  	[sflag:s30] =	ssyncadd.s32 $0xFFFFC000  }
0xb9: {  	_ =	swait.ge [sflag:s30], $0x4000  }
0xba: {  	[sflag:s30] =	ssyncset.done $0x0  }
0xbb: {  	[sflag:s30] =	ssyncadd.s32 $0xFFFFC000  }
0xbc: {  	_ =	swait.ge [sflag:s30], $0x4000  }
0xbd: {  	[sflag:s30] =	ssyncset.done $0x0  }
0xbe: {  	[sflag:s30] =	ssyncadd.s32 $0xFFFFC000  }
0xbf: {  	_ =	swait.ge [sflag:s30], $0x4000  }
0xc0: {  	[sflag:s30] =	ssyncset.done $0x0  }
0xc1: {  	[sflag:s30] =	ssyncadd.s32 $0xFFFFC000  }
0xc2: {  	_ =	swait.ge [sflag:s30], $0x4000  }
0xc3: {  	[sflag:s30] =	ssyncset.done $0x0  }
0xc4: {  	[sflag:s30] =	ssyncadd.s32 $0xFFFFC000  }
0xc5: {  	_ =	swait.ge [sflag:s30], $0x4000  }
0xc6: {  	[sflag:s30] =	ssyncset.done $0x0  }
0xc7: {  	[sflag:s30] =	ssyncadd.s32 $0xFFFFC000  }
0xc8: {  	_ =	swait.ge [sflag:s30], $0x4000  }
0xc9: {  	[sflag:s30] =	ssyncset.done $0x0  }
0xca: {  	[sflag:s30] =	ssyncadd.s32 $0xFFFFC000  }
0xcb: {  	_ =	swait.ge [sflag:s30], $0x4000  }
0xcc: {  	[sflag:s30] =	ssyncset.done $0x0  }
0xcd: {  	[sflag:s30] =	ssyncadd.s32 $0xFFFFC000  }
0xce: {  	_ =	swait.ge [sflag:s30], $0x4000  }
0xcf: {  	[sflag:s30] =	ssyncset.done $0x0  }
0xd0: {  	[sflag:s30] =	ssyncadd.s32 $0xFFFFC000  }
0xd1: {  	_ =	swait.ge [sflag:s30], $0x4000  }
0xd2: {  	[sflag:s30] =	ssyncset.done $0x0  }
0xd3: {  	[sflag:s30] =	ssyncadd.s32 $0xFFFFC000  }
0xd4: {  	_ =	swait.ge [sflag:s30], $0x4000  }
0xd5: {  	[sflag:s30] =	ssyncset.done $0x0  }
0xd6: {  	[sflag:s30] =	ssyncadd.s32 $0xFFFFC000  }
0xd7: {  	_ =	swait.ge [sflag:s30], $0x4000  }
0xd8: {  	[sflag:s30] =	ssyncset.done $0x0  }
0xd9: {  	[sflag:s30] =	ssyncadd.s32 $0xFFFFC000  }
0xda: {  	_ =	swait.ge [sflag:s30], $0x4000  }
0xdb: {  	[sflag:s30] =	ssyncset.done $0x0  }
0xdc: {  	[sflag:s30] =	ssyncadd.s32 $0xFFFFC000  }
0xdd: {  	_ =	swait.ge [sflag:s30], $0x4000  }
0xde: {  	[sflag:s30] =	ssyncset.done $0x0  }
0xdf: {  	[sflag:s30] =	ssyncadd.s32 $0xFFFFC000  }
0xe0: {  	_ =	swait.ge [sflag:s30], $0x4000  }
0xe1: {  	[sflag:s30] =	ssyncset.done $0x0  }
0xe2: {  	[sflag:s30] =	ssyncadd.s32 $0xFFFFC000  }
0xe3: {  	_ =	swait.ge [sflag:s30], $0x4000  }
0xe4: {  	[sflag:s30] =	ssyncset.done $0x0  }
0xe5: {  	[sflag:s30] =	ssyncadd.s32 $0xFFFFC000  }
0xe6: {  	_ =	swait.ge [sflag:s30], $0x4000  }
0xe7: {  	[sflag:s30] =	ssyncset.done $0x0  }
0xe8: {  	[sflag:s30] =	ssyncadd.s32 $0xFFFFC000  }
0xe9: {  	_ =	swait.ge [sflag:s30], $0x4000  }
0xea: {  	[sflag:s30] =	ssyncset.done $0x0  }
0xeb: {  	[sflag:s30] =	ssyncadd.s32 $0xFFFFC000  }
0xec: {  	_ =	swait.ge [sflag:s30], $0x4000  }
0xed: {  	[sflag:s30] =	ssyncset.done $0x0  }
0xee: {  	[sflag:s30] =	ssyncadd.s32 $0xFFFFC000  }
0xef: {  	_ =	swait.ge [sflag:s30], $0x4000  }
0xf0: {  	[sflag:s30] =	ssyncset.done $0x0  }
0xf1: {  	[sflag:s30] =	ssyncadd.s32 $0xFFFFC000  }
0xf2: {  	_ =	swait.ge [sflag:s30], $0x4000  }
0xf3: {  	[sflag:s30] =	ssyncset.done $0x0  }
0xf4: {  	[sflag:s30] =	ssyncadd.s32 $0xFFFFC000  }
0xf5: {  	_ =	swait.ge [sflag:s30], $0x4000  }
0xf6: {  	[sflag:s30] =	ssyncset.done $0x0  }
0xf7: {  	[sflag:s30] =	ssyncadd.s32 $0xFFFFC000  }
0xf8: {  	_ =	swait.ge [sflag:s30], $0x4000  }
0xf9: {  	[sflag:s30] =	ssyncset.done $0x0  }
0xfa: {  	[sflag:s30] =	ssyncadd.s32 $0xFFFFC000  }
0xfb: {  	_ =	swait.ge [sflag:s30], $0x4000  }
0xfc: {  	[sflag:s30] =	ssyncset.done $0x0  }
0xfd: {  	[sflag:s30] =	ssyncadd.s32 $0xFFFFC000  }
0xfe: {  	_ =	swait.ge [sflag:s30], $0x4000  }
0xff: {  	[sflag:s30] =	ssyncset.done $0x0  }
0x100: {  	[sflag:s30] =	ssyncadd.s32 $0xFFFFC000  }
0x101: {  	_ =	swait.ge [sflag:s30], $0x4000  }
0x102: {  	[sflag:s30] =	ssyncset.done $0x0  }
0x103: {  	[sflag:s30] =	ssyncadd.s32 $0xFFFFC000  }
0x104: {  	_ =	swait.ge [sflag:s30], $0x4000  }
0x105: {  	[sflag:s30] =	ssyncset.done $0x0  }
0x106: {  	[sflag:s30] =	ssyncadd.s32 $0xFFFFC000  }
0x107: {  	_ =	swait.ge [sflag:s30], $0x4000  }
0x108: {  	[sflag:s30] =	ssyncset.done $0x0  }
0x109: {  	[sflag:s30] =	ssyncadd.s32 $0xFFFFC000  }
0x10a: {  	_ =	swait.ge [sflag:s30], $0x4000  }
0x10b: {  	[sflag:s30] =	ssyncset.done $0x0  }
0x10c: {  	[sflag:s30] =	ssyncadd.s32 $0xFFFFC000  }
0x10d: {  	_ =	swait.ge [sflag:s30], $0x4000  }
0x10e: {  	[sflag:s30] =	ssyncset.done $0x0  }
0x10f: {  	[sflag:s30] =	ssyncadd.s32 $0xFFFFC000  }
0x110: {  	_ =	swait.ge [sflag:s30], $0x4000  }
0x111: {  	[sflag:s30] =	ssyncset.done $0x0  }
0x112: {  	[sflag:s30] =	ssyncadd.s32 $0xFFFFC000  }
0x113: {  	_ =	swait.ge [sflag:s30], $0x4000  }
0x114: {  	[sflag:s30] =	ssyncset.done $0x0  }
0x115: {  	[sflag:s30] =	ssyncadd.s32 $0xFFFFC000  }
0x116: {  	[bflag:$0x0] =	sbarrier.arrive $0xFFFF  }
0x117: {  	[tilespmem:s17], [sflag:$0x2] =	stream.linear.gather [spmem:s5], $0x4000, $0x38;
	[tilespmem:$0x19000] =	vst v63  }
0x118: {  	_ =	swait.ge [sflag:s16], $0x4000  }
0x119: {  	[sflag:s16] =	ssyncset.done $0x0  }
0x11a: {  	[sflag:s16] =	ssyncadd.s32 $0xFFFFC000  }
0x11b: {  	[hbm4b:s10+s3] =	stream.linear.scatter [tilespmem:s17], [sflag:$0x2], $0x4000, $0x38;
	[tilespmem:$0x19000] =	vst v63  }
0x11c: {  	_ =	swait.ge [sflag:s16], $0x4000  }
0x11d: {  	[sflag:s16] =	ssyncset.done $0x0  }
0x11e: {  	[sflag:s16] =	ssyncadd.s32 $0xFFFFC000  }
0x11f: {  	[tilespmem:s17], [sflag:$0x2] =	stream.linear.gather [spmem:s6], $0x4000, $0x38;
	[tilespmem:$0x19000] =	vst v63  }
0x120: {  	_ =	swait.ge [sflag:s16], $0x4000  }
0x121: {  	[sflag:s16] =	ssyncset.done $0x0  }
0x122: {  	[sflag:s16] =	ssyncadd.s32 $0xFFFFC000  }
0x123: {  	[hbm4b:s11+s3] =	stream.linear.scatter [tilespmem:s17], [sflag:$0x2], $0x4000, $0x38;
	[tilespmem:$0x19000] =	vst v63  }
0x124: {  	_ =	swait.ge [sflag:s16], $0x4000  }
0x125: {  	[sflag:s16] =	ssyncset.done $0x0  }
0x126: {  	[sflag:s16] =	ssyncadd.s32 $0xFFFFC000  }
0x127: {  	[tilespmem:s17], [sflag:$0x2] =	stream.linear.gather [spmem:s7], $0x4000, $0x38;
	[tilespmem:$0x19000] =	vst v63  }
0x128: {  	_ =	swait.ge [sflag:s16], $0x4000  }
0x129: {  	[sflag:s16] =	ssyncset.done $0x0  }
0x12a: {  	[sflag:s16] =	ssyncadd.s32 $0xFFFFC000  }
0x12b: {  	[hbm4b:s12+s3] =	stream.linear.scatter [tilespmem:s17], [sflag:$0x2], $0x4000, $0x38;
	[tilespmem:$0x19000] =	vst v63  }
0x12c: {  	_ =	swait.ge [sflag:s16], $0x4000  }
0x12d: {  	[sflag:s16] =	ssyncset.done $0x0  }
0x12e: {  	[sflag:s16] =	ssyncadd.s32 $0xFFFFC000  }
0x12f: {  	[tilespmem:s17], [sflag:$0x2] =	stream.linear.gather [spmem:s8], $0x4000, $0x38;
	[tilespmem:$0x19000] =	vst v63  }
0x130: {  	_ =	swait.ge [sflag:s16], $0x4000  }
0x131: {  	[sflag:s16] =	ssyncset.done $0x0  }
0x132: {  	[sflag:s16] =	ssyncadd.s32 $0xFFFFC000  }
0x133: {  	[hbm4b:s13+s3] =	stream.linear.scatter [tilespmem:s17], [sflag:$0x2], $0x4000, $0x38;
	[tilespmem:$0x19000] =	vst v63  }
0x134: {  	_ =	swait.ge [sflag:s16], $0x4000  }
0x135: {  	[sflag:s16] =	ssyncset.done $0x0  }
0x136: {  	[sflag:s16] =	ssyncadd.s32 $0xFFFFC000  }
0x137: {  	[tilespmem:s17], [sflag:$0x2] =	stream.linear.gather [spmem:s9], $0x3C00, $0x38;
	[tilespmem:$0x19000] =	vst v63  }
0x138: {  	s31 =	sadd.s32 $0x1, s31;
	_ =	swait.ge [sflag:s16], $0x3C00  }
0x139: {  	p0 =	sne.s32 s31, s15;
	[sflag:s16] =	ssyncset.done $0x0  }
.Ltmp2:
0x13a: {  	[sflag:s16] =	ssyncadd.s32 $0xFFFFC400;
	(pc) =	sbr.rel @p0 .LBB2_1-.Ltmp2, $4  }
0x13b: {  	[hbm4b:s14+s3] =	stream.linear.scatter [tilespmem:s17], [sflag:$0x2], $0x3C00, $0x38;
	[tilespmem:$0x19000] =	vst v63  }
0x13c: {  	_ =	swait.ge [sflag:s16], $0x3C00  }
0x13d: {  	[sflag:s16] =	ssyncset.done $0x0  }
0x13e: {  	[sflag:s16] =	ssyncadd.s32 $0xFFFFC400  }
0x13f: {  	_ =	sfence.sel $0x180000  }
0x140: {  	[bflag:$0x0] =	sbarrier.arrive $0xFFFF  }
0x141: {  	_ =	strace $0x90000047  }
0x142: {  	s0 =	stileid.u32;
	[bflag:$0x2] =	sbarrier.arrive $0xFFFF  }
0x143: {  	p0 =	sne.s32 s0, $0x0;
	s0 =	rddreg [dreg:$0x2]  }
0x144: {  	s0 =	sadd.s32 @!p0 $0x100000, s0  }
0x145: {  	[sflag:s0] =	ssyncadd.tile.s32 @!p0 $0x1;
	_ =	shalt  }
.Lfunc_end2:
_tile_overlayer_lowered:
.L_overlay_start_2:
0x146: {  	(tag) =	ssettag $0x2  }
0x147: {  	s0 =	rddreg [dreg:$0x0];
	s2 =	stileid.u32  }
0x148: {  	s1 =	rddreg [dreg:$0x1];
	p0 =	sne.s32 s2, $0x0  }
0x149: {  	s3 =	rddreg [dreg:$0x2];
	[bflag:$0x3] =	sbarrier.arrive $0xFFFF;
	s2 =	simm.s32 @!p0 $0x1C02  }
0x14a: {  	[timem:s3], [sflag:s2] =	dma.local @!p0 [hbm:s0], s1  }
0x14b: {  	s0 =	simm.s32 @!p0 $0x2  }
0x14c: {  	_ =	swait.ge @!p0 [sflag:s0], s1  }
0x14d: {  	s1 =	ssub.s32 @!p0 $0x0, s1;
	[sflag:s0] =	ssyncset.done @!p0 $0x0  }
0x14e: {  	[sflag:s0] =	ssyncadd.s32 @!p0 s1  }
0x14f: {  	[bflag:$0x3] =	sbarrier.arrive $0xFFFF  }
0x150: {  	_ =	shalt  }

</sc_bundles>
